<compile_context>
chip_gen: v7x
topology: tpu7x:2x2x1
jax: 0.10.2.dev20260603
libtpu: 0.0.44.dev20260713+nightly
codegen_flags: <defaults>
</compile_context>

<pallas_src>
import jax
import jax.numpy as jnp
from jax import lax
from jax.experimental import pallas as pl
from jax.experimental.pallas import tpu as pltpu
from jax.experimental.pallas import tpu_sc as plsc

DIM = 64
N_EDGES = 819200

NC = 2
NS = 16
LANES = 16
NW = NC * NS
E_PER_W = N_EDGES // NW
CHUNK = 128
N_HALF = 1
E_PER_H = E_PER_W // N_HALF
N_CHUNKS = E_PER_H // CHUNK
NBUF = 4


def _body(xp_hbm, xt_hbm, eidx_hbm, out_hbm,
          idx_p, idx_t, rows_p, rows_t, out_all,
          sem_p0, sem_p1, sem_p2, sem_p3,
          sem_t0, sem_t1, sem_t2, sem_t3):
    wid = lax.axis_index("s") * NC + lax.axis_index("c")
    base = wid * E_PER_W
    sems_p = [sem_p0, sem_p1, sem_p2, sem_p3]
    sems_t = [sem_t0, sem_t1, sem_t2, sem_t3]

    iota = lax.iota(jnp.int32, LANES)

    def fire(k, b):
        pltpu.async_copy(
            xp_hbm.at[idx_p.at[pl.ds(k * CHUNK, CHUNK)]],
            rows_p.at[b], sems_p[b])
        pltpu.async_copy(
            xt_hbm.at[idx_t.at[pl.ds(k * CHUNK, CHUNK)]],
            rows_t.at[b], sems_t[b])

    for h in range(N_HALF):
        hbase = base + h * E_PER_H
        pltpu.sync_copy(eidx_hbm.at[0, pl.ds(hbase, E_PER_H)], idx_p)
        pltpu.sync_copy(eidx_hbm.at[1, pl.ds(hbase, E_PER_H)], idx_t)

        for j in range(NBUF - 1):
            fire(j, j)

        @pl.loop(0, N_CHUNKS, step=NBUF)
        def chunk_pair(c):
            for b in range(NBUF):
                k = c + b
                nb = (b + NBUF - 1) % NBUF

                @pl.when(k + NBUF - 1 < N_CHUNKS)
                def _():
                    fire(k + NBUF - 1, nb)

                pltpu.make_async_copy(
                    xp_hbm.at[idx_p.at[pl.ds(k * CHUNK, CHUNK)]],
                    rows_p.at[b], sems_p[b]).wait()
                pltpu.make_async_copy(
                    xt_hbm.at[idx_t.at[pl.ds(k * CHUNK, CHUNK)]],
                    rows_t.at[b], sems_t[b]).wait()

                rp = rows_p.at[b]
                rt = rows_t.at[b]

                @plsc.parallel_loop(0, CHUNK // LANES, unroll=2)
                def group_body(g):
                    accs = []
                    for j in range(LANES):
                        e = g * LANES + j
                        prod = (rp[e, pl.ds(0, 2 * LANES)]
                                * rt[e, pl.ds(0, 2 * LANES)])
                        prod += (rp[e, pl.ds(2 * LANES, 2 * LANES)]
                                 * rt[e, pl.ds(2 * LANES, 2 * LANES)])
                        lo, hi = plsc.unpack(
                            prod, format=plsc.PackFormat.INTERLEAVED)
                        accs.append(lo + hi)

                    dnums = lax.GatherDimensionNumbers(
                        offset_dims=(), collapsed_slice_dims=(0,),
                        start_index_map=(0,))
                    vecs = accs
                    d = 1
                    while len(vecs) > 1:
                        mask = (iota & d) == 0
                        perm = (iota ^ d)[:, None]
                        nxt = []
                        for i in range(len(vecs) // 2):
                            a, bb = vecs[2 * i], vecs[2 * i + 1]
                            x = jnp.where(mask, a, bb)
                            y = jnp.where(mask, bb, a)
                            yp = lax.gather(
                                y, perm, dnums, (1,),
                                unique_indices=True,
                                mode=lax.GatherScatterMode.PROMISE_IN_BOUNDS)
                            nxt.append(x + yp)
                        vecs = nxt
                        d *= 2
                    out_all[pl.ds(h * E_PER_H + k * CHUNK + g * LANES,
                                  LANES)] = vecs[0]

    pltpu.sync_copy(out_all, out_hbm.at[pl.ds(base, E_PER_W)])


@jax.jit
def kernel(x_playlist, x_track, edge_label_index):
    eidx = edge_label_index.astype(jnp.int32)
    xp = x_playlist.astype(jnp.bfloat16)
    xt = x_track.astype(jnp.bfloat16)

    mesh = plsc.VectorSubcoreMesh(core_axis_name="c", subcore_axis_name="s")
    run = pl.kernel(
        _body,
        out_type=jax.ShapeDtypeStruct((N_EDGES,), jnp.float32),
        mesh=mesh,
        compiler_params=pltpu.CompilerParams(
            needs_layout_passes=False, use_tc_tiling_on_sc=False),
        scratch_types=[
            pltpu.VMEM((E_PER_H,), jnp.int32),
            pltpu.VMEM((E_PER_H,), jnp.int32),
            pltpu.VMEM((NBUF, CHUNK, DIM), jnp.bfloat16),
            pltpu.VMEM((NBUF, CHUNK, DIM), jnp.bfloat16),
            pltpu.VMEM((E_PER_W,), jnp.float32),
            pltpu.SemaphoreType.DMA,
            pltpu.SemaphoreType.DMA,
            pltpu.SemaphoreType.DMA,
            pltpu.SemaphoreType.DMA,
            pltpu.SemaphoreType.DMA,
            pltpu.SemaphoreType.DMA,
            pltpu.SemaphoreType.DMA,
            pltpu.SemaphoreType.DMA,
        ],
    )
    return run(xp, xt, eidx)

# --- scband reference (transcript-rebuilt; emitter-appended) ---
"""Pipeline reference for scband-classifier-72499047956493 (READ-ONLY COPY).

The authoritative reference and input builder live on the scoring server;
editing this copy changes nothing except your own understanding.
"""

import jax, jax.numpy as jnp
import numpy as np

N_PLAYLIST = 100000
N_TRACK = 100000
DIM = 64
N_EDGES = 819200

def setup_inputs(seed: int = 0) -> dict:
    key = jax.random.key(seed)
    k1, k2, k3 = jax.random.split(key, 3)
    x_playlist = jax.random.normal(k1, (N_PLAYLIST, DIM), dtype=jnp.float32)
    x_track = jax.random.normal(k2, (N_TRACK, DIM), dtype=jnp.float32)
    edge_label_index = jax.random.randint(k3, (2, N_EDGES), 0, N_PLAYLIST, dtype=jnp.int64)
    return {"x_playlist": x_playlist, "x_track": x_track, "edge_label_index": edge_label_index}

def reference(x_playlist, x_track, edge_label_index):
    # gather per-edge endpoint features (SparseCore-friendly gathers)
    edge_feat_playlist = jnp.take(x_playlist, edge_label_index[0], axis=0)
    edge_feat_track = jnp.take(x_track, edge_label_index[1], axis=0)
    # per-edge dot product score
    return (edge_feat_playlist * edge_feat_track).sum(axis=-1)

if __name__ == "__main__":
    import jax
    _d = setup_inputs()
    print(jax.jit(kernel)(*tuple(_d.values())))

</pallas_src>

<mosaic_0001>
#map = affine_map<(d0, d1) -> (0, 0)>
#map1 = affine_map<(d0, d1) -> (0)>
module attributes {stable_mosaic.version = 14 : i64} {
  func.func @_body(%arg0: i32, %arg1: i32, %arg2: memref<100000x64xbf16, #tpu.memory_space<hbm>>, %arg3: memref<100000x64xbf16, #tpu.memory_space<hbm>>, %arg4: memref<2x819200xi32, #tpu.memory_space<hbm>>, %arg5: memref<819200xf32, #tpu.memory_space<hbm>>, %arg6: memref<25600xi32, #tpu.memory_space<vmem>>, %arg7: memref<25600xi32, #tpu.memory_space<vmem>>, %arg8: memref<4x128x64xbf16, #tpu.memory_space<vmem>>, %arg9: memref<4x128x64xbf16, #tpu.memory_space<vmem>>, %arg10: memref<25600xf32, #tpu.memory_space<vmem>>, %arg11: memref<!tpu.dma_semaphore, #tpu.memory_space<semaphore_mem>>, %arg12: memref<!tpu.dma_semaphore, #tpu.memory_space<semaphore_mem>>, %arg13: memref<!tpu.dma_semaphore, #tpu.memory_space<semaphore_mem>>, %arg14: memref<!tpu.dma_semaphore, #tpu.memory_space<semaphore_mem>>, %arg15: memref<!tpu.dma_semaphore, #tpu.memory_space<semaphore_mem>>, %arg16: memref<!tpu.dma_semaphore, #tpu.memory_space<semaphore_mem>>, %arg17: memref<!tpu.dma_semaphore, #tpu.memory_space<semaphore_mem>>, %arg18: memref<!tpu.dma_semaphore, #tpu.memory_space<semaphore_mem>>) attributes {dimension_semantics = [#tpu.dimension_semantics<core_parallel>, #tpu.dimension_semantics<subcore_parallel>], iteration_bounds = array<i64: 2, 16>, scalar_prefetch = 0 : i64, scratch_operands = 13 : i64, tpu.core_type = #tpu.core_type<sc_vector_subcore>, window_params = [{transform_indices = #map}, {transform_indices = #map}, {transform_indices = #map}, {transform_indices = #map1}]} {
    %mul3A = arith.constant 2 : i32
    %mul3A_0 = arith.muli %arg1, %mul3A : i32
    %add3A = arith.addi %mul3A_0, %arg0 : i32
    %mul3A_1 = arith.constant 25600 : i32
    %mul3A_2 = arith.muli %add3A, %mul3A_1 : i32
    %iota3A = tpu.iota {dimensions = array<i32: 0>} : vector<16xi32>
    %add3A_3 = arith.constant 0 : i32
    %add3A_4 = arith.addi %mul3A_2, %add3A_3 : i32
    %run_scoped3A = arith.constant 0 : i32
    "tpu.region"() ({
      %run_scoped3A_69 = tpu.sem_alloc : memref<!tpu.dma_semaphore, #tpu.memory_space<semaphore_mem>>
      %dma_start3A_70 = tpu.memref_slice %arg4[%run_scoped3A, %add3A_4] : memref<2x819200xi32, #tpu.memory_space<hbm>> -> memref<1x25600xi32, #tpu.memory_space<hbm>>
      %dma_start3A_71 = tpu.memref_squeeze %dma_start3A_70 : memref<1x25600xi32, #tpu.memory_space<hbm>> -> memref<25600xi32, #tpu.memory_space<hbm>>
      %dma_start3A_72 = tpu.memref_slice %arg4[%run_scoped3A, %add3A_4] : memref<2x819200xi32, #tpu.memory_space<hbm>> -> memref<1x25600xi32, #tpu.memory_space<hbm>>
      %dma_start3A_73 = tpu.memref_squeeze %dma_start3A_72 : memref<1x25600xi32, #tpu.memory_space<hbm>> -> memref<25600xi32, #tpu.memory_space<hbm>>
      tpu.enqueue_dma source(%dma_start3A_73 : memref<25600xi32, #tpu.memory_space<hbm>>) target(%arg6 : memref<25600xi32, #tpu.memory_space<vmem>>) target_semaphore(%run_scoped3A_69 : memref<!tpu.dma_semaphore, #tpu.memory_space<semaphore_mem>>)
      %dma_wait3A = tpu.memref_slice %arg4[%run_scoped3A, %add3A_4] : memref<2x819200xi32, #tpu.memory_space<hbm>> -> memref<1x25600xi32, #tpu.memory_space<hbm>>
      %dma_wait3A_74 = tpu.memref_squeeze %dma_wait3A : memref<1x25600xi32, #tpu.memory_space<hbm>> -> memref<25600xi32, #tpu.memory_space<hbm>>
      %dma_wait3A_75 = tpu.memref_slice %arg4[%run_scoped3A, %add3A_4] : memref<2x819200xi32, #tpu.memory_space<hbm>> -> memref<1x25600xi32, #tpu.memory_space<hbm>>
      %dma_wait3A_76 = tpu.memref_squeeze %dma_wait3A_75 : memref<1x25600xi32, #tpu.memory_space<hbm>> -> memref<25600xi32, #tpu.memory_space<hbm>>
      tpu.wait_dma2 semaphore(%run_scoped3A_69 : memref<!tpu.dma_semaphore, #tpu.memory_space<semaphore_mem>>) src(%dma_wait3A_76 : memref<25600xi32, #tpu.memory_space<hbm>>) dst(%arg6 : memref<25600xi32, #tpu.memory_space<vmem>>)
      tpu.yield
    }) : () -> ()
    %run_scoped3A_5 = arith.constant 1 : i32
    "tpu.region"() ({
      %run_scoped3A_69 = tpu.sem_alloc : memref<!tpu.dma_semaphore, #tpu.memory_space<semaphore_mem>>
      %dma_start3A_70 = tpu.memref_slice %arg4[%run_scoped3A_5, %add3A_4] : memref<2x819200xi32, #tpu.memory_space<hbm>> -> memref<1x25600xi32, #tpu.memory_space<hbm>>
      %dma_start3A_71 = tpu.memref_squeeze %dma_start3A_70 : memref<1x25600xi32, #tpu.memory_space<hbm>> -> memref<25600xi32, #tpu.memory_space<hbm>>
      %dma_start3A_72 = tpu.memref_slice %arg4[%run_scoped3A_5, %add3A_4] : memref<2x819200xi32, #tpu.memory_space<hbm>> -> memref<1x25600xi32, #tpu.memory_space<hbm>>
      %dma_start3A_73 = tpu.memref_squeeze %dma_start3A_72 : memref<1x25600xi32, #tpu.memory_space<hbm>> -> memref<25600xi32, #tpu.memory_space<hbm>>
      tpu.enqueue_dma source(%dma_start3A_73 : memref<25600xi32, #tpu.memory_space<hbm>>) target(%arg7 : memref<25600xi32, #tpu.memory_space<vmem>>) target_semaphore(%run_scoped3A_69 : memref<!tpu.dma_semaphore, #tpu.memory_space<semaphore_mem>>)
      %dma_wait3A = tpu.memref_slice %arg4[%run_scoped3A_5, %add3A_4] : memref<2x819200xi32, #tpu.memory_space<hbm>> -> memref<1x25600xi32, #tpu.memory_space<hbm>>
      %dma_wait3A_74 = tpu.memref_squeeze %dma_wait3A : memref<1x25600xi32, #tpu.memory_space<hbm>> -> memref<25600xi32, #tpu.memory_space<hbm>>
      %dma_wait3A_75 = tpu.memref_slice %arg4[%run_scoped3A_5, %add3A_4] : memref<2x819200xi32, #tpu.memory_space<hbm>> -> memref<1x25600xi32, #tpu.memory_space<hbm>>
      %dma_wait3A_76 = tpu.memref_squeeze %dma_wait3A_75 : memref<1x25600xi32, #tpu.memory_space<hbm>> -> memref<25600xi32, #tpu.memory_space<hbm>>
      tpu.wait_dma2 semaphore(%run_scoped3A_69 : memref<!tpu.dma_semaphore, #tpu.memory_space<semaphore_mem>>) src(%dma_wait3A_76 : memref<25600xi32, #tpu.memory_space<hbm>>) dst(%arg7 : memref<25600xi32, #tpu.memory_space<vmem>>)
      tpu.yield
    }) : () -> ()
    %dma_start3A = arith.constant 0 : i32
    %dma_start3A_6 = arith.constant 0 : i32
    %dma_start3A_7 = arith.constant 0 : i32
    %dma_start3A_8 = tpu.memref_slice %arg8[%dma_start3A, %dma_start3A_6, %dma_start3A_7] : memref<4x128x64xbf16, #tpu.memory_space<vmem>> -> memref<1x128x64xbf16, #tpu.memory_space<vmem>>
    %dma_start3A_9 = tpu.memref_squeeze %dma_start3A_8 : memref<1x128x64xbf16, #tpu.memory_space<vmem>> -> memref<128x64xbf16, #tpu.memory_space<vmem>>
    %dma_start3A_10 = arith.constant 0 : i32
    %dma_start3A_11 = tpu.memref_slice %arg6[%dma_start3A_10] : memref<25600xi32, #tpu.memory_space<vmem>> -> memref<128xi32, #tpu.memory_space<vmem>>
    %dma_start3A_12 = arith.constant 0 : i32
    %dma_start3A_13 = arith.constant 0 : i32
    %dma_start3A_14 = tpu.memref_slice %arg2[%dma_start3A_12, %dma_start3A_13] : memref<100000x64xbf16, #tpu.memory_space<hbm>> -> memref<100000x64xbf16, #tpu.memory_space<hbm>>
    tpu.enqueue_indirect_dma source(%dma_start3A_14 : memref<100000x64xbf16, #tpu.memory_space<hbm>>) target(%dma_start3A_9 : memref<128x64xbf16, #tpu.memory_space<vmem>>) offsets(%dma_start3A_11 : memref<128xi32, #tpu.memory_space<vmem>>) semaphore(%arg11 : memref<!tpu.dma_semaphore, #tpu.memory_space<semaphore_mem>>)
    %dma_start3A_15 = arith.constant 0 : i32
    %dma_start3A_16 = arith.constant 0 : i32
    %dma_start3A_17 = arith.constant 0 : i32
    %dma_start3A_18 = tpu.memref_slice %arg9[%dma_start3A_15, %dma_start3A_16, %dma_start3A_17] : memref<4x128x64xbf16, #tpu.memory_space<vmem>> -> memref<1x128x64xbf16, #tpu.memory_space<vmem>>
    %dma_start3A_19 = tpu.memref_squeeze %dma_start3A_18 : memref<1x128x64xbf16, #tpu.memory_space<vmem>> -> memref<128x64xbf16, #tpu.memory_space<vmem>>
    %dma_start3A_20 = arith.constant 0 : i32
    %dma_start3A_21 = tpu.memref_slice %arg7[%dma_start3A_20] : memref<25600xi32, #tpu.memory_space<vmem>> -> memref<128xi32, #tpu.memory_space<vmem>>
    %dma_start3A_22 = arith.constant 0 : i32
    %dma_start3A_23 = arith.constant 0 : i32
    %dma_start3A_24 = tpu.memref_slice %arg3[%dma_start3A_22, %dma_start3A_23] : memref<100000x64xbf16, #tpu.memory_space<hbm>> -> memref<100000x64xbf16, #tpu.memory_space<hbm>>
    tpu.enqueue_indirect_dma source(%dma_start3A_24 : memref<100000x64xbf16, #tpu.memory_space<hbm>>) target(%dma_start3A_19 : memref<128x64xbf16, #tpu.memory_space<vmem>>) offsets(%dma_start3A_21 : memref<128xi32, #tpu.memory_space<vmem>>) semaphore(%arg15 : memref<!tpu.dma_semaphore, #tpu.memory_space<semaphore_mem>>)
    %dma_start3A_25 = arith.constant 1 : i32
    %dma_start3A_26 = arith.constant 0 : i32
    %dma_start3A_27 = arith.constant 0 : i32
    %dma_start3A_28 = tpu.memref_slice %arg8[%dma_start3A_25, %dma_start3A_26, %dma_start3A_27] : memref<4x128x64xbf16, #tpu.memory_space<vmem>> -> memref<1x128x64xbf16, #tpu.memory_space<vmem>>
    %dma_start3A_29 = tpu.memref_squeeze %dma_start3A_28 : memref<1x128x64xbf16, #tpu.memory_space<vmem>> -> memref<128x64xbf16, #tpu.memory_space<vmem>>
    %dma_start3A_30 = arith.constant 128 : i32
    %dma_start3A_31 = tpu.memref_slice %arg6[%dma_start3A_30] : memref<25600xi32, #tpu.memory_space<vmem>> -> memref<128xi32, #tpu.memory_space<vmem>>
    %dma_start3A_32 = arith.constant 0 : i32
    %dma_start3A_33 = arith.constant 0 : i32
    %dma_start3A_34 = tpu.memref_slice %arg2[%dma_start3A_32, %dma_start3A_33] : memref<100000x64xbf16, #tpu.memory_space<hbm>> -> memref<100000x64xbf16, #tpu.memory_space<hbm>>
    tpu.enqueue_indirect_dma source(%dma_start3A_34 : memref<100000x64xbf16, #tpu.memory_space<hbm>>) target(%dma_start3A_29 : memref<128x64xbf16, #tpu.memory_space<vmem>>) offsets(%dma_start3A_31 : memref<128xi32, #tpu.memory_space<vmem>>) semaphore(%arg12 : memref<!tpu.dma_semaphore, #tpu.memory_space<semaphore_mem>>)
    %dma_start3A_35 = arith.constant 1 : i32
    %dma_start3A_36 = arith.constant 0 : i32
    %dma_start3A_37 = arith.constant 0 : i32
    %dma_start3A_38 = tpu.memref_slice %arg9[%dma_start3A_35, %dma_start3A_36, %dma_start3A_37] : memref<4x128x64xbf16, #tpu.memory_space<vmem>> -> memref<1x128x64xbf16, #tpu.memory_space<vmem>>
    %dma_start3A_39 = tpu.memref_squeeze %dma_start3A_38 : memref<1x128x64xbf16, #tpu.memory_space<vmem>> -> memref<128x64xbf16, #tpu.memory_space<vmem>>
    %dma_start3A_40 = arith.constant 128 : i32
    %dma_start3A_41 = tpu.memref_slice %arg7[%dma_start3A_40] : memref<25600xi32, #tpu.memory_space<vmem>> -> memref<128xi32, #tpu.memory_space<vmem>>
    %dma_start3A_42 = arith.constant 0 : i32
    %dma_start3A_43 = arith.constant 0 : i32
    %dma_start3A_44 = tpu.memref_slice %arg3[%dma_start3A_42, %dma_start3A_43] : memref<100000x64xbf16, #tpu.memory_space<hbm>> -> memref<100000x64xbf16, #tpu.memory_space<hbm>>
    tpu.enqueue_indirect_dma source(%dma_start3A_44 : memref<100000x64xbf16, #tpu.memory_space<hbm>>) target(%dma_start3A_39 : memref<128x64xbf16, #tpu.memory_space<vmem>>) offsets(%dma_start3A_41 : memref<128xi32, #tpu.memory_space<vmem>>) semaphore(%arg16 : memref<!tpu.dma_semaphore, #tpu.memory_space<semaphore_mem>>)
    %dma_start3A_45 = arith.constant 2 : i32
    %dma_start3A_46 = arith.constant 0 : i32
    %dma_start3A_47 = arith.constant 0 : i32
    %dma_start3A_48 = tpu.memref_slice %arg8[%dma_start3A_45, %dma_start3A_46, %dma_start3A_47] : memref<4x128x64xbf16, #tpu.memory_space<vmem>> -> memref<1x128x64xbf16, #tpu.memory_space<vmem>>
    %dma_start3A_49 = tpu.memref_squeeze %dma_start3A_48 : memref<1x128x64xbf16, #tpu.memory_space<vmem>> -> memref<128x64xbf16, #tpu.memory_space<vmem>>
    %dma_start3A_50 = arith.constant 256 : i32
    %dma_start3A_51 = tpu.memref_slice %arg6[%dma_start3A_50] : memref<25600xi32, #tpu.memory_space<vmem>> -> memref<128xi32, #tpu.memory_space<vmem>>
    %dma_start3A_52 = arith.constant 0 : i32
    %dma_start3A_53 = arith.constant 0 : i32
    %dma_start3A_54 = tpu.memref_slice %arg2[%dma_start3A_52, %dma_start3A_53] : memref<100000x64xbf16, #tpu.memory_space<hbm>> -> memref<100000x64xbf16, #tpu.memory_space<hbm>>
    tpu.enqueue_indirect_dma source(%dma_start3A_54 : memref<100000x64xbf16, #tpu.memory_space<hbm>>) target(%dma_start3A_49 : memref<128x64xbf16, #tpu.memory_space<vmem>>) offsets(%dma_start3A_51 : memref<128xi32, #tpu.memory_space<vmem>>) semaphore(%arg13 : memref<!tpu.dma_semaphore, #tpu.memory_space<semaphore_mem>>)
    %dma_start3A_55 = arith.constant 2 : i32
    %dma_start3A_56 = arith.constant 0 : i32
    %dma_start3A_57 = arith.constant 0 : i32
    %dma_start3A_58 = tpu.memref_slice %arg9[%dma_start3A_55, %dma_start3A_56, %dma_start3A_57] : memref<4x128x64xbf16, #tpu.memory_space<vmem>> -> memref<1x128x64xbf16, #tpu.memory_space<vmem>>
    %dma_start3A_59 = tpu.memref_squeeze %dma_start3A_58 : memref<1x128x64xbf16, #tpu.memory_space<vmem>> -> memref<128x64xbf16, #tpu.memory_space<vmem>>
    %dma_start3A_60 = arith.constant 256 : i32
    %dma_start3A_61 = tpu.memref_slice %arg7[%dma_start3A_60] : memref<25600xi32, #tpu.memory_space<vmem>> -> memref<128xi32, #tpu.memory_space<vmem>>
    %dma_start3A_62 = arith.constant 0 : i32
    %dma_start3A_63 = arith.constant 0 : i32
    %dma_start3A_64 = tpu.memref_slice %arg3[%dma_start3A_62, %dma_start3A_63] : memref<100000x64xbf16, #tpu.memory_space<hbm>> -> memref<100000x64xbf16, #tpu.memory_space<hbm>>
    tpu.enqueue_indirect_dma source(%dma_start3A_64 : memref<100000x64xbf16, #tpu.memory_space<hbm>>) target(%dma_start3A_59 : memref<128x64xbf16, #tpu.memory_space<vmem>>) offsets(%dma_start3A_61 : memref<128xi32, #tpu.memory_space<vmem>>) semaphore(%arg17 : memref<!tpu.dma_semaphore, #tpu.memory_space<semaphore_mem>>)
    %scan3A = arith.constant 0 : i32
    %scan3A_65 = arith.constant 50 : i32
    %scan3A_66 = arith.addi %scan3A, %scan3A_65 : i32
    %scan3A_67 = arith.constant 1 : i32
    scf.for %scan3A_69 = %scan3A to %scan3A_66 step %scan3A_67  : i32 {
      %mul3A_70 = arith.constant 4 : i32
      %mul3A_71 = arith.muli %scan3A_69, %mul3A_70 : i32
      %add3A_72 = arith.constant 0 : i32
      %add3A_73 = arith.addi %add3A_72, %mul3A_71 : i32
      %add3A_74 = arith.constant 0 : i32
      %add3A_75 = arith.addi %add3A_73, %add3A_74 : i32
      %add3A_76 = arith.constant 4 : i32
      %add3A_77 = arith.addi %add3A_75, %add3A_76 : i32
      %sub3A = arith.constant 1 : i32
      %sub3A_78 = arith.subi %add3A_77, %sub3A : i32
      %lt3A = arith.constant 200 : i32
      %lt3A_79 = arith.cmpi slt, %sub3A_78, %lt3A : i32
      %convert_element_type3A = arith.extui %lt3A_79 : i1 to i32
      %cond3A = arith.constant 0 : i32
      %cond3A_80 = arith.cmpi ne, %convert_element_type3A, %cond3A : i32
      scf.if %cond3A_80 {
        %add3A_220 = arith.constant 4 : i32
        %add3A_221 = arith.addi %add3A_75, %add3A_220 : i32
        %sub3A_222 = arith.constant 1 : i32
        %sub3A_223 = arith.subi %add3A_221, %sub3A_222 : i32
        %mul3A_224 = arith.constant 128 : i32
        %mul3A_225 = arith.muli %sub3A_223, %mul3A_224 : i32
        %dma_start3A_226 = arith.constant 3 : i32
        %dma_start3A_227 = arith.constant 0 : i32
        %dma_start3A_228 = arith.constant 0 : i32
        %dma_start3A_229 = tpu.memref_slice %arg8[%dma_start3A_226, %dma_start3A_227, %dma_start3A_228] : memref<4x128x64xbf16, #tpu.memory_space<vmem>> -> memref<1x128x64xbf16, #tpu.memory_space<vmem>>
        %dma_start3A_230 = tpu.memref_squeeze %dma_start3A_229 : memref<1x128x64xbf16, #tpu.memory_space<vmem>> -> memref<128x64xbf16, #tpu.memory_space<vmem>>
        %dma_start3A_231 = tpu.memref_slice %arg6[%mul3A_225] : memref<25600xi32, #tpu.memory_space<vmem>> -> memref<128xi32, #tpu.memory_space<vmem>>
        %dma_start3A_232 = arith.constant 0 : i32
        %dma_start3A_233 = arith.constant 0 : i32
        %dma_start3A_234 = tpu.memref_slice %arg2[%dma_start3A_232, %dma_start3A_233] : memref<100000x64xbf16, #tpu.memory_space<hbm>> -> memref<100000x64xbf16, #tpu.memory_space<hbm>>
        tpu.enqueue_indirect_dma source(%dma_start3A_234 : memref<100000x64xbf16, #tpu.memory_space<hbm>>) target(%dma_start3A_230 : memref<128x64xbf16, #tpu.memory_space<vmem>>) offsets(%dma_start3A_231 : memref<128xi32, #tpu.memory_space<vmem>>) semaphore(%arg14 : memref<!tpu.dma_semaphore, #tpu.memory_space<semaphore_mem>>)
        %mul3A_235 = arith.constant 128 : i32
        %mul3A_236 = arith.muli %sub3A_223, %mul3A_235 : i32
        %dma_start3A_237 = arith.constant 3 : i32
        %dma_start3A_238 = arith.constant 0 : i32
        %dma_start3A_239 = arith.constant 0 : i32
        %dma_start3A_240 = tpu.memref_slice %arg9[%dma_start3A_237, %dma_start3A_238, %dma_start3A_239] : memref<4x128x64xbf16, #tpu.memory_space<vmem>> -> memref<1x128x64xbf16, #tpu.memory_space<vmem>>
        %dma_start3A_241 = tpu.memref_squeeze %dma_start3A_240 : memref<1x128x64xbf16, #tpu.memory_space<vmem>> -> memref<128x64xbf16, #tpu.memory_space<vmem>>
        %dma_start3A_242 = tpu.memref_slice %arg7[%mul3A_236] : memref<25600xi32, #tpu.memory_space<vmem>> -> memref<128xi32, #tpu.memory_space<vmem>>
        %dma_start3A_243 = arith.constant 0 : i32
        %dma_start3A_244 = arith.constant 0 : i32
        %dma_start3A_245 = tpu.memref_slice %arg3[%dma_start3A_243, %dma_start3A_244] : memref<100000x64xbf16, #tpu.memory_space<hbm>> -> memref<100000x64xbf16, #tpu.memory_space<hbm>>
        tpu.enqueue_indirect_dma source(%dma_start3A_245 : memref<100000x64xbf16, #tpu.memory_space<hbm>>) target(%dma_start3A_241 : memref<128x64xbf16, #tpu.memory_space<vmem>>) offsets(%dma_start3A_242 : memref<128xi32, #tpu.memory_space<vmem>>) semaphore(%arg18 : memref<!tpu.dma_semaphore, #tpu.memory_space<semaphore_mem>>)
      } else {
      }
      %mul3A_81 = arith.constant 128 : i32
      %mul3A_82 = arith.muli %add3A_75, %mul3A_81 : i32
      %dma_wait3A = arith.constant 0 : i32
      %dma_wait3A_83 = arith.constant 0 : i32
      %dma_wait3A_84 = arith.constant 0 : i32
      %dma_wait3A_85 = tpu.memref_slice %arg8[%dma_wait3A, %dma_wait3A_83, %dma_wait3A_84] : memref<4x128x64xbf16, #tpu.memory_space<vmem>> -> memref<1x128x64xbf16, #tpu.memory_space<vmem>>
      %dma_wait3A_86 = tpu.memref_squeeze %dma_wait3A_85 : memref<1x128x64xbf16, #tpu.memory_space<vmem>> -> memref<128x64xbf16, #tpu.memory_space<vmem>>
      %dma_wait3A_87 = tpu.memref_slice %arg6[%mul3A_82] : memref<25600xi32, #tpu.memory_space<vmem>> -> memref<128xi32, #tpu.memory_space<vmem>>
      %dma_wait3A_88 = arith.constant 0 : i32
      %dma_wait3A_89 = arith.constant 0 : i32
      %dma_wait3A_90 = tpu.memref_slice %arg2[%dma_wait3A_88, %dma_wait3A_89] : memref<100000x64xbf16, #tpu.memory_space<hbm>> -> memref<100000x64xbf16, #tpu.memory_space<hbm>>
      tpu.wait_indirect_dma semaphore(%arg11 : memref<!tpu.dma_semaphore, #tpu.memory_space<semaphore_mem>>) src(%dma_wait3A_90 : memref<100000x64xbf16, #tpu.memory_space<hbm>>) dst(%dma_wait3A_86 : memref<128x64xbf16, #tpu.memory_space<vmem>>)
      %mul3A_91 = arith.constant 128 : i32
      %mul3A_92 = arith.muli %add3A_75, %mul3A_91 : i32
      %dma_wait3A_93 = arith.constant 0 : i32
      %dma_wait3A_94 = arith.constant 0 : i32
      %dma_wait3A_95 = arith.constant 0 : i32
      %dma_wait3A_96 = tpu.memref_slice %arg9[%dma_wait3A_93, %dma_wait3A_94, %dma_wait3A_95] : memref<4x128x64xbf16, #tpu.memory_space<vmem>> -> memref<1x128x64xbf16, #tpu.memory_space<vmem>>
      %dma_wait3A_97 = tpu.memref_squeeze %dma_wait3A_96 : memref<1x128x64xbf16, #tpu.memory_space<vmem>> -> memref<128x64xbf16, #tpu.memory_space<vmem>>
      %dma_wait3A_98 = tpu.memref_slice %arg7[%mul3A_92] : memref<25600xi32, #tpu.memory_space<vmem>> -> memref<128xi32, #tpu.memory_space<vmem>>
      %dma_wait3A_99 = arith.constant 0 : i32
      %dma_wait3A_100 = arith.constant 0 : i32
      %dma_wait3A_101 = tpu.memref_slice %arg3[%dma_wait3A_99, %dma_wait3A_100] : memref<100000x64xbf16, #tpu.memory_space<hbm>> -> memref<100000x64xbf16, #tpu.memory_space<hbm>>
      tpu.wait_indirect_dma semaphore(%arg15 : memref<!tpu.dma_semaphore, #tpu.memory_space<semaphore_mem>>) src(%dma_wait3A_101 : memref<100000x64xbf16, #tpu.memory_space<hbm>>) dst(%dma_wait3A_97 : memref<128x64xbf16, #tpu.memory_space<vmem>>)
      %parallel_loop3A = arith.constant 0 : i32
      %parallel_loop3A_102 = arith.constant 8 : i32
      %parallel_loop3A_103 = arith.constant 1 : i32
      %parallel_loop3A_104 = arith.constant 0 : i32
      %parallel_loop3A_105 = arith.constant 0 : i32
      scf.for %parallel_loop3A_220 = %parallel_loop3A to %parallel_loop3A_102 step %parallel_loop3A_103  : i32 {
        %parallel_loop3A_221 = arith.constant 16 : i32
        %parallel_loop3A_222 = arith.muli %parallel_loop3A_220, %parallel_loop3A_221 : i32
        %parallel_loop3A_223 = arith.constant 0 : i32
        %parallel_loop3A_224 = arith.addi %parallel_loop3A_222, %parallel_loop3A_223 : i32
        %parallel_loop3A_225 = arith.constant 0 : i32
        %parallel_loop3A_226 = arith.constant 0 : i32
        %parallel_loop3A_227 = tpu.memref_slice %arg8[%parallel_loop3A_104, %parallel_loop3A_225, %parallel_loop3A_226] : memref<4x128x64xbf16, #tpu.memory_space<vmem>> -> memref<1x128x64xbf16, #tpu.memory_space<vmem>>
        %parallel_loop3A_228 = tpu.memref_squeeze %parallel_loop3A_227 : memref<1x128x64xbf16, #tpu.memory_space<vmem>> -> memref<128x64xbf16, #tpu.memory_space<vmem>>
        %parallel_loop3A_229 = arith.index_cast %parallel_loop3A_224 : i32 to index
        %parallel_loop3A_230 = arith.constant 0 : index
        %parallel_loop3A_231 = tpu.vector_load %parallel_loop3A_228[%parallel_loop3A_229, %parallel_loop3A_230] {strides = array<i32>} : memref<128x64xbf16, #tpu.memory_space<vmem>>, vector<32xbf16>,
        %parallel_loop3A_232 = arith.constant 0 : i32
        %parallel_loop3A_233 = arith.constant 0 : i32
        %parallel_loop3A_234 = tpu.memref_slice %arg9[%parallel_loop3A_105, %parallel_loop3A_232, %parallel_loop3A_233] : memref<4x128x64xbf16, #tpu.memory_space<vmem>> -> memref<1x128x64xbf16, #tpu.memory_space<vmem>>
        %parallel_loop3A_235 = tpu.memref_squeeze %parallel_loop3A_234 : memref<1x128x64xbf16, #tpu.memory_space<vmem>> -> memref<128x64xbf16, #tpu.memory_space<vmem>>
        %parallel_loop3A_236 = arith.index_cast %parallel_loop3A_224 : i32 to index
        %parallel_loop3A_237 = arith.constant 0 : index
        %parallel_loop3A_238 = tpu.vector_load %parallel_loop3A_235[%parallel_loop3A_236, %parallel_loop3A_237] {strides = array<i32>} : memref<128x64xbf16, #tpu.memory_space<vmem>>, vector<32xbf16>,
        %parallel_loop3A_239 = arith.mulf %parallel_loop3A_231, %parallel_loop3A_238 : vector<32xbf16>
        %parallel_loop3A_240 = arith.constant 0 : i32
        %parallel_loop3A_241 = arith.constant 0 : i32
        %parallel_loop3A_242 = tpu.memref_slice %arg8[%parallel_loop3A_104, %parallel_loop3A_240, %parallel_loop3A_241] : memref<4x128x64xbf16, #tpu.memory_space<vmem>> -> memref<1x128x64xbf16, #tpu.memory_space<vmem>>
        %parallel_loop3A_243 = tpu.memref_squeeze %parallel_loop3A_242 : memref<1x128x64xbf16, #tpu.memory_space<vmem>> -> memref<128x64xbf16, #tpu.memory_space<vmem>>
        %parallel_loop3A_244 = arith.index_cast %parallel_loop3A_224 : i32 to index
        %parallel_loop3A_245 = arith.constant 32 : index
        %parallel_loop3A_246 = tpu.vector_load %parallel_loop3A_243[%parallel_loop3A_244, %parallel_loop3A_245] {strides = array<i32>} : memref<128x64xbf16, #tpu.memory_space<vmem>>, vector<32xbf16>,
        %parallel_loop3A_247 = arith.constant 0 : i32
        %parallel_loop3A_248 = arith.constant 0 : i32
        %parallel_loop3A_249 = tpu.memref_slice %arg9[%parallel_loop3A_105, %parallel_loop3A_247, %parallel_loop3A_248] : memref<4x128x64xbf16, #tpu.memory_space<vmem>> -> memref<1x128x64xbf16, #tpu.memory_space<vmem>>
        %parallel_loop3A_250 = tpu.memref_squeeze %parallel_loop3A_249 : memref<1x128x64xbf16, #tpu.memory_space<vmem>> -> memref<128x64xbf16, #tpu.memory_space<vmem>>
        %parallel_loop3A_251 = arith.index_cast %parallel_loop3A_224 : i32 to index
        %parallel_loop3A_252 = arith.constant 32 : index
        %parallel_loop3A_253 = tpu.vector_load %parallel_loop3A_250[%parallel_loop3A_251, %parallel_loop3A_252] {strides = array<i32>} : memref<128x64xbf16, #tpu.memory_space<vmem>>, vector<32xbf16>,
        %parallel_loop3A_254 = arith.mulf %parallel_loop3A_246, %parallel_loop3A_253 : vector<32xbf16>
        %parallel_loop3A_255 = arith.addf %parallel_loop3A_239, %parallel_loop3A_254 : vector<32xbf16>
        %parallel_loop3A_256 = tpu.unpack_subelements %parallel_loop3A_255, 0 {pack_format = #tpu.pack_format<interleaved>} : vector<32xbf16> -> vector<16xf32>
        %parallel_loop3A_257 = tpu.unpack_subelements %parallel_loop3A_255, 1 {pack_format = #tpu.pack_format<interleaved>} : vector<32xbf16> -> vector<16xf32>
        %parallel_loop3A_258 = arith.addf %parallel_loop3A_256, %parallel_loop3A_257 : vector<16xf32>
        %parallel_loop3A_259 = arith.constant 16 : i32
        %parallel_loop3A_260 = arith.muli %parallel_loop3A_220, %parallel_loop3A_259 : i32
        %parallel_loop3A_261 = arith.constant 1 : i32
        %parallel_loop3A_262 = arith.addi %parallel_loop3A_260, %parallel_loop3A_261 : i32
        %parallel_loop3A_263 = arith.constant 0 : i32
        %parallel_loop3A_264 = arith.constant 0 : i32
        %parallel_loop3A_265 = tpu.memref_slice %arg8[%parallel_loop3A_104, %parallel_loop3A_263, %parallel_loop3A_264] : memref<4x128x64xbf16, #tpu.memory_space<vmem>> -> memref<1x128x64xbf16, #tpu.memory_space<vmem>>
        %parallel_loop3A_266 = tpu.memref_squeeze %parallel_loop3A_265 : memref<1x128x64xbf16, #tpu.memory_space<vmem>> -> memref<128x64xbf16, #tpu.memory_space<vmem>>
        %parallel_loop3A_267 = arith.index_cast %parallel_loop3A_262 : i32 to index
        %parallel_loop3A_268 = arith.constant 0 : index
        %parallel_loop3A_269 = tpu.vector_load %parallel_loop3A_266[%parallel_loop3A_267, %parallel_loop3A_268] {strides = array<i32>} : memref<128x64xbf16, #tpu.memory_space<vmem>>, vector<32xbf16>,
        %parallel_loop3A_270 = arith.constant 0 : i32
        %parallel_loop3A_271 = arith.constant 0 : i32
        %parallel_loop3A_272 = tpu.memref_slice %arg9[%parallel_loop3A_105, %parallel_loop3A_270, %parallel_loop3A_271] : memref<4x128x64xbf16, #tpu.memory_space<vmem>> -> memref<1x128x64xbf16, #tpu.memory_space<vmem>>
        %parallel_loop3A_273 = tpu.memref_squeeze %parallel_loop3A_272 : memref<1x128x64xbf16, #tpu.memory_space<vmem>> -> memref<128x64xbf16, #tpu.memory_space<vmem>>
        %parallel_loop3A_274 = arith.index_cast %parallel_loop3A_262 : i32 to index
        %parallel_loop3A_275 = arith.constant 0 : index
        %parallel_loop3A_276 = tpu.vector_load %parallel_loop3A_273[%parallel_loop3A_274, %parallel_loop3A_275] {strides = array<i32>} : memref<128x64xbf16, #tpu.memory_space<vmem>>, vector<32xbf16>,
        %parallel_loop3A_277 = arith.mulf %parallel_loop3A_269, %parallel_loop3A_276 : vector<32xbf16>
        %parallel_loop3A_278 = arith.constant 0 : i32
        %parallel_loop3A_279 = arith.constant 0 : i32
        %parallel_loop3A_280 = tpu.memref_slice %arg8[%parallel_loop3A_104, %parallel_loop3A_278, %parallel_loop3A_279] : memref<4x128x64xbf16, #tpu.memory_space<vmem>> -> memref<1x128x64xbf16, #tpu.memory_space<vmem>>
        %parallel_loop3A_281 = tpu.memref_squeeze %parallel_loop3A_280 : memref<1x128x64xbf16, #tpu.memory_space<vmem>> -> memref<128x64xbf16, #tpu.memory_space<vmem>>
        %parallel_loop3A_282 = arith.index_cast %parallel_loop3A_262 : i32 to index
        %parallel_loop3A_283 = arith.constant 32 : index
        %parallel_loop3A_284 = tpu.vector_load %parallel_loop3A_281[%parallel_loop3A_282, %parallel_loop3A_283] {strides = array<i32>} : memref<128x64xbf16, #tpu.memory_space<vmem>>, vector<32xbf16>,
        %parallel_loop3A_285 = arith.constant 0 : i32
        %parallel_loop3A_286 = arith.constant 0 : i32
        %parallel_loop3A_287 = tpu.memref_slice %arg9[%parallel_loop3A_105, %parallel_loop3A_285, %parallel_loop3A_286] : memref<4x128x64xbf16, #tpu.memory_space<vmem>> -> memref<1x128x64xbf16, #tpu.memory_space<vmem>>
        %parallel_loop3A_288 = tpu.memref_squeeze %parallel_loop3A_287 : memref<1x128x64xbf16, #tpu.memory_space<vmem>> -> memref<128x64xbf16, #tpu.memory_space<vmem>>
        %parallel_loop3A_289 = arith.index_cast %parallel_loop3A_262 : i32 to index
        %parallel_loop3A_290 = arith.constant 32 : index
        %parallel_loop3A_291 = tpu.vector_load %parallel_loop3A_288[%parallel_loop3A_289, %parallel_loop3A_290] {strides = array<i32>} : memref<128x64xbf16, #tpu.memory_space<vmem>>, vector<32xbf16>,
        %parallel_loop3A_292 = arith.mulf %parallel_loop3A_284, %parallel_loop3A_291 : vector<32xbf16>
        %parallel_loop3A_293 = arith.addf %parallel_loop3A_277, %parallel_loop3A_292 : vector<32xbf16>
        %parallel_loop3A_294 = tpu.unpack_subelements %parallel_loop3A_293, 0 {pack_format = #tpu.pack_format<interleaved>} : vector<32xbf16> -> vector<16xf32>
        %parallel_loop3A_295 = tpu.unpack_subelements %parallel_loop3A_293, 1 {pack_format = #tpu.pack_format<interleaved>} : vector<32xbf16> -> vector<16xf32>
        %parallel_loop3A_296 = arith.addf %parallel_loop3A_294, %parallel_loop3A_295 : vector<16xf32>
        %parallel_loop3A_297 = arith.constant 16 : i32
        %parallel_loop3A_298 = arith.muli %parallel_loop3A_220, %parallel_loop3A_297 : i32
        %parallel_loop3A_299 = arith.constant 2 : i32
        %parallel_loop3A_300 = arith.addi %parallel_loop3A_298, %parallel_loop3A_299 : i32
        %parallel_loop3A_301 = arith.constant 0 : i32
        %parallel_loop3A_302 = arith.constant 0 : i32
        %parallel_loop3A_303 = tpu.memref_slice %arg8[%parallel_loop3A_104, %parallel_loop3A_301, %parallel_loop3A_302] : memref<4x128x64xbf16, #tpu.memory_space<vmem>> -> memref<1x128x64xbf16, #tpu.memory_space<vmem>>
        %parallel_loop3A_304 = tpu.memref_squeeze %parallel_loop3A_303 : memref<1x128x64xbf16, #tpu.memory_space<vmem>> -> memref<128x64xbf16, #tpu.memory_space<vmem>>
        %parallel_loop3A_305 = arith.index_cast %parallel_loop3A_300 : i32 to index
        %parallel_loop3A_306 = arith.constant 0 : index
        %parallel_loop3A_307 = tpu.vector_load %parallel_loop3A_304[%parallel_loop3A_305, %parallel_loop3A_306] {strides = array<i32>} : memref<128x64xbf16, #tpu.memory_space<vmem>>, vector<32xbf16>,
        %parallel_loop3A_308 = arith.constant 0 : i32
        %parallel_loop3A_309 = arith.constant 0 : i32
        %parallel_loop3A_310 = tpu.memref_slice %arg9[%parallel_loop3A_105, %parallel_loop3A_308, %parallel_loop3A_309] : memref<4x128x64xbf16, #tpu.memory_space<vmem>> -> memref<1x128x64xbf16, #tpu.memory_space<vmem>>
        %parallel_loop3A_311 = tpu.memref_squeeze %parallel_loop3A_310 : memref<1x128x64xbf16, #tpu.memory_space<vmem>> -> memref<128x64xbf16, #tpu.memory_space<vmem>>
        %parallel_loop3A_312 = arith.index_cast %parallel_loop3A_300 : i32 to index
        %parallel_loop3A_313 = arith.constant 0 : index
        %parallel_loop3A_314 = tpu.vector_load %parallel_loop3A_311[%parallel_loop3A_312, %parallel_loop3A_313] {strides = array<i32>} : memref<128x64xbf16, #tpu.memory_space<vmem>>, vector<32xbf16>,
        %parallel_loop3A_315 = arith.mulf %parallel_loop3A_307, %parallel_loop3A_314 : vector<32xbf16>
        %parallel_loop3A_316 = arith.constant 0 : i32
        %parallel_loop3A_317 = arith.constant 0 : i32
        %parallel_loop3A_318 = tpu.memref_slice %arg8[%parallel_loop3A_104, %parallel_loop3A_316, %parallel_loop3A_317] : memref<4x128x64xbf16, #tpu.memory_space<vmem>> -> memref<1x128x64xbf16, #tpu.memory_space<vmem>>
        %parallel_loop3A_319 = tpu.memref_squeeze %parallel_loop3A_318 : memref<1x128x64xbf16, #tpu.memory_space<vmem>> -> memref<128x64xbf16, #tpu.memory_space<vmem>>
        %parallel_loop3A_320 = arith.index_cast %parallel_loop3A_300 : i32 to index
        %parallel_loop3A_321 = arith.constant 32 : index
        %parallel_loop3A_322 = tpu.vector_load %parallel_loop3A_319[%parallel_loop3A_320, %parallel_loop3A_321] {strides = array<i32>} : memref<128x64xbf16, #tpu.memory_space<vmem>>, vector<32xbf16>,
        %parallel_loop3A_323 = arith.constant 0 : i32
        %parallel_loop3A_324 = arith.constant 0 : i32
        %parallel_loop3A_325 = tpu.memref_slice %arg9[%parallel_loop3A_105, %parallel_loop3A_323, %parallel_loop3A_324] : memref<4x128x64xbf16, #tpu.memory_space<vmem>> -> memref<1x128x64xbf16, #tpu.memory_space<vmem>>
        %parallel_loop3A_326 = tpu.memref_squeeze %parallel_loop3A_325 : memref<1x128x64xbf16, #tpu.memory_space<vmem>> -> memref<128x64xbf16, #tpu.memory_space<vmem>>
        %parallel_loop3A_327 = arith.index_cast %parallel_loop3A_300 : i32 to index
        %parallel_loop3A_328 = arith.constant 32 : index
        %parallel_loop3A_329 = tpu.vector_load %parallel_loop3A_326[%parallel_loop3A_327, %parallel_loop3A_328] {strides = array<i32>} : memref<128x64xbf16, #tpu.memory_space<vmem>>, vector<32xbf16>,
        %parallel_loop3A_330 = arith.mulf %parallel_loop3A_322, %parallel_loop3A_329 : vector<32xbf16>
        %parallel_loop3A_331 = arith.addf %parallel_loop3A_315, %parallel_loop3A_330 : vector<32xbf16>
        %parallel_loop3A_332 = tpu.unpack_subelements %parallel_loop3A_331, 0 {pack_format = #tpu.pack_format<interleaved>} : vector<32xbf16> -> vector<16xf32>
        %parallel_loop3A_333 = tpu.unpack_subelements %parallel_loop3A_331, 1 {pack_format = #tpu.pack_format<interleaved>} : vector<32xbf16> -> vector<16xf32>
        %parallel_loop3A_334 = arith.addf %parallel_loop3A_332, %parallel_loop3A_333 : vector<16xf32>
        %parallel_loop3A_335 = arith.constant 16 : i32
        %parallel_loop3A_336 = arith.muli %parallel_loop3A_220, %parallel_loop3A_335 : i32
        %parallel_loop3A_337 = arith.constant 3 : i32
        %parallel_loop3A_338 = arith.addi %parallel_loop3A_336, %parallel_loop3A_337 : i32
        %parallel_loop3A_339 = arith.constant 0 : i32
        %parallel_loop3A_340 = arith.constant 0 : i32
        %parallel_loop3A_341 = tpu.memref_slice %arg8[%parallel_loop3A_104, %parallel_loop3A_339, %parallel_loop3A_340] : memref<4x128x64xbf16, #tpu.memory_space<vmem>> -> memref<1x128x64xbf16, #tpu.memory_space<vmem>>
        %parallel_loop3A_342 = tpu.memref_squeeze %parallel_loop3A_341 : memref<1x128x64xbf16, #tpu.memory_space<vmem>> -> memref<128x64xbf16, #tpu.memory_space<vmem>>
        %parallel_loop3A_343 = arith.index_cast %parallel_loop3A_338 : i32 to index
        %parallel_loop3A_344 = arith.constant 0 : index
        %parallel_loop3A_345 = tpu.vector_load %parallel_loop3A_342[%parallel_loop3A_343, %parallel_loop3A_344] {strides = array<i32>} : memref<128x64xbf16, #tpu.memory_space<vmem>>, vector<32xbf16>,
        %parallel_loop3A_346 = arith.constant 0 : i32
        %parallel_loop3A_347 = arith.constant 0 : i32
        %parallel_loop3A_348 = tpu.memref_slice %arg9[%parallel_loop3A_105, %parallel_loop3A_346, %parallel_loop3A_347] : memref<4x128x64xbf16, #tpu.memory_space<vmem>> -> memref<1x128x64xbf16, #tpu.memory_space<vmem>>
        %parallel_loop3A_349 = tpu.memref_squeeze %parallel_loop3A_348 : memref<1x128x64xbf16, #tpu.memory_space<vmem>> -> memref<128x64xbf16, #tpu.memory_space<vmem>>
        %parallel_loop3A_350 = arith.index_cast %parallel_loop3A_338 : i32 to index
        %parallel_loop3A_351 = arith.constant 0 : index
        %parallel_loop3A_352 = tpu.vector_load %parallel_loop3A_349[%parallel_loop3A_350, %parallel_loop3A_351] {strides = array<i32>} : memref<128x64xbf16, #tpu.memory_space<vmem>>, vector<32xbf16>,
        %parallel_loop3A_353 = arith.mulf %parallel_loop3A_345, %parallel_loop3A_352 : vector<32xbf16>
        %parallel_loop3A_354 = arith.constant 0 : i32
        %parallel_loop3A_355 = arith.constant 0 : i32
        %parallel_loop3A_356 = tpu.memref_slice %arg8[%parallel_loop3A_104, %parallel_loop3A_354, %parallel_loop3A_355] : memref<4x128x64xbf16, #tpu.memory_space<vmem>> -> memref<1x128x64xbf16, #tpu.memory_space<vmem>>
        %parallel_loop3A_357 = tpu.memref_squeeze %parallel_loop3A_356 : memref<1x128x64xbf16, #tpu.memory_space<vmem>> -> memref<128x64xbf16, #tpu.memory_space<vmem>>
        %parallel_loop3A_358 = arith.index_cast %parallel_loop3A_338 : i32 to index
        %parallel_loop3A_359 = arith.constant 32 : index
        %parallel_loop3A_360 = tpu.vector_load %parallel_loop3A_357[%parallel_loop3A_358, %parallel_loop3A_359] {strides = array<i32>} : memref<128x64xbf16, #tpu.memory_space<vmem>>, vector<32xbf16>,
        %parallel_loop3A_361 = arith.constant 0 : i32
        %parallel_loop3A_362 = arith.constant 0 : i32
        %parallel_loop3A_363 = tpu.memref_slice %arg9[%parallel_loop3A_105, %parallel_loop3A_361, %parallel_loop3A_362] : memref<4x128x64xbf16, #tpu.memory_space<vmem>> -> memref<1x128x64xbf16, #tpu.memory_space<vmem>>
        %parallel_loop3A_364 = tpu.memref_squeeze %parallel_loop3A_363 : memref<1x128x64xbf16, #tpu.memory_space<vmem>> -> memref<128x64xbf16, #tpu.memory_space<vmem>>
        %parallel_loop3A_365 = arith.index_cast %parallel_loop3A_338 : i32 to index
        %parallel_loop3A_366 = arith.constant 32 : index
        %parallel_loop3A_367 = tpu.vector_load %parallel_loop3A_364[%parallel_loop3A_365, %parallel_loop3A_366] {strides = array<i32>} : memref<128x64xbf16, #tpu.memory_space<vmem>>, vector<32xbf16>,
        %parallel_loop3A_368 = arith.mulf %parallel_loop3A_360, %parallel_loop3A_367 : vector<32xbf16>
        %parallel_loop3A_369 = arith.addf %parallel_loop3A_353, %parallel_loop3A_368 : vector<32xbf16>
        %parallel_loop3A_370 = tpu.unpack_subelements %parallel_loop3A_369, 0 {pack_format = #tpu.pack_format<interleaved>} : vector<32xbf16> -> vector<16xf32>
        %parallel_loop3A_371 = tpu.unpack_subelements %parallel_loop3A_369, 1 {pack_format = #tpu.pack_format<interleaved>} : vector<32xbf16> -> vector<16xf32>
        %parallel_loop3A_372 = arith.addf %parallel_loop3A_370, %parallel_loop3A_371 : vector<16xf32>
        %parallel_loop3A_373 = arith.constant 16 : i32
        %parallel_loop3A_374 = arith.muli %parallel_loop3A_220, %parallel_loop3A_373 : i32
        %parallel_loop3A_375 = arith.constant 4 : i32
        %parallel_loop3A_376 = arith.addi %parallel_loop3A_374, %parallel_loop3A_375 : i32
        %parallel_loop3A_377 = arith.constant 0 : i32
        %parallel_loop3A_378 = arith.constant 0 : i32
        %parallel_loop3A_379 = tpu.memref_slice %arg8[%parallel_loop3A_104, %parallel_loop3A_377, %parallel_loop3A_378] : memref<4x128x64xbf16, #tpu.memory_space<vmem>> -> memref<1x128x64xbf16, #tpu.memory_space<vmem>>
        %parallel_loop3A_380 = tpu.memref_squeeze %parallel_loop3A_379 : memref<1x128x64xbf16, #tpu.memory_space<vmem>> -> memref<128x64xbf16, #tpu.memory_space<vmem>>
        %parallel_loop3A_381 = arith.index_cast %parallel_loop3A_376 : i32 to index
        %parallel_loop3A_382 = arith.constant 0 : index
        %parallel_loop3A_383 = tpu.vector_load %parallel_loop3A_380[%parallel_loop3A_381, %parallel_loop3A_382] {strides = array<i32>} : memref<128x64xbf16, #tpu.memory_space<vmem>>, vector<32xbf16>,
        %parallel_loop3A_384 = arith.constant 0 : i32
        %parallel_loop3A_385 = arith.constant 0 : i32
        %parallel_loop3A_386 = tpu.memref_slice %arg9[%parallel_loop3A_105, %parallel_loop3A_384, %parallel_loop3A_385] : memref<4x128x64xbf16, #tpu.memory_space<vmem>> -> memref<1x128x64xbf16, #tpu.memory_space<vmem>>
        %parallel_loop3A_387 = tpu.memref_squeeze %parallel_loop3A_386 : memref<1x128x64xbf16, #tpu.memory_space<vmem>> -> memref<128x64xbf16, #tpu.memory_space<vmem>>
        %parallel_loop3A_388 = arith.index_cast %parallel_loop3A_376 : i32 to index
        %parallel_loop3A_389 = arith.constant 0 : index
        %parallel_loop3A_390 = tpu.vector_load %parallel_loop3A_387[%parallel_loop3A_388, %parallel_loop3A_389] {strides = array<i32>} : memref<128x64xbf16, #tpu.memory_space<vmem>>, vector<32xbf16>,
        %parallel_loop3A_391 = arith.mulf %parallel_loop3A_383, %parallel_loop3A_390 : vector<32xbf16>
        %parallel_loop3A_392 = arith.constant 0 : i32
        %parallel_loop3A_393 = arith.constant 0 : i32
        %parallel_loop3A_394 = tpu.memref_slice %arg8[%parallel_loop3A_104, %parallel_loop3A_392, %parallel_loop3A_393] : memref<4x128x64xbf16, #tpu.memory_space<vmem>> -> memref<1x128x64xbf16, #tpu.memory_space<vmem>>
        %parallel_loop3A_395 = tpu.memref_squeeze %parallel_loop3A_394 : memref<1x128x64xbf16, #tpu.memory_space<vmem>> -> memref<128x64xbf16, #tpu.memory_space<vmem>>
        %parallel_loop3A_396 = arith.index_cast %parallel_loop3A_376 : i32 to index
        %parallel_loop3A_397 = arith.constant 32 : index
        %parallel_loop3A_398 = tpu.vector_load %parallel_loop3A_395[%parallel_loop3A_396, %parallel_loop3A_397] {strides = array<i32>} : memref<128x64xbf16, #tpu.memory_space<vmem>>, vector<32xbf16>,
        %parallel_loop3A_399 = arith.constant 0 : i32
        %parallel_loop3A_400 = arith.constant 0 : i32
        %parallel_loop3A_401 = tpu.memref_slice %arg9[%parallel_loop3A_105, %parallel_loop3A_399, %parallel_loop3A_400] : memref<4x128x64xbf16, #tpu.memory_space<vmem>> -> memref<1x128x64xbf16, #tpu.memory_space<vmem>>
        %parallel_loop3A_402 = tpu.memref_squeeze %parallel_loop3A_401 : memref<1x128x64xbf16, #tpu.memory_space<vmem>> -> memref<128x64xbf16, #tpu.memory_space<vmem>>
        %parallel_loop3A_403 = arith.index_cast %parallel_loop3A_376 : i32 to index
        %parallel_loop3A_404 = arith.constant 32 : index
        %parallel_loop3A_405 = tpu.vector_load %parallel_loop3A_402[%parallel_loop3A_403, %parallel_loop3A_404] {strides = array<i32>} : memref<128x64xbf16, #tpu.memory_space<vmem>>, vector<32xbf16>,
        %parallel_loop3A_406 = arith.mulf %parallel_loop3A_398, %parallel_loop3A_405 : vector<32xbf16>
        %parallel_loop3A_407 = arith.addf %parallel_loop3A_391, %parallel_loop3A_406 : vector<32xbf16>
        %parallel_loop3A_408 = tpu.unpack_subelements %parallel_loop3A_407, 0 {pack_format = #tpu.pack_format<interleaved>} : vector<32xbf16> -> vector<16xf32>
        %parallel_loop3A_409 = tpu.unpack_subelements %parallel_loop3A_407, 1 {pack_format = #tpu.pack_format<interleaved>} : vector<32xbf16> -> vector<16xf32>
        %parallel_loop3A_410 = arith.addf %parallel_loop3A_408, %parallel_loop3A_409 : vector<16xf32>
        %parallel_loop3A_411 = arith.constant 16 : i32
        %parallel_loop3A_412 = arith.muli %parallel_loop3A_220, %parallel_loop3A_411 : i32
        %parallel_loop3A_413 = arith.constant 5 : i32
        %parallel_loop3A_414 = arith.addi %parallel_loop3A_412, %parallel_loop3A_413 : i32
        %parallel_loop3A_415 = arith.constant 0 : i32
        %parallel_loop3A_416 = arith.constant 0 : i32
        %parallel_loop3A_417 = tpu.memref_slice %arg8[%parallel_loop3A_104, %parallel_loop3A_415, %parallel_loop3A_416] : memref<4x128x64xbf16, #tpu.memory_space<vmem>> -> memref<1x128x64xbf16, #tpu.memory_space<vmem>>
        %parallel_loop3A_418 = tpu.memref_squeeze %parallel_loop3A_417 : memref<1x128x64xbf16, #tpu.memory_space<vmem>> -> memref<128x64xbf16, #tpu.memory_space<vmem>>
        %parallel_loop3A_419 = arith.index_cast %parallel_loop3A_414 : i32 to index
        %parallel_loop3A_420 = arith.constant 0 : index
        %parallel_loop3A_421 = tpu.vector_load %parallel_loop3A_418[%parallel_loop3A_419, %parallel_loop3A_420] {strides = array<i32>} : memref<128x64xbf16, #tpu.memory_space<vmem>>, vector<32xbf16>,
        %parallel_loop3A_422 = arith.constant 0 : i32
        %parallel_loop3A_423 = arith.constant 0 : i32
        %parallel_loop3A_424 = tpu.memref_slice %arg9[%parallel_loop3A_105, %parallel_loop3A_422, %parallel_loop3A_423] : memref<4x128x64xbf16, #tpu.memory_space<vmem>> -> memref<1x128x64xbf16, #tpu.memory_space<vmem>>
        %parallel_loop3A_425 = tpu.memref_squeeze %parallel_loop3A_424 : memref<1x128x64xbf16, #tpu.memory_space<vmem>> -> memref<128x64xbf16, #tpu.memory_space<vmem>>
        %parallel_loop3A_426 = arith.index_cast %parallel_loop3A_414 : i32 to index
        %parallel_loop3A_427 = arith.constant 0 : index
        %parallel_loop3A_428 = tpu.vector_load %parallel_loop3A_425[%parallel_loop3A_426, %parallel_loop3A_427] {strides = array<i32>} : memref<128x64xbf16, #tpu.memory_space<vmem>>, vector<32xbf16>,
        %parallel_loop3A_429 = arith.mulf %parallel_loop3A_421, %parallel_loop3A_428 : vector<32xbf16>
        %parallel_loop3A_430 = arith.constant 0 : i32
        %parallel_loop3A_431 = arith.constant 0 : i32
        %parallel_loop3A_432 = tpu.memref_slice %arg8[%parallel_loop3A_104, %parallel_loop3A_430, %parallel_loop3A_431] : memref<4x128x64xbf16, #tpu.memory_space<vmem>> -> memref<1x128x64xbf16, #tpu.memory_space<vmem>>
        %parallel_loop3A_433 = tpu.memref_squeeze %parallel_loop3A_432 : memref<1x128x64xbf16, #tpu.memory_space<vmem>> -> memref<128x64xbf16, #tpu.memory_space<vmem>>
        %parallel_loop3A_434 = arith.index_cast %parallel_loop3A_414 : i32 to index
        %parallel_loop3A_435 = arith.constant 32 : index
        %parallel_loop3A_436 = tpu.vector_load %parallel_loop3A_433[%parallel_loop3A_434, %parallel_loop3A_435] {strides = array<i32>} : memref<128x64xbf16, #tpu.memory_space<vmem>>, vector<32xbf16>,
        %parallel_loop3A_437 = arith.constant 0 : i32
        %parallel_loop3A_438 = arith.constant 0 : i32
        %parallel_loop3A_439 = tpu.memref_slice %arg9[%parallel_loop3A_105, %parallel_loop3A_437, %parallel_loop3A_438] : memref<4x128x64xbf16, #tpu.memory_space<vmem>> -> memref<1x128x64xbf16, #tpu.memory_space<vmem>>
        %parallel_loop3A_440 = tpu.memref_squeeze %parallel_loop3A_439 : memref<1x128x64xbf16, #tpu.memory_space<vmem>> -> memref<128x64xbf16, #tpu.memory_space<vmem>>
        %parallel_loop3A_441 = arith.index_cast %parallel_loop3A_414 : i32 to index
        %parallel_loop3A_442 = arith.constant 32 : index
        %parallel_loop3A_443 = tpu.vector_load %parallel_loop3A_440[%parallel_loop3A_441, %parallel_loop3A_442] {strides = array<i32>} : memref<128x64xbf16, #tpu.memory_space<vmem>>, vector<32xbf16>,
        %parallel_loop3A_444 = arith.mulf %parallel_loop3A_436, %parallel_loop3A_443 : vector<32xbf16>
        %parallel_loop3A_445 = arith.addf %parallel_loop3A_429, %parallel_loop3A_444 : vector<32xbf16>
        %parallel_loop3A_446 = tpu.unpack_subelements %parallel_loop3A_445, 0 {pack_format = #tpu.pack_format<interleaved>} : vector<32xbf16> -> vector<16xf32>
        %parallel_loop3A_447 = tpu.unpack_subelements %parallel_loop3A_445, 1 {pack_format = #tpu.pack_format<interleaved>} : vector<32xbf16> -> vector<16xf32>
        %parallel_loop3A_448 = arith.addf %parallel_loop3A_446, %parallel_loop3A_447 : vector<16xf32>
        %parallel_loop3A_449 = arith.constant 16 : i32
        %parallel_loop3A_450 = arith.muli %parallel_loop3A_220, %parallel_loop3A_449 : i32
        %parallel_loop3A_451 = arith.constant 6 : i32
        %parallel_loop3A_452 = arith.addi %parallel_loop3A_450, %parallel_loop3A_451 : i32
        %parallel_loop3A_453 = arith.constant 0 : i32
        %parallel_loop3A_454 = arith.constant 0 : i32
        %parallel_loop3A_455 = tpu.memref_slice %arg8[%parallel_loop3A_104, %parallel_loop3A_453, %parallel_loop3A_454] : memref<4x128x64xbf16, #tpu.memory_space<vmem>> -> memref<1x128x64xbf16, #tpu.memory_space<vmem>>
        %parallel_loop3A_456 = tpu.memref_squeeze %parallel_loop3A_455 : memref<1x128x64xbf16, #tpu.memory_space<vmem>> -> memref<128x64xbf16, #tpu.memory_space<vmem>>
        %parallel_loop3A_457 = arith.index_cast %parallel_loop3A_452 : i32 to index
        %parallel_loop3A_458 = arith.constant 0 : index
        %parallel_loop3A_459 = tpu.vector_load %parallel_loop3A_456[%parallel_loop3A_457, %parallel_loop3A_458] {strides = array<i32>} : memref<128x64xbf16, #tpu.memory_space<vmem>>, vector<32xbf16>,
        %parallel_loop3A_460 = arith.constant 0 : i32
        %parallel_loop3A_461 = arith.constant 0 : i32
        %parallel_loop3A_462 = tpu.memref_slice %arg9[%parallel_loop3A_105, %parallel_loop3A_460, %parallel_loop3A_461] : memref<4x128x64xbf16, #tpu.memory_space<vmem>> -> memref<1x128x64xbf16, #tpu.memory_space<vmem>>
        %parallel_loop3A_463 = tpu.memref_squeeze %parallel_loop3A_462 : memref<1x128x64xbf16, #tpu.memory_space<vmem>> -> memref<128x64xbf16, #tpu.memory_space<vmem>>
        %parallel_loop3A_464 = arith.index_cast %parallel_loop3A_452 : i32 to index
        %parallel_loop3A_465 = arith.constant 0 : index
        %parallel_loop3A_466 = tpu.vector_load %parallel_loop3A_463[%parallel_loop3A_464, %parallel_loop3A_465] {strides = array<i32>} : memref<128x64xbf16, #tpu.memory_space<vmem>>, vector<32xbf16>,
        %parallel_loop3A_467 = arith.mulf %parallel_loop3A_459, %parallel_loop3A_466 : vector<32xbf16>
        %parallel_loop3A_468 = arith.constant 0 : i32
        %parallel_loop3A_469 = arith.constant 0 : i32
        %parallel_loop3A_470 = tpu.memref_slice %arg8[%parallel_loop3A_104, %parallel_loop3A_468, %parallel_loop3A_469] : memref<4x128x64xbf16, #tpu.memory_space<vmem>> -> memref<1x128x64xbf16, #tpu.memory_space<vmem>>
        %parallel_loop3A_471 = tpu.memref_squeeze %parallel_loop3A_470 : memref<1x128x64xbf16, #tpu.memory_space<vmem>> -> memref<128x64xbf16, #tpu.memory_space<vmem>>
        %parallel_loop3A_472 = arith.index_cast %parallel_loop3A_452 : i32 to index
        %parallel_loop3A_473 = arith.constant 32 : index
        %parallel_loop3A_474 = tpu.vector_load %parallel_loop3A_471[%parallel_loop3A_472, %parallel_loop3A_473] {strides = array<i32>} : memref<128x64xbf16, #tpu.memory_space<vmem>>, vector<32xbf16>,
        %parallel_loop3A_475 = arith.constant 0 : i32
        %parallel_loop3A_476 = arith.constant 0 : i32
        %parallel_loop3A_477 = tpu.memref_slice %arg9[%parallel_loop3A_105, %parallel_loop3A_475, %parallel_loop3A_476] : memref<4x128x64xbf16, #tpu.memory_space<vmem>> -> memref<1x128x64xbf16, #tpu.memory_space<vmem>>
        %parallel_loop3A_478 = tpu.memref_squeeze %parallel_loop3A_477 : memref<1x128x64xbf16, #tpu.memory_space<vmem>> -> memref<128x64xbf16, #tpu.memory_space<vmem>>
        %parallel_loop3A_479 = arith.index_cast %parallel_loop3A_452 : i32 to index
        %parallel_loop3A_480 = arith.constant 32 : index
        %parallel_loop3A_481 = tpu.vector_load %parallel_loop3A_478[%parallel_loop3A_479, %parallel_loop3A_480] {strides = array<i32>} : memref<128x64xbf16, #tpu.memory_space<vmem>>, vector<32xbf16>,
        %parallel_loop3A_482 = arith.mulf %parallel_loop3A_474, %parallel_loop3A_481 : vector<32xbf16>
        %parallel_loop3A_483 = arith.addf %parallel_loop3A_467, %parallel_loop3A_482 : vector<32xbf16>
        %parallel_loop3A_484 = tpu.unpack_subelements %parallel_loop3A_483, 0 {pack_format = #tpu.pack_format<interleaved>} : vector<32xbf16> -> vector<16xf32>
        %parallel_loop3A_485 = tpu.unpack_subelements %parallel_loop3A_483, 1 {pack_format = #tpu.pack_format<interleaved>} : vector<32xbf16> -> vector<16xf32>
        %parallel_loop3A_486 = arith.addf %parallel_loop3A_484, %parallel_loop3A_485 : vector<16xf32>
        %parallel_loop3A_487 = arith.constant 16 : i32
        %parallel_loop3A_488 = arith.muli %parallel_loop3A_220, %parallel_loop3A_487 : i32
        %parallel_loop3A_489 = arith.constant 7 : i32
        %parallel_loop3A_490 = arith.addi %parallel_loop3A_488, %parallel_loop3A_489 : i32
        %parallel_loop3A_491 = arith.constant 0 : i32
        %parallel_loop3A_492 = arith.constant 0 : i32
        %parallel_loop3A_493 = tpu.memref_slice %arg8[%parallel_loop3A_104, %parallel_loop3A_491, %parallel_loop3A_492] : memref<4x128x64xbf16, #tpu.memory_space<vmem>> -> memref<1x128x64xbf16, #tpu.memory_space<vmem>>
        %parallel_loop3A_494 = tpu.memref_squeeze %parallel_loop3A_493 : memref<1x128x64xbf16, #tpu.memory_space<vmem>> -> memref<128x64xbf16, #tpu.memory_space<vmem>>
        %parallel_loop3A_495 = arith.index_cast %parallel_loop3A_490 : i32 to index
        %parallel_loop3A_496 = arith.constant 0 : index
        %parallel_loop3A_497 = tpu.vector_load %parallel_loop3A_494[%parallel_loop3A_495, %parallel_loop3A_496] {strides = array<i32>} : memref<128x64xbf16, #tpu.memory_space<vmem>>, vector<32xbf16>,
        %parallel_loop3A_498 = arith.constant 0 : i32
        %parallel_loop3A_499 = arith.constant 0 : i32
        %parallel_loop3A_500 = tpu.memref_slice %arg9[%parallel_loop3A_105, %parallel_loop3A_498, %parallel_loop3A_499] : memref<4x128x64xbf16, #tpu.memory_space<vmem>> -> memref<1x128x64xbf16, #tpu.memory_space<vmem>>
        %parallel_loop3A_501 = tpu.memref_squeeze %parallel_loop3A_500 : memref<1x128x64xbf16, #tpu.memory_space<vmem>> -> memref<128x64xbf16, #tpu.memory_space<vmem>>
        %parallel_loop3A_502 = arith.index_cast %parallel_loop3A_490 : i32 to index
        %parallel_loop3A_503 = arith.constant 0 : index
        %parallel_loop3A_504 = tpu.vector_load %parallel_loop3A_501[%parallel_loop3A_502, %parallel_loop3A_503] {strides = array<i32>} : memref<128x64xbf16, #tpu.memory_space<vmem>>, vector<32xbf16>,
        %parallel_loop3A_505 = arith.mulf %parallel_loop3A_497, %parallel_loop3A_504 : vector<32xbf16>
        %parallel_loop3A_506 = arith.constant 0 : i32
        %parallel_loop3A_507 = arith.constant 0 : i32
        %parallel_loop3A_508 = tpu.memref_slice %arg8[%parallel_loop3A_104, %parallel_loop3A_506, %parallel_loop3A_507] : memref<4x128x64xbf16, #tpu.memory_space<vmem>> -> memref<1x128x64xbf16, #tpu.memory_space<vmem>>
        %parallel_loop3A_509 = tpu.memref_squeeze %parallel_loop3A_508 : memref<1x128x64xbf16, #tpu.memory_space<vmem>> -> memref<128x64xbf16, #tpu.memory_space<vmem>>
        %parallel_loop3A_510 = arith.index_cast %parallel_loop3A_490 : i32 to index
        %parallel_loop3A_511 = arith.constant 32 : index
        %parallel_loop3A_512 = tpu.vector_load %parallel_loop3A_509[%parallel_loop3A_510, %parallel_loop3A_511] {strides = array<i32>} : memref<128x64xbf16, #tpu.memory_space<vmem>>, vector<32xbf16>,
        %parallel_loop3A_513 = arith.constant 0 : i32
        %parallel_loop3A_514 = arith.constant 0 : i32
        %parallel_loop3A_515 = tpu.memref_slice %arg9[%parallel_loop3A_105, %parallel_loop3A_513, %parallel_loop3A_514] : memref<4x128x64xbf16, #tpu.memory_space<vmem>> -> memref<1x128x64xbf16, #tpu.memory_space<vmem>>
        %parallel_loop3A_516 = tpu.memref_squeeze %parallel_loop3A_515 : memref<1x128x64xbf16, #tpu.memory_space<vmem>> -> memref<128x64xbf16, #tpu.memory_space<vmem>>
        %parallel_loop3A_517 = arith.index_cast %parallel_loop3A_490 : i32 to index
        %parallel_loop3A_518 = arith.constant 32 : index
        %parallel_loop3A_519 = tpu.vector_load %parallel_loop3A_516[%parallel_loop3A_517, %parallel_loop3A_518] {strides = array<i32>} : memref<128x64xbf16, #tpu.memory_space<vmem>>, vector<32xbf16>,
        %parallel_loop3A_520 = arith.mulf %parallel_loop3A_512, %parallel_loop3A_519 : vector<32xbf16>
        %parallel_loop3A_521 = arith.addf %parallel_loop3A_505, %parallel_loop3A_520 : vector<32xbf16>
        %parallel_loop3A_522 = tpu.unpack_subelements %parallel_loop3A_521, 0 {pack_format = #tpu.pack_format<interleaved>} : vector<32xbf16> -> vector<16xf32>
        %parallel_loop3A_523 = tpu.unpack_subelements %parallel_loop3A_521, 1 {pack_format = #tpu.pack_format<interleaved>} : vector<32xbf16> -> vector<16xf32>
        %parallel_loop3A_524 = arith.addf %parallel_loop3A_522, %parallel_loop3A_523 : vector<16xf32>
        %parallel_loop3A_525 = arith.constant 16 : i32
        %parallel_loop3A_526 = arith.muli %parallel_loop3A_220, %parallel_loop3A_525 : i32
        %parallel_loop3A_527 = arith.constant 8 : i32
        %parallel_loop3A_528 = arith.addi %parallel_loop3A_526, %parallel_loop3A_527 : i32
        %parallel_loop3A_529 = arith.constant 0 : i32
        %parallel_loop3A_530 = arith.constant 0 : i32
        %parallel_loop3A_531 = tpu.memref_slice %arg8[%parallel_loop3A_104, %parallel_loop3A_529, %parallel_loop3A_530] : memref<4x128x64xbf16, #tpu.memory_space<vmem>> -> memref<1x128x64xbf16, #tpu.memory_space<vmem>>
        %parallel_loop3A_532 = tpu.memref_squeeze %parallel_loop3A_531 : memref<1x128x64xbf16, #tpu.memory_space<vmem>> -> memref<128x64xbf16, #tpu.memory_space<vmem>>
        %parallel_loop3A_533 = arith.index_cast %parallel_loop3A_528 : i32 to index
        %parallel_loop3A_534 = arith.constant 0 : index
        %parallel_loop3A_535 = tpu.vector_load %parallel_loop3A_532[%parallel_loop3A_533, %parallel_loop3A_534] {strides = array<i32>} : memref<128x64xbf16, #tpu.memory_space<vmem>>, vector<32xbf16>,
        %parallel_loop3A_536 = arith.constant 0 : i32
        %parallel_loop3A_537 = arith.constant 0 : i32
        %parallel_loop3A_538 = tpu.memref_slice %arg9[%parallel_loop3A_105, %parallel_loop3A_536, %parallel_loop3A_537] : memref<4x128x64xbf16, #tpu.memory_space<vmem>> -> memref<1x128x64xbf16, #tpu.memory_space<vmem>>
        %parallel_loop3A_539 = tpu.memref_squeeze %parallel_loop3A_538 : memref<1x128x64xbf16, #tpu.memory_space<vmem>> -> memref<128x64xbf16, #tpu.memory_space<vmem>>
        %parallel_loop3A_540 = arith.index_cast %parallel_loop3A_528 : i32 to index
        %parallel_loop3A_541 = arith.constant 0 : index
        %parallel_loop3A_542 = tpu.vector_load %parallel_loop3A_539[%parallel_loop3A_540, %parallel_loop3A_541] {strides = array<i32>} : memref<128x64xbf16, #tpu.memory_space<vmem>>, vector<32xbf16>,
        %parallel_loop3A_543 = arith.mulf %parallel_loop3A_535, %parallel_loop3A_542 : vector<32xbf16>
        %parallel_loop3A_544 = arith.constant 0 : i32
        %parallel_loop3A_545 = arith.constant 0 : i32
        %parallel_loop3A_546 = tpu.memref_slice %arg8[%parallel_loop3A_104, %parallel_loop3A_544, %parallel_loop3A_545] : memref<4x128x64xbf16, #tpu.memory_space<vmem>> -> memref<1x128x64xbf16, #tpu.memory_space<vmem>>
        %parallel_loop3A_547 = tpu.memref_squeeze %parallel_loop3A_546 : memref<1x128x64xbf16, #tpu.memory_space<vmem>> -> memref<128x64xbf16, #tpu.memory_space<vmem>>
        %parallel_loop3A_548 = arith.index_cast %parallel_loop3A_528 : i32 to index
        %parallel_loop3A_549 = arith.constant 32 : index
        %parallel_loop3A_550 = tpu.vector_load %parallel_loop3A_547[%parallel_loop3A_548, %parallel_loop3A_549] {strides = array<i32>} : memref<128x64xbf16, #tpu.memory_space<vmem>>, vector<32xbf16>,
        %parallel_loop3A_551 = arith.constant 0 : i32
        %parallel_loop3A_552 = arith.constant 0 : i32
        %parallel_loop3A_553 = tpu.memref_slice %arg9[%parallel_loop3A_105, %parallel_loop3A_551, %parallel_loop3A_552] : memref<4x128x64xbf16, #tpu.memory_space<vmem>> -> memref<1x128x64xbf16, #tpu.memory_space<vmem>>
        %parallel_loop3A_554 = tpu.memref_squeeze %parallel_loop3A_553 : memref<1x128x64xbf16, #tpu.memory_space<vmem>> -> memref<128x64xbf16, #tpu.memory_space<vmem>>
        %parallel_loop3A_555 = arith.index_cast %parallel_loop3A_528 : i32 to index
        %parallel_loop3A_556 = arith.constant 32 : index
        %parallel_loop3A_557 = tpu.vector_load %parallel_loop3A_554[%parallel_loop3A_555, %parallel_loop3A_556] {strides = array<i32>} : memref<128x64xbf16, #tpu.memory_space<vmem>>, vector<32xbf16>,
        %parallel_loop3A_558 = arith.mulf %parallel_loop3A_550, %parallel_loop3A_557 : vector<32xbf16>
        %parallel_loop3A_559 = arith.addf %parallel_loop3A_543, %parallel_loop3A_558 : vector<32xbf16>
        %parallel_loop3A_560 = tpu.unpack_subelements %parallel_loop3A_559, 0 {pack_format = #tpu.pack_format<interleaved>} : vector<32xbf16> -> vector<16xf32>
        %parallel_loop3A_561 = tpu.unpack_subelements %parallel_loop3A_559, 1 {pack_format = #tpu.pack_format<interleaved>} : vector<32xbf16> -> vector<16xf32>
        %parallel_loop3A_562 = arith.addf %parallel_loop3A_560, %parallel_loop3A_561 : vector<16xf32>
        %parallel_loop3A_563 = arith.constant 16 : i32
        %parallel_loop3A_564 = arith.muli %parallel_loop3A_220, %parallel_loop3A_563 : i32
        %parallel_loop3A_565 = arith.constant 9 : i32
        %parallel_loop3A_566 = arith.addi %parallel_loop3A_564, %parallel_loop3A_565 : i32
        %parallel_loop3A_567 = arith.constant 0 : i32
        %parallel_loop3A_568 = arith.constant 0 : i32
        %parallel_loop3A_569 = tpu.memref_slice %arg8[%parallel_loop3A_104, %parallel_loop3A_567, %parallel_loop3A_568] : memref<4x128x64xbf16, #tpu.memory_space<vmem>> -> memref<1x128x64xbf16, #tpu.memory_space<vmem>>
        %parallel_loop3A_570 = tpu.memref_squeeze %parallel_loop3A_569 : memref<1x128x64xbf16, #tpu.memory_space<vmem>> -> memref<128x64xbf16, #tpu.memory_space<vmem>>
        %parallel_loop3A_571 = arith.index_cast %parallel_loop3A_566 : i32 to index
        %parallel_loop3A_572 = arith.constant 0 : index
        %parallel_loop3A_573 = tpu.vector_load %parallel_loop3A_570[%parallel_loop3A_571, %parallel_loop3A_572] {strides = array<i32>} : memref<128x64xbf16, #tpu.memory_space<vmem>>, vector<32xbf16>,
        %parallel_loop3A_574 = arith.constant 0 : i32
        %parallel_loop3A_575 = arith.constant 0 : i32
        %parallel_loop3A_576 = tpu.memref_slice %arg9[%parallel_loop3A_105, %parallel_loop3A_574, %parallel_loop3A_575] : memref<4x128x64xbf16, #tpu.memory_space<vmem>> -> memref<1x128x64xbf16, #tpu.memory_space<vmem>>
        %parallel_loop3A_577 = tpu.memref_squeeze %parallel_loop3A_576 : memref<1x128x64xbf16, #tpu.memory_space<vmem>> -> memref<128x64xbf16, #tpu.memory_space<vmem>>
        %parallel_loop3A_578 = arith.index_cast %parallel_loop3A_566 : i32 to index
        %parallel_loop3A_579 = arith.constant 0 : index
        %parallel_loop3A_580 = tpu.vector_load %parallel_loop3A_577[%parallel_loop3A_578, %parallel_loop3A_579] {strides = array<i32>} : memref<128x64xbf16, #tpu.memory_space<vmem>>, vector<32xbf16>,
        %parallel_loop3A_581 = arith.mulf %parallel_loop3A_573, %parallel_loop3A_580 : vector<32xbf16>
        %parallel_loop3A_582 = arith.constant 0 : i32
        %parallel_loop3A_583 = arith.constant 0 : i32
        %parallel_loop3A_584 = tpu.memref_slice %arg8[%parallel_loop3A_104, %parallel_loop3A_582, %parallel_loop3A_583] : memref<4x128x64xbf16, #tpu.memory_space<vmem>> -> memref<1x128x64xbf16, #tpu.memory_space<vmem>>
        %parallel_loop3A_585 = tpu.memref_squeeze %parallel_loop3A_584 : memref<1x128x64xbf16, #tpu.memory_space<vmem>> -> memref<128x64xbf16, #tpu.memory_space<vmem>>
        %parallel_loop3A_586 = arith.index_cast %parallel_loop3A_566 : i32 to index
        %parallel_loop3A_587 = arith.constant 32 : index
        %parallel_loop3A_588 = tpu.vector_load %parallel_loop3A_585[%parallel_loop3A_586, %parallel_loop3A_587] {strides = array<i32>} : memref<128x64xbf16, #tpu.memory_space<vmem>>, vector<32xbf16>,
        %parallel_loop3A_589 = arith.constant 0 : i32
        %parallel_loop3A_590 = arith.constant 0 : i32
        %parallel_loop3A_591 = tpu.memref_slice %arg9[%parallel_loop3A_105, %parallel_loop3A_589, %parallel_loop3A_590] : memref<4x128x64xbf16, #tpu.memory_space<vmem>> -> memref<1x128x64xbf16, #tpu.memory_space<vmem>>
        %parallel_loop3A_592 = tpu.memref_squeeze %parallel_loop3A_591 : memref<1x128x64xbf16, #tpu.memory_space<vmem>> -> memref<128x64xbf16, #tpu.memory_space<vmem>>
        %parallel_loop3A_593 = arith.index_cast %parallel_loop3A_566 : i32 to index
        %parallel_loop3A_594 = arith.constant 32 : index
        %parallel_loop3A_595 = tpu.vector_load %parallel_loop3A_592[%parallel_loop3A_593, %parallel_loop3A_594] {strides = array<i32>} : memref<128x64xbf16, #tpu.memory_space<vmem>>, vector<32xbf16>,
        %parallel_loop3A_596 = arith.mulf %parallel_loop3A_588, %parallel_loop3A_595 : vector<32xbf16>
        %parallel_loop3A_597 = arith.addf %parallel_loop3A_581, %parallel_loop3A_596 : vector<32xbf16>
        %parallel_loop3A_598 = tpu.unpack_subelements %parallel_loop3A_597, 0 {pack_format = #tpu.pack_format<interleaved>} : vector<32xbf16> -> vector<16xf32>
        %parallel_loop3A_599 = tpu.unpack_subelements %parallel_loop3A_597, 1 {pack_format = #tpu.pack_format<interleaved>} : vector<32xbf16> -> vector<16xf32>
        %parallel_loop3A_600 = arith.addf %parallel_loop3A_598, %parallel_loop3A_599 : vector<16xf32>
        %parallel_loop3A_601 = arith.constant 16 : i32
        %parallel_loop3A_602 = arith.muli %parallel_loop3A_220, %parallel_loop3A_601 : i32
        %parallel_loop3A_603 = arith.constant 10 : i32
        %parallel_loop3A_604 = arith.addi %parallel_loop3A_602, %parallel_loop3A_603 : i32
        %parallel_loop3A_605 = arith.constant 0 : i32
        %parallel_loop3A_606 = arith.constant 0 : i32
        %parallel_loop3A_607 = tpu.memref_slice %arg8[%parallel_loop3A_104, %parallel_loop3A_605, %parallel_loop3A_606] : memref<4x128x64xbf16, #tpu.memory_space<vmem>> -> memref<1x128x64xbf16, #tpu.memory_space<vmem>>
        %parallel_loop3A_608 = tpu.memref_squeeze %parallel_loop3A_607 : memref<1x128x64xbf16, #tpu.memory_space<vmem>> -> memref<128x64xbf16, #tpu.memory_space<vmem>>
        %parallel_loop3A_609 = arith.index_cast %parallel_loop3A_604 : i32 to index
        %parallel_loop3A_610 = arith.constant 0 : index
        %parallel_loop3A_611 = tpu.vector_load %parallel_loop3A_608[%parallel_loop3A_609, %parallel_loop3A_610] {strides = array<i32>} : memref<128x64xbf16, #tpu.memory_space<vmem>>, vector<32xbf16>,
        %parallel_loop3A_612 = arith.constant 0 : i32
        %parallel_loop3A_613 = arith.constant 0 : i32
        %parallel_loop3A_614 = tpu.memref_slice %arg9[%parallel_loop3A_105, %parallel_loop3A_612, %parallel_loop3A_613] : memref<4x128x64xbf16, #tpu.memory_space<vmem>> -> memref<1x128x64xbf16, #tpu.memory_space<vmem>>
        %parallel_loop3A_615 = tpu.memref_squeeze %parallel_loop3A_614 : memref<1x128x64xbf16, #tpu.memory_space<vmem>> -> memref<128x64xbf16, #tpu.memory_space<vmem>>
        %parallel_loop3A_616 = arith.index_cast %parallel_loop3A_604 : i32 to index
        %parallel_loop3A_617 = arith.constant 0 : index
        %parallel_loop3A_618 = tpu.vector_load %parallel_loop3A_615[%parallel_loop3A_616, %parallel_loop3A_617] {strides = array<i32>} : memref<128x64xbf16, #tpu.memory_space<vmem>>, vector<32xbf16>,
        %parallel_loop3A_619 = arith.mulf %parallel_loop3A_611, %parallel_loop3A_618 : vector<32xbf16>
        %parallel_loop3A_620 = arith.constant 0 : i32
        %parallel_loop3A_621 = arith.constant 0 : i32
        %parallel_loop3A_622 = tpu.memref_slice %arg8[%parallel_loop3A_104, %parallel_loop3A_620, %parallel_loop3A_621] : memref<4x128x64xbf16, #tpu.memory_space<vmem>> -> memref<1x128x64xbf16, #tpu.memory_space<vmem>>
        %parallel_loop3A_623 = tpu.memref_squeeze %parallel_loop3A_622 : memref<1x128x64xbf16, #tpu.memory_space<vmem>> -> memref<128x64xbf16, #tpu.memory_space<vmem>>
        %parallel_loop3A_624 = arith.index_cast %parallel_loop3A_604 : i32 to index
        %parallel_loop3A_625 = arith.constant 32 : index
        %parallel_loop3A_626 = tpu.vector_load %parallel_loop3A_623[%parallel_loop3A_624, %parallel_loop3A_625] {strides = array<i32>} : memref<128x64xbf16, #tpu.memory_space<vmem>>, vector<32xbf16>,
        %parallel_loop3A_627 = arith.constant 0 : i32
        %parallel_loop3A_628 = arith.constant 0 : i32
        %parallel_loop3A_629 = tpu.memref_slice %arg9[%parallel_loop3A_105, %parallel_loop3A_627, %parallel_loop3A_628] : memref<4x128x64xbf16, #tpu.memory_space<vmem>> -> memref<1x128x64xbf16, #tpu.memory_space<vmem>>
        %parallel_loop3A_630 = tpu.memref_squeeze %parallel_loop3A_629 : memref<1x128x64xbf16, #tpu.memory_space<vmem>> -> memref<128x64xbf16, #tpu.memory_space<vmem>>
        %parallel_loop3A_631 = arith.index_cast %parallel_loop3A_604 : i32 to index
        %parallel_loop3A_632 = arith.constant 32 : index
        %parallel_loop3A_633 = tpu.vector_load %parallel_loop3A_630[%parallel_loop3A_631, %parallel_loop3A_632] {strides = array<i32>} : memref<128x64xbf16, #tpu.memory_space<vmem>>, vector<32xbf16>,
        %parallel_loop3A_634 = arith.mulf %parallel_loop3A_626, %parallel_loop3A_633 : vector<32xbf16>
        %parallel_loop3A_635 = arith.addf %parallel_loop3A_619, %parallel_loop3A_634 : vector<32xbf16>
        %parallel_loop3A_636 = tpu.unpack_subelements %parallel_loop3A_635, 0 {pack_format = #tpu.pack_format<interleaved>} : vector<32xbf16> -> vector<16xf32>
        %parallel_loop3A_637 = tpu.unpack_subelements %parallel_loop3A_635, 1 {pack_format = #tpu.pack_format<interleaved>} : vector<32xbf16> -> vector<16xf32>
        %parallel_loop3A_638 = arith.addf %parallel_loop3A_636, %parallel_loop3A_637 : vector<16xf32>
        %parallel_loop3A_639 = arith.constant 16 : i32
        %parallel_loop3A_640 = arith.muli %parallel_loop3A_220, %parallel_loop3A_639 : i32
        %parallel_loop3A_641 = arith.constant 11 : i32
        %parallel_loop3A_642 = arith.addi %parallel_loop3A_640, %parallel_loop3A_641 : i32
        %parallel_loop3A_643 = arith.constant 0 : i32
        %parallel_loop3A_644 = arith.constant 0 : i32
        %parallel_loop3A_645 = tpu.memref_slice %arg8[%parallel_loop3A_104, %parallel_loop3A_643, %parallel_loop3A_644] : memref<4x128x64xbf16, #tpu.memory_space<vmem>> -> memref<1x128x64xbf16, #tpu.memory_space<vmem>>
        %parallel_loop3A_646 = tpu.memref_squeeze %parallel_loop3A_645 : memref<1x128x64xbf16, #tpu.memory_space<vmem>> -> memref<128x64xbf16, #tpu.memory_space<vmem>>
        %parallel_loop3A_647 = arith.index_cast %parallel_loop3A_642 : i32 to index
        %parallel_loop3A_648 = arith.constant 0 : index
        %parallel_loop3A_649 = tpu.vector_load %parallel_loop3A_646[%parallel_loop3A_647, %parallel_loop3A_648] {strides = array<i32>} : memref<128x64xbf16, #tpu.memory_space<vmem>>, vector<32xbf16>,
        %parallel_loop3A_650 = arith.constant 0 : i32
        %parallel_loop3A_651 = arith.constant 0 : i32
        %parallel_loop3A_652 = tpu.memref_slice %arg9[%parallel_loop3A_105, %parallel_loop3A_650, %parallel_loop3A_651] : memref<4x128x64xbf16, #tpu.memory_space<vmem>> -> memref<1x128x64xbf16, #tpu.memory_space<vmem>>
        %parallel_loop3A_653 = tpu.memref_squeeze %parallel_loop3A_652 : memref<1x128x64xbf16, #tpu.memory_space<vmem>> -> memref<128x64xbf16, #tpu.memory_space<vmem>>
        %parallel_loop3A_654 = arith.index_cast %parallel_loop3A_642 : i32 to index
        %parallel_loop3A_655 = arith.constant 0 : index
        %parallel_loop3A_656 = tpu.vector_load %parallel_loop3A_653[%parallel_loop3A_654, %parallel_loop3A_655] {strides = array<i32>} : memref<128x64xbf16, #tpu.memory_space<vmem>>, vector<32xbf16>,
        %parallel_loop3A_657 = arith.mulf %parallel_loop3A_649, %parallel_loop3A_656 : vector<32xbf16>
        %parallel_loop3A_658 = arith.constant 0 : i32
        %parallel_loop3A_659 = arith.constant 0 : i32
        %parallel_loop3A_660 = tpu.memref_slice %arg8[%parallel_loop3A_104, %parallel_loop3A_658, %parallel_loop3A_659] : memref<4x128x64xbf16, #tpu.memory_space<vmem>> -> memref<1x128x64xbf16, #tpu.memory_space<vmem>>
        %parallel_loop3A_661 = tpu.memref_squeeze %parallel_loop3A_660 : memref<1x128x64xbf16, #tpu.memory_space<vmem>> -> memref<128x64xbf16, #tpu.memory_space<vmem>>
        %parallel_loop3A_662 = arith.index_cast %parallel_loop3A_642 : i32 to index
        %parallel_loop3A_663 = arith.constant 32 : index
        %parallel_loop3A_664 = tpu.vector_load %parallel_loop3A_661[%parallel_loop3A_662, %parallel_loop3A_663] {strides = array<i32>} : memref<128x64xbf16, #tpu.memory_space<vmem>>, vector<32xbf16>,
        %parallel_loop3A_665 = arith.constant 0 : i32
        %parallel_loop3A_666 = arith.constant 0 : i32
        %parallel_loop3A_667 = tpu.memref_slice %arg9[%parallel_loop3A_105, %parallel_loop3A_665, %parallel_loop3A_666] : memref<4x128x64xbf16, #tpu.memory_space<vmem>> -> memref<1x128x64xbf16, #tpu.memory_space<vmem>>
        %parallel_loop3A_668 = tpu.memref_squeeze %parallel_loop3A_667 : memref<1x128x64xbf16, #tpu.memory_space<vmem>> -> memref<128x64xbf16, #tpu.memory_space<vmem>>
        %parallel_loop3A_669 = arith.index_cast %parallel_loop3A_642 : i32 to index
        %parallel_loop3A_670 = arith.constant 32 : index
        %parallel_loop3A_671 = tpu.vector_load %parallel_loop3A_668[%parallel_loop3A_669, %parallel_loop3A_670] {strides = array<i32>} : memref<128x64xbf16, #tpu.memory_space<vmem>>, vector<32xbf16>,
        %parallel_loop3A_672 = arith.mulf %parallel_loop3A_664, %parallel_loop3A_671 : vector<32xbf16>
        %parallel_loop3A_673 = arith.addf %parallel_loop3A_657, %parallel_loop3A_672 : vector<32xbf16>
        %parallel_loop3A_674 = tpu.unpack_subelements %parallel_loop3A_673, 0 {pack_format = #tpu.pack_format<interleaved>} : vector<32xbf16> -> vector<16xf32>
        %parallel_loop3A_675 = tpu.unpack_subelements %parallel_loop3A_673, 1 {pack_format = #tpu.pack_format<interleaved>} : vector<32xbf16> -> vector<16xf32>
        %parallel_loop3A_676 = arith.addf %parallel_loop3A_674, %parallel_loop3A_675 : vector<16xf32>
        %parallel_loop3A_677 = arith.constant 16 : i32
        %parallel_loop3A_678 = arith.muli %parallel_loop3A_220, %parallel_loop3A_677 : i32
        %parallel_loop3A_679 = arith.constant 12 : i32
        %parallel_loop3A_680 = arith.addi %parallel_loop3A_678, %parallel_loop3A_679 : i32
        %parallel_loop3A_681 = arith.constant 0 : i32
        %parallel_loop3A_682 = arith.constant 0 : i32
        %parallel_loop3A_683 = tpu.memref_slice %arg8[%parallel_loop3A_104, %parallel_loop3A_681, %parallel_loop3A_682] : memref<4x128x64xbf16, #tpu.memory_space<vmem>> -> memref<1x128x64xbf16, #tpu.memory_space<vmem>>
        %parallel_loop3A_684 = tpu.memref_squeeze %parallel_loop3A_683 : memref<1x128x64xbf16, #tpu.memory_space<vmem>> -> memref<128x64xbf16, #tpu.memory_space<vmem>>
        %parallel_loop3A_685 = arith.index_cast %parallel_loop3A_680 : i32 to index
        %parallel_loop3A_686 = arith.constant 0 : index
        %parallel_loop3A_687 = tpu.vector_load %parallel_loop3A_684[%parallel_loop3A_685, %parallel_loop3A_686] {strides = array<i32>} : memref<128x64xbf16, #tpu.memory_space<vmem>>, vector<32xbf16>,
        %parallel_loop3A_688 = arith.constant 0 : i32
        %parallel_loop3A_689 = arith.constant 0 : i32
        %parallel_loop3A_690 = tpu.memref_slice %arg9[%parallel_loop3A_105, %parallel_loop3A_688, %parallel_loop3A_689] : memref<4x128x64xbf16, #tpu.memory_space<vmem>> -> memref<1x128x64xbf16, #tpu.memory_space<vmem>>
        %parallel_loop3A_691 = tpu.memref_squeeze %parallel_loop3A_690 : memref<1x128x64xbf16, #tpu.memory_space<vmem>> -> memref<128x64xbf16, #tpu.memory_space<vmem>>
        %parallel_loop3A_692 = arith.index_cast %parallel_loop3A_680 : i32 to index
        %parallel_loop3A_693 = arith.constant 0 : index
        %parallel_loop3A_694 = tpu.vector_load %parallel_loop3A_691[%parallel_loop3A_692, %parallel_loop3A_693] {strides = array<i32>} : memref<128x64xbf16, #tpu.memory_space<vmem>>, vector<32xbf16>,
        %parallel_loop3A_695 = arith.mulf %parallel_loop3A_687, %parallel_loop3A_694 : vector<32xbf16>
        %parallel_loop3A_696 = arith.constant 0 : i32
        %parallel_loop3A_697 = arith.constant 0 : i32
        %parallel_loop3A_698 = tpu.memref_slice %arg8[%parallel_loop3A_104, %parallel_loop3A_696, %parallel_loop3A_697] : memref<4x128x64xbf16, #tpu.memory_space<vmem>> -> memref<1x128x64xbf16, #tpu.memory_space<vmem>>
        %parallel_loop3A_699 = tpu.memref_squeeze %parallel_loop3A_698 : memref<1x128x64xbf16, #tpu.memory_space<vmem>> -> memref<128x64xbf16, #tpu.memory_space<vmem>>
        %parallel_loop3A_700 = arith.index_cast %parallel_loop3A_680 : i32 to index
        %parallel_loop3A_701 = arith.constant 32 : index
        %parallel_loop3A_702 = tpu.vector_load %parallel_loop3A_699[%parallel_loop3A_700, %parallel_loop3A_701] {strides = array<i32>} : memref<128x64xbf16, #tpu.memory_space<vmem>>, vector<32xbf16>,
        %parallel_loop3A_703 = arith.constant 0 : i32
        %parallel_loop3A_704 = arith.constant 0 : i32
        %parallel_loop3A_705 = tpu.memref_slice %arg9[%parallel_loop3A_105, %parallel_loop3A_703, %parallel_loop3A_704] : memref<4x128x64xbf16, #tpu.memory_space<vmem>> -> memref<1x128x64xbf16, #tpu.memory_space<vmem>>
        %parallel_loop3A_706 = tpu.memref_squeeze %parallel_loop3A_705 : memref<1x128x64xbf16, #tpu.memory_space<vmem>> -> memref<128x64xbf16, #tpu.memory_space<vmem>>
        %parallel_loop3A_707 = arith.index_cast %parallel_loop3A_680 : i32 to index
        %parallel_loop3A_708 = arith.constant 32 : index
        %parallel_loop3A_709 = tpu.vector_load %parallel_loop3A_706[%parallel_loop3A_707, %parallel_loop3A_708] {strides = array<i32>} : memref<128x64xbf16, #tpu.memory_space<vmem>>, vector<32xbf16>,
        %parallel_loop3A_710 = arith.mulf %parallel_loop3A_702, %parallel_loop3A_709 : vector<32xbf16>
        %parallel_loop3A_711 = arith.addf %parallel_loop3A_695, %parallel_loop3A_710 : vector<32xbf16>
        %parallel_loop3A_712 = tpu.unpack_subelements %parallel_loop3A_711, 0 {pack_format = #tpu.pack_format<interleaved>} : vector<32xbf16> -> vector<16xf32>
        %parallel_loop3A_713 = tpu.unpack_subelements %parallel_loop3A_711, 1 {pack_format = #tpu.pack_format<interleaved>} : vector<32xbf16> -> vector<16xf32>
        %parallel_loop3A_714 = arith.addf %parallel_loop3A_712, %parallel_loop3A_713 : vector<16xf32>
        %parallel_loop3A_715 = arith.constant 16 : i32
        %parallel_loop3A_716 = arith.muli %parallel_loop3A_220, %parallel_loop3A_715 : i32
        %parallel_loop3A_717 = arith.constant 13 : i32
        %parallel_loop3A_718 = arith.addi %parallel_loop3A_716, %parallel_loop3A_717 : i32
        %parallel_loop3A_719 = arith.constant 0 : i32
        %parallel_loop3A_720 = arith.constant 0 : i32
        %parallel_loop3A_721 = tpu.memref_slice %arg8[%parallel_loop3A_104, %parallel_loop3A_719, %parallel_loop3A_720] : memref<4x128x64xbf16, #tpu.memory_space<vmem>> -> memref<1x128x64xbf16, #tpu.memory_space<vmem>>
        %parallel_loop3A_722 = tpu.memref_squeeze %parallel_loop3A_721 : memref<1x128x64xbf16, #tpu.memory_space<vmem>> -> memref<128x64xbf16, #tpu.memory_space<vmem>>
        %parallel_loop3A_723 = arith.index_cast %parallel_loop3A_718 : i32 to index
        %parallel_loop3A_724 = arith.constant 0 : index
        %parallel_loop3A_725 = tpu.vector_load %parallel_loop3A_722[%parallel_loop3A_723, %parallel_loop3A_724] {strides = array<i32>} : memref<128x64xbf16, #tpu.memory_space<vmem>>, vector<32xbf16>,
        %parallel_loop3A_726 = arith.constant 0 : i32
        %parallel_loop3A_727 = arith.constant 0 : i32
        %parallel_loop3A_728 = tpu.memref_slice %arg9[%parallel_loop3A_105, %parallel_loop3A_726, %parallel_loop3A_727] : memref<4x128x64xbf16, #tpu.memory_space<vmem>> -> memref<1x128x64xbf16, #tpu.memory_space<vmem>>
        %parallel_loop3A_729 = tpu.memref_squeeze %parallel_loop3A_728 : memref<1x128x64xbf16, #tpu.memory_space<vmem>> -> memref<128x64xbf16, #tpu.memory_space<vmem>>
        %parallel_loop3A_730 = arith.index_cast %parallel_loop3A_718 : i32 to index
        %parallel_loop3A_731 = arith.constant 0 : index
        %parallel_loop3A_732 = tpu.vector_load %parallel_loop3A_729[%parallel_loop3A_730, %parallel_loop3A_731] {strides = array<i32>} : memref<128x64xbf16, #tpu.memory_space<vmem>>, vector<32xbf16>,
        %parallel_loop3A_733 = arith.mulf %parallel_loop3A_725, %parallel_loop3A_732 : vector<32xbf16>
        %parallel_loop3A_734 = arith.constant 0 : i32
        %parallel_loop3A_735 = arith.constant 0 : i32
        %parallel_loop3A_736 = tpu.memref_slice %arg8[%parallel_loop3A_104, %parallel_loop3A_734, %parallel_loop3A_735] : memref<4x128x64xbf16, #tpu.memory_space<vmem>> -> memref<1x128x64xbf16, #tpu.memory_space<vmem>>
        %parallel_loop3A_737 = tpu.memref_squeeze %parallel_loop3A_736 : memref<1x128x64xbf16, #tpu.memory_space<vmem>> -> memref<128x64xbf16, #tpu.memory_space<vmem>>
        %parallel_loop3A_738 = arith.index_cast %parallel_loop3A_718 : i32 to index
        %parallel_loop3A_739 = arith.constant 32 : index
        %parallel_loop3A_740 = tpu.vector_load %parallel_loop3A_737[%parallel_loop3A_738, %parallel_loop3A_739] {strides = array<i32>} : memref<128x64xbf16, #tpu.memory_space<vmem>>, vector<32xbf16>,
        %parallel_loop3A_741 = arith.constant 0 : i32
        %parallel_loop3A_742 = arith.constant 0 : i32
        %parallel_loop3A_743 = tpu.memref_slice %arg9[%parallel_loop3A_105, %parallel_loop3A_741, %parallel_loop3A_742] : memref<4x128x64xbf16, #tpu.memory_space<vmem>> -> memref<1x128x64xbf16, #tpu.memory_space<vmem>>
        %parallel_loop3A_744 = tpu.memref_squeeze %parallel_loop3A_743 : memref<1x128x64xbf16, #tpu.memory_space<vmem>> -> memref<128x64xbf16, #tpu.memory_space<vmem>>
        %parallel_loop3A_745 = arith.index_cast %parallel_loop3A_718 : i32 to index
        %parallel_loop3A_746 = arith.constant 32 : index
        %parallel_loop3A_747 = tpu.vector_load %parallel_loop3A_744[%parallel_loop3A_745, %parallel_loop3A_746] {strides = array<i32>} : memref<128x64xbf16, #tpu.memory_space<vmem>>, vector<32xbf16>,
        %parallel_loop3A_748 = arith.mulf %parallel_loop3A_740, %parallel_loop3A_747 : vector<32xbf16>
        %parallel_loop3A_749 = arith.addf %parallel_loop3A_733, %parallel_loop3A_748 : vector<32xbf16>
        %parallel_loop3A_750 = tpu.unpack_subelements %parallel_loop3A_749, 0 {pack_format = #tpu.pack_format<interleaved>} : vector<32xbf16> -> vector<16xf32>
        %parallel_loop3A_751 = tpu.unpack_subelements %parallel_loop3A_749, 1 {pack_format = #tpu.pack_format<interleaved>} : vector<32xbf16> -> vector<16xf32>
        %parallel_loop3A_752 = arith.addf %parallel_loop3A_750, %parallel_loop3A_751 : vector<16xf32>
        %parallel_loop3A_753 = arith.constant 16 : i32
        %parallel_loop3A_754 = arith.muli %parallel_loop3A_220, %parallel_loop3A_753 : i32
        %parallel_loop3A_755 = arith.constant 14 : i32
        %parallel_loop3A_756 = arith.addi %parallel_loop3A_754, %parallel_loop3A_755 : i32
        %parallel_loop3A_757 = arith.constant 0 : i32
        %parallel_loop3A_758 = arith.constant 0 : i32
        %parallel_loop3A_759 = tpu.memref_slice %arg8[%parallel_loop3A_104, %parallel_loop3A_757, %parallel_loop3A_758] : memref<4x128x64xbf16, #tpu.memory_space<vmem>> -> memref<1x128x64xbf16, #tpu.memory_space<vmem>>
        %parallel_loop3A_760 = tpu.memref_squeeze %parallel_loop3A_759 : memref<1x128x64xbf16, #tpu.memory_space<vmem>> -> memref<128x64xbf16, #tpu.memory_space<vmem>>
        %parallel_loop3A_761 = arith.index_cast %parallel_loop3A_756 : i32 to index
        %parallel_loop3A_762 = arith.constant 0 : index
        %parallel_loop3A_763 = tpu.vector_load %parallel_loop3A_760[%parallel_loop3A_761, %parallel_loop3A_762] {strides = array<i32>} : memref<128x64xbf16, #tpu.memory_space<vmem>>, vector<32xbf16>,
        %parallel_loop3A_764 = arith.constant 0 : i32
        %parallel_loop3A_765 = arith.constant 0 : i32
        %parallel_loop3A_766 = tpu.memref_slice %arg9[%parallel_loop3A_105, %parallel_loop3A_764, %parallel_loop3A_765] : memref<4x128x64xbf16, #tpu.memory_space<vmem>> -> memref<1x128x64xbf16, #tpu.memory_space<vmem>>
        %parallel_loop3A_767 = tpu.memref_squeeze %parallel_loop3A_766 : memref<1x128x64xbf16, #tpu.memory_space<vmem>> -> memref<128x64xbf16, #tpu.memory_space<vmem>>
        %parallel_loop3A_768 = arith.index_cast %parallel_loop3A_756 : i32 to index
        %parallel_loop3A_769 = arith.constant 0 : index
        %parallel_loop3A_770 = tpu.vector_load %parallel_loop3A_767[%parallel_loop3A_768, %parallel_loop3A_769] {strides = array<i32>} : memref<128x64xbf16, #tpu.memory_space<vmem>>, vector<32xbf16>,
        %parallel_loop3A_771 = arith.mulf %parallel_loop3A_763, %parallel_loop3A_770 : vector<32xbf16>
        %parallel_loop3A_772 = arith.constant 0 : i32
        %parallel_loop3A_773 = arith.constant 0 : i32
        %parallel_loop3A_774 = tpu.memref_slice %arg8[%parallel_loop3A_104, %parallel_loop3A_772, %parallel_loop3A_773] : memref<4x128x64xbf16, #tpu.memory_space<vmem>> -> memref<1x128x64xbf16, #tpu.memory_space<vmem>>
        %parallel_loop3A_775 = tpu.memref_squeeze %parallel_loop3A_774 : memref<1x128x64xbf16, #tpu.memory_space<vmem>> -> memref<128x64xbf16, #tpu.memory_space<vmem>>
        %parallel_loop3A_776 = arith.index_cast %parallel_loop3A_756 : i32 to index
        %parallel_loop3A_777 = arith.constant 32 : index
        %parallel_loop3A_778 = tpu.vector_load %parallel_loop3A_775[%parallel_loop3A_776, %parallel_loop3A_777] {strides = array<i32>} : memref<128x64xbf16, #tpu.memory_space<vmem>>, vector<32xbf16>,
        %parallel_loop3A_779 = arith.constant 0 : i32
        %parallel_loop3A_780 = arith.constant 0 : i32
        %parallel_loop3A_781 = tpu.memref_slice %arg9[%parallel_loop3A_105, %parallel_loop3A_779, %parallel_loop3A_780] : memref<4x128x64xbf16, #tpu.memory_space<vmem>> -> memref<1x128x64xbf16, #tpu.memory_space<vmem>>
        %parallel_loop3A_782 = tpu.memref_squeeze %parallel_loop3A_781 : memref<1x128x64xbf16, #tpu.memory_space<vmem>> -> memref<128x64xbf16, #tpu.memory_space<vmem>>
        %parallel_loop3A_783 = arith.index_cast %parallel_loop3A_756 : i32 to index
        %parallel_loop3A_784 = arith.constant 32 : index
        %parallel_loop3A_785 = tpu.vector_load %parallel_loop3A_782[%parallel_loop3A_783, %parallel_loop3A_784] {strides = array<i32>} : memref<128x64xbf16, #tpu.memory_space<vmem>>, vector<32xbf16>,
        %parallel_loop3A_786 = arith.mulf %parallel_loop3A_778, %parallel_loop3A_785 : vector<32xbf16>
        %parallel_loop3A_787 = arith.addf %parallel_loop3A_771, %parallel_loop3A_786 : vector<32xbf16>
        %parallel_loop3A_788 = tpu.unpack_subelements %parallel_loop3A_787, 0 {pack_format = #tpu.pack_format<interleaved>} : vector<32xbf16> -> vector<16xf32>
        %parallel_loop3A_789 = tpu.unpack_subelements %parallel_loop3A_787, 1 {pack_format = #tpu.pack_format<interleaved>} : vector<32xbf16> -> vector<16xf32>
        %parallel_loop3A_790 = arith.addf %parallel_loop3A_788, %parallel_loop3A_789 : vector<16xf32>
        %parallel_loop3A_791 = arith.constant 16 : i32
        %parallel_loop3A_792 = arith.muli %parallel_loop3A_220, %parallel_loop3A_791 : i32
        %parallel_loop3A_793 = arith.constant 15 : i32
        %parallel_loop3A_794 = arith.addi %parallel_loop3A_792, %parallel_loop3A_793 : i32
        %parallel_loop3A_795 = arith.constant 0 : i32
        %parallel_loop3A_796 = arith.constant 0 : i32
        %parallel_loop3A_797 = tpu.memref_slice %arg8[%parallel_loop3A_104, %parallel_loop3A_795, %parallel_loop3A_796] : memref<4x128x64xbf16, #tpu.memory_space<vmem>> -> memref<1x128x64xbf16, #tpu.memory_space<vmem>>
        %parallel_loop3A_798 = tpu.memref_squeeze %parallel_loop3A_797 : memref<1x128x64xbf16, #tpu.memory_space<vmem>> -> memref<128x64xbf16, #tpu.memory_space<vmem>>
        %parallel_loop3A_799 = arith.index_cast %parallel_loop3A_794 : i32 to index
        %parallel_loop3A_800 = arith.constant 0 : index
        %parallel_loop3A_801 = tpu.vector_load %parallel_loop3A_798[%parallel_loop3A_799, %parallel_loop3A_800] {strides = array<i32>} : memref<128x64xbf16, #tpu.memory_space<vmem>>, vector<32xbf16>,
        %parallel_loop3A_802 = arith.constant 0 : i32
        %parallel_loop3A_803 = arith.constant 0 : i32
        %parallel_loop3A_804 = tpu.memref_slice %arg9[%parallel_loop3A_105, %parallel_loop3A_802, %parallel_loop3A_803] : memref<4x128x64xbf16, #tpu.memory_space<vmem>> -> memref<1x128x64xbf16, #tpu.memory_space<vmem>>
        %parallel_loop3A_805 = tpu.memref_squeeze %parallel_loop3A_804 : memref<1x128x64xbf16, #tpu.memory_space<vmem>> -> memref<128x64xbf16, #tpu.memory_space<vmem>>
        %parallel_loop3A_806 = arith.index_cast %parallel_loop3A_794 : i32 to index
        %parallel_loop3A_807 = arith.constant 0 : index
        %parallel_loop3A_808 = tpu.vector_load %parallel_loop3A_805[%parallel_loop3A_806, %parallel_loop3A_807] {strides = array<i32>} : memref<128x64xbf16, #tpu.memory_space<vmem>>, vector<32xbf16>,
        %parallel_loop3A_809 = arith.mulf %parallel_loop3A_801, %parallel_loop3A_808 : vector<32xbf16>
        %parallel_loop3A_810 = arith.constant 0 : i32
        %parallel_loop3A_811 = arith.constant 0 : i32
        %parallel_loop3A_812 = tpu.memref_slice %arg8[%parallel_loop3A_104, %parallel_loop3A_810, %parallel_loop3A_811] : memref<4x128x64xbf16, #tpu.memory_space<vmem>> -> memref<1x128x64xbf16, #tpu.memory_space<vmem>>
        %parallel_loop3A_813 = tpu.memref_squeeze %parallel_loop3A_812 : memref<1x128x64xbf16, #tpu.memory_space<vmem>> -> memref<128x64xbf16, #tpu.memory_space<vmem>>
        %parallel_loop3A_814 = arith.index_cast %parallel_loop3A_794 : i32 to index
        %parallel_loop3A_815 = arith.constant 32 : index
        %parallel_loop3A_816 = tpu.vector_load %parallel_loop3A_813[%parallel_loop3A_814, %parallel_loop3A_815] {strides = array<i32>} : memref<128x64xbf16, #tpu.memory_space<vmem>>, vector<32xbf16>,
        %parallel_loop3A_817 = arith.constant 0 : i32
        %parallel_loop3A_818 = arith.constant 0 : i32
        %parallel_loop3A_819 = tpu.memref_slice %arg9[%parallel_loop3A_105, %parallel_loop3A_817, %parallel_loop3A_818] : memref<4x128x64xbf16, #tpu.memory_space<vmem>> -> memref<1x128x64xbf16, #tpu.memory_space<vmem>>
        %parallel_loop3A_820 = tpu.memref_squeeze %parallel_loop3A_819 : memref<1x128x64xbf16, #tpu.memory_space<vmem>> -> memref<128x64xbf16, #tpu.memory_space<vmem>>
        %parallel_loop3A_821 = arith.index_cast %parallel_loop3A_794 : i32 to index
        %parallel_loop3A_822 = arith.constant 32 : index
        %parallel_loop3A_823 = tpu.vector_load %parallel_loop3A_820[%parallel_loop3A_821, %parallel_loop3A_822] {strides = array<i32>} : memref<128x64xbf16, #tpu.memory_space<vmem>>, vector<32xbf16>,
        %parallel_loop3A_824 = arith.mulf %parallel_loop3A_816, %parallel_loop3A_823 : vector<32xbf16>
        %parallel_loop3A_825 = arith.addf %parallel_loop3A_809, %parallel_loop3A_824 : vector<32xbf16>
        %parallel_loop3A_826 = tpu.unpack_subelements %parallel_loop3A_825, 0 {pack_format = #tpu.pack_format<interleaved>} : vector<32xbf16> -> vector<16xf32>
        %parallel_loop3A_827 = tpu.unpack_subelements %parallel_loop3A_825, 1 {pack_format = #tpu.pack_format<interleaved>} : vector<32xbf16> -> vector<16xf32>
        %parallel_loop3A_828 = arith.addf %parallel_loop3A_826, %parallel_loop3A_827 : vector<16xf32>
        %parallel_loop3A_829 = arith.constant 1 : i32
        %parallel_loop3A_830 = vector.broadcast %parallel_loop3A_829 : i32 to vector<16xi32>
        %parallel_loop3A_831 = arith.andi %iota3A, %parallel_loop3A_830 : vector<16xi32>
        %parallel_loop3A_832 = arith.constant 0 : i32
        %parallel_loop3A_833 = vector.broadcast %parallel_loop3A_832 : i32 to vector<16xi32>
        %parallel_loop3A_834 = arith.cmpi eq, %parallel_loop3A_831, %parallel_loop3A_833 : vector<16xi32>
        %parallel_loop3A_835 = arith.constant 1 : i32
        %parallel_loop3A_836 = vector.broadcast %parallel_loop3A_835 : i32 to vector<16xi32>
        %parallel_loop3A_837 = arith.xori %iota3A, %parallel_loop3A_836 : vector<16xi32>
        %parallel_loop3A_838 = vector.shape_cast %parallel_loop3A_837 : vector<16xi32> to vector<16x1xi32>
        %parallel_loop3A_839 = arith.select %parallel_loop3A_834, %parallel_loop3A_258, %parallel_loop3A_296 : vector<16xi1>, vector<16xf32>
        %parallel_loop3A_840 = arith.select %parallel_loop3A_834, %parallel_loop3A_296, %parallel_loop3A_258 : vector<16xi1>, vector<16xf32>
        %parallel_loop3A_841 = vector.shape_cast %parallel_loop3A_838 : vector<16x1xi32> to vector<16xi32>
        %parallel_loop3A_842 = tpu.dynamic_gather %parallel_loop3A_840[%parallel_loop3A_841] in [0] : vector<16xf32>, vector<16xi32> -> vector<16xf32>
        %parallel_loop3A_843 = arith.addf %parallel_loop3A_839, %parallel_loop3A_842 : vector<16xf32>
        %parallel_loop3A_844 = arith.select %parallel_loop3A_834, %parallel_loop3A_334, %parallel_loop3A_372 : vector<16xi1>, vector<16xf32>
        %parallel_loop3A_845 = arith.select %parallel_loop3A_834, %parallel_loop3A_372, %parallel_loop3A_334 : vector<16xi1>, vector<16xf32>
        %parallel_loop3A_846 = vector.shape_cast %parallel_loop3A_838 : vector<16x1xi32> to vector<16xi32>
        %parallel_loop3A_847 = tpu.dynamic_gather %parallel_loop3A_845[%parallel_loop3A_846] in [0] : vector<16xf32>, vector<16xi32> -> vector<16xf32>
        %parallel_loop3A_848 = arith.addf %parallel_loop3A_844, %parallel_loop3A_847 : vector<16xf32>
        %parallel_loop3A_849 = arith.select %parallel_loop3A_834, %parallel_loop3A_410, %parallel_loop3A_448 : vector<16xi1>, vector<16xf32>
        %parallel_loop3A_850 = arith.select %parallel_loop3A_834, %parallel_loop3A_448, %parallel_loop3A_410 : vector<16xi1>, vector<16xf32>
        %parallel_loop3A_851 = vector.shape_cast %parallel_loop3A_838 : vector<16x1xi32> to vector<16xi32>
        %parallel_loop3A_852 = tpu.dynamic_gather %parallel_loop3A_850[%parallel_loop3A_851] in [0] : vector<16xf32>, vector<16xi32> -> vector<16xf32>
        %parallel_loop3A_853 = arith.addf %parallel_loop3A_849, %parallel_loop3A_852 : vector<16xf32>
        %parallel_loop3A_854 = arith.select %parallel_loop3A_834, %parallel_loop3A_486, %parallel_loop3A_524 : vector<16xi1>, vector<16xf32>
        %parallel_loop3A_855 = arith.select %parallel_loop3A_834, %parallel_loop3A_524, %parallel_loop3A_486 : vector<16xi1>, vector<16xf32>
        %parallel_loop3A_856 = vector.shape_cast %parallel_loop3A_838 : vector<16x1xi32> to vector<16xi32>
        %parallel_loop3A_857 = tpu.dynamic_gather %parallel_loop3A_855[%parallel_loop3A_856] in [0] : vector<16xf32>, vector<16xi32> -> vector<16xf32>
        %parallel_loop3A_858 = arith.addf %parallel_loop3A_854, %parallel_loop3A_857 : vector<16xf32>
        %parallel_loop3A_859 = arith.select %parallel_loop3A_834, %parallel_loop3A_562, %parallel_loop3A_600 : vector<16xi1>, vector<16xf32>
        %parallel_loop3A_860 = arith.select %parallel_loop3A_834, %parallel_loop3A_600, %parallel_loop3A_562 : vector<16xi1>, vector<16xf32>
        %parallel_loop3A_861 = vector.shape_cast %parallel_loop3A_838 : vector<16x1xi32> to vector<16xi32>
        %parallel_loop3A_862 = tpu.dynamic_gather %parallel_loop3A_860[%parallel_loop3A_861] in [0] : vector<16xf32>, vector<16xi32> -> vector<16xf32>
        %parallel_loop3A_863 = arith.addf %parallel_loop3A_859, %parallel_loop3A_862 : vector<16xf32>
        %parallel_loop3A_864 = arith.select %parallel_loop3A_834, %parallel_loop3A_638, %parallel_loop3A_676 : vector<16xi1>, vector<16xf32>
        %parallel_loop3A_865 = arith.select %parallel_loop3A_834, %parallel_loop3A_676, %parallel_loop3A_638 : vector<16xi1>, vector<16xf32>
        %parallel_loop3A_866 = vector.shape_cast %parallel_loop3A_838 : vector<16x1xi32> to vector<16xi32>
        %parallel_loop3A_867 = tpu.dynamic_gather %parallel_loop3A_865[%parallel_loop3A_866] in [0] : vector<16xf32>, vector<16xi32> -> vector<16xf32>
        %parallel_loop3A_868 = arith.addf %parallel_loop3A_864, %parallel_loop3A_867 : vector<16xf32>
        %parallel_loop3A_869 = arith.select %parallel_loop3A_834, %parallel_loop3A_714, %parallel_loop3A_752 : vector<16xi1>, vector<16xf32>
        %parallel_loop3A_870 = arith.select %parallel_loop3A_834, %parallel_loop3A_752, %parallel_loop3A_714 : vector<16xi1>, vector<16xf32>
        %parallel_loop3A_871 = vector.shape_cast %parallel_loop3A_838 : vector<16x1xi32> to vector<16xi32>
        %parallel_loop3A_872 = tpu.dynamic_gather %parallel_loop3A_870[%parallel_loop3A_871] in [0] : vector<16xf32>, vector<16xi32> -> vector<16xf32>
        %parallel_loop3A_873 = arith.addf %parallel_loop3A_869, %parallel_loop3A_872 : vector<16xf32>
        %parallel_loop3A_874 = arith.select %parallel_loop3A_834, %parallel_loop3A_790, %parallel_loop3A_828 : vector<16xi1>, vector<16xf32>
        %parallel_loop3A_875 = arith.select %parallel_loop3A_834, %parallel_loop3A_828, %parallel_loop3A_790 : vector<16xi1>, vector<16xf32>
        %parallel_loop3A_876 = vector.shape_cast %parallel_loop3A_838 : vector<16x1xi32> to vector<16xi32>
        %parallel_loop3A_877 = tpu.dynamic_gather %parallel_loop3A_875[%parallel_loop3A_876] in [0] : vector<16xf32>, vector<16xi32> -> vector<16xf32>
        %parallel_loop3A_878 = arith.addf %parallel_loop3A_874, %parallel_loop3A_877 : vector<16xf32>
        %parallel_loop3A_879 = arith.constant 2 : i32
        %parallel_loop3A_880 = vector.broadcast %parallel_loop3A_879 : i32 to vector<16xi32>
        %parallel_loop3A_881 = arith.andi %iota3A, %parallel_loop3A_880 : vector<16xi32>
        %parallel_loop3A_882 = arith.constant 0 : i32
        %parallel_loop3A_883 = vector.broadcast %parallel_loop3A_882 : i32 to vector<16xi32>
        %parallel_loop3A_884 = arith.cmpi eq, %parallel_loop3A_881, %parallel_loop3A_883 : vector<16xi32>
        %parallel_loop3A_885 = arith.constant 2 : i32
        %parallel_loop3A_886 = vector.broadcast %parallel_loop3A_885 : i32 to vector<16xi32>
        %parallel_loop3A_887 = arith.xori %iota3A, %parallel_loop3A_886 : vector<16xi32>
        %parallel_loop3A_888 = vector.shape_cast %parallel_loop3A_887 : vector<16xi32> to vector<16x1xi32>
        %parallel_loop3A_889 = arith.select %parallel_loop3A_884, %parallel_loop3A_843, %parallel_loop3A_848 : vector<16xi1>, vector<16xf32>
        %parallel_loop3A_890 = arith.select %parallel_loop3A_884, %parallel_loop3A_848, %parallel_loop3A_843 : vector<16xi1>, vector<16xf32>
        %parallel_loop3A_891 = vector.shape_cast %parallel_loop3A_888 : vector<16x1xi32> to vector<16xi32>
        %parallel_loop3A_892 = tpu.dynamic_gather %parallel_loop3A_890[%parallel_loop3A_891] in [0] : vector<16xf32>, vector<16xi32> -> vector<16xf32>
        %parallel_loop3A_893 = arith.addf %parallel_loop3A_889, %parallel_loop3A_892 : vector<16xf32>
        %parallel_loop3A_894 = arith.select %parallel_loop3A_884, %parallel_loop3A_853, %parallel_loop3A_858 : vector<16xi1>, vector<16xf32>
        %parallel_loop3A_895 = arith.select %parallel_loop3A_884, %parallel_loop3A_858, %parallel_loop3A_853 : vector<16xi1>, vector<16xf32>
        %parallel_loop3A_896 = vector.shape_cast %parallel_loop3A_888 : vector<16x1xi32> to vector<16xi32>
        %parallel_loop3A_897 = tpu.dynamic_gather %parallel_loop3A_895[%parallel_loop3A_896] in [0] : vector<16xf32>, vector<16xi32> -> vector<16xf32>
        %parallel_loop3A_898 = arith.addf %parallel_loop3A_894, %parallel_loop3A_897 : vector<16xf32>
        %parallel_loop3A_899 = arith.select %parallel_loop3A_884, %parallel_loop3A_863, %parallel_loop3A_868 : vector<16xi1>, vector<16xf32>
        %parallel_loop3A_900 = arith.select %parallel_loop3A_884, %parallel_loop3A_868, %parallel_loop3A_863 : vector<16xi1>, vector<16xf32>
        %parallel_loop3A_901 = vector.shape_cast %parallel_loop3A_888 : vector<16x1xi32> to vector<16xi32>
        %parallel_loop3A_902 = tpu.dynamic_gather %parallel_loop3A_900[%parallel_loop3A_901] in [0] : vector<16xf32>, vector<16xi32> -> vector<16xf32>
        %parallel_loop3A_903 = arith.addf %parallel_loop3A_899, %parallel_loop3A_902 : vector<16xf32>
        %parallel_loop3A_904 = arith.select %parallel_loop3A_884, %parallel_loop3A_873, %parallel_loop3A_878 : vector<16xi1>, vector<16xf32>
        %parallel_loop3A_905 = arith.select %parallel_loop3A_884, %parallel_loop3A_878, %parallel_loop3A_873 : vector<16xi1>, vector<16xf32>
        %parallel_loop3A_906 = vector.shape_cast %parallel_loop3A_888 : vector<16x1xi32> to vector<16xi32>
        %parallel_loop3A_907 = tpu.dynamic_gather %parallel_loop3A_905[%parallel_loop3A_906] in [0] : vector<16xf32>, vector<16xi32> -> vector<16xf32>
        %parallel_loop3A_908 = arith.addf %parallel_loop3A_904, %parallel_loop3A_907 : vector<16xf32>
        %parallel_loop3A_909 = arith.constant 4 : i32
        %parallel_loop3A_910 = vector.broadcast %parallel_loop3A_909 : i32 to vector<16xi32>
        %parallel_loop3A_911 = arith.andi %iota3A, %parallel_loop3A_910 : vector<16xi32>
        %parallel_loop3A_912 = arith.constant 0 : i32
        %parallel_loop3A_913 = vector.broadcast %parallel_loop3A_912 : i32 to vector<16xi32>
        %parallel_loop3A_914 = arith.cmpi eq, %parallel_loop3A_911, %parallel_loop3A_913 : vector<16xi32>
        %parallel_loop3A_915 = arith.constant 4 : i32
        %parallel_loop3A_916 = vector.broadcast %parallel_loop3A_915 : i32 to vector<16xi32>
        %parallel_loop3A_917 = arith.xori %iota3A, %parallel_loop3A_916 : vector<16xi32>
        %parallel_loop3A_918 = vector.shape_cast %parallel_loop3A_917 : vector<16xi32> to vector<16x1xi32>
        %parallel_loop3A_919 = arith.select %parallel_loop3A_914, %parallel_loop3A_893, %parallel_loop3A_898 : vector<16xi1>, vector<16xf32>
        %parallel_loop3A_920 = arith.select %parallel_loop3A_914, %parallel_loop3A_898, %parallel_loop3A_893 : vector<16xi1>, vector<16xf32>
        %parallel_loop3A_921 = vector.shape_cast %parallel_loop3A_918 : vector<16x1xi32> to vector<16xi32>
        %parallel_loop3A_922 = tpu.dynamic_gather %parallel_loop3A_920[%parallel_loop3A_921] in [0] : vector<16xf32>, vector<16xi32> -> vector<16xf32>
        %parallel_loop3A_923 = arith.addf %parallel_loop3A_919, %parallel_loop3A_922 : vector<16xf32>
        %parallel_loop3A_924 = arith.select %parallel_loop3A_914, %parallel_loop3A_903, %parallel_loop3A_908 : vector<16xi1>, vector<16xf32>
        %parallel_loop3A_925 = arith.select %parallel_loop3A_914, %parallel_loop3A_908, %parallel_loop3A_903 : vector<16xi1>, vector<16xf32>
        %parallel_loop3A_926 = vector.shape_cast %parallel_loop3A_918 : vector<16x1xi32> to vector<16xi32>
        %parallel_loop3A_927 = tpu.dynamic_gather %parallel_loop3A_925[%parallel_loop3A_926] in [0] : vector<16xf32>, vector<16xi32> -> vector<16xf32>
        %parallel_loop3A_928 = arith.addf %parallel_loop3A_924, %parallel_loop3A_927 : vector<16xf32>
        %parallel_loop3A_929 = arith.constant 8 : i32
        %parallel_loop3A_930 = vector.broadcast %parallel_loop3A_929 : i32 to vector<16xi32>
        %parallel_loop3A_931 = arith.andi %iota3A, %parallel_loop3A_930 : vector<16xi32>
        %parallel_loop3A_932 = arith.constant 0 : i32
        %parallel_loop3A_933 = vector.broadcast %parallel_loop3A_932 : i32 to vector<16xi32>
        %parallel_loop3A_934 = arith.cmpi eq, %parallel_loop3A_931, %parallel_loop3A_933 : vector<16xi32>
        %parallel_loop3A_935 = arith.constant 8 : i32
        %parallel_loop3A_936 = vector.broadcast %parallel_loop3A_935 : i32 to vector<16xi32>
        %parallel_loop3A_937 = arith.xori %iota3A, %parallel_loop3A_936 : vector<16xi32>
        %parallel_loop3A_938 = vector.shape_cast %parallel_loop3A_937 : vector<16xi32> to vector<16x1xi32>
        %parallel_loop3A_939 = arith.select %parallel_loop3A_934, %parallel_loop3A_923, %parallel_loop3A_928 : vector<16xi1>, vector<16xf32>
        %parallel_loop3A_940 = arith.select %parallel_loop3A_934, %parallel_loop3A_928, %parallel_loop3A_923 : vector<16xi1>, vector<16xf32>
        %parallel_loop3A_941 = vector.shape_cast %parallel_loop3A_938 : vector<16x1xi32> to vector<16xi32>
        %parallel_loop3A_942 = tpu.dynamic_gather %parallel_loop3A_940[%parallel_loop3A_941] in [0] : vector<16xf32>, vector<16xi32> -> vector<16xf32>
        %parallel_loop3A_943 = arith.addf %parallel_loop3A_939, %parallel_loop3A_942 : vector<16xf32>
        %parallel_loop3A_944 = arith.constant 128 : i32
        %parallel_loop3A_945 = arith.muli %add3A_75, %parallel_loop3A_944 : i32
        %parallel_loop3A_946 = arith.constant 0 : i32
        %parallel_loop3A_947 = arith.addi %parallel_loop3A_946, %parallel_loop3A_945 : i32
        %parallel_loop3A_948 = arith.constant 16 : i32
        %parallel_loop3A_949 = arith.muli %parallel_loop3A_220, %parallel_loop3A_948 : i32
        %parallel_loop3A_950 = arith.addi %parallel_loop3A_947, %parallel_loop3A_949 : i32
        %parallel_loop3A_951 = arith.index_cast %parallel_loop3A_950 : i32 to index
        %parallel_loop3A_952 = tpu.vector_load %arg10[%parallel_loop3A_951] {strides = array<i32>} : memref<25600xf32, #tpu.memory_space<vmem>>, vector<16xf32>,
        tpu.vector_store %arg10[%parallel_loop3A_951], %parallel_loop3A_943 {strides = array<i32>} : memref<25600xf32, #tpu.memory_space<vmem>>, vector<16xf32>,
      } {sc.loop_unroll_factor = 2 : i64, sc.parallel_access}
      %add3A_106 = arith.constant 1 : i32
      %add3A_107 = arith.addi %add3A_73, %add3A_106 : i32
      %add3A_108 = arith.constant 4 : i32
      %add3A_109 = arith.addi %add3A_107, %add3A_108 : i32
      %sub3A_110 = arith.constant 1 : i32
      %sub3A_111 = arith.subi %add3A_109, %sub3A_110 : i32
      %lt3A_112 = arith.constant 200 : i32
      %lt3A_113 = arith.cmpi slt, %sub3A_111, %lt3A_112 : i32
      %convert_element_type3A_114 = arith.extui %lt3A_113 : i1 to i32
      %cond3A_115 = arith.constant 0 : i32
      %cond3A_116 = arith.cmpi ne, %convert_element_type3A_114, %cond3A_115 : i32
      scf.if %cond3A_116 {
        %add3A_220 = arith.constant 4 : i32
        %add3A_221 = arith.addi %add3A_107, %add3A_220 : i32
        %sub3A_222 = arith.constant 1 : i32
        %sub3A_223 = arith.subi %add3A_221, %sub3A_222 : i32
        %mul3A_224 = arith.constant 128 : i32
        %mul3A_225 = arith.muli %sub3A_223, %mul3A_224 : i32
        %dma_start3A_226 = arith.constant 0 : i32
        %dma_start3A_227 = arith.constant 0 : i32
        %dma_start3A_228 = arith.constant 0 : i32
        %dma_start3A_229 = tpu.memref_slice %arg8[%dma_start3A_226, %dma_start3A_227, %dma_start3A_228] : memref<4x128x64xbf16, #tpu.memory_space<vmem>> -> memref<1x128x64xbf16, #tpu.memory_space<vmem>>
        %dma_start3A_230 = tpu.memref_squeeze %dma_start3A_229 : memref<1x128x64xbf16, #tpu.memory_space<vmem>> -> memref<128x64xbf16, #tpu.memory_space<vmem>>
        %dma_start3A_231 = tpu.memref_slice %arg6[%mul3A_225] : memref<25600xi32, #tpu.memory_space<vmem>> -> memref<128xi32, #tpu.memory_space<vmem>>
        %dma_start3A_232 = arith.constant 0 : i32
        %dma_start3A_233 = arith.constant 0 : i32
        %dma_start3A_234 = tpu.memref_slice %arg2[%dma_start3A_232, %dma_start3A_233] : memref<100000x64xbf16, #tpu.memory_space<hbm>> -> memref<100000x64xbf16, #tpu.memory_space<hbm>>
        tpu.enqueue_indirect_dma source(%dma_start3A_234 : memref<100000x64xbf16, #tpu.memory_space<hbm>>) target(%dma_start3A_230 : memref<128x64xbf16, #tpu.memory_space<vmem>>) offsets(%dma_start3A_231 : memref<128xi32, #tpu.memory_space<vmem>>) semaphore(%arg11 : memref<!tpu.dma_semaphore, #tpu.memory_space<semaphore_mem>>)
        %mul3A_235 = arith.constant 128 : i32
        %mul3A_236 = arith.muli %sub3A_223, %mul3A_235 : i32
        %dma_start3A_237 = arith.constant 0 : i32
        %dma_start3A_238 = arith.constant 0 : i32
        %dma_start3A_239 = arith.constant 0 : i32
        %dma_start3A_240 = tpu.memref_slice %arg9[%dma_start3A_237, %dma_start3A_238, %dma_start3A_239] : memref<4x128x64xbf16, #tpu.memory_space<vmem>> -> memref<1x128x64xbf16, #tpu.memory_space<vmem>>
        %dma_start3A_241 = tpu.memref_squeeze %dma_start3A_240 : memref<1x128x64xbf16, #tpu.memory_space<vmem>> -> memref<128x64xbf16, #tpu.memory_space<vmem>>
        %dma_start3A_242 = tpu.memref_slice %arg7[%mul3A_236] : memref<25600xi32, #tpu.memory_space<vmem>> -> memref<128xi32, #tpu.memory_space<vmem>>
        %dma_start3A_243 = arith.constant 0 : i32
        %dma_start3A_244 = arith.constant 0 : i32
        %dma_start3A_245 = tpu.memref_slice %arg3[%dma_start3A_243, %dma_start3A_244] : memref<100000x64xbf16, #tpu.memory_space<hbm>> -> memref<100000x64xbf16, #tpu.memory_space<hbm>>
        tpu.enqueue_indirect_dma source(%dma_start3A_245 : memref<100000x64xbf16, #tpu.memory_space<hbm>>) target(%dma_start3A_241 : memref<128x64xbf16, #tpu.memory_space<vmem>>) offsets(%dma_start3A_242 : memref<128xi32, #tpu.memory_space<vmem>>) semaphore(%arg15 : memref<!tpu.dma_semaphore, #tpu.memory_space<semaphore_mem>>)
      } else {
      }
      %mul3A_117 = arith.constant 128 : i32
      %mul3A_118 = arith.muli %add3A_107, %mul3A_117 : i32
      %dma_wait3A_119 = arith.constant 1 : i32
      %dma_wait3A_120 = arith.constant 0 : i32
      %dma_wait3A_121 = arith.constant 0 : i32
      %dma_wait3A_122 = tpu.memref_slice %arg8[%dma_wait3A_119, %dma_wait3A_120, %dma_wait3A_121] : memref<4x128x64xbf16, #tpu.memory_space<vmem>> -> memref<1x128x64xbf16, #tpu.memory_space<vmem>>
      %dma_wait3A_123 = tpu.memref_squeeze %dma_wait3A_122 : memref<1x128x64xbf16, #tpu.memory_space<vmem>> -> memref<128x64xbf16, #tpu.memory_space<vmem>>
      %dma_wait3A_124 = tpu.memref_slice %arg6[%mul3A_118] : memref<25600xi32, #tpu.memory_space<vmem>> -> memref<128xi32, #tpu.memory_space<vmem>>
      %dma_wait3A_125 = arith.constant 0 : i32
      %dma_wait3A_126 = arith.constant 0 : i32
      %dma_wait3A_127 = tpu.memref_slice %arg2[%dma_wait3A_125, %dma_wait3A_126] : memref<100000x64xbf16, #tpu.memory_space<hbm>> -> memref<100000x64xbf16, #tpu.memory_space<hbm>>
      tpu.wait_indirect_dma semaphore(%arg12 : memref<!tpu.dma_semaphore, #tpu.memory_space<semaphore_mem>>) src(%dma_wait3A_127 : memref<100000x64xbf16, #tpu.memory_space<hbm>>) dst(%dma_wait3A_123 : memref<128x64xbf16, #tpu.memory_space<vmem>>)
      %mul3A_128 = arith.constant 128 : i32
      %mul3A_129 = arith.muli %add3A_107, %mul3A_128 : i32
      %dma_wait3A_130 = arith.constant 1 : i32
      %dma_wait3A_131 = arith.constant 0 : i32
      %dma_wait3A_132 = arith.constant 0 : i32
      %dma_wait3A_133 = tpu.memref_slice %arg9[%dma_wait3A_130, %dma_wait3A_131, %dma_wait3A_132] : memref<4x128x64xbf16, #tpu.memory_space<vmem>> -> memref<1x128x64xbf16, #tpu.memory_space<vmem>>
      %dma_wait3A_134 = tpu.memref_squeeze %dma_wait3A_133 : memref<1x128x64xbf16, #tpu.memory_space<vmem>> -> memref<128x64xbf16, #tpu.memory_space<vmem>>
      %dma_wait3A_135 = tpu.memref_slice %arg7[%mul3A_129] : memref<25600xi32, #tpu.memory_space<vmem>> -> memref<128xi32, #tpu.memory_space<vmem>>
      %dma_wait3A_136 = arith.constant 0 : i32
      %dma_wait3A_137 = arith.constant 0 : i32
      %dma_wait3A_138 = tpu.memref_slice %arg3[%dma_wait3A_136, %dma_wait3A_137] : memref<100000x64xbf16, #tpu.memory_space<hbm>> -> memref<100000x64xbf16, #tpu.memory_space<hbm>>
      tpu.wait_indirect_dma semaphore(%arg16 : memref<!tpu.dma_semaphore, #tpu.memory_space<semaphore_mem>>) src(%dma_wait3A_138 : memref<100000x64xbf16, #tpu.memory_space<hbm>>) dst(%dma_wait3A_134 : memref<128x64xbf16, #tpu.memory_space<vmem>>)
      %parallel_loop3A_139 = arith.constant 0 : i32
      %parallel_loop3A_140 = arith.constant 8 : i32
      %parallel_loop3A_141 = arith.constant 1 : i32
      %parallel_loop3A_142 = arith.constant 1 : i32
      %parallel_loop3A_143 = arith.constant 1 : i32
      scf.for %parallel_loop3A_220 = %parallel_loop3A_139 to %parallel_loop3A_140 step %parallel_loop3A_141  : i32 {
        %parallel_loop3A_221 = arith.constant 16 : i32
        %parallel_loop3A_222 = arith.muli %parallel_loop3A_220, %parallel_loop3A_221 : i32
        %parallel_loop3A_223 = arith.constant 0 : i32
        %parallel_loop3A_224 = arith.addi %parallel_loop3A_222, %parallel_loop3A_223 : i32
        %parallel_loop3A_225 = arith.constant 0 : i32
        %parallel_loop3A_226 = arith.constant 0 : i32
        %parallel_loop3A_227 = tpu.memref_slice %arg8[%parallel_loop3A_142, %parallel_loop3A_225, %parallel_loop3A_226] : memref<4x128x64xbf16, #tpu.memory_space<vmem>> -> memref<1x128x64xbf16, #tpu.memory_space<vmem>>
        %parallel_loop3A_228 = tpu.memref_squeeze %parallel_loop3A_227 : memref<1x128x64xbf16, #tpu.memory_space<vmem>> -> memref<128x64xbf16, #tpu.memory_space<vmem>>
        %parallel_loop3A_229 = arith.index_cast %parallel_loop3A_224 : i32 to index
        %parallel_loop3A_230 = arith.constant 0 : index
        %parallel_loop3A_231 = tpu.vector_load %parallel_loop3A_228[%parallel_loop3A_229, %parallel_loop3A_230] {strides = array<i32>} : memref<128x64xbf16, #tpu.memory_space<vmem>>, vector<32xbf16>,
        %parallel_loop3A_232 = arith.constant 0 : i32
        %parallel_loop3A_233 = arith.constant 0 : i32
        %parallel_loop3A_234 = tpu.memref_slice %arg9[%parallel_loop3A_143, %parallel_loop3A_232, %parallel_loop3A_233] : memref<4x128x64xbf16, #tpu.memory_space<vmem>> -> memref<1x128x64xbf16, #tpu.memory_space<vmem>>
        %parallel_loop3A_235 = tpu.memref_squeeze %parallel_loop3A_234 : memref<1x128x64xbf16, #tpu.memory_space<vmem>> -> memref<128x64xbf16, #tpu.memory_space<vmem>>
        %parallel_loop3A_236 = arith.index_cast %parallel_loop3A_224 : i32 to index
        %parallel_loop3A_237 = arith.constant 0 : index
        %parallel_loop3A_238 = tpu.vector_load %parallel_loop3A_235[%parallel_loop3A_236, %parallel_loop3A_237] {strides = array<i32>} : memref<128x64xbf16, #tpu.memory_space<vmem>>, vector<32xbf16>,
        %parallel_loop3A_239 = arith.mulf %parallel_loop3A_231, %parallel_loop3A_238 : vector<32xbf16>
        %parallel_loop3A_240 = arith.constant 0 : i32
        %parallel_loop3A_241 = arith.constant 0 : i32
        %parallel_loop3A_242 = tpu.memref_slice %arg8[%parallel_loop3A_142, %parallel_loop3A_240, %parallel_loop3A_241] : memref<4x128x64xbf16, #tpu.memory_space<vmem>> -> memref<1x128x64xbf16, #tpu.memory_space<vmem>>
        %parallel_loop3A_243 = tpu.memref_squeeze %parallel_loop3A_242 : memref<1x128x64xbf16, #tpu.memory_space<vmem>> -> memref<128x64xbf16, #tpu.memory_space<vmem>>
        %parallel_loop3A_244 = arith.index_cast %parallel_loop3A_224 : i32 to index
        %parallel_loop3A_245 = arith.constant 32 : index
        %parallel_loop3A_246 = tpu.vector_load %parallel_loop3A_243[%parallel_loop3A_244, %parallel_loop3A_245] {strides = array<i32>} : memref<128x64xbf16, #tpu.memory_space<vmem>>, vector<32xbf16>,
        %parallel_loop3A_247 = arith.constant 0 : i32
        %parallel_loop3A_248 = arith.constant 0 : i32
        %parallel_loop3A_249 = tpu.memref_slice %arg9[%parallel_loop3A_143, %parallel_loop3A_247, %parallel_loop3A_248] : memref<4x128x64xbf16, #tpu.memory_space<vmem>> -> memref<1x128x64xbf16, #tpu.memory_space<vmem>>
        %parallel_loop3A_250 = tpu.memref_squeeze %parallel_loop3A_249 : memref<1x128x64xbf16, #tpu.memory_space<vmem>> -> memref<128x64xbf16, #tpu.memory_space<vmem>>
        %parallel_loop3A_251 = arith.index_cast %parallel_loop3A_224 : i32 to index
        %parallel_loop3A_252 = arith.constant 32 : index
        %parallel_loop3A_253 = tpu.vector_load %parallel_loop3A_250[%parallel_loop3A_251, %parallel_loop3A_252] {strides = array<i32>} : memref<128x64xbf16, #tpu.memory_space<vmem>>, vector<32xbf16>,
        %parallel_loop3A_254 = arith.mulf %parallel_loop3A_246, %parallel_loop3A_253 : vector<32xbf16>
        %parallel_loop3A_255 = arith.addf %parallel_loop3A_239, %parallel_loop3A_254 : vector<32xbf16>
        %parallel_loop3A_256 = tpu.unpack_subelements %parallel_loop3A_255, 0 {pack_format = #tpu.pack_format<interleaved>} : vector<32xbf16> -> vector<16xf32>
        %parallel_loop3A_257 = tpu.unpack_subelements %parallel_loop3A_255, 1 {pack_format = #tpu.pack_format<interleaved>} : vector<32xbf16> -> vector<16xf32>
        %parallel_loop3A_258 = arith.addf %parallel_loop3A_256, %parallel_loop3A_257 : vector<16xf32>
        %parallel_loop3A_259 = arith.constant 16 : i32
        %parallel_loop3A_260 = arith.muli %parallel_loop3A_220, %parallel_loop3A_259 : i32
        %parallel_loop3A_261 = arith.constant 1 : i32
        %parallel_loop3A_262 = arith.addi %parallel_loop3A_260, %parallel_loop3A_261 : i32
        %parallel_loop3A_263 = arith.constant 0 : i32
        %parallel_loop3A_264 = arith.constant 0 : i32
        %parallel_loop3A_265 = tpu.memref_slice %arg8[%parallel_loop3A_142, %parallel_loop3A_263, %parallel_loop3A_264] : memref<4x128x64xbf16, #tpu.memory_space<vmem>> -> memref<1x128x64xbf16, #tpu.memory_space<vmem>>
        %parallel_loop3A_266 = tpu.memref_squeeze %parallel_loop3A_265 : memref<1x128x64xbf16, #tpu.memory_space<vmem>> -> memref<128x64xbf16, #tpu.memory_space<vmem>>
        %parallel_loop3A_267 = arith.index_cast %parallel_loop3A_262 : i32 to index
        %parallel_loop3A_268 = arith.constant 0 : index
        %parallel_loop3A_269 = tpu.vector_load %parallel_loop3A_266[%parallel_loop3A_267, %parallel_loop3A_268] {strides = array<i32>} : memref<128x64xbf16, #tpu.memory_space<vmem>>, vector<32xbf16>,
        %parallel_loop3A_270 = arith.constant 0 : i32
        %parallel_loop3A_271 = arith.constant 0 : i32
        %parallel_loop3A_272 = tpu.memref_slice %arg9[%parallel_loop3A_143, %parallel_loop3A_270, %parallel_loop3A_271] : memref<4x128x64xbf16, #tpu.memory_space<vmem>> -> memref<1x128x64xbf16, #tpu.memory_space<vmem>>
        %parallel_loop3A_273 = tpu.memref_squeeze %parallel_loop3A_272 : memref<1x128x64xbf16, #tpu.memory_space<vmem>> -> memref<128x64xbf16, #tpu.memory_space<vmem>>
        %parallel_loop3A_274 = arith.index_cast %parallel_loop3A_262 : i32 to index
        %parallel_loop3A_275 = arith.constant 0 : index
        %parallel_loop3A_276 = tpu.vector_load %parallel_loop3A_273[%parallel_loop3A_274, %parallel_loop3A_275] {strides = array<i32>} : memref<128x64xbf16, #tpu.memory_space<vmem>>, vector<32xbf16>,
        %parallel_loop3A_277 = arith.mulf %parallel_loop3A_269, %parallel_loop3A_276 : vector<32xbf16>
        %parallel_loop3A_278 = arith.constant 0 : i32
        %parallel_loop3A_279 = arith.constant 0 : i32
        %parallel_loop3A_280 = tpu.memref_slice %arg8[%parallel_loop3A_142, %parallel_loop3A_278, %parallel_loop3A_279] : memref<4x128x64xbf16, #tpu.memory_space<vmem>> -> memref<1x128x64xbf16, #tpu.memory_space<vmem>>
        %parallel_loop3A_281 = tpu.memref_squeeze %parallel_loop3A_280 : memref<1x128x64xbf16, #tpu.memory_space<vmem>> -> memref<128x64xbf16, #tpu.memory_space<vmem>>
        %parallel_loop3A_282 = arith.index_cast %parallel_loop3A_262 : i32 to index
        %parallel_loop3A_283 = arith.constant 32 : index
        %parallel_loop3A_284 = tpu.vector_load %parallel_loop3A_281[%parallel_loop3A_282, %parallel_loop3A_283] {strides = array<i32>} : memref<128x64xbf16, #tpu.memory_space<vmem>>, vector<32xbf16>,
        %parallel_loop3A_285 = arith.constant 0 : i32
        %parallel_loop3A_286 = arith.constant 0 : i32
        %parallel_loop3A_287 = tpu.memref_slice %arg9[%parallel_loop3A_143, %parallel_loop3A_285, %parallel_loop3A_286] : memref<4x128x64xbf16, #tpu.memory_space<vmem>> -> memref<1x128x64xbf16, #tpu.memory_space<vmem>>
        %parallel_loop3A_288 = tpu.memref_squeeze %parallel_loop3A_287 : memref<1x128x64xbf16, #tpu.memory_space<vmem>> -> memref<128x64xbf16, #tpu.memory_space<vmem>>
        %parallel_loop3A_289 = arith.index_cast %parallel_loop3A_262 : i32 to index
        %parallel_loop3A_290 = arith.constant 32 : index
        %parallel_loop3A_291 = tpu.vector_load %parallel_loop3A_288[%parallel_loop3A_289, %parallel_loop3A_290] {strides = array<i32>} : memref<128x64xbf16, #tpu.memory_space<vmem>>, vector<32xbf16>,
        %parallel_loop3A_292 = arith.mulf %parallel_loop3A_284, %parallel_loop3A_291 : vector<32xbf16>
        %parallel_loop3A_293 = arith.addf %parallel_loop3A_277, %parallel_loop3A_292 : vector<32xbf16>
        %parallel_loop3A_294 = tpu.unpack_subelements %parallel_loop3A_293, 0 {pack_format = #tpu.pack_format<interleaved>} : vector<32xbf16> -> vector<16xf32>
        %parallel_loop3A_295 = tpu.unpack_subelements %parallel_loop3A_293, 1 {pack_format = #tpu.pack_format<interleaved>} : vector<32xbf16> -> vector<16xf32>
        %parallel_loop3A_296 = arith.addf %parallel_loop3A_294, %parallel_loop3A_295 : vector<16xf32>
        %parallel_loop3A_297 = arith.constant 16 : i32
        %parallel_loop3A_298 = arith.muli %parallel_loop3A_220, %parallel_loop3A_297 : i32
        %parallel_loop3A_299 = arith.constant 2 : i32
        %parallel_loop3A_300 = arith.addi %parallel_loop3A_298, %parallel_loop3A_299 : i32
        %parallel_loop3A_301 = arith.constant 0 : i32
        %parallel_loop3A_302 = arith.constant 0 : i32
        %parallel_loop3A_303 = tpu.memref_slice %arg8[%parallel_loop3A_142, %parallel_loop3A_301, %parallel_loop3A_302] : memref<4x128x64xbf16, #tpu.memory_space<vmem>> -> memref<1x128x64xbf16, #tpu.memory_space<vmem>>
        %parallel_loop3A_304 = tpu.memref_squeeze %parallel_loop3A_303 : memref<1x128x64xbf16, #tpu.memory_space<vmem>> -> memref<128x64xbf16, #tpu.memory_space<vmem>>
        %parallel_loop3A_305 = arith.index_cast %parallel_loop3A_300 : i32 to index
        %parallel_loop3A_306 = arith.constant 0 : index
        %parallel_loop3A_307 = tpu.vector_load %parallel_loop3A_304[%parallel_loop3A_305, %parallel_loop3A_306] {strides = array<i32>} : memref<128x64xbf16, #tpu.memory_space<vmem>>, vector<32xbf16>,
        %parallel_loop3A_308 = arith.constant 0 : i32
        %parallel_loop3A_309 = arith.constant 0 : i32
        %parallel_loop3A_310 = tpu.memref_slice %arg9[%parallel_loop3A_143, %parallel_loop3A_308, %parallel_loop3A_309] : memref<4x128x64xbf16, #tpu.memory_space<vmem>> -> memref<1x128x64xbf16, #tpu.memory_space<vmem>>
        %parallel_loop3A_311 = tpu.memref_squeeze %parallel_loop3A_310 : memref<1x128x64xbf16, #tpu.memory_space<vmem>> -> memref<128x64xbf16, #tpu.memory_space<vmem>>
        %parallel_loop3A_312 = arith.index_cast %parallel_loop3A_300 : i32 to index
        %parallel_loop3A_313 = arith.constant 0 : index
        %parallel_loop3A_314 = tpu.vector_load %parallel_loop3A_311[%parallel_loop3A_312, %parallel_loop3A_313] {strides = array<i32>} : memref<128x64xbf16, #tpu.memory_space<vmem>>, vector<32xbf16>,
        %parallel_loop3A_315 = arith.mulf %parallel_loop3A_307, %parallel_loop3A_314 : vector<32xbf16>
        %parallel_loop3A_316 = arith.constant 0 : i32
        %parallel_loop3A_317 = arith.constant 0 : i32
        %parallel_loop3A_318 = tpu.memref_slice %arg8[%parallel_loop3A_142, %parallel_loop3A_316, %parallel_loop3A_317] : memref<4x128x64xbf16, #tpu.memory_space<vmem>> -> memref<1x128x64xbf16, #tpu.memory_space<vmem>>
        %parallel_loop3A_319 = tpu.memref_squeeze %parallel_loop3A_318 : memref<1x128x64xbf16, #tpu.memory_space<vmem>> -> memref<128x64xbf16, #tpu.memory_space<vmem>>
        %parallel_loop3A_320 = arith.index_cast %parallel_loop3A_300 : i32 to index
        %parallel_loop3A_321 = arith.constant 32 : index
        %parallel_loop3A_322 = tpu.vector_load %parallel_loop3A_319[%parallel_loop3A_320, %parallel_loop3A_321] {strides = array<i32>} : memref<128x64xbf16, #tpu.memory_space<vmem>>, vector<32xbf16>,
        %parallel_loop3A_323 = arith.constant 0 : i32
        %parallel_loop3A_324 = arith.constant 0 : i32
        %parallel_loop3A_325 = tpu.memref_slice %arg9[%parallel_loop3A_143, %parallel_loop3A_323, %parallel_loop3A_324] : memref<4x128x64xbf16, #tpu.memory_space<vmem>> -> memref<1x128x64xbf16, #tpu.memory_space<vmem>>
        %parallel_loop3A_326 = tpu.memref_squeeze %parallel_loop3A_325 : memref<1x128x64xbf16, #tpu.memory_space<vmem>> -> memref<128x64xbf16, #tpu.memory_space<vmem>>
        %parallel_loop3A_327 = arith.index_cast %parallel_loop3A_300 : i32 to index
        %parallel_loop3A_328 = arith.constant 32 : index
        %parallel_loop3A_329 = tpu.vector_load %parallel_loop3A_326[%parallel_loop3A_327, %parallel_loop3A_328] {strides = array<i32>} : memref<128x64xbf16, #tpu.memory_space<vmem>>, vector<32xbf16>,
        %parallel_loop3A_330 = arith.mulf %parallel_loop3A_322, %parallel_loop3A_329 : vector<32xbf16>
        %parallel_loop3A_331 = arith.addf %parallel_loop3A_315, %parallel_loop3A_330 : vector<32xbf16>
        %parallel_loop3A_332 = tpu.unpack_subelements %parallel_loop3A_331, 0 {pack_format = #tpu.pack_format<interleaved>} : vector<32xbf16> -> vector<16xf32>
        %parallel_loop3A_333 = tpu.unpack_subelements %parallel_loop3A_331, 1 {pack_format = #tpu.pack_format<interleaved>} : vector<32xbf16> -> vector<16xf32>
        %parallel_loop3A_334 = arith.addf %parallel_loop3A_332, %parallel_loop3A_333 : vector<16xf32>
        %parallel_loop3A_335 = arith.constant 16 : i32
        %parallel_loop3A_336 = arith.muli %parallel_loop3A_220, %parallel_loop3A_335 : i32
        %parallel_loop3A_337 = arith.constant 3 : i32
        %parallel_loop3A_338 = arith.addi %parallel_loop3A_336, %parallel_loop3A_337 : i32
        %parallel_loop3A_339 = arith.constant 0 : i32
        %parallel_loop3A_340 = arith.constant 0 : i32
        %parallel_loop3A_341 = tpu.memref_slice %arg8[%parallel_loop3A_142, %parallel_loop3A_339, %parallel_loop3A_340] : memref<4x128x64xbf16, #tpu.memory_space<vmem>> -> memref<1x128x64xbf16, #tpu.memory_space<vmem>>
        %parallel_loop3A_342 = tpu.memref_squeeze %parallel_loop3A_341 : memref<1x128x64xbf16, #tpu.memory_space<vmem>> -> memref<128x64xbf16, #tpu.memory_space<vmem>>
        %parallel_loop3A_343 = arith.index_cast %parallel_loop3A_338 : i32 to index
        %parallel_loop3A_344 = arith.constant 0 : index
        %parallel_loop3A_345 = tpu.vector_load %parallel_loop3A_342[%parallel_loop3A_343, %parallel_loop3A_344] {strides = array<i32>} : memref<128x64xbf16, #tpu.memory_space<vmem>>, vector<32xbf16>,
        %parallel_loop3A_346 = arith.constant 0 : i32
        %parallel_loop3A_347 = arith.constant 0 : i32
        %parallel_loop3A_348 = tpu.memref_slice %arg9[%parallel_loop3A_143, %parallel_loop3A_346, %parallel_loop3A_347] : memref<4x128x64xbf16, #tpu.memory_space<vmem>> -> memref<1x128x64xbf16, #tpu.memory_space<vmem>>
        %parallel_loop3A_349 = tpu.memref_squeeze %parallel_loop3A_348 : memref<1x128x64xbf16, #tpu.memory_space<vmem>> -> memref<128x64xbf16, #tpu.memory_space<vmem>>
        %parallel_loop3A_350 = arith.index_cast %parallel_loop3A_338 : i32 to index
        %parallel_loop3A_351 = arith.constant 0 : index
        %parallel_loop3A_352 = tpu.vector_load %parallel_loop3A_349[%parallel_loop3A_350, %parallel_loop3A_351] {strides = array<i32>} : memref<128x64xbf16, #tpu.memory_space<vmem>>, vector<32xbf16>,
        %parallel_loop3A_353 = arith.mulf %parallel_loop3A_345, %parallel_loop3A_352 : vector<32xbf16>
        %parallel_loop3A_354 = arith.constant 0 : i32
        %parallel_loop3A_355 = arith.constant 0 : i32
        %parallel_loop3A_356 = tpu.memref_slice %arg8[%parallel_loop3A_142, %parallel_loop3A_354, %parallel_loop3A_355] : memref<4x128x64xbf16, #tpu.memory_space<vmem>> -> memref<1x128x64xbf16, #tpu.memory_space<vmem>>
        %parallel_loop3A_357 = tpu.memref_squeeze %parallel_loop3A_356 : memref<1x128x64xbf16, #tpu.memory_space<vmem>> -> memref<128x64xbf16, #tpu.memory_space<vmem>>
        %parallel_loop3A_358 = arith.index_cast %parallel_loop3A_338 : i32 to index
        %parallel_loop3A_359 = arith.constant 32 : index
        %parallel_loop3A_360 = tpu.vector_load %parallel_loop3A_357[%parallel_loop3A_358, %parallel_loop3A_359] {strides = array<i32>} : memref<128x64xbf16, #tpu.memory_space<vmem>>, vector<32xbf16>,
        %parallel_loop3A_361 = arith.constant 0 : i32
        %parallel_loop3A_362 = arith.constant 0 : i32
        %parallel_loop3A_363 = tpu.memref_slice %arg9[%parallel_loop3A_143, %parallel_loop3A_361, %parallel_loop3A_362] : memref<4x128x64xbf16, #tpu.memory_space<vmem>> -> memref<1x128x64xbf16, #tpu.memory_space<vmem>>
        %parallel_loop3A_364 = tpu.memref_squeeze %parallel_loop3A_363 : memref<1x128x64xbf16, #tpu.memory_space<vmem>> -> memref<128x64xbf16, #tpu.memory_space<vmem>>
        %parallel_loop3A_365 = arith.index_cast %parallel_loop3A_338 : i32 to index
        %parallel_loop3A_366 = arith.constant 32 : index
        %parallel_loop3A_367 = tpu.vector_load %parallel_loop3A_364[%parallel_loop3A_365, %parallel_loop3A_366] {strides = array<i32>} : memref<128x64xbf16, #tpu.memory_space<vmem>>, vector<32xbf16>,
        %parallel_loop3A_368 = arith.mulf %parallel_loop3A_360, %parallel_loop3A_367 : vector<32xbf16>
        %parallel_loop3A_369 = arith.addf %parallel_loop3A_353, %parallel_loop3A_368 : vector<32xbf16>
        %parallel_loop3A_370 = tpu.unpack_subelements %parallel_loop3A_369, 0 {pack_format = #tpu.pack_format<interleaved>} : vector<32xbf16> -> vector<16xf32>
        %parallel_loop3A_371 = tpu.unpack_subelements %parallel_loop3A_369, 1 {pack_format = #tpu.pack_format<interleaved>} : vector<32xbf16> -> vector<16xf32>
        %parallel_loop3A_372 = arith.addf %parallel_loop3A_370, %parallel_loop3A_371 : vector<16xf32>
        %parallel_loop3A_373 = arith.constant 16 : i32
        %parallel_loop3A_374 = arith.muli %parallel_loop3A_220, %parallel_loop3A_373 : i32
        %parallel_loop3A_375 = arith.constant 4 : i32
        %parallel_loop3A_376 = arith.addi %parallel_loop3A_374, %parallel_loop3A_375 : i32
        %parallel_loop3A_377 = arith.constant 0 : i32
        %parallel_loop3A_378 = arith.constant 0 : i32
        %parallel_loop3A_379 = tpu.memref_slice %arg8[%parallel_loop3A_142, %parallel_loop3A_377, %parallel_loop3A_378] : memref<4x128x64xbf16, #tpu.memory_space<vmem>> -> memref<1x128x64xbf16, #tpu.memory_space<vmem>>
        %parallel_loop3A_380 = tpu.memref_squeeze %parallel_loop3A_379 : memref<1x128x64xbf16, #tpu.memory_space<vmem>> -> memref<128x64xbf16, #tpu.memory_space<vmem>>
        %parallel_loop3A_381 = arith.index_cast %parallel_loop3A_376 : i32 to index
        %parallel_loop3A_382 = arith.constant 0 : index
        %parallel_loop3A_383 = tpu.vector_load %parallel_loop3A_380[%parallel_loop3A_381, %parallel_loop3A_382] {strides = array<i32>} : memref<128x64xbf16, #tpu.memory_space<vmem>>, vector<32xbf16>,
        %parallel_loop3A_384 = arith.constant 0 : i32
        %parallel_loop3A_385 = arith.constant 0 : i32
        %parallel_loop3A_386 = tpu.memref_slice %arg9[%parallel_loop3A_143, %parallel_loop3A_384, %parallel_loop3A_385] : memref<4x128x64xbf16, #tpu.memory_space<vmem>> -> memref<1x128x64xbf16, #tpu.memory_space<vmem>>
        %parallel_loop3A_387 = tpu.memref_squeeze %parallel_loop3A_386 : memref<1x128x64xbf16, #tpu.memory_space<vmem>> -> memref<128x64xbf16, #tpu.memory_space<vmem>>
        %parallel_loop3A_388 = arith.index_cast %parallel_loop3A_376 : i32 to index
        %parallel_loop3A_389 = arith.constant 0 : index
        %parallel_loop3A_390 = tpu.vector_load %parallel_loop3A_387[%parallel_loop3A_388, %parallel_loop3A_389] {strides = array<i32>} : memref<128x64xbf16, #tpu.memory_space<vmem>>, vector<32xbf16>,
        %parallel_loop3A_391 = arith.mulf %parallel_loop3A_383, %parallel_loop3A_390 : vector<32xbf16>
        %parallel_loop3A_392 = arith.constant 0 : i32
        %parallel_loop3A_393 = arith.constant 0 : i32
        %parallel_loop3A_394 = tpu.memref_slice %arg8[%parallel_loop3A_142, %parallel_loop3A_392, %parallel_loop3A_393] : memref<4x128x64xbf16, #tpu.memory_space<vmem>> -> memref<1x128x64xbf16, #tpu.memory_space<vmem>>
        %parallel_loop3A_395 = tpu.memref_squeeze %parallel_loop3A_394 : memref<1x128x64xbf16, #tpu.memory_space<vmem>> -> memref<128x64xbf16, #tpu.memory_space<vmem>>
        %parallel_loop3A_396 = arith.index_cast %parallel_loop3A_376 : i32 to index
        %parallel_loop3A_397 = arith.constant 32 : index
        %parallel_loop3A_398 = tpu.vector_load %parallel_loop3A_395[%parallel_loop3A_396, %parallel_loop3A_397] {strides = array<i32>} : memref<128x64xbf16, #tpu.memory_space<vmem>>, vector<32xbf16>,
        %parallel_loop3A_399 = arith.constant 0 : i32
        %parallel_loop3A_400 = arith.constant 0 : i32
        %parallel_loop3A_401 = tpu.memref_slice %arg9[%parallel_loop3A_143, %parallel_loop3A_399, %parallel_loop3A_400] : memref<4x128x64xbf16, #tpu.memory_space<vmem>> -> memref<1x128x64xbf16, #tpu.memory_space<vmem>>
        %parallel_loop3A_402 = tpu.memref_squeeze %parallel_loop3A_401 : memref<1x128x64xbf16, #tpu.memory_space<vmem>> -> memref<128x64xbf16, #tpu.memory_space<vmem>>
        %parallel_loop3A_403 = arith.index_cast %parallel_loop3A_376 : i32 to index
        %parallel_loop3A_404 = arith.constant 32 : index
        %parallel_loop3A_405 = tpu.vector_load %parallel_loop3A_402[%parallel_loop3A_403, %parallel_loop3A_404] {strides = array<i32>} : memref<128x64xbf16, #tpu.memory_space<vmem>>, vector<32xbf16>,
        %parallel_loop3A_406 = arith.mulf %parallel_loop3A_398, %parallel_loop3A_405 : vector<32xbf16>
        %parallel_loop3A_407 = arith.addf %parallel_loop3A_391, %parallel_loop3A_406 : vector<32xbf16>
        %parallel_loop3A_408 = tpu.unpack_subelements %parallel_loop3A_407, 0 {pack_format = #tpu.pack_format<interleaved>} : vector<32xbf16> -> vector<16xf32>
        %parallel_loop3A_409 = tpu.unpack_subelements %parallel_loop3A_407, 1 {pack_format = #tpu.pack_format<interleaved>} : vector<32xbf16> -> vector<16xf32>
        %parallel_loop3A_410 = arith.addf %parallel_loop3A_408, %parallel_loop3A_409 : vector<16xf32>
        %parallel_loop3A_411 = arith.constant 16 : i32
        %parallel_loop3A_412 = arith.muli %parallel_loop3A_220, %parallel_loop3A_411 : i32
        %parallel_loop3A_413 = arith.constant 5 : i32
        %parallel_loop3A_414 = arith.addi %parallel_loop3A_412, %parallel_loop3A_413 : i32
        %parallel_loop3A_415 = arith.constant 0 : i32
        %parallel_loop3A_416 = arith.constant 0 : i32
        %parallel_loop3A_417 = tpu.memref_slice %arg8[%parallel_loop3A_142, %parallel_loop3A_415, %parallel_loop3A_416] : memref<4x128x64xbf16, #tpu.memory_space<vmem>> -> memref<1x128x64xbf16, #tpu.memory_space<vmem>>
        %parallel_loop3A_418 = tpu.memref_squeeze %parallel_loop3A_417 : memref<1x128x64xbf16, #tpu.memory_space<vmem>> -> memref<128x64xbf16, #tpu.memory_space<vmem>>
        %parallel_loop3A_419 = arith.index_cast %parallel_loop3A_414 : i32 to index
        %parallel_loop3A_420 = arith.constant 0 : index
        %parallel_loop3A_421 = tpu.vector_load %parallel_loop3A_418[%parallel_loop3A_419, %parallel_loop3A_420] {strides = array<i32>} : memref<128x64xbf16, #tpu.memory_space<vmem>>, vector<32xbf16>,
        %parallel_loop3A_422 = arith.constant 0 : i32
        %parallel_loop3A_423 = arith.constant 0 : i32
        %parallel_loop3A_424 = tpu.memref_slice %arg9[%parallel_loop3A_143, %parallel_loop3A_422, %parallel_loop3A_423] : memref<4x128x64xbf16, #tpu.memory_space<vmem>> -> memref<1x128x64xbf16, #tpu.memory_space<vmem>>
        %parallel_loop3A_425 = tpu.memref_squeeze %parallel_loop3A_424 : memref<1x128x64xbf16, #tpu.memory_space<vmem>> -> memref<128x64xbf16, #tpu.memory_space<vmem>>
        %parallel_loop3A_426 = arith.index_cast %parallel_loop3A_414 : i32 to index
        %parallel_loop3A_427 = arith.constant 0 : index
        %parallel_loop3A_428 = tpu.vector_load %parallel_loop3A_425[%parallel_loop3A_426, %parallel_loop3A_427] {strides = array<i32>} : memref<128x64xbf16, #tpu.memory_space<vmem>>, vector<32xbf16>,
        %parallel_loop3A_429 = arith.mulf %parallel_loop3A_421, %parallel_loop3A_428 : vector<32xbf16>
        %parallel_loop3A_430 = arith.constant 0 : i32
        %parallel_loop3A_431 = arith.constant 0 : i32
        %parallel_loop3A_432 = tpu.memref_slice %arg8[%parallel_loop3A_142, %parallel_loop3A_430, %parallel_loop3A_431] : memref<4x128x64xbf16, #tpu.memory_space<vmem>> -> memref<1x128x64xbf16, #tpu.memory_space<vmem>>
        %parallel_loop3A_433 = tpu.memref_squeeze %parallel_loop3A_432 : memref<1x128x64xbf16, #tpu.memory_space<vmem>> -> memref<128x64xbf16, #tpu.memory_space<vmem>>
        %parallel_loop3A_434 = arith.index_cast %parallel_loop3A_414 : i32 to index
        %parallel_loop3A_435 = arith.constant 32 : index
        %parallel_loop3A_436 = tpu.vector_load %parallel_loop3A_433[%parallel_loop3A_434, %parallel_loop3A_435] {strides = array<i32>} : memref<128x64xbf16, #tpu.memory_space<vmem>>, vector<32xbf16>,
        %parallel_loop3A_437 = arith.constant 0 : i32
        %parallel_loop3A_438 = arith.constant 0 : i32
        %parallel_loop3A_439 = tpu.memref_slice %arg9[%parallel_loop3A_143, %parallel_loop3A_437, %parallel_loop3A_438] : memref<4x128x64xbf16, #tpu.memory_space<vmem>> -> memref<1x128x64xbf16, #tpu.memory_space<vmem>>
        %parallel_loop3A_440 = tpu.memref_squeeze %parallel_loop3A_439 : memref<1x128x64xbf16, #tpu.memory_space<vmem>> -> memref<128x64xbf16, #tpu.memory_space<vmem>>
        %parallel_loop3A_441 = arith.index_cast %parallel_loop3A_414 : i32 to index
        %parallel_loop3A_442 = arith.constant 32 : index
        %parallel_loop3A_443 = tpu.vector_load %parallel_loop3A_440[%parallel_loop3A_441, %parallel_loop3A_442] {strides = array<i32>} : memref<128x64xbf16, #tpu.memory_space<vmem>>, vector<32xbf16>,
        %parallel_loop3A_444 = arith.mulf %parallel_loop3A_436, %parallel_loop3A_443 : vector<32xbf16>
        %parallel_loop3A_445 = arith.addf %parallel_loop3A_429, %parallel_loop3A_444 : vector<32xbf16>
        %parallel_loop3A_446 = tpu.unpack_subelements %parallel_loop3A_445, 0 {pack_format = #tpu.pack_format<interleaved>} : vector<32xbf16> -> vector<16xf32>
        %parallel_loop3A_447 = tpu.unpack_subelements %parallel_loop3A_445, 1 {pack_format = #tpu.pack_format<interleaved>} : vector<32xbf16> -> vector<16xf32>
        %parallel_loop3A_448 = arith.addf %parallel_loop3A_446, %parallel_loop3A_447 : vector<16xf32>
        %parallel_loop3A_449 = arith.constant 16 : i32
        %parallel_loop3A_450 = arith.muli %parallel_loop3A_220, %parallel_loop3A_449 : i32
        %parallel_loop3A_451 = arith.constant 6 : i32
        %parallel_loop3A_452 = arith.addi %parallel_loop3A_450, %parallel_loop3A_451 : i32
        %parallel_loop3A_453 = arith.constant 0 : i32
        %parallel_loop3A_454 = arith.constant 0 : i32
        %parallel_loop3A_455 = tpu.memref_slice %arg8[%parallel_loop3A_142, %parallel_loop3A_453, %parallel_loop3A_454] : memref<4x128x64xbf16, #tpu.memory_space<vmem>> -> memref<1x128x64xbf16, #tpu.memory_space<vmem>>
        %parallel_loop3A_456 = tpu.memref_squeeze %parallel_loop3A_455 : memref<1x128x64xbf16, #tpu.memory_space<vmem>> -> memref<128x64xbf16, #tpu.memory_space<vmem>>
        %parallel_loop3A_457 = arith.index_cast %parallel_loop3A_452 : i32 to index
        %parallel_loop3A_458 = arith.constant 0 : index
        %parallel_loop3A_459 = tpu.vector_load %parallel_loop3A_456[%parallel_loop3A_457, %parallel_loop3A_458] {strides = array<i32>} : memref<128x64xbf16, #tpu.memory_space<vmem>>, vector<32xbf16>,
        %parallel_loop3A_460 = arith.constant 0 : i32
        %parallel_loop3A_461 = arith.constant 0 : i32
        %parallel_loop3A_462 = tpu.memref_slice %arg9[%parallel_loop3A_143, %parallel_loop3A_460, %parallel_loop3A_461] : memref<4x128x64xbf16, #tpu.memory_space<vmem>> -> memref<1x128x64xbf16, #tpu.memory_space<vmem>>
        %parallel_loop3A_463 = tpu.memref_squeeze %parallel_loop3A_462 : memref<1x128x64xbf16, #tpu.memory_space<vmem>> -> memref<128x64xbf16, #tpu.memory_space<vmem>>
        %parallel_loop3A_464 = arith.index_cast %parallel_loop3A_452 : i32 to index
        %parallel_loop3A_465 = arith.constant 0 : index
        %parallel_loop3A_466 = tpu.vector_load %parallel_loop3A_463[%parallel_loop3A_464, %parallel_loop3A_465] {strides = array<i32>} : memref<128x64xbf16, #tpu.memory_space<vmem>>, vector<32xbf16>,
        %parallel_loop3A_467 = arith.mulf %parallel_loop3A_459, %parallel_loop3A_466 : vector<32xbf16>
        %parallel_loop3A_468 = arith.constant 0 : i32
        %parallel_loop3A_469 = arith.constant 0 : i32
        %parallel_loop3A_470 = tpu.memref_slice %arg8[%parallel_loop3A_142, %parallel_loop3A_468, %parallel_loop3A_469] : memref<4x128x64xbf16, #tpu.memory_space<vmem>> -> memref<1x128x64xbf16, #tpu.memory_space<vmem>>
        %parallel_loop3A_471 = tpu.memref_squeeze %parallel_loop3A_470 : memref<1x128x64xbf16, #tpu.memory_space<vmem>> -> memref<128x64xbf16, #tpu.memory_space<vmem>>
        %parallel_loop3A_472 = arith.index_cast %parallel_loop3A_452 : i32 to index
        %parallel_loop3A_473 = arith.constant 32 : index
        %parallel_loop3A_474 = tpu.vector_load %parallel_loop3A_471[%parallel_loop3A_472, %parallel_loop3A_473] {strides = array<i32>} : memref<128x64xbf16, #tpu.memory_space<vmem>>, vector<32xbf16>,
        %parallel_loop3A_475 = arith.constant 0 : i32
        %parallel_loop3A_476 = arith.constant 0 : i32
        %parallel_loop3A_477 = tpu.memref_slice %arg9[%parallel_loop3A_143, %parallel_loop3A_475, %parallel_loop3A_476] : memref<4x128x64xbf16, #tpu.memory_space<vmem>> -> memref<1x128x64xbf16, #tpu.memory_space<vmem>>
        %parallel_loop3A_478 = tpu.memref_squeeze %parallel_loop3A_477 : memref<1x128x64xbf16, #tpu.memory_space<vmem>> -> memref<128x64xbf16, #tpu.memory_space<vmem>>
        %parallel_loop3A_479 = arith.index_cast %parallel_loop3A_452 : i32 to index
        %parallel_loop3A_480 = arith.constant 32 : index
        %parallel_loop3A_481 = tpu.vector_load %parallel_loop3A_478[%parallel_loop3A_479, %parallel_loop3A_480] {strides = array<i32>} : memref<128x64xbf16, #tpu.memory_space<vmem>>, vector<32xbf16>,
        %parallel_loop3A_482 = arith.mulf %parallel_loop3A_474, %parallel_loop3A_481 : vector<32xbf16>
        %parallel_loop3A_483 = arith.addf %parallel_loop3A_467, %parallel_loop3A_482 : vector<32xbf16>
        %parallel_loop3A_484 = tpu.unpack_subelements %parallel_loop3A_483, 0 {pack_format = #tpu.pack_format<interleaved>} : vector<32xbf16> -> vector<16xf32>
        %parallel_loop3A_485 = tpu.unpack_subelements %parallel_loop3A_483, 1 {pack_format = #tpu.pack_format<interleaved>} : vector<32xbf16> -> vector<16xf32>
        %parallel_loop3A_486 = arith.addf %parallel_loop3A_484, %parallel_loop3A_485 : vector<16xf32>
        %parallel_loop3A_487 = arith.constant 16 : i32
        %parallel_loop3A_488 = arith.muli %parallel_loop3A_220, %parallel_loop3A_487 : i32
        %parallel_loop3A_489 = arith.constant 7 : i32
        %parallel_loop3A_490 = arith.addi %parallel_loop3A_488, %parallel_loop3A_489 : i32
        %parallel_loop3A_491 = arith.constant 0 : i32
        %parallel_loop3A_492 = arith.constant 0 : i32
        %parallel_loop3A_493 = tpu.memref_slice %arg8[%parallel_loop3A_142, %parallel_loop3A_491, %parallel_loop3A_492] : memref<4x128x64xbf16, #tpu.memory_space<vmem>> -> memref<1x128x64xbf16, #tpu.memory_space<vmem>>
        %parallel_loop3A_494 = tpu.memref_squeeze %parallel_loop3A_493 : memref<1x128x64xbf16, #tpu.memory_space<vmem>> -> memref<128x64xbf16, #tpu.memory_space<vmem>>
        %parallel_loop3A_495 = arith.index_cast %parallel_loop3A_490 : i32 to index
        %parallel_loop3A_496 = arith.constant 0 : index
        %parallel_loop3A_497 = tpu.vector_load %parallel_loop3A_494[%parallel_loop3A_495, %parallel_loop3A_496] {strides = array<i32>} : memref<128x64xbf16, #tpu.memory_space<vmem>>, vector<32xbf16>,
        %parallel_loop3A_498 = arith.constant 0 : i32
        %parallel_loop3A_499 = arith.constant 0 : i32
        %parallel_loop3A_500 = tpu.memref_slice %arg9[%parallel_loop3A_143, %parallel_loop3A_498, %parallel_loop3A_499] : memref<4x128x64xbf16, #tpu.memory_space<vmem>> -> memref<1x128x64xbf16, #tpu.memory_space<vmem>>
        %parallel_loop3A_501 = tpu.memref_squeeze %parallel_loop3A_500 : memref<1x128x64xbf16, #tpu.memory_space<vmem>> -> memref<128x64xbf16, #tpu.memory_space<vmem>>
        %parallel_loop3A_502 = arith.index_cast %parallel_loop3A_490 : i32 to index
        %parallel_loop3A_503 = arith.constant 0 : index
        %parallel_loop3A_504 = tpu.vector_load %parallel_loop3A_501[%parallel_loop3A_502, %parallel_loop3A_503] {strides = array<i32>} : memref<128x64xbf16, #tpu.memory_space<vmem>>, vector<32xbf16>,
        %parallel_loop3A_505 = arith.mulf %parallel_loop3A_497, %parallel_loop3A_504 : vector<32xbf16>
        %parallel_loop3A_506 = arith.constant 0 : i32
        %parallel_loop3A_507 = arith.constant 0 : i32
        %parallel_loop3A_508 = tpu.memref_slice %arg8[%parallel_loop3A_142, %parallel_loop3A_506, %parallel_loop3A_507] : memref<4x128x64xbf16, #tpu.memory_space<vmem>> -> memref<1x128x64xbf16, #tpu.memory_space<vmem>>
        %parallel_loop3A_509 = tpu.memref_squeeze %parallel_loop3A_508 : memref<1x128x64xbf16, #tpu.memory_space<vmem>> -> memref<128x64xbf16, #tpu.memory_space<vmem>>
        %parallel_loop3A_510 = arith.index_cast %parallel_loop3A_490 : i32 to index
        %parallel_loop3A_511 = arith.constant 32 : index
        %parallel_loop3A_512 = tpu.vector_load %parallel_loop3A_509[%parallel_loop3A_510, %parallel_loop3A_511] {strides = array<i32>} : memref<128x64xbf16, #tpu.memory_space<vmem>>, vector<32xbf16>,
        %parallel_loop3A_513 = arith.constant 0 : i32
        %parallel_loop3A_514 = arith.constant 0 : i32
        %parallel_loop3A_515 = tpu.memref_slice %arg9[%parallel_loop3A_143, %parallel_loop3A_513, %parallel_loop3A_514] : memref<4x128x64xbf16, #tpu.memory_space<vmem>> -> memref<1x128x64xbf16, #tpu.memory_space<vmem>>
        %parallel_loop3A_516 = tpu.memref_squeeze %parallel_loop3A_515 : memref<1x128x64xbf16, #tpu.memory_space<vmem>> -> memref<128x64xbf16, #tpu.memory_space<vmem>>
        %parallel_loop3A_517 = arith.index_cast %parallel_loop3A_490 : i32 to index
        %parallel_loop3A_518 = arith.constant 32 : index
        %parallel_loop3A_519 = tpu.vector_load %parallel_loop3A_516[%parallel_loop3A_517, %parallel_loop3A_518] {strides = array<i32>} : memref<128x64xbf16, #tpu.memory_space<vmem>>, vector<32xbf16>,
        %parallel_loop3A_520 = arith.mulf %parallel_loop3A_512, %parallel_loop3A_519 : vector<32xbf16>
        %parallel_loop3A_521 = arith.addf %parallel_loop3A_505, %parallel_loop3A_520 : vector<32xbf16>
        %parallel_loop3A_522 = tpu.unpack_subelements %parallel_loop3A_521, 0 {pack_format = #tpu.pack_format<interleaved>} : vector<32xbf16> -> vector<16xf32>
        %parallel_loop3A_523 = tpu.unpack_subelements %parallel_loop3A_521, 1 {pack_format = #tpu.pack_format<interleaved>} : vector<32xbf16> -> vector<16xf32>
        %parallel_loop3A_524 = arith.addf %parallel_loop3A_522, %parallel_loop3A_523 : vector<16xf32>
        %parallel_loop3A_525 = arith.constant 16 : i32
        %parallel_loop3A_526 = arith.muli %parallel_loop3A_220, %parallel_loop3A_525 : i32
        %parallel_loop3A_527 = arith.constant 8 : i32
        %parallel_loop3A_528 = arith.addi %parallel_loop3A_526, %parallel_loop3A_527 : i32
        %parallel_loop3A_529 = arith.constant 0 : i32
        %parallel_loop3A_530 = arith.constant 0 : i32
        %parallel_loop3A_531 = tpu.memref_slice %arg8[%parallel_loop3A_142, %parallel_loop3A_529, %parallel_loop3A_530] : memref<4x128x64xbf16, #tpu.memory_space<vmem>> -> memref<1x128x64xbf16, #tpu.memory_space<vmem>>
        %parallel_loop3A_532 = tpu.memref_squeeze %parallel_loop3A_531 : memref<1x128x64xbf16, #tpu.memory_space<vmem>> -> memref<128x64xbf16, #tpu.memory_space<vmem>>
        %parallel_loop3A_533 = arith.index_cast %parallel_loop3A_528 : i32 to index
        %parallel_loop3A_534 = arith.constant 0 : index
        %parallel_loop3A_535 = tpu.vector_load %parallel_loop3A_532[%parallel_loop3A_533, %parallel_loop3A_534] {strides = array<i32>} : memref<128x64xbf16, #tpu.memory_space<vmem>>, vector<32xbf16>,
        %parallel_loop3A_536 = arith.constant 0 : i32
        %parallel_loop3A_537 = arith.constant 0 : i32
        %parallel_loop3A_538 = tpu.memref_slice %arg9[%parallel_loop3A_143, %parallel_loop3A_536, %parallel_loop3A_537] : memref<4x128x64xbf16, #tpu.memory_space<vmem>> -> memref<1x128x64xbf16, #tpu.memory_space<vmem>>
        %parallel_loop3A_539 = tpu.memref_squeeze %parallel_loop3A_538 : memref<1x128x64xbf16, #tpu.memory_space<vmem>> -> memref<128x64xbf16, #tpu.memory_space<vmem>>
        %parallel_loop3A_540 = arith.index_cast %parallel_loop3A_528 : i32 to index
        %parallel_loop3A_541 = arith.constant 0 : index
        %parallel_loop3A_542 = tpu.vector_load %parallel_loop3A_539[%parallel_loop3A_540, %parallel_loop3A_541] {strides = array<i32>} : memref<128x64xbf16, #tpu.memory_space<vmem>>, vector<32xbf16>,
        %parallel_loop3A_543 = arith.mulf %parallel_loop3A_535, %parallel_loop3A_542 : vector<32xbf16>
        %parallel_loop3A_544 = arith.constant 0 : i32
        %parallel_loop3A_545 = arith.constant 0 : i32
        %parallel_loop3A_546 = tpu.memref_slice %arg8[%parallel_loop3A_142, %parallel_loop3A_544, %parallel_loop3A_545] : memref<4x128x64xbf16, #tpu.memory_space<vmem>> -> memref<1x128x64xbf16, #tpu.memory_space<vmem>>
        %parallel_loop3A_547 = tpu.memref_squeeze %parallel_loop3A_546 : memref<1x128x64xbf16, #tpu.memory_space<vmem>> -> memref<128x64xbf16, #tpu.memory_space<vmem>>
        %parallel_loop3A_548 = arith.index_cast %parallel_loop3A_528 : i32 to index
        %parallel_loop3A_549 = arith.constant 32 : index
        %parallel_loop3A_550 = tpu.vector_load %parallel_loop3A_547[%parallel_loop3A_548, %parallel_loop3A_549] {strides = array<i32>} : memref<128x64xbf16, #tpu.memory_space<vmem>>, vector<32xbf16>,
        %parallel_loop3A_551 = arith.constant 0 : i32
        %parallel_loop3A_552 = arith.constant 0 : i32
        %parallel_loop3A_553 = tpu.memref_slice %arg9[%parallel_loop3A_143, %parallel_loop3A_551, %parallel_loop3A_552] : memref<4x128x64xbf16, #tpu.memory_space<vmem>> -> memref<1x128x64xbf16, #tpu.memory_space<vmem>>
        %parallel_loop3A_554 = tpu.memref_squeeze %parallel_loop3A_553 : memref<1x128x64xbf16, #tpu.memory_space<vmem>> -> memref<128x64xbf16, #tpu.memory_space<vmem>>
        %parallel_loop3A_555 = arith.index_cast %parallel_loop3A_528 : i32 to index
        %parallel_loop3A_556 = arith.constant 32 : index
        %parallel_loop3A_557 = tpu.vector_load %parallel_loop3A_554[%parallel_loop3A_555, %parallel_loop3A_556] {strides = array<i32>} : memref<128x64xbf16, #tpu.memory_space<vmem>>, vector<32xbf16>,
        %parallel_loop3A_558 = arith.mulf %parallel_loop3A_550, %parallel_loop3A_557 : vector<32xbf16>
        %parallel_loop3A_559 = arith.addf %parallel_loop3A_543, %parallel_loop3A_558 : vector<32xbf16>
        %parallel_loop3A_560 = tpu.unpack_subelements %parallel_loop3A_559, 0 {pack_format = #tpu.pack_format<interleaved>} : vector<32xbf16> -> vector<16xf32>
        %parallel_loop3A_561 = tpu.unpack_subelements %parallel_loop3A_559, 1 {pack_format = #tpu.pack_format<interleaved>} : vector<32xbf16> -> vector<16xf32>
        %parallel_loop3A_562 = arith.addf %parallel_loop3A_560, %parallel_loop3A_561 : vector<16xf32>
        %parallel_loop3A_563 = arith.constant 16 : i32
        %parallel_loop3A_564 = arith.muli %parallel_loop3A_220, %parallel_loop3A_563 : i32
        %parallel_loop3A_565 = arith.constant 9 : i32
        %parallel_loop3A_566 = arith.addi %parallel_loop3A_564, %parallel_loop3A_565 : i32
        %parallel_loop3A_567 = arith.constant 0 : i32
        %parallel_loop3A_568 = arith.constant 0 : i32
        %parallel_loop3A_569 = tpu.memref_slice %arg8[%parallel_loop3A_142, %parallel_loop3A_567, %parallel_loop3A_568] : memref<4x128x64xbf16, #tpu.memory_space<vmem>> -> memref<1x128x64xbf16, #tpu.memory_space<vmem>>
        %parallel_loop3A_570 = tpu.memref_squeeze %parallel_loop3A_569 : memref<1x128x64xbf16, #tpu.memory_space<vmem>> -> memref<128x64xbf16, #tpu.memory_space<vmem>>
        %parallel_loop3A_571 = arith.index_cast %parallel_loop3A_566 : i32 to index
        %parallel_loop3A_572 = arith.constant 0 : index
        %parallel_loop3A_573 = tpu.vector_load %parallel_loop3A_570[%parallel_loop3A_571, %parallel_loop3A_572] {strides = array<i32>} : memref<128x64xbf16, #tpu.memory_space<vmem>>, vector<32xbf16>,
        %parallel_loop3A_574 = arith.constant 0 : i32
        %parallel_loop3A_575 = arith.constant 0 : i32
        %parallel_loop3A_576 = tpu.memref_slice %arg9[%parallel_loop3A_143, %parallel_loop3A_574, %parallel_loop3A_575] : memref<4x128x64xbf16, #tpu.memory_space<vmem>> -> memref<1x128x64xbf16, #tpu.memory_space<vmem>>
        %parallel_loop3A_577 = tpu.memref_squeeze %parallel_loop3A_576 : memref<1x128x64xbf16, #tpu.memory_space<vmem>> -> memref<128x64xbf16, #tpu.memory_space<vmem>>
        %parallel_loop3A_578 = arith.index_cast %parallel_loop3A_566 : i32 to index
        %parallel_loop3A_579 = arith.constant 0 : index
        %parallel_loop3A_580 = tpu.vector_load %parallel_loop3A_577[%parallel_loop3A_578, %parallel_loop3A_579] {strides = array<i32>} : memref<128x64xbf16, #tpu.memory_space<vmem>>, vector<32xbf16>,
        %parallel_loop3A_581 = arith.mulf %parallel_loop3A_573, %parallel_loop3A_580 : vector<32xbf16>
        %parallel_loop3A_582 = arith.constant 0 : i32
        %parallel_loop3A_583 = arith.constant 0 : i32
        %parallel_loop3A_584 = tpu.memref_slice %arg8[%parallel_loop3A_142, %parallel_loop3A_582, %parallel_loop3A_583] : memref<4x128x64xbf16, #tpu.memory_space<vmem>> -> memref<1x128x64xbf16, #tpu.memory_space<vmem>>
        %parallel_loop3A_585 = tpu.memref_squeeze %parallel_loop3A_584 : memref<1x128x64xbf16, #tpu.memory_space<vmem>> -> memref<128x64xbf16, #tpu.memory_space<vmem>>
        %parallel_loop3A_586 = arith.index_cast %parallel_loop3A_566 : i32 to index
        %parallel_loop3A_587 = arith.constant 32 : index
        %parallel_loop3A_588 = tpu.vector_load %parallel_loop3A_585[%parallel_loop3A_586, %parallel_loop3A_587] {strides = array<i32>} : memref<128x64xbf16, #tpu.memory_space<vmem>>, vector<32xbf16>,
        %parallel_loop3A_589 = arith.constant 0 : i32
        %parallel_loop3A_590 = arith.constant 0 : i32
        %parallel_loop3A_591 = tpu.memref_slice %arg9[%parallel_loop3A_143, %parallel_loop3A_589, %parallel_loop3A_590] : memref<4x128x64xbf16, #tpu.memory_space<vmem>> -> memref<1x128x64xbf16, #tpu.memory_space<vmem>>
        %parallel_loop3A_592 = tpu.memref_squeeze %parallel_loop3A_591 : memref<1x128x64xbf16, #tpu.memory_space<vmem>> -> memref<128x64xbf16, #tpu.memory_space<vmem>>
        %parallel_loop3A_593 = arith.index_cast %parallel_loop3A_566 : i32 to index
        %parallel_loop3A_594 = arith.constant 32 : index
        %parallel_loop3A_595 = tpu.vector_load %parallel_loop3A_592[%parallel_loop3A_593, %parallel_loop3A_594] {strides = array<i32>} : memref<128x64xbf16, #tpu.memory_space<vmem>>, vector<32xbf16>,
        %parallel_loop3A_596 = arith.mulf %parallel_loop3A_588, %parallel_loop3A_595 : vector<32xbf16>
        %parallel_loop3A_597 = arith.addf %parallel_loop3A_581, %parallel_loop3A_596 : vector<32xbf16>
        %parallel_loop3A_598 = tpu.unpack_subelements %parallel_loop3A_597, 0 {pack_format = #tpu.pack_format<interleaved>} : vector<32xbf16> -> vector<16xf32>
        %parallel_loop3A_599 = tpu.unpack_subelements %parallel_loop3A_597, 1 {pack_format = #tpu.pack_format<interleaved>} : vector<32xbf16> -> vector<16xf32>
        %parallel_loop3A_600 = arith.addf %parallel_loop3A_598, %parallel_loop3A_599 : vector<16xf32>
        %parallel_loop3A_601 = arith.constant 16 : i32
        %parallel_loop3A_602 = arith.muli %parallel_loop3A_220, %parallel_loop3A_601 : i32
        %parallel_loop3A_603 = arith.constant 10 : i32
        %parallel_loop3A_604 = arith.addi %parallel_loop3A_602, %parallel_loop3A_603 : i32
        %parallel_loop3A_605 = arith.constant 0 : i32
        %parallel_loop3A_606 = arith.constant 0 : i32
        %parallel_loop3A_607 = tpu.memref_slice %arg8[%parallel_loop3A_142, %parallel_loop3A_605, %parallel_loop3A_606] : memref<4x128x64xbf16, #tpu.memory_space<vmem>> -> memref<1x128x64xbf16, #tpu.memory_space<vmem>>
        %parallel_loop3A_608 = tpu.memref_squeeze %parallel_loop3A_607 : memref<1x128x64xbf16, #tpu.memory_space<vmem>> -> memref<128x64xbf16, #tpu.memory_space<vmem>>
        %parallel_loop3A_609 = arith.index_cast %parallel_loop3A_604 : i32 to index
        %parallel_loop3A_610 = arith.constant 0 : index
        %parallel_loop3A_611 = tpu.vector_load %parallel_loop3A_608[%parallel_loop3A_609, %parallel_loop3A_610] {strides = array<i32>} : memref<128x64xbf16, #tpu.memory_space<vmem>>, vector<32xbf16>,
        %parallel_loop3A_612 = arith.constant 0 : i32
        %parallel_loop3A_613 = arith.constant 0 : i32
        %parallel_loop3A_614 = tpu.memref_slice %arg9[%parallel_loop3A_143, %parallel_loop3A_612, %parallel_loop3A_613] : memref<4x128x64xbf16, #tpu.memory_space<vmem>> -> memref<1x128x64xbf16, #tpu.memory_space<vmem>>
        %parallel_loop3A_615 = tpu.memref_squeeze %parallel_loop3A_614 : memref<1x128x64xbf16, #tpu.memory_space<vmem>> -> memref<128x64xbf16, #tpu.memory_space<vmem>>
        %parallel_loop3A_616 = arith.index_cast %parallel_loop3A_604 : i32 to index
        %parallel_loop3A_617 = arith.constant 0 : index
        %parallel_loop3A_618 = tpu.vector_load %parallel_loop3A_615[%parallel_loop3A_616, %parallel_loop3A_617] {strides = array<i32>} : memref<128x64xbf16, #tpu.memory_space<vmem>>, vector<32xbf16>,
        %parallel_loop3A_619 = arith.mulf %parallel_loop3A_611, %parallel_loop3A_618 : vector<32xbf16>
        %parallel_loop3A_620 = arith.constant 0 : i32
        %parallel_loop3A_621 = arith.constant 0 : i32
        %parallel_loop3A_622 = tpu.memref_slice %arg8[%parallel_loop3A_142, %parallel_loop3A_620, %parallel_loop3A_621] : memref<4x128x64xbf16, #tpu.memory_space<vmem>> -> memref<1x128x64xbf16, #tpu.memory_space<vmem>>
        %parallel_loop3A_623 = tpu.memref_squeeze %parallel_loop3A_622 : memref<1x128x64xbf16, #tpu.memory_space<vmem>> -> memref<128x64xbf16, #tpu.memory_space<vmem>>
        %parallel_loop3A_624 = arith.index_cast %parallel_loop3A_604 : i32 to index
        %parallel_loop3A_625 = arith.constant 32 : index
        %parallel_loop3A_626 = tpu.vector_load %parallel_loop3A_623[%parallel_loop3A_624, %parallel_loop3A_625] {strides = array<i32>} : memref<128x64xbf16, #tpu.memory_space<vmem>>, vector<32xbf16>,
        %parallel_loop3A_627 = arith.constant 0 : i32
        %parallel_loop3A_628 = arith.constant 0 : i32
        %parallel_loop3A_629 = tpu.memref_slice %arg9[%parallel_loop3A_143, %parallel_loop3A_627, %parallel_loop3A_628] : memref<4x128x64xbf16, #tpu.memory_space<vmem>> -> memref<1x128x64xbf16, #tpu.memory_space<vmem>>
        %parallel_loop3A_630 = tpu.memref_squeeze %parallel_loop3A_629 : memref<1x128x64xbf16, #tpu.memory_space<vmem>> -> memref<128x64xbf16, #tpu.memory_space<vmem>>
        %parallel_loop3A_631 = arith.index_cast %parallel_loop3A_604 : i32 to index
        %parallel_loop3A_632 = arith.constant 32 : index
        %parallel_loop3A_633 = tpu.vector_load %parallel_loop3A_630[%parallel_loop3A_631, %parallel_loop3A_632] {strides = array<i32>} : memref<128x64xbf16, #tpu.memory_space<vmem>>, vector<32xbf16>,
        %parallel_loop3A_634 = arith.mulf %parallel_loop3A_626, %parallel_loop3A_633 : vector<32xbf16>
        %parallel_loop3A_635 = arith.addf %parallel_loop3A_619, %parallel_loop3A_634 : vector<32xbf16>
        %parallel_loop3A_636 = tpu.unpack_subelements %parallel_loop3A_635, 0 {pack_format = #tpu.pack_format<interleaved>} : vector<32xbf16> -> vector<16xf32>
        %parallel_loop3A_637 = tpu.unpack_subelements %parallel_loop3A_635, 1 {pack_format = #tpu.pack_format<interleaved>} : vector<32xbf16> -> vector<16xf32>
        %parallel_loop3A_638 = arith.addf %parallel_loop3A_636, %parallel_loop3A_637 : vector<16xf32>
        %parallel_loop3A_639 = arith.constant 16 : i32
        %parallel_loop3A_640 = arith.muli %parallel_loop3A_220, %parallel_loop3A_639 : i32
        %parallel_loop3A_641 = arith.constant 11 : i32
        %parallel_loop3A_642 = arith.addi %parallel_loop3A_640, %parallel_loop3A_641 : i32
        %parallel_loop3A_643 = arith.constant 0 : i32
        %parallel_loop3A_644 = arith.constant 0 : i32
        %parallel_loop3A_645 = tpu.memref_slice %arg8[%parallel_loop3A_142, %parallel_loop3A_643, %parallel_loop3A_644] : memref<4x128x64xbf16, #tpu.memory_space<vmem>> -> memref<1x128x64xbf16, #tpu.memory_space<vmem>>
        %parallel_loop3A_646 = tpu.memref_squeeze %parallel_loop3A_645 : memref<1x128x64xbf16, #tpu.memory_space<vmem>> -> memref<128x64xbf16, #tpu.memory_space<vmem>>
        %parallel_loop3A_647 = arith.index_cast %parallel_loop3A_642 : i32 to index
        %parallel_loop3A_648 = arith.constant 0 : index
        %parallel_loop3A_649 = tpu.vector_load %parallel_loop3A_646[%parallel_loop3A_647, %parallel_loop3A_648] {strides = array<i32>} : memref<128x64xbf16, #tpu.memory_space<vmem>>, vector<32xbf16>,
        %parallel_loop3A_650 = arith.constant 0 : i32
        %parallel_loop3A_651 = arith.constant 0 : i32
        %parallel_loop3A_652 = tpu.memref_slice %arg9[%parallel_loop3A_143, %parallel_loop3A_650, %parallel_loop3A_651] : memref<4x128x64xbf16, #tpu.memory_space<vmem>> -> memref<1x128x64xbf16, #tpu.memory_space<vmem>>
        %parallel_loop3A_653 = tpu.memref_squeeze %parallel_loop3A_652 : memref<1x128x64xbf16, #tpu.memory_space<vmem>> -> memref<128x64xbf16, #tpu.memory_space<vmem>>
        %parallel_loop3A_654 = arith.index_cast %parallel_loop3A_642 : i32 to index
        %parallel_loop3A_655 = arith.constant 0 : index
        %parallel_loop3A_656 = tpu.vector_load %parallel_loop3A_653[%parallel_loop3A_654, %parallel_loop3A_655] {strides = array<i32>} : memref<128x64xbf16, #tpu.memory_space<vmem>>, vector<32xbf16>,
        %parallel_loop3A_657 = arith.mulf %parallel_loop3A_649, %parallel_loop3A_656 : vector<32xbf16>
        %parallel_loop3A_658 = arith.constant 0 : i32
        %parallel_loop3A_659 = arith.constant 0 : i32
        %parallel_loop3A_660 = tpu.memref_slice %arg8[%parallel_loop3A_142, %parallel_loop3A_658, %parallel_loop3A_659] : memref<4x128x64xbf16, #tpu.memory_space<vmem>> -> memref<1x128x64xbf16, #tpu.memory_space<vmem>>
        %parallel_loop3A_661 = tpu.memref_squeeze %parallel_loop3A_660 : memref<1x128x64xbf16, #tpu.memory_space<vmem>> -> memref<128x64xbf16, #tpu.memory_space<vmem>>
        %parallel_loop3A_662 = arith.index_cast %parallel_loop3A_642 : i32 to index
        %parallel_loop3A_663 = arith.constant 32 : index
        %parallel_loop3A_664 = tpu.vector_load %parallel_loop3A_661[%parallel_loop3A_662, %parallel_loop3A_663] {strides = array<i32>} : memref<128x64xbf16, #tpu.memory_space<vmem>>, vector<32xbf16>,
        %parallel_loop3A_665 = arith.constant 0 : i32
        %parallel_loop3A_666 = arith.constant 0 : i32
        %parallel_loop3A_667 = tpu.memref_slice %arg9[%parallel_loop3A_143, %parallel_loop3A_665, %parallel_loop3A_666] : memref<4x128x64xbf16, #tpu.memory_space<vmem>> -> memref<1x128x64xbf16, #tpu.memory_space<vmem>>
        %parallel_loop3A_668 = tpu.memref_squeeze %parallel_loop3A_667 : memref<1x128x64xbf16, #tpu.memory_space<vmem>> -> memref<128x64xbf16, #tpu.memory_space<vmem>>
        %parallel_loop3A_669 = arith.index_cast %parallel_loop3A_642 : i32 to index
        %parallel_loop3A_670 = arith.constant 32 : index
        %parallel_loop3A_671 = tpu.vector_load %parallel_loop3A_668[%parallel_loop3A_669, %parallel_loop3A_670] {strides = array<i32>} : memref<128x64xbf16, #tpu.memory_space<vmem>>, vector<32xbf16>,
        %parallel_loop3A_672 = arith.mulf %parallel_loop3A_664, %parallel_loop3A_671 : vector<32xbf16>
        %parallel_loop3A_673 = arith.addf %parallel_loop3A_657, %parallel_loop3A_672 : vector<32xbf16>
        %parallel_loop3A_674 = tpu.unpack_subelements %parallel_loop3A_673, 0 {pack_format = #tpu.pack_format<interleaved>} : vector<32xbf16> -> vector<16xf32>
        %parallel_loop3A_675 = tpu.unpack_subelements %parallel_loop3A_673, 1 {pack_format = #tpu.pack_format<interleaved>} : vector<32xbf16> -> vector<16xf32>
        %parallel_loop3A_676 = arith.addf %parallel_loop3A_674, %parallel_loop3A_675 : vector<16xf32>
        %parallel_loop3A_677 = arith.constant 16 : i32
        %parallel_loop3A_678 = arith.muli %parallel_loop3A_220, %parallel_loop3A_677 : i32
        %parallel_loop3A_679 = arith.constant 12 : i32
        %parallel_loop3A_680 = arith.addi %parallel_loop3A_678, %parallel_loop3A_679 : i32
        %parallel_loop3A_681 = arith.constant 0 : i32
        %parallel_loop3A_682 = arith.constant 0 : i32
        %parallel_loop3A_683 = tpu.memref_slice %arg8[%parallel_loop3A_142, %parallel_loop3A_681, %parallel_loop3A_682] : memref<4x128x64xbf16, #tpu.memory_space<vmem>> -> memref<1x128x64xbf16, #tpu.memory_space<vmem>>
        %parallel_loop3A_684 = tpu.memref_squeeze %parallel_loop3A_683 : memref<1x128x64xbf16, #tpu.memory_space<vmem>> -> memref<128x64xbf16, #tpu.memory_space<vmem>>
        %parallel_loop3A_685 = arith.index_cast %parallel_loop3A_680 : i32 to index
        %parallel_loop3A_686 = arith.constant 0 : index
        %parallel_loop3A_687 = tpu.vector_load %parallel_loop3A_684[%parallel_loop3A_685, %parallel_loop3A_686] {strides = array<i32>} : memref<128x64xbf16, #tpu.memory_space<vmem>>, vector<32xbf16>,
        %parallel_loop3A_688 = arith.constant 0 : i32
        %parallel_loop3A_689 = arith.constant 0 : i32
        %parallel_loop3A_690 = tpu.memref_slice %arg9[%parallel_loop3A_143, %parallel_loop3A_688, %parallel_loop3A_689] : memref<4x128x64xbf16, #tpu.memory_space<vmem>> -> memref<1x128x64xbf16, #tpu.memory_space<vmem>>
        %parallel_loop3A_691 = tpu.memref_squeeze %parallel_loop3A_690 : memref<1x128x64xbf16, #tpu.memory_space<vmem>> -> memref<128x64xbf16, #tpu.memory_space<vmem>>
        %parallel_loop3A_692 = arith.index_cast %parallel_loop3A_680 : i32 to index
        %parallel_loop3A_693 = arith.constant 0 : index
        %parallel_loop3A_694 = tpu.vector_load %parallel_loop3A_691[%parallel_loop3A_692, %parallel_loop3A_693] {strides = array<i32>} : memref<128x64xbf16, #tpu.memory_space<vmem>>, vector<32xbf16>,
        %parallel_loop3A_695 = arith.mulf %parallel_loop3A_687, %parallel_loop3A_694 : vector<32xbf16>
        %parallel_loop3A_696 = arith.constant 0 : i32
        %parallel_loop3A_697 = arith.constant 0 : i32
        %parallel_loop3A_698 = tpu.memref_slice %arg8[%parallel_loop3A_142, %parallel_loop3A_696, %parallel_loop3A_697] : memref<4x128x64xbf16, #tpu.memory_space<vmem>> -> memref<1x128x64xbf16, #tpu.memory_space<vmem>>
        %parallel_loop3A_699 = tpu.memref_squeeze %parallel_loop3A_698 : memref<1x128x64xbf16, #tpu.memory_space<vmem>> -> memref<128x64xbf16, #tpu.memory_space<vmem>>
        %parallel_loop3A_700 = arith.index_cast %parallel_loop3A_680 : i32 to index
        %parallel_loop3A_701 = arith.constant 32 : index
        %parallel_loop3A_702 = tpu.vector_load %parallel_loop3A_699[%parallel_loop3A_700, %parallel_loop3A_701] {strides = array<i32>} : memref<128x64xbf16, #tpu.memory_space<vmem>>, vector<32xbf16>,
        %parallel_loop3A_703 = arith.constant 0 : i32
        %parallel_loop3A_704 = arith.constant 0 : i32
        %parallel_loop3A_705 = tpu.memref_slice %arg9[%parallel_loop3A_143, %parallel_loop3A_703, %parallel_loop3A_704] : memref<4x128x64xbf16, #tpu.memory_space<vmem>> -> memref<1x128x64xbf16, #tpu.memory_space<vmem>>
        %parallel_loop3A_706 = tpu.memref_squeeze %parallel_loop3A_705 : memref<1x128x64xbf16, #tpu.memory_space<vmem>> -> memref<128x64xbf16, #tpu.memory_space<vmem>>
        %parallel_loop3A_707 = arith.index_cast %parallel_loop3A_680 : i32 to index
        %parallel_loop3A_708 = arith.constant 32 : index
        %parallel_loop3A_709 = tpu.vector_load %parallel_loop3A_706[%parallel_loop3A_707, %parallel_loop3A_708] {strides = array<i32>} : memref<128x64xbf16, #tpu.memory_space<vmem>>, vector<32xbf16>,
        %parallel_loop3A_710 = arith.mulf %parallel_loop3A_702, %parallel_loop3A_709 : vector<32xbf16>
        %parallel_loop3A_711 = arith.addf %parallel_loop3A_695, %parallel_loop3A_710 : vector<32xbf16>
        %parallel_loop3A_712 = tpu.unpack_subelements %parallel_loop3A_711, 0 {pack_format = #tpu.pack_format<interleaved>} : vector<32xbf16> -> vector<16xf32>
        %parallel_loop3A_713 = tpu.unpack_subelements %parallel_loop3A_711, 1 {pack_format = #tpu.pack_format<interleaved>} : vector<32xbf16> -> vector<16xf32>
        %parallel_loop3A_714 = arith.addf %parallel_loop3A_712, %parallel_loop3A_713 : vector<16xf32>
        %parallel_loop3A_715 = arith.constant 16 : i32
        %parallel_loop3A_716 = arith.muli %parallel_loop3A_220, %parallel_loop3A_715 : i32
        %parallel_loop3A_717 = arith.constant 13 : i32
        %parallel_loop3A_718 = arith.addi %parallel_loop3A_716, %parallel_loop3A_717 : i32
        %parallel_loop3A_719 = arith.constant 0 : i32
        %parallel_loop3A_720 = arith.constant 0 : i32
        %parallel_loop3A_721 = tpu.memref_slice %arg8[%parallel_loop3A_142, %parallel_loop3A_719, %parallel_loop3A_720] : memref<4x128x64xbf16, #tpu.memory_space<vmem>> -> memref<1x128x64xbf16, #tpu.memory_space<vmem>>
        %parallel_loop3A_722 = tpu.memref_squeeze %parallel_loop3A_721 : memref<1x128x64xbf16, #tpu.memory_space<vmem>> -> memref<128x64xbf16, #tpu.memory_space<vmem>>
        %parallel_loop3A_723 = arith.index_cast %parallel_loop3A_718 : i32 to index
        %parallel_loop3A_724 = arith.constant 0 : index
        %parallel_loop3A_725 = tpu.vector_load %parallel_loop3A_722[%parallel_loop3A_723, %parallel_loop3A_724] {strides = array<i32>} : memref<128x64xbf16, #tpu.memory_space<vmem>>, vector<32xbf16>,
        %parallel_loop3A_726 = arith.constant 0 : i32
        %parallel_loop3A_727 = arith.constant 0 : i32
        %parallel_loop3A_728 = tpu.memref_slice %arg9[%parallel_loop3A_143, %parallel_loop3A_726, %parallel_loop3A_727] : memref<4x128x64xbf16, #tpu.memory_space<vmem>> -> memref<1x128x64xbf16, #tpu.memory_space<vmem>>
        %parallel_loop3A_729 = tpu.memref_squeeze %parallel_loop3A_728 : memref<1x128x64xbf16, #tpu.memory_space<vmem>> -> memref<128x64xbf16, #tpu.memory_space<vmem>>
        %parallel_loop3A_730 = arith.index_cast %parallel_loop3A_718 : i32 to index
        %parallel_loop3A_731 = arith.constant 0 : index
        %parallel_loop3A_732 = tpu.vector_load %parallel_loop3A_729[%parallel_loop3A_730, %parallel_loop3A_731] {strides = array<i32>} : memref<128x64xbf16, #tpu.memory_space<vmem>>, vector<32xbf16>,
        %parallel_loop3A_733 = arith.mulf %parallel_loop3A_725, %parallel_loop3A_732 : vector<32xbf16>
        %parallel_loop3A_734 = arith.constant 0 : i32
        %parallel_loop3A_735 = arith.constant 0 : i32
        %parallel_loop3A_736 = tpu.memref_slice %arg8[%parallel_loop3A_142, %parallel_loop3A_734, %parallel_loop3A_735] : memref<4x128x64xbf16, #tpu.memory_space<vmem>> -> memref<1x128x64xbf16, #tpu.memory_space<vmem>>
        %parallel_loop3A_737 = tpu.memref_squeeze %parallel_loop3A_736 : memref<1x128x64xbf16, #tpu.memory_space<vmem>> -> memref<128x64xbf16, #tpu.memory_space<vmem>>
        %parallel_loop3A_738 = arith.index_cast %parallel_loop3A_718 : i32 to index
        %parallel_loop3A_739 = arith.constant 32 : index
        %parallel_loop3A_740 = tpu.vector_load %parallel_loop3A_737[%parallel_loop3A_738, %parallel_loop3A_739] {strides = array<i32>} : memref<128x64xbf16, #tpu.memory_space<vmem>>, vector<32xbf16>,
        %parallel_loop3A_741 = arith.constant 0 : i32
        %parallel_loop3A_742 = arith.constant 0 : i32
        %parallel_loop3A_743 = tpu.memref_slice %arg9[%parallel_loop3A_143, %parallel_loop3A_741, %parallel_loop3A_742] : memref<4x128x64xbf16, #tpu.memory_space<vmem>> -> memref<1x128x64xbf16, #tpu.memory_space<vmem>>
        %parallel_loop3A_744 = tpu.memref_squeeze %parallel_loop3A_743 : memref<1x128x64xbf16, #tpu.memory_space<vmem>> -> memref<128x64xbf16, #tpu.memory_space<vmem>>
        %parallel_loop3A_745 = arith.index_cast %parallel_loop3A_718 : i32 to index
        %parallel_loop3A_746 = arith.constant 32 : index
        %parallel_loop3A_747 = tpu.vector_load %parallel_loop3A_744[%parallel_loop3A_745, %parallel_loop3A_746] {strides = array<i32>} : memref<128x64xbf16, #tpu.memory_space<vmem>>, vector<32xbf16>,
        %parallel_loop3A_748 = arith.mulf %parallel_loop3A_740, %parallel_loop3A_747 : vector<32xbf16>
        %parallel_loop3A_749 = arith.addf %parallel_loop3A_733, %parallel_loop3A_748 : vector<32xbf16>
        %parallel_loop3A_750 = tpu.unpack_subelements %parallel_loop3A_749, 0 {pack_format = #tpu.pack_format<interleaved>} : vector<32xbf16> -> vector<16xf32>
        %parallel_loop3A_751 = tpu.unpack_subelements %parallel_loop3A_749, 1 {pack_format = #tpu.pack_format<interleaved>} : vector<32xbf16> -> vector<16xf32>
        %parallel_loop3A_752 = arith.addf %parallel_loop3A_750, %parallel_loop3A_751 : vector<16xf32>
        %parallel_loop3A_753 = arith.constant 16 : i32
        %parallel_loop3A_754 = arith.muli %parallel_loop3A_220, %parallel_loop3A_753 : i32
        %parallel_loop3A_755 = arith.constant 14 : i32
        %parallel_loop3A_756 = arith.addi %parallel_loop3A_754, %parallel_loop3A_755 : i32
        %parallel_loop3A_757 = arith.constant 0 : i32
        %parallel_loop3A_758 = arith.constant 0 : i32
        %parallel_loop3A_759 = tpu.memref_slice %arg8[%parallel_loop3A_142, %parallel_loop3A_757, %parallel_loop3A_758] : memref<4x128x64xbf16, #tpu.memory_space<vmem>> -> memref<1x128x64xbf16, #tpu.memory_space<vmem>>
        %parallel_loop3A_760 = tpu.memref_squeeze %parallel_loop3A_759 : memref<1x128x64xbf16, #tpu.memory_space<vmem>> -> memref<128x64xbf16, #tpu.memory_space<vmem>>
        %parallel_loop3A_761 = arith.index_cast %parallel_loop3A_756 : i32 to index
        %parallel_loop3A_762 = arith.constant 0 : index
        %parallel_loop3A_763 = tpu.vector_load %parallel_loop3A_760[%parallel_loop3A_761, %parallel_loop3A_762] {strides = array<i32>} : memref<128x64xbf16, #tpu.memory_space<vmem>>, vector<32xbf16>,
        %parallel_loop3A_764 = arith.constant 0 : i32
        %parallel_loop3A_765 = arith.constant 0 : i32
        %parallel_loop3A_766 = tpu.memref_slice %arg9[%parallel_loop3A_143, %parallel_loop3A_764, %parallel_loop3A_765] : memref<4x128x64xbf16, #tpu.memory_space<vmem>> -> memref<1x128x64xbf16, #tpu.memory_space<vmem>>
        %parallel_loop3A_767 = tpu.memref_squeeze %parallel_loop3A_766 : memref<1x128x64xbf16, #tpu.memory_space<vmem>> -> memref<128x64xbf16, #tpu.memory_space<vmem>>
        %parallel_loop3A_768 = arith.index_cast %parallel_loop3A_756 : i32 to index
        %parallel_loop3A_769 = arith.constant 0 : index
        %parallel_loop3A_770 = tpu.vector_load %parallel_loop3A_767[%parallel_loop3A_768, %parallel_loop3A_769] {strides = array<i32>} : memref<128x64xbf16, #tpu.memory_space<vmem>>, vector<32xbf16>,
        %parallel_loop3A_771 = arith.mulf %parallel_loop3A_763, %parallel_loop3A_770 : vector<32xbf16>
        %parallel_loop3A_772 = arith.constant 0 : i32
        %parallel_loop3A_773 = arith.constant 0 : i32
        %parallel_loop3A_774 = tpu.memref_slice %arg8[%parallel_loop3A_142, %parallel_loop3A_772, %parallel_loop3A_773] : memref<4x128x64xbf16, #tpu.memory_space<vmem>> -> memref<1x128x64xbf16, #tpu.memory_space<vmem>>
        %parallel_loop3A_775 = tpu.memref_squeeze %parallel_loop3A_774 : memref<1x128x64xbf16, #tpu.memory_space<vmem>> -> memref<128x64xbf16, #tpu.memory_space<vmem>>
        %parallel_loop3A_776 = arith.index_cast %parallel_loop3A_756 : i32 to index
        %parallel_loop3A_777 = arith.constant 32 : index
        %parallel_loop3A_778 = tpu.vector_load %parallel_loop3A_775[%parallel_loop3A_776, %parallel_loop3A_777] {strides = array<i32>} : memref<128x64xbf16, #tpu.memory_space<vmem>>, vector<32xbf16>,
        %parallel_loop3A_779 = arith.constant 0 : i32
        %parallel_loop3A_780 = arith.constant 0 : i32
        %parallel_loop3A_781 = tpu.memref_slice %arg9[%parallel_loop3A_143, %parallel_loop3A_779, %parallel_loop3A_780] : memref<4x128x64xbf16, #tpu.memory_space<vmem>> -> memref<1x128x64xbf16, #tpu.memory_space<vmem>>
        %parallel_loop3A_782 = tpu.memref_squeeze %parallel_loop3A_781 : memref<1x128x64xbf16, #tpu.memory_space<vmem>> -> memref<128x64xbf16, #tpu.memory_space<vmem>>
        %parallel_loop3A_783 = arith.index_cast %parallel_loop3A_756 : i32 to index
        %parallel_loop3A_784 = arith.constant 32 : index
        %parallel_loop3A_785 = tpu.vector_load %parallel_loop3A_782[%parallel_loop3A_783, %parallel_loop3A_784] {strides = array<i32>} : memref<128x64xbf16, #tpu.memory_space<vmem>>, vector<32xbf16>,
        %parallel_loop3A_786 = arith.mulf %parallel_loop3A_778, %parallel_loop3A_785 : vector<32xbf16>
        %parallel_loop3A_787 = arith.addf %parallel_loop3A_771, %parallel_loop3A_786 : vector<32xbf16>
        %parallel_loop3A_788 = tpu.unpack_subelements %parallel_loop3A_787, 0 {pack_format = #tpu.pack_format<interleaved>} : vector<32xbf16> -> vector<16xf32>
        %parallel_loop3A_789 = tpu.unpack_subelements %parallel_loop3A_787, 1 {pack_format = #tpu.pack_format<interleaved>} : vector<32xbf16> -> vector<16xf32>
        %parallel_loop3A_790 = arith.addf %parallel_loop3A_788, %parallel_loop3A_789 : vector<16xf32>
        %parallel_loop3A_791 = arith.constant 16 : i32
        %parallel_loop3A_792 = arith.muli %parallel_loop3A_220, %parallel_loop3A_791 : i32
        %parallel_loop3A_793 = arith.constant 15 : i32
        %parallel_loop3A_794 = arith.addi %parallel_loop3A_792, %parallel_loop3A_793 : i32
        %parallel_loop3A_795 = arith.constant 0 : i32
        %parallel_loop3A_796 = arith.constant 0 : i32
        %parallel_loop3A_797 = tpu.memref_slice %arg8[%parallel_loop3A_142, %parallel_loop3A_795, %parallel_loop3A_796] : memref<4x128x64xbf16, #tpu.memory_space<vmem>> -> memref<1x128x64xbf16, #tpu.memory_space<vmem>>
        %parallel_loop3A_798 = tpu.memref_squeeze %parallel_loop3A_797 : memref<1x128x64xbf16, #tpu.memory_space<vmem>> -> memref<128x64xbf16, #tpu.memory_space<vmem>>
        %parallel_loop3A_799 = arith.index_cast %parallel_loop3A_794 : i32 to index
        %parallel_loop3A_800 = arith.constant 0 : index
        %parallel_loop3A_801 = tpu.vector_load %parallel_loop3A_798[%parallel_loop3A_799, %parallel_loop3A_800] {strides = array<i32>} : memref<128x64xbf16, #tpu.memory_space<vmem>>, vector<32xbf16>,
        %parallel_loop3A_802 = arith.constant 0 : i32
        %parallel_loop3A_803 = arith.constant 0 : i32
        %parallel_loop3A_804 = tpu.memref_slice %arg9[%parallel_loop3A_143, %parallel_loop3A_802, %parallel_loop3A_803] : memref<4x128x64xbf16, #tpu.memory_space<vmem>> -> memref<1x128x64xbf16, #tpu.memory_space<vmem>>
        %parallel_loop3A_805 = tpu.memref_squeeze %parallel_loop3A_804 : memref<1x128x64xbf16, #tpu.memory_space<vmem>> -> memref<128x64xbf16, #tpu.memory_space<vmem>>
        %parallel_loop3A_806 = arith.index_cast %parallel_loop3A_794 : i32 to index
        %parallel_loop3A_807 = arith.constant 0 : index
        %parallel_loop3A_808 = tpu.vector_load %parallel_loop3A_805[%parallel_loop3A_806, %parallel_loop3A_807] {strides = array<i32>} : memref<128x64xbf16, #tpu.memory_space<vmem>>, vector<32xbf16>,
        %parallel_loop3A_809 = arith.mulf %parallel_loop3A_801, %parallel_loop3A_808 : vector<32xbf16>
        %parallel_loop3A_810 = arith.constant 0 : i32
        %parallel_loop3A_811 = arith.constant 0 : i32
        %parallel_loop3A_812 = tpu.memref_slice %arg8[%parallel_loop3A_142, %parallel_loop3A_810, %parallel_loop3A_811] : memref<4x128x64xbf16, #tpu.memory_space<vmem>> -> memref<1x128x64xbf16, #tpu.memory_space<vmem>>
        %parallel_loop3A_813 = tpu.memref_squeeze %parallel_loop3A_812 : memref<1x128x64xbf16, #tpu.memory_space<vmem>> -> memref<128x64xbf16, #tpu.memory_space<vmem>>
        %parallel_loop3A_814 = arith.index_cast %parallel_loop3A_794 : i32 to index
        %parallel_loop3A_815 = arith.constant 32 : index
        %parallel_loop3A_816 = tpu.vector_load %parallel_loop3A_813[%parallel_loop3A_814, %parallel_loop3A_815] {strides = array<i32>} : memref<128x64xbf16, #tpu.memory_space<vmem>>, vector<32xbf16>,
        %parallel_loop3A_817 = arith.constant 0 : i32
        %parallel_loop3A_818 = arith.constant 0 : i32
        %parallel_loop3A_819 = tpu.memref_slice %arg9[%parallel_loop3A_143, %parallel_loop3A_817, %parallel_loop3A_818] : memref<4x128x64xbf16, #tpu.memory_space<vmem>> -> memref<1x128x64xbf16, #tpu.memory_space<vmem>>
        %parallel_loop3A_820 = tpu.memref_squeeze %parallel_loop3A_819 : memref<1x128x64xbf16, #tpu.memory_space<vmem>> -> memref<128x64xbf16, #tpu.memory_space<vmem>>
        %parallel_loop3A_821 = arith.index_cast %parallel_loop3A_794 : i32 to index
        %parallel_loop3A_822 = arith.constant 32 : index
        %parallel_loop3A_823 = tpu.vector_load %parallel_loop3A_820[%parallel_loop3A_821, %parallel_loop3A_822] {strides = array<i32>} : memref<128x64xbf16, #tpu.memory_space<vmem>>, vector<32xbf16>,
        %parallel_loop3A_824 = arith.mulf %parallel_loop3A_816, %parallel_loop3A_823 : vector<32xbf16>
        %parallel_loop3A_825 = arith.addf %parallel_loop3A_809, %parallel_loop3A_824 : vector<32xbf16>
        %parallel_loop3A_826 = tpu.unpack_subelements %parallel_loop3A_825, 0 {pack_format = #tpu.pack_format<interleaved>} : vector<32xbf16> -> vector<16xf32>
        %parallel_loop3A_827 = tpu.unpack_subelements %parallel_loop3A_825, 1 {pack_format = #tpu.pack_format<interleaved>} : vector<32xbf16> -> vector<16xf32>
        %parallel_loop3A_828 = arith.addf %parallel_loop3A_826, %parallel_loop3A_827 : vector<16xf32>
        %parallel_loop3A_829 = arith.constant 1 : i32
        %parallel_loop3A_830 = vector.broadcast %parallel_loop3A_829 : i32 to vector<16xi32>
        %parallel_loop3A_831 = arith.andi %iota3A, %parallel_loop3A_830 : vector<16xi32>
        %parallel_loop3A_832 = arith.constant 0 : i32
        %parallel_loop3A_833 = vector.broadcast %parallel_loop3A_832 : i32 to vector<16xi32>
        %parallel_loop3A_834 = arith.cmpi eq, %parallel_loop3A_831, %parallel_loop3A_833 : vector<16xi32>
        %parallel_loop3A_835 = arith.constant 1 : i32
        %parallel_loop3A_836 = vector.broadcast %parallel_loop3A_835 : i32 to vector<16xi32>
        %parallel_loop3A_837 = arith.xori %iota3A, %parallel_loop3A_836 : vector<16xi32>
        %parallel_loop3A_838 = vector.shape_cast %parallel_loop3A_837 : vector<16xi32> to vector<16x1xi32>
        %parallel_loop3A_839 = arith.select %parallel_loop3A_834, %parallel_loop3A_258, %parallel_loop3A_296 : vector<16xi1>, vector<16xf32>
        %parallel_loop3A_840 = arith.select %parallel_loop3A_834, %parallel_loop3A_296, %parallel_loop3A_258 : vector<16xi1>, vector<16xf32>
        %parallel_loop3A_841 = vector.shape_cast %parallel_loop3A_838 : vector<16x1xi32> to vector<16xi32>
        %parallel_loop3A_842 = tpu.dynamic_gather %parallel_loop3A_840[%parallel_loop3A_841] in [0] : vector<16xf32>, vector<16xi32> -> vector<16xf32>
        %parallel_loop3A_843 = arith.addf %parallel_loop3A_839, %parallel_loop3A_842 : vector<16xf32>
        %parallel_loop3A_844 = arith.select %parallel_loop3A_834, %parallel_loop3A_334, %parallel_loop3A_372 : vector<16xi1>, vector<16xf32>
        %parallel_loop3A_845 = arith.select %parallel_loop3A_834, %parallel_loop3A_372, %parallel_loop3A_334 : vector<16xi1>, vector<16xf32>
        %parallel_loop3A_846 = vector.shape_cast %parallel_loop3A_838 : vector<16x1xi32> to vector<16xi32>
        %parallel_loop3A_847 = tpu.dynamic_gather %parallel_loop3A_845[%parallel_loop3A_846] in [0] : vector<16xf32>, vector<16xi32> -> vector<16xf32>
        %parallel_loop3A_848 = arith.addf %parallel_loop3A_844, %parallel_loop3A_847 : vector<16xf32>
        %parallel_loop3A_849 = arith.select %parallel_loop3A_834, %parallel_loop3A_410, %parallel_loop3A_448 : vector<16xi1>, vector<16xf32>
        %parallel_loop3A_850 = arith.select %parallel_loop3A_834, %parallel_loop3A_448, %parallel_loop3A_410 : vector<16xi1>, vector<16xf32>
        %parallel_loop3A_851 = vector.shape_cast %parallel_loop3A_838 : vector<16x1xi32> to vector<16xi32>
        %parallel_loop3A_852 = tpu.dynamic_gather %parallel_loop3A_850[%parallel_loop3A_851] in [0] : vector<16xf32>, vector<16xi32> -> vector<16xf32>
        %parallel_loop3A_853 = arith.addf %parallel_loop3A_849, %parallel_loop3A_852 : vector<16xf32>
        %parallel_loop3A_854 = arith.select %parallel_loop3A_834, %parallel_loop3A_486, %parallel_loop3A_524 : vector<16xi1>, vector<16xf32>
        %parallel_loop3A_855 = arith.select %parallel_loop3A_834, %parallel_loop3A_524, %parallel_loop3A_486 : vector<16xi1>, vector<16xf32>
        %parallel_loop3A_856 = vector.shape_cast %parallel_loop3A_838 : vector<16x1xi32> to vector<16xi32>
        %parallel_loop3A_857 = tpu.dynamic_gather %parallel_loop3A_855[%parallel_loop3A_856] in [0] : vector<16xf32>, vector<16xi32> -> vector<16xf32>
        %parallel_loop3A_858 = arith.addf %parallel_loop3A_854, %parallel_loop3A_857 : vector<16xf32>
        %parallel_loop3A_859 = arith.select %parallel_loop3A_834, %parallel_loop3A_562, %parallel_loop3A_600 : vector<16xi1>, vector<16xf32>
        %parallel_loop3A_860 = arith.select %parallel_loop3A_834, %parallel_loop3A_600, %parallel_loop3A_562 : vector<16xi1>, vector<16xf32>
        %parallel_loop3A_861 = vector.shape_cast %parallel_loop3A_838 : vector<16x1xi32> to vector<16xi32>
        %parallel_loop3A_862 = tpu.dynamic_gather %parallel_loop3A_860[%parallel_loop3A_861] in [0] : vector<16xf32>, vector<16xi32> -> vector<16xf32>
        %parallel_loop3A_863 = arith.addf %parallel_loop3A_859, %parallel_loop3A_862 : vector<16xf32>
        %parallel_loop3A_864 = arith.select %parallel_loop3A_834, %parallel_loop3A_638, %parallel_loop3A_676 : vector<16xi1>, vector<16xf32>
        %parallel_loop3A_865 = arith.select %parallel_loop3A_834, %parallel_loop3A_676, %parallel_loop3A_638 : vector<16xi1>, vector<16xf32>
        %parallel_loop3A_866 = vector.shape_cast %parallel_loop3A_838 : vector<16x1xi32> to vector<16xi32>
        %parallel_loop3A_867 = tpu.dynamic_gather %parallel_loop3A_865[%parallel_loop3A_866] in [0] : vector<16xf32>, vector<16xi32> -> vector<16xf32>
        %parallel_loop3A_868 = arith.addf %parallel_loop3A_864, %parallel_loop3A_867 : vector<16xf32>
        %parallel_loop3A_869 = arith.select %parallel_loop3A_834, %parallel_loop3A_714, %parallel_loop3A_752 : vector<16xi1>, vector<16xf32>
        %parallel_loop3A_870 = arith.select %parallel_loop3A_834, %parallel_loop3A_752, %parallel_loop3A_714 : vector<16xi1>, vector<16xf32>
        %parallel_loop3A_871 = vector.shape_cast %parallel_loop3A_838 : vector<16x1xi32> to vector<16xi32>
        %parallel_loop3A_872 = tpu.dynamic_gather %parallel_loop3A_870[%parallel_loop3A_871] in [0] : vector<16xf32>, vector<16xi32> -> vector<16xf32>
        %parallel_loop3A_873 = arith.addf %parallel_loop3A_869, %parallel_loop3A_872 : vector<16xf32>
        %parallel_loop3A_874 = arith.select %parallel_loop3A_834, %parallel_loop3A_790, %parallel_loop3A_828 : vector<16xi1>, vector<16xf32>
        %parallel_loop3A_875 = arith.select %parallel_loop3A_834, %parallel_loop3A_828, %parallel_loop3A_790 : vector<16xi1>, vector<16xf32>
        %parallel_loop3A_876 = vector.shape_cast %parallel_loop3A_838 : vector<16x1xi32> to vector<16xi32>
        %parallel_loop3A_877 = tpu.dynamic_gather %parallel_loop3A_875[%parallel_loop3A_876] in [0] : vector<16xf32>, vector<16xi32> -> vector<16xf32>
        %parallel_loop3A_878 = arith.addf %parallel_loop3A_874, %parallel_loop3A_877 : vector<16xf32>
        %parallel_loop3A_879 = arith.constant 2 : i32
        %parallel_loop3A_880 = vector.broadcast %parallel_loop3A_879 : i32 to vector<16xi32>
        %parallel_loop3A_881 = arith.andi %iota3A, %parallel_loop3A_880 : vector<16xi32>
        %parallel_loop3A_882 = arith.constant 0 : i32
        %parallel_loop3A_883 = vector.broadcast %parallel_loop3A_882 : i32 to vector<16xi32>
        %parallel_loop3A_884 = arith.cmpi eq, %parallel_loop3A_881, %parallel_loop3A_883 : vector<16xi32>
        %parallel_loop3A_885 = arith.constant 2 : i32
        %parallel_loop3A_886 = vector.broadcast %parallel_loop3A_885 : i32 to vector<16xi32>
        %parallel_loop3A_887 = arith.xori %iota3A, %parallel_loop3A_886 : vector<16xi32>
        %parallel_loop3A_888 = vector.shape_cast %parallel_loop3A_887 : vector<16xi32> to vector<16x1xi32>
        %parallel_loop3A_889 = arith.select %parallel_loop3A_884, %parallel_loop3A_843, %parallel_loop3A_848 : vector<16xi1>, vector<16xf32>
        %parallel_loop3A_890 = arith.select %parallel_loop3A_884, %parallel_loop3A_848, %parallel_loop3A_843 : vector<16xi1>, vector<16xf32>
        %parallel_loop3A_891 = vector.shape_cast %parallel_loop3A_888 : vector<16x1xi32> to vector<16xi32>
        %parallel_loop3A_892 = tpu.dynamic_gather %parallel_loop3A_890[%parallel_loop3A_891] in [0] : vector<16xf32>, vector<16xi32> -> vector<16xf32>
        %parallel_loop3A_893 = arith.addf %parallel_loop3A_889, %parallel_loop3A_892 : vector<16xf32>
        %parallel_loop3A_894 = arith.select %parallel_loop3A_884, %parallel_loop3A_853, %parallel_loop3A_858 : vector<16xi1>, vector<16xf32>
        %parallel_loop3A_895 = arith.select %parallel_loop3A_884, %parallel_loop3A_858, %parallel_loop3A_853 : vector<16xi1>, vector<16xf32>
        %parallel_loop3A_896 = vector.shape_cast %parallel_loop3A_888 : vector<16x1xi32> to vector<16xi32>
        %parallel_loop3A_897 = tpu.dynamic_gather %parallel_loop3A_895[%parallel_loop3A_896] in [0] : vector<16xf32>, vector<16xi32> -> vector<16xf32>
        %parallel_loop3A_898 = arith.addf %parallel_loop3A_894, %parallel_loop3A_897 : vector<16xf32>
        %parallel_loop3A_899 = arith.select %parallel_loop3A_884, %parallel_loop3A_863, %parallel_loop3A_868 : vector<16xi1>, vector<16xf32>
        %parallel_loop3A_900 = arith.select %parallel_loop3A_884, %parallel_loop3A_868, %parallel_loop3A_863 : vector<16xi1>, vector<16xf32>
        %parallel_loop3A_901 = vector.shape_cast %parallel_loop3A_888 : vector<16x1xi32> to vector<16xi32>
        %parallel_loop3A_902 = tpu.dynamic_gather %parallel_loop3A_900[%parallel_loop3A_901] in [0] : vector<16xf32>, vector<16xi32> -> vector<16xf32>
        %parallel_loop3A_903 = arith.addf %parallel_loop3A_899, %parallel_loop3A_902 : vector<16xf32>
        %parallel_loop3A_904 = arith.select %parallel_loop3A_884, %parallel_loop3A_873, %parallel_loop3A_878 : vector<16xi1>, vector<16xf32>
        %parallel_loop3A_905 = arith.select %parallel_loop3A_884, %parallel_loop3A_878, %parallel_loop3A_873 : vector<16xi1>, vector<16xf32>
        %parallel_loop3A_906 = vector.shape_cast %parallel_loop3A_888 : vector<16x1xi32> to vector<16xi32>
        %parallel_loop3A_907 = tpu.dynamic_gather %parallel_loop3A_905[%parallel_loop3A_906] in [0] : vector<16xf32>, vector<16xi32> -> vector<16xf32>
        %parallel_loop3A_908 = arith.addf %parallel_loop3A_904, %parallel_loop3A_907 : vector<16xf32>
        %parallel_loop3A_909 = arith.constant 4 : i32
        %parallel_loop3A_910 = vector.broadcast %parallel_loop3A_909 : i32 to vector<16xi32>
        %parallel_loop3A_911 = arith.andi %iota3A, %parallel_loop3A_910 : vector<16xi32>
        %parallel_loop3A_912 = arith.constant 0 : i32
        %parallel_loop3A_913 = vector.broadcast %parallel_loop3A_912 : i32 to vector<16xi32>
        %parallel_loop3A_914 = arith.cmpi eq, %parallel_loop3A_911, %parallel_loop3A_913 : vector<16xi32>
        %parallel_loop3A_915 = arith.constant 4 : i32
        %parallel_loop3A_916 = vector.broadcast %parallel_loop3A_915 : i32 to vector<16xi32>
        %parallel_loop3A_917 = arith.xori %iota3A, %parallel_loop3A_916 : vector<16xi32>
        %parallel_loop3A_918 = vector.shape_cast %parallel_loop3A_917 : vector<16xi32> to vector<16x1xi32>
        %parallel_loop3A_919 = arith.select %parallel_loop3A_914, %parallel_loop3A_893, %parallel_loop3A_898 : vector<16xi1>, vector<16xf32>
        %parallel_loop3A_920 = arith.select %parallel_loop3A_914, %parallel_loop3A_898, %parallel_loop3A_893 : vector<16xi1>, vector<16xf32>
        %parallel_loop3A_921 = vector.shape_cast %parallel_loop3A_918 : vector<16x1xi32> to vector<16xi32>
        %parallel_loop3A_922 = tpu.dynamic_gather %parallel_loop3A_920[%parallel_loop3A_921] in [0] : vector<16xf32>, vector<16xi32> -> vector<16xf32>
        %parallel_loop3A_923 = arith.addf %parallel_loop3A_919, %parallel_loop3A_922 : vector<16xf32>
        %parallel_loop3A_924 = arith.select %parallel_loop3A_914, %parallel_loop3A_903, %parallel_loop3A_908 : vector<16xi1>, vector<16xf32>
        %parallel_loop3A_925 = arith.select %parallel_loop3A_914, %parallel_loop3A_908, %parallel_loop3A_903 : vector<16xi1>, vector<16xf32>
        %parallel_loop3A_926 = vector.shape_cast %parallel_loop3A_918 : vector<16x1xi32> to vector<16xi32>
        %parallel_loop3A_927 = tpu.dynamic_gather %parallel_loop3A_925[%parallel_loop3A_926] in [0] : vector<16xf32>, vector<16xi32> -> vector<16xf32>
        %parallel_loop3A_928 = arith.addf %parallel_loop3A_924, %parallel_loop3A_927 : vector<16xf32>
        %parallel_loop3A_929 = arith.constant 8 : i32
        %parallel_loop3A_930 = vector.broadcast %parallel_loop3A_929 : i32 to vector<16xi32>
        %parallel_loop3A_931 = arith.andi %iota3A, %parallel_loop3A_930 : vector<16xi32>
        %parallel_loop3A_932 = arith.constant 0 : i32
        %parallel_loop3A_933 = vector.broadcast %parallel_loop3A_932 : i32 to vector<16xi32>
        %parallel_loop3A_934 = arith.cmpi eq, %parallel_loop3A_931, %parallel_loop3A_933 : vector<16xi32>
        %parallel_loop3A_935 = arith.constant 8 : i32
        %parallel_loop3A_936 = vector.broadcast %parallel_loop3A_935 : i32 to vector<16xi32>
        %parallel_loop3A_937 = arith.xori %iota3A, %parallel_loop3A_936 : vector<16xi32>
        %parallel_loop3A_938 = vector.shape_cast %parallel_loop3A_937 : vector<16xi32> to vector<16x1xi32>
        %parallel_loop3A_939 = arith.select %parallel_loop3A_934, %parallel_loop3A_923, %parallel_loop3A_928 : vector<16xi1>, vector<16xf32>
        %parallel_loop3A_940 = arith.select %parallel_loop3A_934, %parallel_loop3A_928, %parallel_loop3A_923 : vector<16xi1>, vector<16xf32>
        %parallel_loop3A_941 = vector.shape_cast %parallel_loop3A_938 : vector<16x1xi32> to vector<16xi32>
        %parallel_loop3A_942 = tpu.dynamic_gather %parallel_loop3A_940[%parallel_loop3A_941] in [0] : vector<16xf32>, vector<16xi32> -> vector<16xf32>
        %parallel_loop3A_943 = arith.addf %parallel_loop3A_939, %parallel_loop3A_942 : vector<16xf32>
        %parallel_loop3A_944 = arith.constant 128 : i32
        %parallel_loop3A_945 = arith.muli %add3A_107, %parallel_loop3A_944 : i32
        %parallel_loop3A_946 = arith.constant 0 : i32
        %parallel_loop3A_947 = arith.addi %parallel_loop3A_946, %parallel_loop3A_945 : i32
        %parallel_loop3A_948 = arith.constant 16 : i32
        %parallel_loop3A_949 = arith.muli %parallel_loop3A_220, %parallel_loop3A_948 : i32
        %parallel_loop3A_950 = arith.addi %parallel_loop3A_947, %parallel_loop3A_949 : i32
        %parallel_loop3A_951 = arith.index_cast %parallel_loop3A_950 : i32 to index
        %parallel_loop3A_952 = tpu.vector_load %arg10[%parallel_loop3A_951] {strides = array<i32>} : memref<25600xf32, #tpu.memory_space<vmem>>, vector<16xf32>,
        tpu.vector_store %arg10[%parallel_loop3A_951], %parallel_loop3A_943 {strides = array<i32>} : memref<25600xf32, #tpu.memory_space<vmem>>, vector<16xf32>,
      } {sc.loop_unroll_factor = 2 : i64, sc.parallel_access}
      %add3A_144 = arith.constant 2 : i32
      %add3A_145 = arith.addi %add3A_73, %add3A_144 : i32
      %add3A_146 = arith.constant 4 : i32
      %add3A_147 = arith.addi %add3A_145, %add3A_146 : i32
      %sub3A_148 = arith.constant 1 : i32
      %sub3A_149 = arith.subi %add3A_147, %sub3A_148 : i32
      %lt3A_150 = arith.constant 200 : i32
      %lt3A_151 = arith.cmpi slt, %sub3A_149, %lt3A_150 : i32
      %convert_element_type3A_152 = arith.extui %lt3A_151 : i1 to i32
      %cond3A_153 = arith.constant 0 : i32
      %cond3A_154 = arith.cmpi ne, %convert_element_type3A_152, %cond3A_153 : i32
      scf.if %cond3A_154 {
        %add3A_220 = arith.constant 4 : i32
        %add3A_221 = arith.addi %add3A_145, %add3A_220 : i32
        %sub3A_222 = arith.constant 1 : i32
        %sub3A_223 = arith.subi %add3A_221, %sub3A_222 : i32
        %mul3A_224 = arith.constant 128 : i32
        %mul3A_225 = arith.muli %sub3A_223, %mul3A_224 : i32
        %dma_start3A_226 = arith.constant 1 : i32
        %dma_start3A_227 = arith.constant 0 : i32
        %dma_start3A_228 = arith.constant 0 : i32
        %dma_start3A_229 = tpu.memref_slice %arg8[%dma_start3A_226, %dma_start3A_227, %dma_start3A_228] : memref<4x128x64xbf16, #tpu.memory_space<vmem>> -> memref<1x128x64xbf16, #tpu.memory_space<vmem>>
        %dma_start3A_230 = tpu.memref_squeeze %dma_start3A_229 : memref<1x128x64xbf16, #tpu.memory_space<vmem>> -> memref<128x64xbf16, #tpu.memory_space<vmem>>
        %dma_start3A_231 = tpu.memref_slice %arg6[%mul3A_225] : memref<25600xi32, #tpu.memory_space<vmem>> -> memref<128xi32, #tpu.memory_space<vmem>>
        %dma_start3A_232 = arith.constant 0 : i32
        %dma_start3A_233 = arith.constant 0 : i32
        %dma_start3A_234 = tpu.memref_slice %arg2[%dma_start3A_232, %dma_start3A_233] : memref<100000x64xbf16, #tpu.memory_space<hbm>> -> memref<100000x64xbf16, #tpu.memory_space<hbm>>
        tpu.enqueue_indirect_dma source(%dma_start3A_234 : memref<100000x64xbf16, #tpu.memory_space<hbm>>) target(%dma_start3A_230 : memref<128x64xbf16, #tpu.memory_space<vmem>>) offsets(%dma_start3A_231 : memref<128xi32, #tpu.memory_space<vmem>>) semaphore(%arg12 : memref<!tpu.dma_semaphore, #tpu.memory_space<semaphore_mem>>)
        %mul3A_235 = arith.constant 128 : i32
        %mul3A_236 = arith.muli %sub3A_223, %mul3A_235 : i32
        %dma_start3A_237 = arith.constant 1 : i32
        %dma_start3A_238 = arith.constant 0 : i32
        %dma_start3A_239 = arith.constant 0 : i32
        %dma_start3A_240 = tpu.memref_slice %arg9[%dma_start3A_237, %dma_start3A_238, %dma_start3A_239] : memref<4x128x64xbf16, #tpu.memory_space<vmem>> -> memref<1x128x64xbf16, #tpu.memory_space<vmem>>
        %dma_start3A_241 = tpu.memref_squeeze %dma_start3A_240 : memref<1x128x64xbf16, #tpu.memory_space<vmem>> -> memref<128x64xbf16, #tpu.memory_space<vmem>>
        %dma_start3A_242 = tpu.memref_slice %arg7[%mul3A_236] : memref<25600xi32, #tpu.memory_space<vmem>> -> memref<128xi32, #tpu.memory_space<vmem>>
        %dma_start3A_243 = arith.constant 0 : i32
        %dma_start3A_244 = arith.constant 0 : i32
        %dma_start3A_245 = tpu.memref_slice %arg3[%dma_start3A_243, %dma_start3A_244] : memref<100000x64xbf16, #tpu.memory_space<hbm>> -> memref<100000x64xbf16, #tpu.memory_space<hbm>>
        tpu.enqueue_indirect_dma source(%dma_start3A_245 : memref<100000x64xbf16, #tpu.memory_space<hbm>>) target(%dma_start3A_241 : memref<128x64xbf16, #tpu.memory_space<vmem>>) offsets(%dma_start3A_242 : memref<128xi32, #tpu.memory_space<vmem>>) semaphore(%arg16 : memref<!tpu.dma_semaphore, #tpu.memory_space<semaphore_mem>>)
      } else {
      }
      %mul3A_155 = arith.constant 128 : i32
      %mul3A_156 = arith.muli %add3A_145, %mul3A_155 : i32
      %dma_wait3A_157 = arith.constant 2 : i32
      %dma_wait3A_158 = arith.constant 0 : i32
      %dma_wait3A_159 = arith.constant 0 : i32
      %dma_wait3A_160 = tpu.memref_slice %arg8[%dma_wait3A_157, %dma_wait3A_158, %dma_wait3A_159] : memref<4x128x64xbf16, #tpu.memory_space<vmem>> -> memref<1x128x64xbf16, #tpu.memory_space<vmem>>
      %dma_wait3A_161 = tpu.memref_squeeze %dma_wait3A_160 : memref<1x128x64xbf16, #tpu.memory_space<vmem>> -> memref<128x64xbf16, #tpu.memory_space<vmem>>
      %dma_wait3A_162 = tpu.memref_slice %arg6[%mul3A_156] : memref<25600xi32, #tpu.memory_space<vmem>> -> memref<128xi32, #tpu.memory_space<vmem>>
      %dma_wait3A_163 = arith.constant 0 : i32
      %dma_wait3A_164 = arith.constant 0 : i32
      %dma_wait3A_165 = tpu.memref_slice %arg2[%dma_wait3A_163, %dma_wait3A_164] : memref<100000x64xbf16, #tpu.memory_space<hbm>> -> memref<100000x64xbf16, #tpu.memory_space<hbm>>
      tpu.wait_indirect_dma semaphore(%arg13 : memref<!tpu.dma_semaphore, #tpu.memory_space<semaphore_mem>>) src(%dma_wait3A_165 : memref<100000x64xbf16, #tpu.memory_space<hbm>>) dst(%dma_wait3A_161 : memref<128x64xbf16, #tpu.memory_space<vmem>>)
      %mul3A_166 = arith.constant 128 : i32
      %mul3A_167 = arith.muli %add3A_145, %mul3A_166 : i32
      %dma_wait3A_168 = arith.constant 2 : i32
      %dma_wait3A_169 = arith.constant 0 : i32
      %dma_wait3A_170 = arith.constant 0 : i32
      %dma_wait3A_171 = tpu.memref_slice %arg9[%dma_wait3A_168, %dma_wait3A_169, %dma_wait3A_170] : memref<4x128x64xbf16, #tpu.memory_space<vmem>> -> memref<1x128x64xbf16, #tpu.memory_space<vmem>>
      %dma_wait3A_172 = tpu.memref_squeeze %dma_wait3A_171 : memref<1x128x64xbf16, #tpu.memory_space<vmem>> -> memref<128x64xbf16, #tpu.memory_space<vmem>>
      %dma_wait3A_173 = tpu.memref_slice %arg7[%mul3A_167] : memref<25600xi32, #tpu.memory_space<vmem>> -> memref<128xi32, #tpu.memory_space<vmem>>
      %dma_wait3A_174 = arith.constant 0 : i32
      %dma_wait3A_175 = arith.constant 0 : i32
      %dma_wait3A_176 = tpu.memref_slice %arg3[%dma_wait3A_174, %dma_wait3A_175] : memref<100000x64xbf16, #tpu.memory_space<hbm>> -> memref<100000x64xbf16, #tpu.memory_space<hbm>>
      tpu.wait_indirect_dma semaphore(%arg17 : memref<!tpu.dma_semaphore, #tpu.memory_space<semaphore_mem>>) src(%dma_wait3A_176 : memref<100000x64xbf16, #tpu.memory_space<hbm>>) dst(%dma_wait3A_172 : memref<128x64xbf16, #tpu.memory_space<vmem>>)
      %parallel_loop3A_177 = arith.constant 0 : i32
      %parallel_loop3A_178 = arith.constant 8 : i32
      %parallel_loop3A_179 = arith.constant 1 : i32
      %parallel_loop3A_180 = arith.constant 2 : i32
      %parallel_loop3A_181 = arith.constant 2 : i32
      scf.for %parallel_loop3A_220 = %parallel_loop3A_177 to %parallel_loop3A_178 step %parallel_loop3A_179  : i32 {
        %parallel_loop3A_221 = arith.constant 16 : i32
        %parallel_loop3A_222 = arith.muli %parallel_loop3A_220, %parallel_loop3A_221 : i32
        %parallel_loop3A_223 = arith.constant 0 : i32
        %parallel_loop3A_224 = arith.addi %parallel_loop3A_222, %parallel_loop3A_223 : i32
        %parallel_loop3A_225 = arith.constant 0 : i32
        %parallel_loop3A_226 = arith.constant 0 : i32
        %parallel_loop3A_227 = tpu.memref_slice %arg8[%parallel_loop3A_180, %parallel_loop3A_225, %parallel_loop3A_226] : memref<4x128x64xbf16, #tpu.memory_space<vmem>> -> memref<1x128x64xbf16, #tpu.memory_space<vmem>>
        %parallel_loop3A_228 = tpu.memref_squeeze %parallel_loop3A_227 : memref<1x128x64xbf16, #tpu.memory_space<vmem>> -> memref<128x64xbf16, #tpu.memory_space<vmem>>
        %parallel_loop3A_229 = arith.index_cast %parallel_loop3A_224 : i32 to index
        %parallel_loop3A_230 = arith.constant 0 : index
        %parallel_loop3A_231 = tpu.vector_load %parallel_loop3A_228[%parallel_loop3A_229, %parallel_loop3A_230] {strides = array<i32>} : memref<128x64xbf16, #tpu.memory_space<vmem>>, vector<32xbf16>,
        %parallel_loop3A_232 = arith.constant 0 : i32
        %parallel_loop3A_233 = arith.constant 0 : i32
        %parallel_loop3A_234 = tpu.memref_slice %arg9[%parallel_loop3A_181, %parallel_loop3A_232, %parallel_loop3A_233] : memref<4x128x64xbf16, #tpu.memory_space<vmem>> -> memref<1x128x64xbf16, #tpu.memory_space<vmem>>
        %parallel_loop3A_235 = tpu.memref_squeeze %parallel_loop3A_234 : memref<1x128x64xbf16, #tpu.memory_space<vmem>> -> memref<128x64xbf16, #tpu.memory_space<vmem>>
        %parallel_loop3A_236 = arith.index_cast %parallel_loop3A_224 : i32 to index
        %parallel_loop3A_237 = arith.constant 0 : index
        %parallel_loop3A_238 = tpu.vector_load %parallel_loop3A_235[%parallel_loop3A_236, %parallel_loop3A_237] {strides = array<i32>} : memref<128x64xbf16, #tpu.memory_space<vmem>>, vector<32xbf16>,
        %parallel_loop3A_239 = arith.mulf %parallel_loop3A_231, %parallel_loop3A_238 : vector<32xbf16>
        %parallel_loop3A_240 = arith.constant 0 : i32
        %parallel_loop3A_241 = arith.constant 0 : i32
        %parallel_loop3A_242 = tpu.memref_slice %arg8[%parallel_loop3A_180, %parallel_loop3A_240, %parallel_loop3A_241] : memref<4x128x64xbf16, #tpu.memory_space<vmem>> -> memref<1x128x64xbf16, #tpu.memory_space<vmem>>
        %parallel_loop3A_243 = tpu.memref_squeeze %parallel_loop3A_242 : memref<1x128x64xbf16, #tpu.memory_space<vmem>> -> memref<128x64xbf16, #tpu.memory_space<vmem>>
        %parallel_loop3A_244 = arith.index_cast %parallel_loop3A_224 : i32 to index
        %parallel_loop3A_245 = arith.constant 32 : index
        %parallel_loop3A_246 = tpu.vector_load %parallel_loop3A_243[%parallel_loop3A_244, %parallel_loop3A_245] {strides = array<i32>} : memref<128x64xbf16, #tpu.memory_space<vmem>>, vector<32xbf16>,
        %parallel_loop3A_247 = arith.constant 0 : i32
        %parallel_loop3A_248 = arith.constant 0 : i32
        %parallel_loop3A_249 = tpu.memref_slice %arg9[%parallel_loop3A_181, %parallel_loop3A_247, %parallel_loop3A_248] : memref<4x128x64xbf16, #tpu.memory_space<vmem>> -> memref<1x128x64xbf16, #tpu.memory_space<vmem>>
        %parallel_loop3A_250 = tpu.memref_squeeze %parallel_loop3A_249 : memref<1x128x64xbf16, #tpu.memory_space<vmem>> -> memref<128x64xbf16, #tpu.memory_space<vmem>>
        %parallel_loop3A_251 = arith.index_cast %parallel_loop3A_224 : i32 to index
        %parallel_loop3A_252 = arith.constant 32 : index
        %parallel_loop3A_253 = tpu.vector_load %parallel_loop3A_250[%parallel_loop3A_251, %parallel_loop3A_252] {strides = array<i32>} : memref<128x64xbf16, #tpu.memory_space<vmem>>, vector<32xbf16>,
        %parallel_loop3A_254 = arith.mulf %parallel_loop3A_246, %parallel_loop3A_253 : vector<32xbf16>
        %parallel_loop3A_255 = arith.addf %parallel_loop3A_239, %parallel_loop3A_254 : vector<32xbf16>
        %parallel_loop3A_256 = tpu.unpack_subelements %parallel_loop3A_255, 0 {pack_format = #tpu.pack_format<interleaved>} : vector<32xbf16> -> vector<16xf32>
        %parallel_loop3A_257 = tpu.unpack_subelements %parallel_loop3A_255, 1 {pack_format = #tpu.pack_format<interleaved>} : vector<32xbf16> -> vector<16xf32>
        %parallel_loop3A_258 = arith.addf %parallel_loop3A_256, %parallel_loop3A_257 : vector<16xf32>
        %parallel_loop3A_259 = arith.constant 16 : i32
        %parallel_loop3A_260 = arith.muli %parallel_loop3A_220, %parallel_loop3A_259 : i32
        %parallel_loop3A_261 = arith.constant 1 : i32
        %parallel_loop3A_262 = arith.addi %parallel_loop3A_260, %parallel_loop3A_261 : i32
        %parallel_loop3A_263 = arith.constant 0 : i32
        %parallel_loop3A_264 = arith.constant 0 : i32
        %parallel_loop3A_265 = tpu.memref_slice %arg8[%parallel_loop3A_180, %parallel_loop3A_263, %parallel_loop3A_264] : memref<4x128x64xbf16, #tpu.memory_space<vmem>> -> memref<1x128x64xbf16, #tpu.memory_space<vmem>>
        %parallel_loop3A_266 = tpu.memref_squeeze %parallel_loop3A_265 : memref<1x128x64xbf16, #tpu.memory_space<vmem>> -> memref<128x64xbf16, #tpu.memory_space<vmem>>
        %parallel_loop3A_267 = arith.index_cast %parallel_loop3A_262 : i32 to index
        %parallel_loop3A_268 = arith.constant 0 : index
        %parallel_loop3A_269 = tpu.vector_load %parallel_loop3A_266[%parallel_loop3A_267, %parallel_loop3A_268] {strides = array<i32>} : memref<128x64xbf16, #tpu.memory_space<vmem>>, vector<32xbf16>,
        %parallel_loop3A_270 = arith.constant 0 : i32
        %parallel_loop3A_271 = arith.constant 0 : i32
        %parallel_loop3A_272 = tpu.memref_slice %arg9[%parallel_loop3A_181, %parallel_loop3A_270, %parallel_loop3A_271] : memref<4x128x64xbf16, #tpu.memory_space<vmem>> -> memref<1x128x64xbf16, #tpu.memory_space<vmem>>
        %parallel_loop3A_273 = tpu.memref_squeeze %parallel_loop3A_272 : memref<1x128x64xbf16, #tpu.memory_space<vmem>> -> memref<128x64xbf16, #tpu.memory_space<vmem>>
        %parallel_loop3A_274 = arith.index_cast %parallel_loop3A_262 : i32 to index
        %parallel_loop3A_275 = arith.constant 0 : index
        %parallel_loop3A_276 = tpu.vector_load %parallel_loop3A_273[%parallel_loop3A_274, %parallel_loop3A_275] {strides = array<i32>} : memref<128x64xbf16, #tpu.memory_space<vmem>>, vector<32xbf16>,
        %parallel_loop3A_277 = arith.mulf %parallel_loop3A_269, %parallel_loop3A_276 : vector<32xbf16>
        %parallel_loop3A_278 = arith.constant 0 : i32
        %parallel_loop3A_279 = arith.constant 0 : i32
        %parallel_loop3A_280 = tpu.memref_slice %arg8[%parallel_loop3A_180, %parallel_loop3A_278, %parallel_loop3A_279] : memref<4x128x64xbf16, #tpu.memory_space<vmem>> -> memref<1x128x64xbf16, #tpu.memory_space<vmem>>
        %parallel_loop3A_281 = tpu.memref_squeeze %parallel_loop3A_280 : memref<1x128x64xbf16, #tpu.memory_space<vmem>> -> memref<128x64xbf16, #tpu.memory_space<vmem>>
        %parallel_loop3A_282 = arith.index_cast %parallel_loop3A_262 : i32 to index
        %parallel_loop3A_283 = arith.constant 32 : index
        %parallel_loop3A_284 = tpu.vector_load %parallel_loop3A_281[%parallel_loop3A_282, %parallel_loop3A_283] {strides = array<i32>} : memref<128x64xbf16, #tpu.memory_space<vmem>>, vector<32xbf16>,
        %parallel_loop3A_285 = arith.constant 0 : i32
        %parallel_loop3A_286 = arith.constant 0 : i32
        %parallel_loop3A_287 = tpu.memref_slice %arg9[%parallel_loop3A_181, %parallel_loop3A_285, %parallel_loop3A_286] : memref<4x128x64xbf16, #tpu.memory_space<vmem>> -> memref<1x128x64xbf16, #tpu.memory_space<vmem>>
        %parallel_loop3A_288 = tpu.memref_squeeze %parallel_loop3A_287 : memref<1x128x64xbf16, #tpu.memory_space<vmem>> -> memref<128x64xbf16, #tpu.memory_space<vmem>>
        %parallel_loop3A_289 = arith.index_cast %parallel_loop3A_262 : i32 to index
        %parallel_loop3A_290 = arith.constant 32 : index
        %parallel_loop3A_291 = tpu.vector_load %parallel_loop3A_288[%parallel_loop3A_289, %parallel_loop3A_290] {strides = array<i32>} : memref<128x64xbf16, #tpu.memory_space<vmem>>, vector<32xbf16>,
        %parallel_loop3A_292 = arith.mulf %parallel_loop3A_284, %parallel_loop3A_291 : vector<32xbf16>
        %parallel_loop3A_293 = arith.addf %parallel_loop3A_277, %parallel_loop3A_292 : vector<32xbf16>
        %parallel_loop3A_294 = tpu.unpack_subelements %parallel_loop3A_293, 0 {pack_format = #tpu.pack_format<interleaved>} : vector<32xbf16> -> vector<16xf32>
        %parallel_loop3A_295 = tpu.unpack_subelements %parallel_loop3A_293, 1 {pack_format = #tpu.pack_format<interleaved>} : vector<32xbf16> -> vector<16xf32>
        %parallel_loop3A_296 = arith.addf %parallel_loop3A_294, %parallel_loop3A_295 : vector<16xf32>
        %parallel_loop3A_297 = arith.constant 16 : i32
        %parallel_loop3A_298 = arith.muli %parallel_loop3A_220, %parallel_loop3A_297 : i32
        %parallel_loop3A_299 = arith.constant 2 : i32
        %parallel_loop3A_300 = arith.addi %parallel_loop3A_298, %parallel_loop3A_299 : i32
        %parallel_loop3A_301 = arith.constant 0 : i32
        %parallel_loop3A_302 = arith.constant 0 : i32
        %parallel_loop3A_303 = tpu.memref_slice %arg8[%parallel_loop3A_180, %parallel_loop3A_301, %parallel_loop3A_302] : memref<4x128x64xbf16, #tpu.memory_space<vmem>> -> memref<1x128x64xbf16, #tpu.memory_space<vmem>>
        %parallel_loop3A_304 = tpu.memref_squeeze %parallel_loop3A_303 : memref<1x128x64xbf16, #tpu.memory_space<vmem>> -> memref<128x64xbf16, #tpu.memory_space<vmem>>
        %parallel_loop3A_305 = arith.index_cast %parallel_loop3A_300 : i32 to index
        %parallel_loop3A_306 = arith.constant 0 : index
        %parallel_loop3A_307 = tpu.vector_load %parallel_loop3A_304[%parallel_loop3A_305, %parallel_loop3A_306] {strides = array<i32>} : memref<128x64xbf16, #tpu.memory_space<vmem>>, vector<32xbf16>,
        %parallel_loop3A_308 = arith.constant 0 : i32
        %parallel_loop3A_309 = arith.constant 0 : i32
        %parallel_loop3A_310 = tpu.memref_slice %arg9[%parallel_loop3A_181, %parallel_loop3A_308, %parallel_loop3A_309] : memref<4x128x64xbf16, #tpu.memory_space<vmem>> -> memref<1x128x64xbf16, #tpu.memory_space<vmem>>
        %parallel_loop3A_311 = tpu.memref_squeeze %parallel_loop3A_310 : memref<1x128x64xbf16, #tpu.memory_space<vmem>> -> memref<128x64xbf16, #tpu.memory_space<vmem>>
        %parallel_loop3A_312 = arith.index_cast %parallel_loop3A_300 : i32 to index
        %parallel_loop3A_313 = arith.constant 0 : index
        %parallel_loop3A_314 = tpu.vector_load %parallel_loop3A_311[%parallel_loop3A_312, %parallel_loop3A_313] {strides = array<i32>} : memref<128x64xbf16, #tpu.memory_space<vmem>>, vector<32xbf16>,
        %parallel_loop3A_315 = arith.mulf %parallel_loop3A_307, %parallel_loop3A_314 : vector<32xbf16>
        %parallel_loop3A_316 = arith.constant 0 : i32
        %parallel_loop3A_317 = arith.constant 0 : i32
        %parallel_loop3A_318 = tpu.memref_slice %arg8[%parallel_loop3A_180, %parallel_loop3A_316, %parallel_loop3A_317] : memref<4x128x64xbf16, #tpu.memory_space<vmem>> -> memref<1x128x64xbf16, #tpu.memory_space<vmem>>
        %parallel_loop3A_319 = tpu.memref_squeeze %parallel_loop3A_318 : memref<1x128x64xbf16, #tpu.memory_space<vmem>> -> memref<128x64xbf16, #tpu.memory_space<vmem>>
        %parallel_loop3A_320 = arith.index_cast %parallel_loop3A_300 : i32 to index
        %parallel_loop3A_321 = arith.constant 32 : index
        %parallel_loop3A_322 = tpu.vector_load %parallel_loop3A_319[%parallel_loop3A_320, %parallel_loop3A_321] {strides = array<i32>} : memref<128x64xbf16, #tpu.memory_space<vmem>>, vector<32xbf16>,
        %parallel_loop3A_323 = arith.constant 0 : i32
        %parallel_loop3A_324 = arith.constant 0 : i32
        %parallel_loop3A_325 = tpu.memref_slice %arg9[%parallel_loop3A_181, %parallel_loop3A_323, %parallel_loop3A_324] : memref<4x128x64xbf16, #tpu.memory_space<vmem>> -> memref<1x128x64xbf16, #tpu.memory_space<vmem>>
        %parallel_loop3A_326 = tpu.memref_squeeze %parallel_loop3A_325 : memref<1x128x64xbf16, #tpu.memory_space<vmem>> -> memref<128x64xbf16, #tpu.memory_space<vmem>>
        %parallel_loop3A_327 = arith.index_cast %parallel_loop3A_300 : i32 to index
        %parallel_loop3A_328 = arith.constant 32 : index
        %parallel_loop3A_329 = tpu.vector_load %parallel_loop3A_326[%parallel_loop3A_327, %parallel_loop3A_328] {strides = array<i32>} : memref<128x64xbf16, #tpu.memory_space<vmem>>, vector<32xbf16>,
        %parallel_loop3A_330 = arith.mulf %parallel_loop3A_322, %parallel_loop3A_329 : vector<32xbf16>
        %parallel_loop3A_331 = arith.addf %parallel_loop3A_315, %parallel_loop3A_330 : vector<32xbf16>
        %parallel_loop3A_332 = tpu.unpack_subelements %parallel_loop3A_331, 0 {pack_format = #tpu.pack_format<interleaved>} : vector<32xbf16> -> vector<16xf32>
        %parallel_loop3A_333 = tpu.unpack_subelements %parallel_loop3A_331, 1 {pack_format = #tpu.pack_format<interleaved>} : vector<32xbf16> -> vector<16xf32>
        %parallel_loop3A_334 = arith.addf %parallel_loop3A_332, %parallel_loop3A_333 : vector<16xf32>
        %parallel_loop3A_335 = arith.constant 16 : i32
        %parallel_loop3A_336 = arith.muli %parallel_loop3A_220, %parallel_loop3A_335 : i32
        %parallel_loop3A_337 = arith.constant 3 : i32
        %parallel_loop3A_338 = arith.addi %parallel_loop3A_336, %parallel_loop3A_337 : i32
        %parallel_loop3A_339 = arith.constant 0 : i32
        %parallel_loop3A_340 = arith.constant 0 : i32
        %parallel_loop3A_341 = tpu.memref_slice %arg8[%parallel_loop3A_180, %parallel_loop3A_339, %parallel_loop3A_340] : memref<4x128x64xbf16, #tpu.memory_space<vmem>> -> memref<1x128x64xbf16, #tpu.memory_space<vmem>>
        %parallel_loop3A_342 = tpu.memref_squeeze %parallel_loop3A_341 : memref<1x128x64xbf16, #tpu.memory_space<vmem>> -> memref<128x64xbf16, #tpu.memory_space<vmem>>
        %parallel_loop3A_343 = arith.index_cast %parallel_loop3A_338 : i32 to index
        %parallel_loop3A_344 = arith.constant 0 : index
        %parallel_loop3A_345 = tpu.vector_load %parallel_loop3A_342[%parallel_loop3A_343, %parallel_loop3A_344] {strides = array<i32>} : memref<128x64xbf16, #tpu.memory_space<vmem>>, vector<32xbf16>,
        %parallel_loop3A_346 = arith.constant 0 : i32
        %parallel_loop3A_347 = arith.constant 0 : i32
        %parallel_loop3A_348 = tpu.memref_slice %arg9[%parallel_loop3A_181, %parallel_loop3A_346, %parallel_loop3A_347] : memref<4x128x64xbf16, #tpu.memory_space<vmem>> -> memref<1x128x64xbf16, #tpu.memory_space<vmem>>
        %parallel_loop3A_349 = tpu.memref_squeeze %parallel_loop3A_348 : memref<1x128x64xbf16, #tpu.memory_space<vmem>> -> memref<128x64xbf16, #tpu.memory_space<vmem>>
        %parallel_loop3A_350 = arith.index_cast %parallel_loop3A_338 : i32 to index
        %parallel_loop3A_351 = arith.constant 0 : index
        %parallel_loop3A_352 = tpu.vector_load %parallel_loop3A_349[%parallel_loop3A_350, %parallel_loop3A_351] {strides = array<i32>} : memref<128x64xbf16, #tpu.memory_space<vmem>>, vector<32xbf16>,
        %parallel_loop3A_353 = arith.mulf %parallel_loop3A_345, %parallel_loop3A_352 : vector<32xbf16>
        %parallel_loop3A_354 = arith.constant 0 : i32
        %parallel_loop3A_355 = arith.constant 0 : i32
        %parallel_loop3A_356 = tpu.memref_slice %arg8[%parallel_loop3A_180, %parallel_loop3A_354, %parallel_loop3A_355] : memref<4x128x64xbf16, #tpu.memory_space<vmem>> -> memref<1x128x64xbf16, #tpu.memory_space<vmem>>
        %parallel_loop3A_357 = tpu.memref_squeeze %parallel_loop3A_356 : memref<1x128x64xbf16, #tpu.memory_space<vmem>> -> memref<128x64xbf16, #tpu.memory_space<vmem>>
        %parallel_loop3A_358 = arith.index_cast %parallel_loop3A_338 : i32 to index
        %parallel_loop3A_359 = arith.constant 32 : index
        %parallel_loop3A_360 = tpu.vector_load %parallel_loop3A_357[%parallel_loop3A_358, %parallel_loop3A_359] {strides = array<i32>} : memref<128x64xbf16, #tpu.memory_space<vmem>>, vector<32xbf16>,
        %parallel_loop3A_361 = arith.constant 0 : i32
        %parallel_loop3A_362 = arith.constant 0 : i32
        %parallel_loop3A_363 = tpu.memref_slice %arg9[%parallel_loop3A_181, %parallel_loop3A_361, %parallel_loop3A_362] : memref<4x128x64xbf16, #tpu.memory_space<vmem>> -> memref<1x128x64xbf16, #tpu.memory_space<vmem>>
        %parallel_loop3A_364 = tpu.memref_squeeze %parallel_loop3A_363 : memref<1x128x64xbf16, #tpu.memory_space<vmem>> -> memref<128x64xbf16, #tpu.memory_space<vmem>>
        %parallel_loop3A_365 = arith.index_cast %parallel_loop3A_338 : i32 to index
        %parallel_loop3A_366 = arith.constant 32 : index
        %parallel_loop3A_367 = tpu.vector_load %parallel_loop3A_364[%parallel_loop3A_365, %parallel_loop3A_366] {strides = array<i32>} : memref<128x64xbf16, #tpu.memory_space<vmem>>, vector<32xbf16>,
        %parallel_loop3A_368 = arith.mulf %parallel_loop3A_360, %parallel_loop3A_367 : vector<32xbf16>
        %parallel_loop3A_369 = arith.addf %parallel_loop3A_353, %parallel_loop3A_368 : vector<32xbf16>
        %parallel_loop3A_370 = tpu.unpack_subelements %parallel_loop3A_369, 0 {pack_format = #tpu.pack_format<interleaved>} : vector<32xbf16> -> vector<16xf32>
        %parallel_loop3A_371 = tpu.unpack_subelements %parallel_loop3A_369, 1 {pack_format = #tpu.pack_format<interleaved>} : vector<32xbf16> -> vector<16xf32>
        %parallel_loop3A_372 = arith.addf %parallel_loop3A_370, %parallel_loop3A_371 : vector<16xf32>
        %parallel_loop3A_373 = arith.constant 16 : i32
        %parallel_loop3A_374 = arith.muli %parallel_loop3A_220, %parallel_loop3A_373 : i32
        %parallel_loop3A_375 = arith.constant 4 : i32
        %parallel_loop3A_376 = arith.addi %parallel_loop3A_374, %parallel_loop3A_375 : i32
        %parallel_loop3A_377 = arith.constant 0 : i32
        %parallel_loop3A_378 = arith.constant 0 : i32
        %parallel_loop3A_379 = tpu.memref_slice %arg8[%parallel_loop3A_180, %parallel_loop3A_377, %parallel_loop3A_378] : memref<4x128x64xbf16, #tpu.memory_space<vmem>> -> memref<1x128x64xbf16, #tpu.memory_space<vmem>>
        %parallel_loop3A_380 = tpu.memref_squeeze %parallel_loop3A_379 : memref<1x128x64xbf16, #tpu.memory_space<vmem>> -> memref<128x64xbf16, #tpu.memory_space<vmem>>
        %parallel_loop3A_381 = arith.index_cast %parallel_loop3A_376 : i32 to index
        %parallel_loop3A_382 = arith.constant 0 : index
        %parallel_loop3A_383 = tpu.vector_load %parallel_loop3A_380[%parallel_loop3A_381, %parallel_loop3A_382] {strides = array<i32>} : memref<128x64xbf16, #tpu.memory_space<vmem>>, vector<32xbf16>,
        %parallel_loop3A_384 = arith.constant 0 : i32
        %parallel_loop3A_385 = arith.constant 0 : i32
        %parallel_loop3A_386 = tpu.memref_slice %arg9[%parallel_loop3A_181, %parallel_loop3A_384, %parallel_loop3A_385] : memref<4x128x64xbf16, #tpu.memory_space<vmem>> -> memref<1x128x64xbf16, #tpu.memory_space<vmem>>
        %parallel_loop3A_387 = tpu.memref_squeeze %parallel_loop3A_386 : memref<1x128x64xbf16, #tpu.memory_space<vmem>> -> memref<128x64xbf16, #tpu.memory_space<vmem>>
        %parallel_loop3A_388 = arith.index_cast %parallel_loop3A_376 : i32 to index
        %parallel_loop3A_389 = arith.constant 0 : index
        %parallel_loop3A_390 = tpu.vector_load %parallel_loop3A_387[%parallel_loop3A_388, %parallel_loop3A_389] {strides = array<i32>} : memref<128x64xbf16, #tpu.memory_space<vmem>>, vector<32xbf16>,
        %parallel_loop3A_391 = arith.mulf %parallel_loop3A_383, %parallel_loop3A_390 : vector<32xbf16>
        %parallel_loop3A_392 = arith.constant 0 : i32
        %parallel_loop3A_393 = arith.constant 0 : i32
        %parallel_loop3A_394 = tpu.memref_slice %arg8[%parallel_loop3A_180, %parallel_loop3A_392, %parallel_loop3A_393] : memref<4x128x64xbf16, #tpu.memory_space<vmem>> -> memref<1x128x64xbf16, #tpu.memory_space<vmem>>
        %parallel_loop3A_395 = tpu.memref_squeeze %parallel_loop3A_394 : memref<1x128x64xbf16, #tpu.memory_space<vmem>> -> memref<128x64xbf16, #tpu.memory_space<vmem>>
        %parallel_loop3A_396 = arith.index_cast %parallel_loop3A_376 : i32 to index
        %parallel_loop3A_397 = arith.constant 32 : index
        %parallel_loop3A_398 = tpu.vector_load %parallel_loop3A_395[%parallel_loop3A_396, %parallel_loop3A_397] {strides = array<i32>} : memref<128x64xbf16, #tpu.memory_space<vmem>>, vector<32xbf16>,
        %parallel_loop3A_399 = arith.constant 0 : i32
        %parallel_loop3A_400 = arith.constant 0 : i32
        %parallel_loop3A_401 = tpu.memref_slice %arg9[%parallel_loop3A_181, %parallel_loop3A_399, %parallel_loop3A_400] : memref<4x128x64xbf16, #tpu.memory_space<vmem>> -> memref<1x128x64xbf16, #tpu.memory_space<vmem>>
        %parallel_loop3A_402 = tpu.memref_squeeze %parallel_loop3A_401 : memref<1x128x64xbf16, #tpu.memory_space<vmem>> -> memref<128x64xbf16, #tpu.memory_space<vmem>>
        %parallel_loop3A_403 = arith.index_cast %parallel_loop3A_376 : i32 to index
        %parallel_loop3A_404 = arith.constant 32 : index
        %parallel_loop3A_405 = tpu.vector_load %parallel_loop3A_402[%parallel_loop3A_403, %parallel_loop3A_404] {strides = array<i32>} : memref<128x64xbf16, #tpu.memory_space<vmem>>, vector<32xbf16>,
        %parallel_loop3A_406 = arith.mulf %parallel_loop3A_398, %parallel_loop3A_405 : vector<32xbf16>
        %parallel_loop3A_407 = arith.addf %parallel_loop3A_391, %parallel_loop3A_406 : vector<32xbf16>
        %parallel_loop3A_408 = tpu.unpack_subelements %parallel_loop3A_407, 0 {pack_format = #tpu.pack_format<interleaved>} : vector<32xbf16> -> vector<16xf32>
        %parallel_loop3A_409 = tpu.unpack_subelements %parallel_loop3A_407, 1 {pack_format = #tpu.pack_format<interleaved>} : vector<32xbf16> -> vector<16xf32>
        %parallel_loop3A_410 = arith.addf %parallel_loop3A_408, %parallel_loop3A_409 : vector<16xf32>
        %parallel_loop3A_411 = arith.constant 16 : i32
        %parallel_loop3A_412 = arith.muli %parallel_loop3A_220, %parallel_loop3A_411 : i32
        %parallel_loop3A_413 = arith.constant 5 : i32
        %parallel_loop3A_414 = arith.addi %parallel_loop3A_412, %parallel_loop3A_413 : i32
        %parallel_loop3A_415 = arith.constant 0 : i32
        %parallel_loop3A_416 = arith.constant 0 : i32
        %parallel_loop3A_417 = tpu.memref_slice %arg8[%parallel_loop3A_180, %parallel_loop3A_415, %parallel_loop3A_416] : memref<4x128x64xbf16, #tpu.memory_space<vmem>> -> memref<1x128x64xbf16, #tpu.memory_space<vmem>>
        %parallel_loop3A_418 = tpu.memref_squeeze %parallel_loop3A_417 : memref<1x128x64xbf16, #tpu.memory_space<vmem>> -> memref<128x64xbf16, #tpu.memory_space<vmem>>
        %parallel_loop3A_419 = arith.index_cast %parallel_loop3A_414 : i32 to index
        %parallel_loop3A_420 = arith.constant 0 : index
        %parallel_loop3A_421 = tpu.vector_load %parallel_loop3A_418[%parallel_loop3A_419, %parallel_loop3A_420] {strides = array<i32>} : memref<128x64xbf16, #tpu.memory_space<vmem>>, vector<32xbf16>,
        %parallel_loop3A_422 = arith.constant 0 : i32
        %parallel_loop3A_423 = arith.constant 0 : i32
        %parallel_loop3A_424 = tpu.memref_slice %arg9[%parallel_loop3A_181, %parallel_loop3A_422, %parallel_loop3A_423] : memref<4x128x64xbf16, #tpu.memory_space<vmem>> -> memref<1x128x64xbf16, #tpu.memory_space<vmem>>
        %parallel_loop3A_425 = tpu.memref_squeeze %parallel_loop3A_424 : memref<1x128x64xbf16, #tpu.memory_space<vmem>> -> memref<128x64xbf16, #tpu.memory_space<vmem>>
        %parallel_loop3A_426 = arith.index_cast %parallel_loop3A_414 : i32 to index
        %parallel_loop3A_427 = arith.constant 0 : index
        %parallel_loop3A_428 = tpu.vector_load %parallel_loop3A_425[%parallel_loop3A_426, %parallel_loop3A_427] {strides = array<i32>} : memref<128x64xbf16, #tpu.memory_space<vmem>>, vector<32xbf16>,
        %parallel_loop3A_429 = arith.mulf %parallel_loop3A_421, %parallel_loop3A_428 : vector<32xbf16>
        %parallel_loop3A_430 = arith.constant 0 : i32
        %parallel_loop3A_431 = arith.constant 0 : i32
        %parallel_loop3A_432 = tpu.memref_slice %arg8[%parallel_loop3A_180, %parallel_loop3A_430, %parallel_loop3A_431] : memref<4x128x64xbf16, #tpu.memory_space<vmem>> -> memref<1x128x64xbf16, #tpu.memory_space<vmem>>
        %parallel_loop3A_433 = tpu.memref_squeeze %parallel_loop3A_432 : memref<1x128x64xbf16, #tpu.memory_space<vmem>> -> memref<128x64xbf16, #tpu.memory_space<vmem>>
        %parallel_loop3A_434 = arith.index_cast %parallel_loop3A_414 : i32 to index
        %parallel_loop3A_435 = arith.constant 32 : index
        %parallel_loop3A_436 = tpu.vector_load %parallel_loop3A_433[%parallel_loop3A_434, %parallel_loop3A_435] {strides = array<i32>} : memref<128x64xbf16, #tpu.memory_space<vmem>>, vector<32xbf16>,
        %parallel_loop3A_437 = arith.constant 0 : i32
        %parallel_loop3A_438 = arith.constant 0 : i32
        %parallel_loop3A_439 = tpu.memref_slice %arg9[%parallel_loop3A_181, %parallel_loop3A_437, %parallel_loop3A_438] : memref<4x128x64xbf16, #tpu.memory_space<vmem>> -> memref<1x128x64xbf16, #tpu.memory_space<vmem>>
        %parallel_loop3A_440 = tpu.memref_squeeze %parallel_loop3A_439 : memref<1x128x64xbf16, #tpu.memory_space<vmem>> -> memref<128x64xbf16, #tpu.memory_space<vmem>>
        %parallel_loop3A_441 = arith.index_cast %parallel_loop3A_414 : i32 to index
        %parallel_loop3A_442 = arith.constant 32 : index
        %parallel_loop3A_443 = tpu.vector_load %parallel_loop3A_440[%parallel_loop3A_441, %parallel_loop3A_442] {strides = array<i32>} : memref<128x64xbf16, #tpu.memory_space<vmem>>, vector<32xbf16>,
        %parallel_loop3A_444 = arith.mulf %parallel_loop3A_436, %parallel_loop3A_443 : vector<32xbf16>
        %parallel_loop3A_445 = arith.addf %parallel_loop3A_429, %parallel_loop3A_444 : vector<32xbf16>
        %parallel_loop3A_446 = tpu.unpack_subelements %parallel_loop3A_445, 0 {pack_format = #tpu.pack_format<interleaved>} : vector<32xbf16> -> vector<16xf32>
        %parallel_loop3A_447 = tpu.unpack_subelements %parallel_loop3A_445, 1 {pack_format = #tpu.pack_format<interleaved>} : vector<32xbf16> -> vector<16xf32>
        %parallel_loop3A_448 = arith.addf %parallel_loop3A_446, %parallel_loop3A_447 : vector<16xf32>
        %parallel_loop3A_449 = arith.constant 16 : i32
        %parallel_loop3A_450 = arith.muli %parallel_loop3A_220, %parallel_loop3A_449 : i32
        %parallel_loop3A_451 = arith.constant 6 : i32
        %parallel_loop3A_452 = arith.addi %parallel_loop3A_450, %parallel_loop3A_451 : i32
        %parallel_loop3A_453 = arith.constant 0 : i32
        %parallel_loop3A_454 = arith.constant 0 : i32
        %parallel_loop3A_455 = tpu.memref_slice %arg8[%parallel_loop3A_180, %parallel_loop3A_453, %parallel_loop3A_454] : memref<4x128x64xbf16, #tpu.memory_space<vmem>> -> memref<1x128x64xbf16, #tpu.memory_space<vmem>>
        %parallel_loop3A_456 = tpu.memref_squeeze %parallel_loop3A_455 : memref<1x128x64xbf16, #tpu.memory_space<vmem>> -> memref<128x64xbf16, #tpu.memory_space<vmem>>
        %parallel_loop3A_457 = arith.index_cast %parallel_loop3A_452 : i32 to index
        %parallel_loop3A_458 = arith.constant 0 : index
        %parallel_loop3A_459 = tpu.vector_load %parallel_loop3A_456[%parallel_loop3A_457, %parallel_loop3A_458] {strides = array<i32>} : memref<128x64xbf16, #tpu.memory_space<vmem>>, vector<32xbf16>,
        %parallel_loop3A_460 = arith.constant 0 : i32
        %parallel_loop3A_461 = arith.constant 0 : i32
        %parallel_loop3A_462 = tpu.memref_slice %arg9[%parallel_loop3A_181, %parallel_loop3A_460, %parallel_loop3A_461] : memref<4x128x64xbf16, #tpu.memory_space<vmem>> -> memref<1x128x64xbf16, #tpu.memory_space<vmem>>
        %parallel_loop3A_463 = tpu.memref_squeeze %parallel_loop3A_462 : memref<1x128x64xbf16, #tpu.memory_space<vmem>> -> memref<128x64xbf16, #tpu.memory_space<vmem>>
        %parallel_loop3A_464 = arith.index_cast %parallel_loop3A_452 : i32 to index
        %parallel_loop3A_465 = arith.constant 0 : index
        %parallel_loop3A_466 = tpu.vector_load %parallel_loop3A_463[%parallel_loop3A_464, %parallel_loop3A_465] {strides = array<i32>} : memref<128x64xbf16, #tpu.memory_space<vmem>>, vector<32xbf16>,
        %parallel_loop3A_467 = arith.mulf %parallel_loop3A_459, %parallel_loop3A_466 : vector<32xbf16>
        %parallel_loop3A_468 = arith.constant 0 : i32
        %parallel_loop3A_469 = arith.constant 0 : i32
        %parallel_loop3A_470 = tpu.memref_slice %arg8[%parallel_loop3A_180, %parallel_loop3A_468, %parallel_loop3A_469] : memref<4x128x64xbf16, #tpu.memory_space<vmem>> -> memref<1x128x64xbf16, #tpu.memory_space<vmem>>
        %parallel_loop3A_471 = tpu.memref_squeeze %parallel_loop3A_470 : memref<1x128x64xbf16, #tpu.memory_space<vmem>> -> memref<128x64xbf16, #tpu.memory_space<vmem>>
        %parallel_loop3A_472 = arith.index_cast %parallel_loop3A_452 : i32 to index
        %parallel_loop3A_473 = arith.constant 32 : index
        %parallel_loop3A_474 = tpu.vector_load %parallel_loop3A_471[%parallel_loop3A_472, %parallel_loop3A_473] {strides = array<i32>} : memref<128x64xbf16, #tpu.memory_space<vmem>>, vector<32xbf16>,
        %parallel_loop3A_475 = arith.constant 0 : i32
        %parallel_loop3A_476 = arith.constant 0 : i32
        %parallel_loop3A_477 = tpu.memref_slice %arg9[%parallel_loop3A_181, %parallel_loop3A_475, %parallel_loop3A_476] : memref<4x128x64xbf16, #tpu.memory_space<vmem>> -> memref<1x128x64xbf16, #tpu.memory_space<vmem>>
        %parallel_loop3A_478 = tpu.memref_squeeze %parallel_loop3A_477 : memref<1x128x64xbf16, #tpu.memory_space<vmem>> -> memref<128x64xbf16, #tpu.memory_space<vmem>>
        %parallel_loop3A_479 = arith.index_cast %parallel_loop3A_452 : i32 to index
        %parallel_loop3A_480 = arith.constant 32 : index
        %parallel_loop3A_481 = tpu.vector_load %parallel_loop3A_478[%parallel_loop3A_479, %parallel_loop3A_480] {strides = array<i32>} : memref<128x64xbf16, #tpu.memory_space<vmem>>, vector<32xbf16>,
        %parallel_loop3A_482 = arith.mulf %parallel_loop3A_474, %parallel_loop3A_481 : vector<32xbf16>
        %parallel_loop3A_483 = arith.addf %parallel_loop3A_467, %parallel_loop3A_482 : vector<32xbf16>
        %parallel_loop3A_484 = tpu.unpack_subelements %parallel_loop3A_483, 0 {pack_format = #tpu.pack_format<interleaved>} : vector<32xbf16> -> vector<16xf32>
        %parallel_loop3A_485 = tpu.unpack_subelements %parallel_loop3A_483, 1 {pack_format = #tpu.pack_format<interleaved>} : vector<32xbf16> -> vector<16xf32>
        %parallel_loop3A_486 = arith.addf %parallel_loop3A_484, %parallel_loop3A_485 : vector<16xf32>
        %parallel_loop3A_487 = arith.constant 16 : i32
        %parallel_loop3A_488 = arith.muli %parallel_loop3A_220, %parallel_loop3A_487 : i32
        %parallel_loop3A_489 = arith.constant 7 : i32
        %parallel_loop3A_490 = arith.addi %parallel_loop3A_488, %parallel_loop3A_489 : i32
        %parallel_loop3A_491 = arith.constant 0 : i32
        %parallel_loop3A_492 = arith.constant 0 : i32
        %parallel_loop3A_493 = tpu.memref_slice %arg8[%parallel_loop3A_180, %parallel_loop3A_491, %parallel_loop3A_492] : memref<4x128x64xbf16, #tpu.memory_space<vmem>> -> memref<1x128x64xbf16, #tpu.memory_space<vmem>>
        %parallel_loop3A_494 = tpu.memref_squeeze %parallel_loop3A_493 : memref<1x128x64xbf16, #tpu.memory_space<vmem>> -> memref<128x64xbf16, #tpu.memory_space<vmem>>
        %parallel_loop3A_495 = arith.index_cast %parallel_loop3A_490 : i32 to index
        %parallel_loop3A_496 = arith.constant 0 : index
        %parallel_loop3A_497 = tpu.vector_load %parallel_loop3A_494[%parallel_loop3A_495, %parallel_loop3A_496] {strides = array<i32>} : memref<128x64xbf16, #tpu.memory_space<vmem>>, vector<32xbf16>,
        %parallel_loop3A_498 = arith.constant 0 : i32
        %parallel_loop3A_499 = arith.constant 0 : i32
        %parallel_loop3A_500 = tpu.memref_slice %arg9[%parallel_loop3A_181, %parallel_loop3A_498, %parallel_loop3A_499] : memref<4x128x64xbf16, #tpu.memory_space<vmem>> -> memref<1x128x64xbf16, #tpu.memory_space<vmem>>
        %parallel_loop3A_501 = tpu.memref_squeeze %parallel_loop3A_500 : memref<1x128x64xbf16, #tpu.memory_space<vmem>> -> memref<128x64xbf16, #tpu.memory_space<vmem>>
        %parallel_loop3A_502 = arith.index_cast %parallel_loop3A_490 : i32 to index
        %parallel_loop3A_503 = arith.constant 0 : index
        %parallel_loop3A_504 = tpu.vector_load %parallel_loop3A_501[%parallel_loop3A_502, %parallel_loop3A_503] {strides = array<i32>} : memref<128x64xbf16, #tpu.memory_space<vmem>>, vector<32xbf16>,
        %parallel_loop3A_505 = arith.mulf %parallel_loop3A_497, %parallel_loop3A_504 : vector<32xbf16>
        %parallel_loop3A_506 = arith.constant 0 : i32
        %parallel_loop3A_507 = arith.constant 0 : i32
        %parallel_loop3A_508 = tpu.memref_slice %arg8[%parallel_loop3A_180, %parallel_loop3A_506, %parallel_loop3A_507] : memref<4x128x64xbf16, #tpu.memory_space<vmem>> -> memref<1x128x64xbf16, #tpu.memory_space<vmem>>
        %parallel_loop3A_509 = tpu.memref_squeeze %parallel_loop3A_508 : memref<1x128x64xbf16, #tpu.memory_space<vmem>> -> memref<128x64xbf16, #tpu.memory_space<vmem>>
        %parallel_loop3A_510 = arith.index_cast %parallel_loop3A_490 : i32 to index
        %parallel_loop3A_511 = arith.constant 32 : index
        %parallel_loop3A_512 = tpu.vector_load %parallel_loop3A_509[%parallel_loop3A_510, %parallel_loop3A_511] {strides = array<i32>} : memref<128x64xbf16, #tpu.memory_space<vmem>>, vector<32xbf16>,
        %parallel_loop3A_513 = arith.constant 0 : i32
        %parallel_loop3A_514 = arith.constant 0 : i32
        %parallel_loop3A_515 = tpu.memref_slice %arg9[%parallel_loop3A_181, %parallel_loop3A_513, %parallel_loop3A_514] : memref<4x128x64xbf16, #tpu.memory_space<vmem>> -> memref<1x128x64xbf16, #tpu.memory_space<vmem>>
        %parallel_loop3A_516 = tpu.memref_squeeze %parallel_loop3A_515 : memref<1x128x64xbf16, #tpu.memory_space<vmem>> -> memref<128x64xbf16, #tpu.memory_space<vmem>>
        %parallel_loop3A_517 = arith.index_cast %parallel_loop3A_490 : i32 to index
        %parallel_loop3A_518 = arith.constant 32 : index
        %parallel_loop3A_519 = tpu.vector_load %parallel_loop3A_516[%parallel_loop3A_517, %parallel_loop3A_518] {strides = array<i32>} : memref<128x64xbf16, #tpu.memory_space<vmem>>, vector<32xbf16>,
        %parallel_loop3A_520 = arith.mulf %parallel_loop3A_512, %parallel_loop3A_519 : vector<32xbf16>
        %parallel_loop3A_521 = arith.addf %parallel_loop3A_505, %parallel_loop3A_520 : vector<32xbf16>
        %parallel_loop3A_522 = tpu.unpack_subelements %parallel_loop3A_521, 0 {pack_format = #tpu.pack_format<interleaved>} : vector<32xbf16> -> vector<16xf32>
        %parallel_loop3A_523 = tpu.unpack_subelements %parallel_loop3A_521, 1 {pack_format = #tpu.pack_format<interleaved>} : vector<32xbf16> -> vector<16xf32>
        %parallel_loop3A_524 = arith.addf %parallel_loop3A_522, %parallel_loop3A_523 : vector<16xf32>
        %parallel_loop3A_525 = arith.constant 16 : i32
        %parallel_loop3A_526 = arith.muli %parallel_loop3A_220, %parallel_loop3A_525 : i32
        %parallel_loop3A_527 = arith.constant 8 : i32
        %parallel_loop3A_528 = arith.addi %parallel_loop3A_526, %parallel_loop3A_527 : i32
        %parallel_loop3A_529 = arith.constant 0 : i32
        %parallel_loop3A_530 = arith.constant 0 : i32
        %parallel_loop3A_531 = tpu.memref_slice %arg8[%parallel_loop3A_180, %parallel_loop3A_529, %parallel_loop3A_530] : memref<4x128x64xbf16, #tpu.memory_space<vmem>> -> memref<1x128x64xbf16, #tpu.memory_space<vmem>>
        %parallel_loop3A_532 = tpu.memref_squeeze %parallel_loop3A_531 : memref<1x128x64xbf16, #tpu.memory_space<vmem>> -> memref<128x64xbf16, #tpu.memory_space<vmem>>
        %parallel_loop3A_533 = arith.index_cast %parallel_loop3A_528 : i32 to index
        %parallel_loop3A_534 = arith.constant 0 : index
        %parallel_loop3A_535 = tpu.vector_load %parallel_loop3A_532[%parallel_loop3A_533, %parallel_loop3A_534] {strides = array<i32>} : memref<128x64xbf16, #tpu.memory_space<vmem>>, vector<32xbf16>,
        %parallel_loop3A_536 = arith.constant 0 : i32
        %parallel_loop3A_537 = arith.constant 0 : i32
        %parallel_loop3A_538 = tpu.memref_slice %arg9[%parallel_loop3A_181, %parallel_loop3A_536, %parallel_loop3A_537] : memref<4x128x64xbf16, #tpu.memory_space<vmem>> -> memref<1x128x64xbf16, #tpu.memory_space<vmem>>
        %parallel_loop3A_539 = tpu.memref_squeeze %parallel_loop3A_538 : memref<1x128x64xbf16, #tpu.memory_space<vmem>> -> memref<128x64xbf16, #tpu.memory_space<vmem>>
        %parallel_loop3A_540 = arith.index_cast %parallel_loop3A_528 : i32 to index
        %parallel_loop3A_541 = arith.constant 0 : index
        %parallel_loop3A_542 = tpu.vector_load %parallel_loop3A_539[%parallel_loop3A_540, %parallel_loop3A_541] {strides = array<i32>} : memref<128x64xbf16, #tpu.memory_space<vmem>>, vector<32xbf16>,
        %parallel_loop3A_543 = arith.mulf %parallel_loop3A_535, %parallel_loop3A_542 : vector<32xbf16>
        %parallel_loop3A_544 = arith.constant 0 : i32
        %parallel_loop3A_545 = arith.constant 0 : i32
        %parallel_loop3A_546 = tpu.memref_slice %arg8[%parallel_loop3A_180, %parallel_loop3A_544, %parallel_loop3A_545] : memref<4x128x64xbf16, #tpu.memory_space<vmem>> -> memref<1x128x64xbf16, #tpu.memory_space<vmem>>
        %parallel_loop3A_547 = tpu.memref_squeeze %parallel_loop3A_546 : memref<1x128x64xbf16, #tpu.memory_space<vmem>> -> memref<128x64xbf16, #tpu.memory_space<vmem>>
        %parallel_loop3A_548 = arith.index_cast %parallel_loop3A_528 : i32 to index
        %parallel_loop3A_549 = arith.constant 32 : index
        %parallel_loop3A_550 = tpu.vector_load %parallel_loop3A_547[%parallel_loop3A_548, %parallel_loop3A_549] {strides = array<i32>} : memref<128x64xbf16, #tpu.memory_space<vmem>>, vector<32xbf16>,
        %parallel_loop3A_551 = arith.constant 0 : i32
        %parallel_loop3A_552 = arith.constant 0 : i32
        %parallel_loop3A_553 = tpu.memref_slice %arg9[%parallel_loop3A_181, %parallel_loop3A_551, %parallel_loop3A_552] : memref<4x128x64xbf16, #tpu.memory_space<vmem>> -> memref<1x128x64xbf16, #tpu.memory_space<vmem>>
        %parallel_loop3A_554 = tpu.memref_squeeze %parallel_loop3A_553 : memref<1x128x64xbf16, #tpu.memory_space<vmem>> -> memref<128x64xbf16, #tpu.memory_space<vmem>>
        %parallel_loop3A_555 = arith.index_cast %parallel_loop3A_528 : i32 to index
        %parallel_loop3A_556 = arith.constant 32 : index
        %parallel_loop3A_557 = tpu.vector_load %parallel_loop3A_554[%parallel_loop3A_555, %parallel_loop3A_556] {strides = array<i32>} : memref<128x64xbf16, #tpu.memory_space<vmem>>, vector<32xbf16>,
        %parallel_loop3A_558 = arith.mulf %parallel_loop3A_550, %parallel_loop3A_557 : vector<32xbf16>
        %parallel_loop3A_559 = arith.addf %parallel_loop3A_543, %parallel_loop3A_558 : vector<32xbf16>
        %parallel_loop3A_560 = tpu.unpack_subelements %parallel_loop3A_559, 0 {pack_format = #tpu.pack_format<interleaved>} : vector<32xbf16> -> vector<16xf32>
        %parallel_loop3A_561 = tpu.unpack_subelements %parallel_loop3A_559, 1 {pack_format = #tpu.pack_format<interleaved>} : vector<32xbf16> -> vector<16xf32>
        %parallel_loop3A_562 = arith.addf %parallel_loop3A_560, %parallel_loop3A_561 : vector<16xf32>
        %parallel_loop3A_563 = arith.constant 16 : i32
        %parallel_loop3A_564 = arith.muli %parallel_loop3A_220, %parallel_loop3A_563 : i32
        %parallel_loop3A_565 = arith.constant 9 : i32
        %parallel_loop3A_566 = arith.addi %parallel_loop3A_564, %parallel_loop3A_565 : i32
        %parallel_loop3A_567 = arith.constant 0 : i32
        %parallel_loop3A_568 = arith.constant 0 : i32
        %parallel_loop3A_569 = tpu.memref_slice %arg8[%parallel_loop3A_180, %parallel_loop3A_567, %parallel_loop3A_568] : memref<4x128x64xbf16, #tpu.memory_space<vmem>> -> memref<1x128x64xbf16, #tpu.memory_space<vmem>>
        %parallel_loop3A_570 = tpu.memref_squeeze %parallel_loop3A_569 : memref<1x128x64xbf16, #tpu.memory_space<vmem>> -> memref<128x64xbf16, #tpu.memory_space<vmem>>
        %parallel_loop3A_571 = arith.index_cast %parallel_loop3A_566 : i32 to index
        %parallel_loop3A_572 = arith.constant 0 : index
        %parallel_loop3A_573 = tpu.vector_load %parallel_loop3A_570[%parallel_loop3A_571, %parallel_loop3A_572] {strides = array<i32>} : memref<128x64xbf16, #tpu.memory_space<vmem>>, vector<32xbf16>,
        %parallel_loop3A_574 = arith.constant 0 : i32
        %parallel_loop3A_575 = arith.constant 0 : i32
        %parallel_loop3A_576 = tpu.memref_slice %arg9[%parallel_loop3A_181, %parallel_loop3A_574, %parallel_loop3A_575] : memref<4x128x64xbf16, #tpu.memory_space<vmem>> -> memref<1x128x64xbf16, #tpu.memory_space<vmem>>
        %parallel_loop3A_577 = tpu.memref_squeeze %parallel_loop3A_576 : memref<1x128x64xbf16, #tpu.memory_space<vmem>> -> memref<128x64xbf16, #tpu.memory_space<vmem>>
        %parallel_loop3A_578 = arith.index_cast %parallel_loop3A_566 : i32 to index
        %parallel_loop3A_579 = arith.constant 0 : index
        %parallel_loop3A_580 = tpu.vector_load %parallel_loop3A_577[%parallel_loop3A_578, %parallel_loop3A_579] {strides = array<i32>} : memref<128x64xbf16, #tpu.memory_space<vmem>>, vector<32xbf16>,
        %parallel_loop3A_581 = arith.mulf %parallel_loop3A_573, %parallel_loop3A_580 : vector<32xbf16>
        %parallel_loop3A_582 = arith.constant 0 : i32
        %parallel_loop3A_583 = arith.constant 0 : i32
        %parallel_loop3A_584 = tpu.memref_slice %arg8[%parallel_loop3A_180, %parallel_loop3A_582, %parallel_loop3A_583] : memref<4x128x64xbf16, #tpu.memory_space<vmem>> -> memref<1x128x64xbf16, #tpu.memory_space<vmem>>
        %parallel_loop3A_585 = tpu.memref_squeeze %parallel_loop3A_584 : memref<1x128x64xbf16, #tpu.memory_space<vmem>> -> memref<128x64xbf16, #tpu.memory_space<vmem>>
        %parallel_loop3A_586 = arith.index_cast %parallel_loop3A_566 : i32 to index
        %parallel_loop3A_587 = arith.constant 32 : index
        %parallel_loop3A_588 = tpu.vector_load %parallel_loop3A_585[%parallel_loop3A_586, %parallel_loop3A_587] {strides = array<i32>} : memref<128x64xbf16, #tpu.memory_space<vmem>>, vector<32xbf16>,
        %parallel_loop3A_589 = arith.constant 0 : i32
        %parallel_loop3A_590 = arith.constant 0 : i32
        %parallel_loop3A_591 = tpu.memref_slice %arg9[%parallel_loop3A_181, %parallel_loop3A_589, %parallel_loop3A_590] : memref<4x128x64xbf16, #tpu.memory_space<vmem>> -> memref<1x128x64xbf16, #tpu.memory_space<vmem>>
        %parallel_loop3A_592 = tpu.memref_squeeze %parallel_loop3A_591 : memref<1x128x64xbf16, #tpu.memory_space<vmem>> -> memref<128x64xbf16, #tpu.memory_space<vmem>>
        %parallel_loop3A_593 = arith.index_cast %parallel_loop3A_566 : i32 to index
        %parallel_loop3A_594 = arith.constant 32 : index
        %parallel_loop3A_595 = tpu.vector_load %parallel_loop3A_592[%parallel_loop3A_593, %parallel_loop3A_594] {strides = array<i32>} : memref<128x64xbf16, #tpu.memory_space<vmem>>, vector<32xbf16>,
        %parallel_loop3A_596 = arith.mulf %parallel_loop3A_588, %parallel_loop3A_595 : vector<32xbf16>
        %parallel_loop3A_597 = arith.addf %parallel_loop3A_581, %parallel_loop3A_596 : vector<32xbf16>
        %parallel_loop3A_598 = tpu.unpack_subelements %parallel_loop3A_597, 0 {pack_format = #tpu.pack_format<interleaved>} : vector<32xbf16> -> vector<16xf32>
        %parallel_loop3A_599 = tpu.unpack_subelements %parallel_loop3A_597, 1 {pack_format = #tpu.pack_format<interleaved>} : vector<32xbf16> -> vector<16xf32>
        %parallel_loop3A_600 = arith.addf %parallel_loop3A_598, %parallel_loop3A_599 : vector<16xf32>
        %parallel_loop3A_601 = arith.constant 16 : i32
        %parallel_loop3A_602 = arith.muli %parallel_loop3A_220, %parallel_loop3A_601 : i32
        %parallel_loop3A_603 = arith.constant 10 : i32
        %parallel_loop3A_604 = arith.addi %parallel_loop3A_602, %parallel_loop3A_603 : i32
        %parallel_loop3A_605 = arith.constant 0 : i32
        %parallel_loop3A_606 = arith.constant 0 : i32
        %parallel_loop3A_607 = tpu.memref_slice %arg8[%parallel_loop3A_180, %parallel_loop3A_605, %parallel_loop3A_606] : memref<4x128x64xbf16, #tpu.memory_space<vmem>> -> memref<1x128x64xbf16, #tpu.memory_space<vmem>>
        %parallel_loop3A_608 = tpu.memref_squeeze %parallel_loop3A_607 : memref<1x128x64xbf16, #tpu.memory_space<vmem>> -> memref<128x64xbf16, #tpu.memory_space<vmem>>
        %parallel_loop3A_609 = arith.index_cast %parallel_loop3A_604 : i32 to index
        %parallel_loop3A_610 = arith.constant 0 : index
        %parallel_loop3A_611 = tpu.vector_load %parallel_loop3A_608[%parallel_loop3A_609, %parallel_loop3A_610] {strides = array<i32>} : memref<128x64xbf16, #tpu.memory_space<vmem>>, vector<32xbf16>,
        %parallel_loop3A_612 = arith.constant 0 : i32
        %parallel_loop3A_613 = arith.constant 0 : i32
        %parallel_loop3A_614 = tpu.memref_slice %arg9[%parallel_loop3A_181, %parallel_loop3A_612, %parallel_loop3A_613] : memref<4x128x64xbf16, #tpu.memory_space<vmem>> -> memref<1x128x64xbf16, #tpu.memory_space<vmem>>
        %parallel_loop3A_615 = tpu.memref_squeeze %parallel_loop3A_614 : memref<1x128x64xbf16, #tpu.memory_space<vmem>> -> memref<128x64xbf16, #tpu.memory_space<vmem>>
        %parallel_loop3A_616 = arith.index_cast %parallel_loop3A_604 : i32 to index
        %parallel_loop3A_617 = arith.constant 0 : index
        %parallel_loop3A_618 = tpu.vector_load %parallel_loop3A_615[%parallel_loop3A_616, %parallel_loop3A_617] {strides = array<i32>} : memref<128x64xbf16, #tpu.memory_space<vmem>>, vector<32xbf16>,
        %parallel_loop3A_619 = arith.mulf %parallel_loop3A_611, %parallel_loop3A_618 : vector<32xbf16>
        %parallel_loop3A_620 = arith.constant 0 : i32
        %parallel_loop3A_621 = arith.constant 0 : i32
        %parallel_loop3A_622 = tpu.memref_slice %arg8[%parallel_loop3A_180, %parallel_loop3A_620, %parallel_loop3A_621] : memref<4x128x64xbf16, #tpu.memory_space<vmem>> -> memref<1x128x64xbf16, #tpu.memory_space<vmem>>
        %parallel_loop3A_623 = tpu.memref_squeeze %parallel_loop3A_622 : memref<1x128x64xbf16, #tpu.memory_space<vmem>> -> memref<128x64xbf16, #tpu.memory_space<vmem>>
        %parallel_loop3A_624 = arith.index_cast %parallel_loop3A_604 : i32 to index
        %parallel_loop3A_625 = arith.constant 32 : index
        %parallel_loop3A_626 = tpu.vector_load %parallel_loop3A_623[%parallel_loop3A_624, %parallel_loop3A_625] {strides = array<i32>} : memref<128x64xbf16, #tpu.memory_space<vmem>>, vector<32xbf16>,
        %parallel_loop3A_627 = arith.constant 0 : i32
        %parallel_loop3A_628 = arith.constant 0 : i32
        %parallel_loop3A_629 = tpu.memref_slice %arg9[%parallel_loop3A_181, %parallel_loop3A_627, %parallel_loop3A_628] : memref<4x128x64xbf16, #tpu.memory_space<vmem>> -> memref<1x128x64xbf16, #tpu.memory_space<vmem>>
        %parallel_loop3A_630 = tpu.memref_squeeze %parallel_loop3A_629 : memref<1x128x64xbf16, #tpu.memory_space<vmem>> -> memref<128x64xbf16, #tpu.memory_space<vmem>>
        %parallel_loop3A_631 = arith.index_cast %parallel_loop3A_604 : i32 to index
        %parallel_loop3A_632 = arith.constant 32 : index
        %parallel_loop3A_633 = tpu.vector_load %parallel_loop3A_630[%parallel_loop3A_631, %parallel_loop3A_632] {strides = array<i32>} : memref<128x64xbf16, #tpu.memory_space<vmem>>, vector<32xbf16>,
        %parallel_loop3A_634 = arith.mulf %parallel_loop3A_626, %parallel_loop3A_633 : vector<32xbf16>
        %parallel_loop3A_635 = arith.addf %parallel_loop3A_619, %parallel_loop3A_634 : vector<32xbf16>
        %parallel_loop3A_636 = tpu.unpack_subelements %parallel_loop3A_635, 0 {pack_format = #tpu.pack_format<interleaved>} : vector<32xbf16> -> vector<16xf32>
        %parallel_loop3A_637 = tpu.unpack_subelements %parallel_loop3A_635, 1 {pack_format = #tpu.pack_format<interleaved>} : vector<32xbf16> -> vector<16xf32>
        %parallel_loop3A_638 = arith.addf %parallel_loop3A_636, %parallel_loop3A_637 : vector<16xf32>
        %parallel_loop3A_639 = arith.constant 16 : i32
        %parallel_loop3A_640 = arith.muli %parallel_loop3A_220, %parallel_loop3A_639 : i32
        %parallel_loop3A_641 = arith.constant 11 : i32
        %parallel_loop3A_642 = arith.addi %parallel_loop3A_640, %parallel_loop3A_641 : i32
        %parallel_loop3A_643 = arith.constant 0 : i32
        %parallel_loop3A_644 = arith.constant 0 : i32
        %parallel_loop3A_645 = tpu.memref_slice %arg8[%parallel_loop3A_180, %parallel_loop3A_643, %parallel_loop3A_644] : memref<4x128x64xbf16, #tpu.memory_space<vmem>> -> memref<1x128x64xbf16, #tpu.memory_space<vmem>>
        %parallel_loop3A_646 = tpu.memref_squeeze %parallel_loop3A_645 : memref<1x128x64xbf16, #tpu.memory_space<vmem>> -> memref<128x64xbf16, #tpu.memory_space<vmem>>
        %parallel_loop3A_647 = arith.index_cast %parallel_loop3A_642 : i32 to index
        %parallel_loop3A_648 = arith.constant 0 : index
        %parallel_loop3A_649 = tpu.vector_load %parallel_loop3A_646[%parallel_loop3A_647, %parallel_loop3A_648] {strides = array<i32>} : memref<128x64xbf16, #tpu.memory_space<vmem>>, vector<32xbf16>,
        %parallel_loop3A_650 = arith.constant 0 : i32
        %parallel_loop3A_651 = arith.constant 0 : i32
        %parallel_loop3A_652 = tpu.memref_slice %arg9[%parallel_loop3A_181, %parallel_loop3A_650, %parallel_loop3A_651] : memref<4x128x64xbf16, #tpu.memory_space<vmem>> -> memref<1x128x64xbf16, #tpu.memory_space<vmem>>
        %parallel_loop3A_653 = tpu.memref_squeeze %parallel_loop3A_652 : memref<1x128x64xbf16, #tpu.memory_space<vmem>> -> memref<128x64xbf16, #tpu.memory_space<vmem>>
        %parallel_loop3A_654 = arith.index_cast %parallel_loop3A_642 : i32 to index
        %parallel_loop3A_655 = arith.constant 0 : index
        %parallel_loop3A_656 = tpu.vector_load %parallel_loop3A_653[%parallel_loop3A_654, %parallel_loop3A_655] {strides = array<i32>} : memref<128x64xbf16, #tpu.memory_space<vmem>>, vector<32xbf16>,
        %parallel_loop3A_657 = arith.mulf %parallel_loop3A_649, %parallel_loop3A_656 : vector<32xbf16>
        %parallel_loop3A_658 = arith.constant 0 : i32
        %parallel_loop3A_659 = arith.constant 0 : i32
        %parallel_loop3A_660 = tpu.memref_slice %arg8[%parallel_loop3A_180, %parallel_loop3A_658, %parallel_loop3A_659] : memref<4x128x64xbf16, #tpu.memory_space<vmem>> -> memref<1x128x64xbf16, #tpu.memory_space<vmem>>
        %parallel_loop3A_661 = tpu.memref_squeeze %parallel_loop3A_660 : memref<1x128x64xbf16, #tpu.memory_space<vmem>> -> memref<128x64xbf16, #tpu.memory_space<vmem>>
        %parallel_loop3A_662 = arith.index_cast %parallel_loop3A_642 : i32 to index
        %parallel_loop3A_663 = arith.constant 32 : index
        %parallel_loop3A_664 = tpu.vector_load %parallel_loop3A_661[%parallel_loop3A_662, %parallel_loop3A_663] {strides = array<i32>} : memref<128x64xbf16, #tpu.memory_space<vmem>>, vector<32xbf16>,
        %parallel_loop3A_665 = arith.constant 0 : i32
        %parallel_loop3A_666 = arith.constant 0 : i32
        %parallel_loop3A_667 = tpu.memref_slice %arg9[%parallel_loop3A_181, %parallel_loop3A_665, %parallel_loop3A_666] : memref<4x128x64xbf16, #tpu.memory_space<vmem>> -> memref<1x128x64xbf16, #tpu.memory_space<vmem>>
        %parallel_loop3A_668 = tpu.memref_squeeze %parallel_loop3A_667 : memref<1x128x64xbf16, #tpu.memory_space<vmem>> -> memref<128x64xbf16, #tpu.memory_space<vmem>>
        %parallel_loop3A_669 = arith.index_cast %parallel_loop3A_642 : i32 to index
        %parallel_loop3A_670 = arith.constant 32 : index
        %parallel_loop3A_671 = tpu.vector_load %parallel_loop3A_668[%parallel_loop3A_669, %parallel_loop3A_670] {strides = array<i32>} : memref<128x64xbf16, #tpu.memory_space<vmem>>, vector<32xbf16>,
        %parallel_loop3A_672 = arith.mulf %parallel_loop3A_664, %parallel_loop3A_671 : vector<32xbf16>
        %parallel_loop3A_673 = arith.addf %parallel_loop3A_657, %parallel_loop3A_672 : vector<32xbf16>
        %parallel_loop3A_674 = tpu.unpack_subelements %parallel_loop3A_673, 0 {pack_format = #tpu.pack_format<interleaved>} : vector<32xbf16> -> vector<16xf32>
        %parallel_loop3A_675 = tpu.unpack_subelements %parallel_loop3A_673, 1 {pack_format = #tpu.pack_format<interleaved>} : vector<32xbf16> -> vector<16xf32>
        %parallel_loop3A_676 = arith.addf %parallel_loop3A_674, %parallel_loop3A_675 : vector<16xf32>
        %parallel_loop3A_677 = arith.constant 16 : i32
        %parallel_loop3A_678 = arith.muli %parallel_loop3A_220, %parallel_loop3A_677 : i32
        %parallel_loop3A_679 = arith.constant 12 : i32
        %parallel_loop3A_680 = arith.addi %parallel_loop3A_678, %parallel_loop3A_679 : i32
        %parallel_loop3A_681 = arith.constant 0 : i32
        %parallel_loop3A_682 = arith.constant 0 : i32
        %parallel_loop3A_683 = tpu.memref_slice %arg8[%parallel_loop3A_180, %parallel_loop3A_681, %parallel_loop3A_682] : memref<4x128x64xbf16, #tpu.memory_space<vmem>> -> memref<1x128x64xbf16, #tpu.memory_space<vmem>>
        %parallel_loop3A_684 = tpu.memref_squeeze %parallel_loop3A_683 : memref<1x128x64xbf16, #tpu.memory_space<vmem>> -> memref<128x64xbf16, #tpu.memory_space<vmem>>
        %parallel_loop3A_685 = arith.index_cast %parallel_loop3A_680 : i32 to index
        %parallel_loop3A_686 = arith.constant 0 : index
        %parallel_loop3A_687 = tpu.vector_load %parallel_loop3A_684[%parallel_loop3A_685, %parallel_loop3A_686] {strides = array<i32>} : memref<128x64xbf16, #tpu.memory_space<vmem>>, vector<32xbf16>,
        %parallel_loop3A_688 = arith.constant 0 : i32
        %parallel_loop3A_689 = arith.constant 0 : i32
        %parallel_loop3A_690 = tpu.memref_slice %arg9[%parallel_loop3A_181, %parallel_loop3A_688, %parallel_loop3A_689] : memref<4x128x64xbf16, #tpu.memory_space<vmem>> -> memref<1x128x64xbf16, #tpu.memory_space<vmem>>
        %parallel_loop3A_691 = tpu.memref_squeeze %parallel_loop3A_690 : memref<1x128x64xbf16, #tpu.memory_space<vmem>> -> memref<128x64xbf16, #tpu.memory_space<vmem>>
        %parallel_loop3A_692 = arith.index_cast %parallel_loop3A_680 : i32 to index
        %parallel_loop3A_693 = arith.constant 0 : index
        %parallel_loop3A_694 = tpu.vector_load %parallel_loop3A_691[%parallel_loop3A_692, %parallel_loop3A_693] {strides = array<i32>} : memref<128x64xbf16, #tpu.memory_space<vmem>>, vector<32xbf16>,
        %parallel_loop3A_695 = arith.mulf %parallel_loop3A_687, %parallel_loop3A_694 : vector<32xbf16>
        %parallel_loop3A_696 = arith.constant 0 : i32
        %parallel_loop3A_697 = arith.constant 0 : i32
        %parallel_loop3A_698 = tpu.memref_slice %arg8[%parallel_loop3A_180, %parallel_loop3A_696, %parallel_loop3A_697] : memref<4x128x64xbf16, #tpu.memory_space<vmem>> -> memref<1x128x64xbf16, #tpu.memory_space<vmem>>
        %parallel_loop3A_699 = tpu.memref_squeeze %parallel_loop3A_698 : memref<1x128x64xbf16, #tpu.memory_space<vmem>> -> memref<128x64xbf16, #tpu.memory_space<vmem>>
        %parallel_loop3A_700 = arith.index_cast %parallel_loop3A_680 : i32 to index
        %parallel_loop3A_701 = arith.constant 32 : index
        %parallel_loop3A_702 = tpu.vector_load %parallel_loop3A_699[%parallel_loop3A_700, %parallel_loop3A_701] {strides = array<i32>} : memref<128x64xbf16, #tpu.memory_space<vmem>>, vector<32xbf16>,
        %parallel_loop3A_703 = arith.constant 0 : i32
        %parallel_loop3A_704 = arith.constant 0 : i32
        %parallel_loop3A_705 = tpu.memref_slice %arg9[%parallel_loop3A_181, %parallel_loop3A_703, %parallel_loop3A_704] : memref<4x128x64xbf16, #tpu.memory_space<vmem>> -> memref<1x128x64xbf16, #tpu.memory_space<vmem>>
        %parallel_loop3A_706 = tpu.memref_squeeze %parallel_loop3A_705 : memref<1x128x64xbf16, #tpu.memory_space<vmem>> -> memref<128x64xbf16, #tpu.memory_space<vmem>>
        %parallel_loop3A_707 = arith.index_cast %parallel_loop3A_680 : i32 to index
        %parallel_loop3A_708 = arith.constant 32 : index
        %parallel_loop3A_709 = tpu.vector_load %parallel_loop3A_706[%parallel_loop3A_707, %parallel_loop3A_708] {strides = array<i32>} : memref<128x64xbf16, #tpu.memory_space<vmem>>, vector<32xbf16>,
        %parallel_loop3A_710 = arith.mulf %parallel_loop3A_702, %parallel_loop3A_709 : vector<32xbf16>
        %parallel_loop3A_711 = arith.addf %parallel_loop3A_695, %parallel_loop3A_710 : vector<32xbf16>
        %parallel_loop3A_712 = tpu.unpack_subelements %parallel_loop3A_711, 0 {pack_format = #tpu.pack_format<interleaved>} : vector<32xbf16> -> vector<16xf32>
        %parallel_loop3A_713 = tpu.unpack_subelements %parallel_loop3A_711, 1 {pack_format = #tpu.pack_format<interleaved>} : vector<32xbf16> -> vector<16xf32>
        %parallel_loop3A_714 = arith.addf %parallel_loop3A_712, %parallel_loop3A_713 : vector<16xf32>
        %parallel_loop3A_715 = arith.constant 16 : i32
        %parallel_loop3A_716 = arith.muli %parallel_loop3A_220, %parallel_loop3A_715 : i32
        %parallel_loop3A_717 = arith.constant 13 : i32
        %parallel_loop3A_718 = arith.addi %parallel_loop3A_716, %parallel_loop3A_717 : i32
        %parallel_loop3A_719 = arith.constant 0 : i32
        %parallel_loop3A_720 = arith.constant 0 : i32
        %parallel_loop3A_721 = tpu.memref_slice %arg8[%parallel_loop3A_180, %parallel_loop3A_719, %parallel_loop3A_720] : memref<4x128x64xbf16, #tpu.memory_space<vmem>> -> memref<1x128x64xbf16, #tpu.memory_space<vmem>>
        %parallel_loop3A_722 = tpu.memref_squeeze %parallel_loop3A_721 : memref<1x128x64xbf16, #tpu.memory_space<vmem>> -> memref<128x64xbf16, #tpu.memory_space<vmem>>
        %parallel_loop3A_723 = arith.index_cast %parallel_loop3A_718 : i32 to index
        %parallel_loop3A_724 = arith.constant 0 : index
        %parallel_loop3A_725 = tpu.vector_load %parallel_loop3A_722[%parallel_loop3A_723, %parallel_loop3A_724] {strides = array<i32>} : memref<128x64xbf16, #tpu.memory_space<vmem>>, vector<32xbf16>,
        %parallel_loop3A_726 = arith.constant 0 : i32
        %parallel_loop3A_727 = arith.constant 0 : i32
        %parallel_loop3A_728 = tpu.memref_slice %arg9[%parallel_loop3A_181, %parallel_loop3A_726, %parallel_loop3A_727] : memref<4x128x64xbf16, #tpu.memory_space<vmem>> -> memref<1x128x64xbf16, #tpu.memory_space<vmem>>
        %parallel_loop3A_729 = tpu.memref_squeeze %parallel_loop3A_728 : memref<1x128x64xbf16, #tpu.memory_space<vmem>> -> memref<128x64xbf16, #tpu.memory_space<vmem>>
        %parallel_loop3A_730 = arith.index_cast %parallel_loop3A_718 : i32 to index
        %parallel_loop3A_731 = arith.constant 0 : index
        %parallel_loop3A_732 = tpu.vector_load %parallel_loop3A_729[%parallel_loop3A_730, %parallel_loop3A_731] {strides = array<i32>} : memref<128x64xbf16, #tpu.memory_space<vmem>>, vector<32xbf16>,
        %parallel_loop3A_733 = arith.mulf %parallel_loop3A_725, %parallel_loop3A_732 : vector<32xbf16>
        %parallel_loop3A_734 = arith.constant 0 : i32
        %parallel_loop3A_735 = arith.constant 0 : i32
        %parallel_loop3A_736 = tpu.memref_slice %arg8[%parallel_loop3A_180, %parallel_loop3A_734, %parallel_loop3A_735] : memref<4x128x64xbf16, #tpu.memory_space<vmem>> -> memref<1x128x64xbf16, #tpu.memory_space<vmem>>
        %parallel_loop3A_737 = tpu.memref_squeeze %parallel_loop3A_736 : memref<1x128x64xbf16, #tpu.memory_space<vmem>> -> memref<128x64xbf16, #tpu.memory_space<vmem>>
        %parallel_loop3A_738 = arith.index_cast %parallel_loop3A_718 : i32 to index
        %parallel_loop3A_739 = arith.constant 32 : index
        %parallel_loop3A_740 = tpu.vector_load %parallel_loop3A_737[%parallel_loop3A_738, %parallel_loop3A_739] {strides = array<i32>} : memref<128x64xbf16, #tpu.memory_space<vmem>>, vector<32xbf16>,
        %parallel_loop3A_741 = arith.constant 0 : i32
        %parallel_loop3A_742 = arith.constant 0 : i32
        %parallel_loop3A_743 = tpu.memref_slice %arg9[%parallel_loop3A_181, %parallel_loop3A_741, %parallel_loop3A_742] : memref<4x128x64xbf16, #tpu.memory_space<vmem>> -> memref<1x128x64xbf16, #tpu.memory_space<vmem>>
        %parallel_loop3A_744 = tpu.memref_squeeze %parallel_loop3A_743 : memref<1x128x64xbf16, #tpu.memory_space<vmem>> -> memref<128x64xbf16, #tpu.memory_space<vmem>>
        %parallel_loop3A_745 = arith.index_cast %parallel_loop3A_718 : i32 to index
        %parallel_loop3A_746 = arith.constant 32 : index
        %parallel_loop3A_747 = tpu.vector_load %parallel_loop3A_744[%parallel_loop3A_745, %parallel_loop3A_746] {strides = array<i32>} : memref<128x64xbf16, #tpu.memory_space<vmem>>, vector<32xbf16>,
        %parallel_loop3A_748 = arith.mulf %parallel_loop3A_740, %parallel_loop3A_747 : vector<32xbf16>
        %parallel_loop3A_749 = arith.addf %parallel_loop3A_733, %parallel_loop3A_748 : vector<32xbf16>
        %parallel_loop3A_750 = tpu.unpack_subelements %parallel_loop3A_749, 0 {pack_format = #tpu.pack_format<interleaved>} : vector<32xbf16> -> vector<16xf32>
        %parallel_loop3A_751 = tpu.unpack_subelements %parallel_loop3A_749, 1 {pack_format = #tpu.pack_format<interleaved>} : vector<32xbf16> -> vector<16xf32>
        %parallel_loop3A_752 = arith.addf %parallel_loop3A_750, %parallel_loop3A_751 : vector<16xf32>
        %parallel_loop3A_753 = arith.constant 16 : i32
        %parallel_loop3A_754 = arith.muli %parallel_loop3A_220, %parallel_loop3A_753 : i32
        %parallel_loop3A_755 = arith.constant 14 : i32
        %parallel_loop3A_756 = arith.addi %parallel_loop3A_754, %parallel_loop3A_755 : i32
        %parallel_loop3A_757 = arith.constant 0 : i32
        %parallel_loop3A_758 = arith.constant 0 : i32
        %parallel_loop3A_759 = tpu.memref_slice %arg8[%parallel_loop3A_180, %parallel_loop3A_757, %parallel_loop3A_758] : memref<4x128x64xbf16, #tpu.memory_space<vmem>> -> memref<1x128x64xbf16, #tpu.memory_space<vmem>>
        %parallel_loop3A_760 = tpu.memref_squeeze %parallel_loop3A_759 : memref<1x128x64xbf16, #tpu.memory_space<vmem>> -> memref<128x64xbf16, #tpu.memory_space<vmem>>
        %parallel_loop3A_761 = arith.index_cast %parallel_loop3A_756 : i32 to index
        %parallel_loop3A_762 = arith.constant 0 : index
        %parallel_loop3A_763 = tpu.vector_load %parallel_loop3A_760[%parallel_loop3A_761, %parallel_loop3A_762] {strides = array<i32>} : memref<128x64xbf16, #tpu.memory_space<vmem>>, vector<32xbf16>,
        %parallel_loop3A_764 = arith.constant 0 : i32
        %parallel_loop3A_765 = arith.constant 0 : i32
        %parallel_loop3A_766 = tpu.memref_slice %arg9[%parallel_loop3A_181, %parallel_loop3A_764, %parallel_loop3A_765] : memref<4x128x64xbf16, #tpu.memory_space<vmem>> -> memref<1x128x64xbf16, #tpu.memory_space<vmem>>
        %parallel_loop3A_767 = tpu.memref_squeeze %parallel_loop3A_766 : memref<1x128x64xbf16, #tpu.memory_space<vmem>> -> memref<128x64xbf16, #tpu.memory_space<vmem>>
        %parallel_loop3A_768 = arith.index_cast %parallel_loop3A_756 : i32 to index
        %parallel_loop3A_769 = arith.constant 0 : index
        %parallel_loop3A_770 = tpu.vector_load %parallel_loop3A_767[%parallel_loop3A_768, %parallel_loop3A_769] {strides = array<i32>} : memref<128x64xbf16, #tpu.memory_space<vmem>>, vector<32xbf16>,
        %parallel_loop3A_771 = arith.mulf %parallel_loop3A_763, %parallel_loop3A_770 : vector<32xbf16>
        %parallel_loop3A_772 = arith.constant 0 : i32
        %parallel_loop3A_773 = arith.constant 0 : i32
        %parallel_loop3A_774 = tpu.memref_slice %arg8[%parallel_loop3A_180, %parallel_loop3A_772, %parallel_loop3A_773] : memref<4x128x64xbf16, #tpu.memory_space<vmem>> -> memref<1x128x64xbf16, #tpu.memory_space<vmem>>
        %parallel_loop3A_775 = tpu.memref_squeeze %parallel_loop3A_774 : memref<1x128x64xbf16, #tpu.memory_space<vmem>> -> memref<128x64xbf16, #tpu.memory_space<vmem>>
        %parallel_loop3A_776 = arith.index_cast %parallel_loop3A_756 : i32 to index
        %parallel_loop3A_777 = arith.constant 32 : index
        %parallel_loop3A_778 = tpu.vector_load %parallel_loop3A_775[%parallel_loop3A_776, %parallel_loop3A_777] {strides = array<i32>} : memref<128x64xbf16, #tpu.memory_space<vmem>>, vector<32xbf16>,
        %parallel_loop3A_779 = arith.constant 0 : i32
        %parallel_loop3A_780 = arith.constant 0 : i32
        %parallel_loop3A_781 = tpu.memref_slice %arg9[%parallel_loop3A_181, %parallel_loop3A_779, %parallel_loop3A_780] : memref<4x128x64xbf16, #tpu.memory_space<vmem>> -> memref<1x128x64xbf16, #tpu.memory_space<vmem>>
        %parallel_loop3A_782 = tpu.memref_squeeze %parallel_loop3A_781 : memref<1x128x64xbf16, #tpu.memory_space<vmem>> -> memref<128x64xbf16, #tpu.memory_space<vmem>>
        %parallel_loop3A_783 = arith.index_cast %parallel_loop3A_756 : i32 to index
        %parallel_loop3A_784 = arith.constant 32 : index
        %parallel_loop3A_785 = tpu.vector_load %parallel_loop3A_782[%parallel_loop3A_783, %parallel_loop3A_784] {strides = array<i32>} : memref<128x64xbf16, #tpu.memory_space<vmem>>, vector<32xbf16>,
        %parallel_loop3A_786 = arith.mulf %parallel_loop3A_778, %parallel_loop3A_785 : vector<32xbf16>
        %parallel_loop3A_787 = arith.addf %parallel_loop3A_771, %parallel_loop3A_786 : vector<32xbf16>
        %parallel_loop3A_788 = tpu.unpack_subelements %parallel_loop3A_787, 0 {pack_format = #tpu.pack_format<interleaved>} : vector<32xbf16> -> vector<16xf32>
        %parallel_loop3A_789 = tpu.unpack_subelements %parallel_loop3A_787, 1 {pack_format = #tpu.pack_format<interleaved>} : vector<32xbf16> -> vector<16xf32>
        %parallel_loop3A_790 = arith.addf %parallel_loop3A_788, %parallel_loop3A_789 : vector<16xf32>
        %parallel_loop3A_791 = arith.constant 16 : i32
        %parallel_loop3A_792 = arith.muli %parallel_loop3A_220, %parallel_loop3A_791 : i32
        %parallel_loop3A_793 = arith.constant 15 : i32
        %parallel_loop3A_794 = arith.addi %parallel_loop3A_792, %parallel_loop3A_793 : i32
        %parallel_loop3A_795 = arith.constant 0 : i32
        %parallel_loop3A_796 = arith.constant 0 : i32
        %parallel_loop3A_797 = tpu.memref_slice %arg8[%parallel_loop3A_180, %parallel_loop3A_795, %parallel_loop3A_796] : memref<4x128x64xbf16, #tpu.memory_space<vmem>> -> memref<1x128x64xbf16, #tpu.memory_space<vmem>>
        %parallel_loop3A_798 = tpu.memref_squeeze %parallel_loop3A_797 : memref<1x128x64xbf16, #tpu.memory_space<vmem>> -> memref<128x64xbf16, #tpu.memory_space<vmem>>
        %parallel_loop3A_799 = arith.index_cast %parallel_loop3A_794 : i32 to index
        %parallel_loop3A_800 = arith.constant 0 : index
        %parallel_loop3A_801 = tpu.vector_load %parallel_loop3A_798[%parallel_loop3A_799, %parallel_loop3A_800] {strides = array<i32>} : memref<128x64xbf16, #tpu.memory_space<vmem>>, vector<32xbf16>,
        %parallel_loop3A_802 = arith.constant 0 : i32
        %parallel_loop3A_803 = arith.constant 0 : i32
        %parallel_loop3A_804 = tpu.memref_slice %arg9[%parallel_loop3A_181, %parallel_loop3A_802, %parallel_loop3A_803] : memref<4x128x64xbf16, #tpu.memory_space<vmem>> -> memref<1x128x64xbf16, #tpu.memory_space<vmem>>
        %parallel_loop3A_805 = tpu.memref_squeeze %parallel_loop3A_804 : memref<1x128x64xbf16, #tpu.memory_space<vmem>> -> memref<128x64xbf16, #tpu.memory_space<vmem>>
        %parallel_loop3A_806 = arith.index_cast %parallel_loop3A_794 : i32 to index
        %parallel_loop3A_807 = arith.constant 0 : index
        %parallel_loop3A_808 = tpu.vector_load %parallel_loop3A_805[%parallel_loop3A_806, %parallel_loop3A_807] {strides = array<i32>} : memref<128x64xbf16, #tpu.memory_space<vmem>>, vector<32xbf16>,
        %parallel_loop3A_809 = arith.mulf %parallel_loop3A_801, %parallel_loop3A_808 : vector<32xbf16>
        %parallel_loop3A_810 = arith.constant 0 : i32
        %parallel_loop3A_811 = arith.constant 0 : i32
        %parallel_loop3A_812 = tpu.memref_slice %arg8[%parallel_loop3A_180, %parallel_loop3A_810, %parallel_loop3A_811] : memref<4x128x64xbf16, #tpu.memory_space<vmem>> -> memref<1x128x64xbf16, #tpu.memory_space<vmem>>
        %parallel_loop3A_813 = tpu.memref_squeeze %parallel_loop3A_812 : memref<1x128x64xbf16, #tpu.memory_space<vmem>> -> memref<128x64xbf16, #tpu.memory_space<vmem>>
        %parallel_loop3A_814 = arith.index_cast %parallel_loop3A_794 : i32 to index
        %parallel_loop3A_815 = arith.constant 32 : index
        %parallel_loop3A_816 = tpu.vector_load %parallel_loop3A_813[%parallel_loop3A_814, %parallel_loop3A_815] {strides = array<i32>} : memref<128x64xbf16, #tpu.memory_space<vmem>>, vector<32xbf16>,
        %parallel_loop3A_817 = arith.constant 0 : i32
        %parallel_loop3A_818 = arith.constant 0 : i32
        %parallel_loop3A_819 = tpu.memref_slice %arg9[%parallel_loop3A_181, %parallel_loop3A_817, %parallel_loop3A_818] : memref<4x128x64xbf16, #tpu.memory_space<vmem>> -> memref<1x128x64xbf16, #tpu.memory_space<vmem>>
        %parallel_loop3A_820 = tpu.memref_squeeze %parallel_loop3A_819 : memref<1x128x64xbf16, #tpu.memory_space<vmem>> -> memref<128x64xbf16, #tpu.memory_space<vmem>>
        %parallel_loop3A_821 = arith.index_cast %parallel_loop3A_794 : i32 to index
        %parallel_loop3A_822 = arith.constant 32 : index
        %parallel_loop3A_823 = tpu.vector_load %parallel_loop3A_820[%parallel_loop3A_821, %parallel_loop3A_822] {strides = array<i32>} : memref<128x64xbf16, #tpu.memory_space<vmem>>, vector<32xbf16>,
        %parallel_loop3A_824 = arith.mulf %parallel_loop3A_816, %parallel_loop3A_823 : vector<32xbf16>
        %parallel_loop3A_825 = arith.addf %parallel_loop3A_809, %parallel_loop3A_824 : vector<32xbf16>
        %parallel_loop3A_826 = tpu.unpack_subelements %parallel_loop3A_825, 0 {pack_format = #tpu.pack_format<interleaved>} : vector<32xbf16> -> vector<16xf32>
        %parallel_loop3A_827 = tpu.unpack_subelements %parallel_loop3A_825, 1 {pack_format = #tpu.pack_format<interleaved>} : vector<32xbf16> -> vector<16xf32>
        %parallel_loop3A_828 = arith.addf %parallel_loop3A_826, %parallel_loop3A_827 : vector<16xf32>
        %parallel_loop3A_829 = arith.constant 1 : i32
        %parallel_loop3A_830 = vector.broadcast %parallel_loop3A_829 : i32 to vector<16xi32>
        %parallel_loop3A_831 = arith.andi %iota3A, %parallel_loop3A_830 : vector<16xi32>
        %parallel_loop3A_832 = arith.constant 0 : i32
        %parallel_loop3A_833 = vector.broadcast %parallel_loop3A_832 : i32 to vector<16xi32>
        %parallel_loop3A_834 = arith.cmpi eq, %parallel_loop3A_831, %parallel_loop3A_833 : vector<16xi32>
        %parallel_loop3A_835 = arith.constant 1 : i32
        %parallel_loop3A_836 = vector.broadcast %parallel_loop3A_835 : i32 to vector<16xi32>
        %parallel_loop3A_837 = arith.xori %iota3A, %parallel_loop3A_836 : vector<16xi32>
        %parallel_loop3A_838 = vector.shape_cast %parallel_loop3A_837 : vector<16xi32> to vector<16x1xi32>
        %parallel_loop3A_839 = arith.select %parallel_loop3A_834, %parallel_loop3A_258, %parallel_loop3A_296 : vector<16xi1>, vector<16xf32>
        %parallel_loop3A_840 = arith.select %parallel_loop3A_834, %parallel_loop3A_296, %parallel_loop3A_258 : vector<16xi1>, vector<16xf32>
        %parallel_loop3A_841 = vector.shape_cast %parallel_loop3A_838 : vector<16x1xi32> to vector<16xi32>
        %parallel_loop3A_842 = tpu.dynamic_gather %parallel_loop3A_840[%parallel_loop3A_841] in [0] : vector<16xf32>, vector<16xi32> -> vector<16xf32>
        %parallel_loop3A_843 = arith.addf %parallel_loop3A_839, %parallel_loop3A_842 : vector<16xf32>
        %parallel_loop3A_844 = arith.select %parallel_loop3A_834, %parallel_loop3A_334, %parallel_loop3A_372 : vector<16xi1>, vector<16xf32>
        %parallel_loop3A_845 = arith.select %parallel_loop3A_834, %parallel_loop3A_372, %parallel_loop3A_334 : vector<16xi1>, vector<16xf32>
        %parallel_loop3A_846 = vector.shape_cast %parallel_loop3A_838 : vector<16x1xi32> to vector<16xi32>
        %parallel_loop3A_847 = tpu.dynamic_gather %parallel_loop3A_845[%parallel_loop3A_846] in [0] : vector<16xf32>, vector<16xi32> -> vector<16xf32>
        %parallel_loop3A_848 = arith.addf %parallel_loop3A_844, %parallel_loop3A_847 : vector<16xf32>
        %parallel_loop3A_849 = arith.select %parallel_loop3A_834, %parallel_loop3A_410, %parallel_loop3A_448 : vector<16xi1>, vector<16xf32>
        %parallel_loop3A_850 = arith.select %parallel_loop3A_834, %parallel_loop3A_448, %parallel_loop3A_410 : vector<16xi1>, vector<16xf32>
        %parallel_loop3A_851 = vector.shape_cast %parallel_loop3A_838 : vector<16x1xi32> to vector<16xi32>
        %parallel_loop3A_852 = tpu.dynamic_gather %parallel_loop3A_850[%parallel_loop3A_851] in [0] : vector<16xf32>, vector<16xi32> -> vector<16xf32>
        %parallel_loop3A_853 = arith.addf %parallel_loop3A_849, %parallel_loop3A_852 : vector<16xf32>
        %parallel_loop3A_854 = arith.select %parallel_loop3A_834, %parallel_loop3A_486, %parallel_loop3A_524 : vector<16xi1>, vector<16xf32>
        %parallel_loop3A_855 = arith.select %parallel_loop3A_834, %parallel_loop3A_524, %parallel_loop3A_486 : vector<16xi1>, vector<16xf32>
        %parallel_loop3A_856 = vector.shape_cast %parallel_loop3A_838 : vector<16x1xi32> to vector<16xi32>
        %parallel_loop3A_857 = tpu.dynamic_gather %parallel_loop3A_855[%parallel_loop3A_856] in [0] : vector<16xf32>, vector<16xi32> -> vector<16xf32>
        %parallel_loop3A_858 = arith.addf %parallel_loop3A_854, %parallel_loop3A_857 : vector<16xf32>
        %parallel_loop3A_859 = arith.select %parallel_loop3A_834, %parallel_loop3A_562, %parallel_loop3A_600 : vector<16xi1>, vector<16xf32>
        %parallel_loop3A_860 = arith.select %parallel_loop3A_834, %parallel_loop3A_600, %parallel_loop3A_562 : vector<16xi1>, vector<16xf32>
        %parallel_loop3A_861 = vector.shape_cast %parallel_loop3A_838 : vector<16x1xi32> to vector<16xi32>
        %parallel_loop3A_862 = tpu.dynamic_gather %parallel_loop3A_860[%parallel_loop3A_861] in [0] : vector<16xf32>, vector<16xi32> -> vector<16xf32>
        %parallel_loop3A_863 = arith.addf %parallel_loop3A_859, %parallel_loop3A_862 : vector<16xf32>
        %parallel_loop3A_864 = arith.select %parallel_loop3A_834, %parallel_loop3A_638, %parallel_loop3A_676 : vector<16xi1>, vector<16xf32>
        %parallel_loop3A_865 = arith.select %parallel_loop3A_834, %parallel_loop3A_676, %parallel_loop3A_638 : vector<16xi1>, vector<16xf32>
        %parallel_loop3A_866 = vector.shape_cast %parallel_loop3A_838 : vector<16x1xi32> to vector<16xi32>
        %parallel_loop3A_867 = tpu.dynamic_gather %parallel_loop3A_865[%parallel_loop3A_866] in [0] : vector<16xf32>, vector<16xi32> -> vector<16xf32>
        %parallel_loop3A_868 = arith.addf %parallel_loop3A_864, %parallel_loop3A_867 : vector<16xf32>
        %parallel_loop3A_869 = arith.select %parallel_loop3A_834, %parallel_loop3A_714, %parallel_loop3A_752 : vector<16xi1>, vector<16xf32>
        %parallel_loop3A_870 = arith.select %parallel_loop3A_834, %parallel_loop3A_752, %parallel_loop3A_714 : vector<16xi1>, vector<16xf32>
        %parallel_loop3A_871 = vector.shape_cast %parallel_loop3A_838 : vector<16x1xi32> to vector<16xi32>
        %parallel_loop3A_872 = tpu.dynamic_gather %parallel_loop3A_870[%parallel_loop3A_871] in [0] : vector<16xf32>, vector<16xi32> -> vector<16xf32>
        %parallel_loop3A_873 = arith.addf %parallel_loop3A_869, %parallel_loop3A_872 : vector<16xf32>
        %parallel_loop3A_874 = arith.select %parallel_loop3A_834, %parallel_loop3A_790, %parallel_loop3A_828 : vector<16xi1>, vector<16xf32>
        %parallel_loop3A_875 = arith.select %parallel_loop3A_834, %parallel_loop3A_828, %parallel_loop3A_790 : vector<16xi1>, vector<16xf32>
        %parallel_loop3A_876 = vector.shape_cast %parallel_loop3A_838 : vector<16x1xi32> to vector<16xi32>
        %parallel_loop3A_877 = tpu.dynamic_gather %parallel_loop3A_875[%parallel_loop3A_876] in [0] : vector<16xf32>, vector<16xi32> -> vector<16xf32>
        %parallel_loop3A_878 = arith.addf %parallel_loop3A_874, %parallel_loop3A_877 : vector<16xf32>
        %parallel_loop3A_879 = arith.constant 2 : i32
        %parallel_loop3A_880 = vector.broadcast %parallel_loop3A_879 : i32 to vector<16xi32>
        %parallel_loop3A_881 = arith.andi %iota3A, %parallel_loop3A_880 : vector<16xi32>
        %parallel_loop3A_882 = arith.constant 0 : i32
        %parallel_loop3A_883 = vector.broadcast %parallel_loop3A_882 : i32 to vector<16xi32>
        %parallel_loop3A_884 = arith.cmpi eq, %parallel_loop3A_881, %parallel_loop3A_883 : vector<16xi32>
        %parallel_loop3A_885 = arith.constant 2 : i32
        %parallel_loop3A_886 = vector.broadcast %parallel_loop3A_885 : i32 to vector<16xi32>
        %parallel_loop3A_887 = arith.xori %iota3A, %parallel_loop3A_886 : vector<16xi32>
        %parallel_loop3A_888 = vector.shape_cast %parallel_loop3A_887 : vector<16xi32> to vector<16x1xi32>
        %parallel_loop3A_889 = arith.select %parallel_loop3A_884, %parallel_loop3A_843, %parallel_loop3A_848 : vector<16xi1>, vector<16xf32>
        %parallel_loop3A_890 = arith.select %parallel_loop3A_884, %parallel_loop3A_848, %parallel_loop3A_843 : vector<16xi1>, vector<16xf32>
        %parallel_loop3A_891 = vector.shape_cast %parallel_loop3A_888 : vector<16x1xi32> to vector<16xi32>
        %parallel_loop3A_892 = tpu.dynamic_gather %parallel_loop3A_890[%parallel_loop3A_891] in [0] : vector<16xf32>, vector<16xi32> -> vector<16xf32>
        %parallel_loop3A_893 = arith.addf %parallel_loop3A_889, %parallel_loop3A_892 : vector<16xf32>
        %parallel_loop3A_894 = arith.select %parallel_loop3A_884, %parallel_loop3A_853, %parallel_loop3A_858 : vector<16xi1>, vector<16xf32>
        %parallel_loop3A_895 = arith.select %parallel_loop3A_884, %parallel_loop3A_858, %parallel_loop3A_853 : vector<16xi1>, vector<16xf32>
        %parallel_loop3A_896 = vector.shape_cast %parallel_loop3A_888 : vector<16x1xi32> to vector<16xi32>
        %parallel_loop3A_897 = tpu.dynamic_gather %parallel_loop3A_895[%parallel_loop3A_896] in [0] : vector<16xf32>, vector<16xi32> -> vector<16xf32>
        %parallel_loop3A_898 = arith.addf %parallel_loop3A_894, %parallel_loop3A_897 : vector<16xf32>
        %parallel_loop3A_899 = arith.select %parallel_loop3A_884, %parallel_loop3A_863, %parallel_loop3A_868 : vector<16xi1>, vector<16xf32>
        %parallel_loop3A_900 = arith.select %parallel_loop3A_884, %parallel_loop3A_868, %parallel_loop3A_863 : vector<16xi1>, vector<16xf32>
        %parallel_loop3A_901 = vector.shape_cast %parallel_loop3A_888 : vector<16x1xi32> to vector<16xi32>
        %parallel_loop3A_902 = tpu.dynamic_gather %parallel_loop3A_900[%parallel_loop3A_901] in [0] : vector<16xf32>, vector<16xi32> -> vector<16xf32>
        %parallel_loop3A_903 = arith.addf %parallel_loop3A_899, %parallel_loop3A_902 : vector<16xf32>
        %parallel_loop3A_904 = arith.select %parallel_loop3A_884, %parallel_loop3A_873, %parallel_loop3A_878 : vector<16xi1>, vector<16xf32>
        %parallel_loop3A_905 = arith.select %parallel_loop3A_884, %parallel_loop3A_878, %parallel_loop3A_873 : vector<16xi1>, vector<16xf32>
        %parallel_loop3A_906 = vector.shape_cast %parallel_loop3A_888 : vector<16x1xi32> to vector<16xi32>
        %parallel_loop3A_907 = tpu.dynamic_gather %parallel_loop3A_905[%parallel_loop3A_906] in [0] : vector<16xf32>, vector<16xi32> -> vector<16xf32>
        %parallel_loop3A_908 = arith.addf %parallel_loop3A_904, %parallel_loop3A_907 : vector<16xf32>
        %parallel_loop3A_909 = arith.constant 4 : i32
        %parallel_loop3A_910 = vector.broadcast %parallel_loop3A_909 : i32 to vector<16xi32>
        %parallel_loop3A_911 = arith.andi %iota3A, %parallel_loop3A_910 : vector<16xi32>
        %parallel_loop3A_912 = arith.constant 0 : i32
        %parallel_loop3A_913 = vector.broadcast %parallel_loop3A_912 : i32 to vector<16xi32>
        %parallel_loop3A_914 = arith.cmpi eq, %parallel_loop3A_911, %parallel_loop3A_913 : vector<16xi32>
        %parallel_loop3A_915 = arith.constant 4 : i32
        %parallel_loop3A_916 = vector.broadcast %parallel_loop3A_915 : i32 to vector<16xi32>
        %parallel_loop3A_917 = arith.xori %iota3A, %parallel_loop3A_916 : vector<16xi32>
        %parallel_loop3A_918 = vector.shape_cast %parallel_loop3A_917 : vector<16xi32> to vector<16x1xi32>
        %parallel_loop3A_919 = arith.select %parallel_loop3A_914, %parallel_loop3A_893, %parallel_loop3A_898 : vector<16xi1>, vector<16xf32>
        %parallel_loop3A_920 = arith.select %parallel_loop3A_914, %parallel_loop3A_898, %parallel_loop3A_893 : vector<16xi1>, vector<16xf32>
        %parallel_loop3A_921 = vector.shape_cast %parallel_loop3A_918 : vector<16x1xi32> to vector<16xi32>
        %parallel_loop3A_922 = tpu.dynamic_gather %parallel_loop3A_920[%parallel_loop3A_921] in [0] : vector<16xf32>, vector<16xi32> -> vector<16xf32>
        %parallel_loop3A_923 = arith.addf %parallel_loop3A_919, %parallel_loop3A_922 : vector<16xf32>
        %parallel_loop3A_924 = arith.select %parallel_loop3A_914, %parallel_loop3A_903, %parallel_loop3A_908 : vector<16xi1>, vector<16xf32>
        %parallel_loop3A_925 = arith.select %parallel_loop3A_914, %parallel_loop3A_908, %parallel_loop3A_903 : vector<16xi1>, vector<16xf32>
        %parallel_loop3A_926 = vector.shape_cast %parallel_loop3A_918 : vector<16x1xi32> to vector<16xi32>
        %parallel_loop3A_927 = tpu.dynamic_gather %parallel_loop3A_925[%parallel_loop3A_926] in [0] : vector<16xf32>, vector<16xi32> -> vector<16xf32>
        %parallel_loop3A_928 = arith.addf %parallel_loop3A_924, %parallel_loop3A_927 : vector<16xf32>
        %parallel_loop3A_929 = arith.constant 8 : i32
        %parallel_loop3A_930 = vector.broadcast %parallel_loop3A_929 : i32 to vector<16xi32>
        %parallel_loop3A_931 = arith.andi %iota3A, %parallel_loop3A_930 : vector<16xi32>
        %parallel_loop3A_932 = arith.constant 0 : i32
        %parallel_loop3A_933 = vector.broadcast %parallel_loop3A_932 : i32 to vector<16xi32>
        %parallel_loop3A_934 = arith.cmpi eq, %parallel_loop3A_931, %parallel_loop3A_933 : vector<16xi32>
        %parallel_loop3A_935 = arith.constant 8 : i32
        %parallel_loop3A_936 = vector.broadcast %parallel_loop3A_935 : i32 to vector<16xi32>
        %parallel_loop3A_937 = arith.xori %iota3A, %parallel_loop3A_936 : vector<16xi32>
        %parallel_loop3A_938 = vector.shape_cast %parallel_loop3A_937 : vector<16xi32> to vector<16x1xi32>
        %parallel_loop3A_939 = arith.select %parallel_loop3A_934, %parallel_loop3A_923, %parallel_loop3A_928 : vector<16xi1>, vector<16xf32>
        %parallel_loop3A_940 = arith.select %parallel_loop3A_934, %parallel_loop3A_928, %parallel_loop3A_923 : vector<16xi1>, vector<16xf32>
        %parallel_loop3A_941 = vector.shape_cast %parallel_loop3A_938 : vector<16x1xi32> to vector<16xi32>
        %parallel_loop3A_942 = tpu.dynamic_gather %parallel_loop3A_940[%parallel_loop3A_941] in [0] : vector<16xf32>, vector<16xi32> -> vector<16xf32>
        %parallel_loop3A_943 = arith.addf %parallel_loop3A_939, %parallel_loop3A_942 : vector<16xf32>
        %parallel_loop3A_944 = arith.constant 128 : i32
        %parallel_loop3A_945 = arith.muli %add3A_145, %parallel_loop3A_944 : i32
        %parallel_loop3A_946 = arith.constant 0 : i32
        %parallel_loop3A_947 = arith.addi %parallel_loop3A_946, %parallel_loop3A_945 : i32
        %parallel_loop3A_948 = arith.constant 16 : i32
        %parallel_loop3A_949 = arith.muli %parallel_loop3A_220, %parallel_loop3A_948 : i32
        %parallel_loop3A_950 = arith.addi %parallel_loop3A_947, %parallel_loop3A_949 : i32
        %parallel_loop3A_951 = arith.index_cast %parallel_loop3A_950 : i32 to index
        %parallel_loop3A_952 = tpu.vector_load %arg10[%parallel_loop3A_951] {strides = array<i32>} : memref<25600xf32, #tpu.memory_space<vmem>>, vector<16xf32>,
        tpu.vector_store %arg10[%parallel_loop3A_951], %parallel_loop3A_943 {strides = array<i32>} : memref<25600xf32, #tpu.memory_space<vmem>>, vector<16xf32>,
      } {sc.loop_unroll_factor = 2 : i64, sc.parallel_access}
      %add3A_182 = arith.constant 3 : i32
      %add3A_183 = arith.addi %add3A_73, %add3A_182 : i32
      %add3A_184 = arith.constant 4 : i32
      %add3A_185 = arith.addi %add3A_183, %add3A_184 : i32
      %sub3A_186 = arith.constant 1 : i32
      %sub3A_187 = arith.subi %add3A_185, %sub3A_186 : i32
      %lt3A_188 = arith.constant 200 : i32
      %lt3A_189 = arith.cmpi slt, %sub3A_187, %lt3A_188 : i32
      %convert_element_type3A_190 = arith.extui %lt3A_189 : i1 to i32
      %cond3A_191 = arith.constant 0 : i32
      %cond3A_192 = arith.cmpi ne, %convert_element_type3A_190, %cond3A_191 : i32
      scf.if %cond3A_192 {
        %add3A_220 = arith.constant 4 : i32
        %add3A_221 = arith.addi %add3A_183, %add3A_220 : i32
        %sub3A_222 = arith.constant 1 : i32
        %sub3A_223 = arith.subi %add3A_221, %sub3A_222 : i32
        %mul3A_224 = arith.constant 128 : i32
        %mul3A_225 = arith.muli %sub3A_223, %mul3A_224 : i32
        %dma_start3A_226 = arith.constant 2 : i32
        %dma_start3A_227 = arith.constant 0 : i32
        %dma_start3A_228 = arith.constant 0 : i32
        %dma_start3A_229 = tpu.memref_slice %arg8[%dma_start3A_226, %dma_start3A_227, %dma_start3A_228] : memref<4x128x64xbf16, #tpu.memory_space<vmem>> -> memref<1x128x64xbf16, #tpu.memory_space<vmem>>
        %dma_start3A_230 = tpu.memref_squeeze %dma_start3A_229 : memref<1x128x64xbf16, #tpu.memory_space<vmem>> -> memref<128x64xbf16, #tpu.memory_space<vmem>>
        %dma_start3A_231 = tpu.memref_slice %arg6[%mul3A_225] : memref<25600xi32, #tpu.memory_space<vmem>> -> memref<128xi32, #tpu.memory_space<vmem>>
        %dma_start3A_232 = arith.constant 0 : i32
        %dma_start3A_233 = arith.constant 0 : i32
        %dma_start3A_234 = tpu.memref_slice %arg2[%dma_start3A_232, %dma_start3A_233] : memref<100000x64xbf16, #tpu.memory_space<hbm>> -> memref<100000x64xbf16, #tpu.memory_space<hbm>>
        tpu.enqueue_indirect_dma source(%dma_start3A_234 : memref<100000x64xbf16, #tpu.memory_space<hbm>>) target(%dma_start3A_230 : memref<128x64xbf16, #tpu.memory_space<vmem>>) offsets(%dma_start3A_231 : memref<128xi32, #tpu.memory_space<vmem>>) semaphore(%arg13 : memref<!tpu.dma_semaphore, #tpu.memory_space<semaphore_mem>>)
        %mul3A_235 = arith.constant 128 : i32
        %mul3A_236 = arith.muli %sub3A_223, %mul3A_235 : i32
        %dma_start3A_237 = arith.constant 2 : i32
        %dma_start3A_238 = arith.constant 0 : i32
        %dma_start3A_239 = arith.constant 0 : i32
        %dma_start3A_240 = tpu.memref_slice %arg9[%dma_start3A_237, %dma_start3A_238, %dma_start3A_239] : memref<4x128x64xbf16, #tpu.memory_space<vmem>> -> memref<1x128x64xbf16, #tpu.memory_space<vmem>>
        %dma_start3A_241 = tpu.memref_squeeze %dma_start3A_240 : memref<1x128x64xbf16, #tpu.memory_space<vmem>> -> memref<128x64xbf16, #tpu.memory_space<vmem>>
        %dma_start3A_242 = tpu.memref_slice %arg7[%mul3A_236] : memref<25600xi32, #tpu.memory_space<vmem>> -> memref<128xi32, #tpu.memory_space<vmem>>
        %dma_start3A_243 = arith.constant 0 : i32
        %dma_start3A_244 = arith.constant 0 : i32
        %dma_start3A_245 = tpu.memref_slice %arg3[%dma_start3A_243, %dma_start3A_244] : memref<100000x64xbf16, #tpu.memory_space<hbm>> -> memref<100000x64xbf16, #tpu.memory_space<hbm>>
        tpu.enqueue_indirect_dma source(%dma_start3A_245 : memref<100000x64xbf16, #tpu.memory_space<hbm>>) target(%dma_start3A_241 : memref<128x64xbf16, #tpu.memory_space<vmem>>) offsets(%dma_start3A_242 : memref<128xi32, #tpu.memory_space<vmem>>) semaphore(%arg17 : memref<!tpu.dma_semaphore, #tpu.memory_space<semaphore_mem>>)
      } else {
      }
      %mul3A_193 = arith.constant 128 : i32
      %mul3A_194 = arith.muli %add3A_183, %mul3A_193 : i32
      %dma_wait3A_195 = arith.constant 3 : i32
      %dma_wait3A_196 = arith.constant 0 : i32
      %dma_wait3A_197 = arith.constant 0 : i32
      %dma_wait3A_198 = tpu.memref_slice %arg8[%dma_wait3A_195, %dma_wait3A_196, %dma_wait3A_197] : memref<4x128x64xbf16, #tpu.memory_space<vmem>> -> memref<1x128x64xbf16, #tpu.memory_space<vmem>>
      %dma_wait3A_199 = tpu.memref_squeeze %dma_wait3A_198 : memref<1x128x64xbf16, #tpu.memory_space<vmem>> -> memref<128x64xbf16, #tpu.memory_space<vmem>>
      %dma_wait3A_200 = tpu.memref_slice %arg6[%mul3A_194] : memref<25600xi32, #tpu.memory_space<vmem>> -> memref<128xi32, #tpu.memory_space<vmem>>
      %dma_wait3A_201 = arith.constant 0 : i32
      %dma_wait3A_202 = arith.constant 0 : i32
      %dma_wait3A_203 = tpu.memref_slice %arg2[%dma_wait3A_201, %dma_wait3A_202] : memref<100000x64xbf16, #tpu.memory_space<hbm>> -> memref<100000x64xbf16, #tpu.memory_space<hbm>>
      tpu.wait_indirect_dma semaphore(%arg14 : memref<!tpu.dma_semaphore, #tpu.memory_space<semaphore_mem>>) src(%dma_wait3A_203 : memref<100000x64xbf16, #tpu.memory_space<hbm>>) dst(%dma_wait3A_199 : memref<128x64xbf16, #tpu.memory_space<vmem>>)
      %mul3A_204 = arith.constant 128 : i32
      %mul3A_205 = arith.muli %add3A_183, %mul3A_204 : i32
      %dma_wait3A_206 = arith.constant 3 : i32
      %dma_wait3A_207 = arith.constant 0 : i32
      %dma_wait3A_208 = arith.constant 0 : i32
      %dma_wait3A_209 = tpu.memref_slice %arg9[%dma_wait3A_206, %dma_wait3A_207, %dma_wait3A_208] : memref<4x128x64xbf16, #tpu.memory_space<vmem>> -> memref<1x128x64xbf16, #tpu.memory_space<vmem>>
      %dma_wait3A_210 = tpu.memref_squeeze %dma_wait3A_209 : memref<1x128x64xbf16, #tpu.memory_space<vmem>> -> memref<128x64xbf16, #tpu.memory_space<vmem>>
      %dma_wait3A_211 = tpu.memref_slice %arg7[%mul3A_205] : memref<25600xi32, #tpu.memory_space<vmem>> -> memref<128xi32, #tpu.memory_space<vmem>>
      %dma_wait3A_212 = arith.constant 0 : i32
      %dma_wait3A_213 = arith.constant 0 : i32
      %dma_wait3A_214 = tpu.memref_slice %arg3[%dma_wait3A_212, %dma_wait3A_213] : memref<100000x64xbf16, #tpu.memory_space<hbm>> -> memref<100000x64xbf16, #tpu.memory_space<hbm>>
      tpu.wait_indirect_dma semaphore(%arg18 : memref<!tpu.dma_semaphore, #tpu.memory_space<semaphore_mem>>) src(%dma_wait3A_214 : memref<100000x64xbf16, #tpu.memory_space<hbm>>) dst(%dma_wait3A_210 : memref<128x64xbf16, #tpu.memory_space<vmem>>)
      %parallel_loop3A_215 = arith.constant 0 : i32
      %parallel_loop3A_216 = arith.constant 8 : i32
      %parallel_loop3A_217 = arith.constant 1 : i32
      %parallel_loop3A_218 = arith.constant 3 : i32
      %parallel_loop3A_219 = arith.constant 3 : i32
      scf.for %parallel_loop3A_220 = %parallel_loop3A_215 to %parallel_loop3A_216 step %parallel_loop3A_217  : i32 {
        %parallel_loop3A_221 = arith.constant 16 : i32
        %parallel_loop3A_222 = arith.muli %parallel_loop3A_220, %parallel_loop3A_221 : i32
        %parallel_loop3A_223 = arith.constant 0 : i32
        %parallel_loop3A_224 = arith.addi %parallel_loop3A_222, %parallel_loop3A_223 : i32
        %parallel_loop3A_225 = arith.constant 0 : i32
        %parallel_loop3A_226 = arith.constant 0 : i32
        %parallel_loop3A_227 = tpu.memref_slice %arg8[%parallel_loop3A_218, %parallel_loop3A_225, %parallel_loop3A_226] : memref<4x128x64xbf16, #tpu.memory_space<vmem>> -> memref<1x128x64xbf16, #tpu.memory_space<vmem>>
        %parallel_loop3A_228 = tpu.memref_squeeze %parallel_loop3A_227 : memref<1x128x64xbf16, #tpu.memory_space<vmem>> -> memref<128x64xbf16, #tpu.memory_space<vmem>>
        %parallel_loop3A_229 = arith.index_cast %parallel_loop3A_224 : i32 to index
        %parallel_loop3A_230 = arith.constant 0 : index
        %parallel_loop3A_231 = tpu.vector_load %parallel_loop3A_228[%parallel_loop3A_229, %parallel_loop3A_230] {strides = array<i32>} : memref<128x64xbf16, #tpu.memory_space<vmem>>, vector<32xbf16>,
        %parallel_loop3A_232 = arith.constant 0 : i32
        %parallel_loop3A_233 = arith.constant 0 : i32
        %parallel_loop3A_234 = tpu.memref_slice %arg9[%parallel_loop3A_219, %parallel_loop3A_232, %parallel_loop3A_233] : memref<4x128x64xbf16, #tpu.memory_space<vmem>> -> memref<1x128x64xbf16, #tpu.memory_space<vmem>>
        %parallel_loop3A_235 = tpu.memref_squeeze %parallel_loop3A_234 : memref<1x128x64xbf16, #tpu.memory_space<vmem>> -> memref<128x64xbf16, #tpu.memory_space<vmem>>
        %parallel_loop3A_236 = arith.index_cast %parallel_loop3A_224 : i32 to index
        %parallel_loop3A_237 = arith.constant 0 : index
        %parallel_loop3A_238 = tpu.vector_load %parallel_loop3A_235[%parallel_loop3A_236, %parallel_loop3A_237] {strides = array<i32>} : memref<128x64xbf16, #tpu.memory_space<vmem>>, vector<32xbf16>,
        %parallel_loop3A_239 = arith.mulf %parallel_loop3A_231, %parallel_loop3A_238 : vector<32xbf16>
        %parallel_loop3A_240 = arith.constant 0 : i32
        %parallel_loop3A_241 = arith.constant 0 : i32
        %parallel_loop3A_242 = tpu.memref_slice %arg8[%parallel_loop3A_218, %parallel_loop3A_240, %parallel_loop3A_241] : memref<4x128x64xbf16, #tpu.memory_space<vmem>> -> memref<1x128x64xbf16, #tpu.memory_space<vmem>>
        %parallel_loop3A_243 = tpu.memref_squeeze %parallel_loop3A_242 : memref<1x128x64xbf16, #tpu.memory_space<vmem>> -> memref<128x64xbf16, #tpu.memory_space<vmem>>
        %parallel_loop3A_244 = arith.index_cast %parallel_loop3A_224 : i32 to index
        %parallel_loop3A_245 = arith.constant 32 : index
        %parallel_loop3A_246 = tpu.vector_load %parallel_loop3A_243[%parallel_loop3A_244, %parallel_loop3A_245] {strides = array<i32>} : memref<128x64xbf16, #tpu.memory_space<vmem>>, vector<32xbf16>,
        %parallel_loop3A_247 = arith.constant 0 : i32
        %parallel_loop3A_248 = arith.constant 0 : i32
        %parallel_loop3A_249 = tpu.memref_slice %arg9[%parallel_loop3A_219, %parallel_loop3A_247, %parallel_loop3A_248] : memref<4x128x64xbf16, #tpu.memory_space<vmem>> -> memref<1x128x64xbf16, #tpu.memory_space<vmem>>
        %parallel_loop3A_250 = tpu.memref_squeeze %parallel_loop3A_249 : memref<1x128x64xbf16, #tpu.memory_space<vmem>> -> memref<128x64xbf16, #tpu.memory_space<vmem>>
        %parallel_loop3A_251 = arith.index_cast %parallel_loop3A_224 : i32 to index
        %parallel_loop3A_252 = arith.constant 32 : index
        %parallel_loop3A_253 = tpu.vector_load %parallel_loop3A_250[%parallel_loop3A_251, %parallel_loop3A_252] {strides = array<i32>} : memref<128x64xbf16, #tpu.memory_space<vmem>>, vector<32xbf16>,
        %parallel_loop3A_254 = arith.mulf %parallel_loop3A_246, %parallel_loop3A_253 : vector<32xbf16>
        %parallel_loop3A_255 = arith.addf %parallel_loop3A_239, %parallel_loop3A_254 : vector<32xbf16>
        %parallel_loop3A_256 = tpu.unpack_subelements %parallel_loop3A_255, 0 {pack_format = #tpu.pack_format<interleaved>} : vector<32xbf16> -> vector<16xf32>
        %parallel_loop3A_257 = tpu.unpack_subelements %parallel_loop3A_255, 1 {pack_format = #tpu.pack_format<interleaved>} : vector<32xbf16> -> vector<16xf32>
        %parallel_loop3A_258 = arith.addf %parallel_loop3A_256, %parallel_loop3A_257 : vector<16xf32>
        %parallel_loop3A_259 = arith.constant 16 : i32
        %parallel_loop3A_260 = arith.muli %parallel_loop3A_220, %parallel_loop3A_259 : i32
        %parallel_loop3A_261 = arith.constant 1 : i32
        %parallel_loop3A_262 = arith.addi %parallel_loop3A_260, %parallel_loop3A_261 : i32
        %parallel_loop3A_263 = arith.constant 0 : i32
        %parallel_loop3A_264 = arith.constant 0 : i32
        %parallel_loop3A_265 = tpu.memref_slice %arg8[%parallel_loop3A_218, %parallel_loop3A_263, %parallel_loop3A_264] : memref<4x128x64xbf16, #tpu.memory_space<vmem>> -> memref<1x128x64xbf16, #tpu.memory_space<vmem>>
        %parallel_loop3A_266 = tpu.memref_squeeze %parallel_loop3A_265 : memref<1x128x64xbf16, #tpu.memory_space<vmem>> -> memref<128x64xbf16, #tpu.memory_space<vmem>>
        %parallel_loop3A_267 = arith.index_cast %parallel_loop3A_262 : i32 to index
        %parallel_loop3A_268 = arith.constant 0 : index
        %parallel_loop3A_269 = tpu.vector_load %parallel_loop3A_266[%parallel_loop3A_267, %parallel_loop3A_268] {strides = array<i32>} : memref<128x64xbf16, #tpu.memory_space<vmem>>, vector<32xbf16>,
        %parallel_loop3A_270 = arith.constant 0 : i32
        %parallel_loop3A_271 = arith.constant 0 : i32
        %parallel_loop3A_272 = tpu.memref_slice %arg9[%parallel_loop3A_219, %parallel_loop3A_270, %parallel_loop3A_271] : memref<4x128x64xbf16, #tpu.memory_space<vmem>> -> memref<1x128x64xbf16, #tpu.memory_space<vmem>>
        %parallel_loop3A_273 = tpu.memref_squeeze %parallel_loop3A_272 : memref<1x128x64xbf16, #tpu.memory_space<vmem>> -> memref<128x64xbf16, #tpu.memory_space<vmem>>
        %parallel_loop3A_274 = arith.index_cast %parallel_loop3A_262 : i32 to index
        %parallel_loop3A_275 = arith.constant 0 : index
        %parallel_loop3A_276 = tpu.vector_load %parallel_loop3A_273[%parallel_loop3A_274, %parallel_loop3A_275] {strides = array<i32>} : memref<128x64xbf16, #tpu.memory_space<vmem>>, vector<32xbf16>,
        %parallel_loop3A_277 = arith.mulf %parallel_loop3A_269, %parallel_loop3A_276 : vector<32xbf16>
        %parallel_loop3A_278 = arith.constant 0 : i32
        %parallel_loop3A_279 = arith.constant 0 : i32
        %parallel_loop3A_280 = tpu.memref_slice %arg8[%parallel_loop3A_218, %parallel_loop3A_278, %parallel_loop3A_279] : memref<4x128x64xbf16, #tpu.memory_space<vmem>> -> memref<1x128x64xbf16, #tpu.memory_space<vmem>>
        %parallel_loop3A_281 = tpu.memref_squeeze %parallel_loop3A_280 : memref<1x128x64xbf16, #tpu.memory_space<vmem>> -> memref<128x64xbf16, #tpu.memory_space<vmem>>
        %parallel_loop3A_282 = arith.index_cast %parallel_loop3A_262 : i32 to index
        %parallel_loop3A_283 = arith.constant 32 : index
        %parallel_loop3A_284 = tpu.vector_load %parallel_loop3A_281[%parallel_loop3A_282, %parallel_loop3A_283] {strides = array<i32>} : memref<128x64xbf16, #tpu.memory_space<vmem>>, vector<32xbf16>,
        %parallel_loop3A_285 = arith.constant 0 : i32
        %parallel_loop3A_286 = arith.constant 0 : i32
        %parallel_loop3A_287 = tpu.memref_slice %arg9[%parallel_loop3A_219, %parallel_loop3A_285, %parallel_loop3A_286] : memref<4x128x64xbf16, #tpu.memory_space<vmem>> -> memref<1x128x64xbf16, #tpu.memory_space<vmem>>
        %parallel_loop3A_288 = tpu.memref_squeeze %parallel_loop3A_287 : memref<1x128x64xbf16, #tpu.memory_space<vmem>> -> memref<128x64xbf16, #tpu.memory_space<vmem>>
        %parallel_loop3A_289 = arith.index_cast %parallel_loop3A_262 : i32 to index
        %parallel_loop3A_290 = arith.constant 32 : index
        %parallel_loop3A_291 = tpu.vector_load %parallel_loop3A_288[%parallel_loop3A_289, %parallel_loop3A_290] {strides = array<i32>} : memref<128x64xbf16, #tpu.memory_space<vmem>>, vector<32xbf16>,
        %parallel_loop3A_292 = arith.mulf %parallel_loop3A_284, %parallel_loop3A_291 : vector<32xbf16>
        %parallel_loop3A_293 = arith.addf %parallel_loop3A_277, %parallel_loop3A_292 : vector<32xbf16>
        %parallel_loop3A_294 = tpu.unpack_subelements %parallel_loop3A_293, 0 {pack_format = #tpu.pack_format<interleaved>} : vector<32xbf16> -> vector<16xf32>
        %parallel_loop3A_295 = tpu.unpack_subelements %parallel_loop3A_293, 1 {pack_format = #tpu.pack_format<interleaved>} : vector<32xbf16> -> vector<16xf32>
        %parallel_loop3A_296 = arith.addf %parallel_loop3A_294, %parallel_loop3A_295 : vector<16xf32>
        %parallel_loop3A_297 = arith.constant 16 : i32
        %parallel_loop3A_298 = arith.muli %parallel_loop3A_220, %parallel_loop3A_297 : i32
        %parallel_loop3A_299 = arith.constant 2 : i32
        %parallel_loop3A_300 = arith.addi %parallel_loop3A_298, %parallel_loop3A_299 : i32
        %parallel_loop3A_301 = arith.constant 0 : i32
        %parallel_loop3A_302 = arith.constant 0 : i32
        %parallel_loop3A_303 = tpu.memref_slice %arg8[%parallel_loop3A_218, %parallel_loop3A_301, %parallel_loop3A_302] : memref<4x128x64xbf16, #tpu.memory_space<vmem>> -> memref<1x128x64xbf16, #tpu.memory_space<vmem>>
        %parallel_loop3A_304 = tpu.memref_squeeze %parallel_loop3A_303 : memref<1x128x64xbf16, #tpu.memory_space<vmem>> -> memref<128x64xbf16, #tpu.memory_space<vmem>>
        %parallel_loop3A_305 = arith.index_cast %parallel_loop3A_300 : i32 to index
        %parallel_loop3A_306 = arith.constant 0 : index
        %parallel_loop3A_307 = tpu.vector_load %parallel_loop3A_304[%parallel_loop3A_305, %parallel_loop3A_306] {strides = array<i32>} : memref<128x64xbf16, #tpu.memory_space<vmem>>, vector<32xbf16>,
        %parallel_loop3A_308 = arith.constant 0 : i32
        %parallel_loop3A_309 = arith.constant 0 : i32
        %parallel_loop3A_310 = tpu.memref_slice %arg9[%parallel_loop3A_219, %parallel_loop3A_308, %parallel_loop3A_309] : memref<4x128x64xbf16, #tpu.memory_space<vmem>> -> memref<1x128x64xbf16, #tpu.memory_space<vmem>>
        %parallel_loop3A_311 = tpu.memref_squeeze %parallel_loop3A_310 : memref<1x128x64xbf16, #tpu.memory_space<vmem>> -> memref<128x64xbf16, #tpu.memory_space<vmem>>
        %parallel_loop3A_312 = arith.index_cast %parallel_loop3A_300 : i32 to index
        %parallel_loop3A_313 = arith.constant 0 : index
        %parallel_loop3A_314 = tpu.vector_load %parallel_loop3A_311[%parallel_loop3A_312, %parallel_loop3A_313] {strides = array<i32>} : memref<128x64xbf16, #tpu.memory_space<vmem>>, vector<32xbf16>,
        %parallel_loop3A_315 = arith.mulf %parallel_loop3A_307, %parallel_loop3A_314 : vector<32xbf16>
        %parallel_loop3A_316 = arith.constant 0 : i32
        %parallel_loop3A_317 = arith.constant 0 : i32
        %parallel_loop3A_318 = tpu.memref_slice %arg8[%parallel_loop3A_218, %parallel_loop3A_316, %parallel_loop3A_317] : memref<4x128x64xbf16, #tpu.memory_space<vmem>> -> memref<1x128x64xbf16, #tpu.memory_space<vmem>>
        %parallel_loop3A_319 = tpu.memref_squeeze %parallel_loop3A_318 : memref<1x128x64xbf16, #tpu.memory_space<vmem>> -> memref<128x64xbf16, #tpu.memory_space<vmem>>
        %parallel_loop3A_320 = arith.index_cast %parallel_loop3A_300 : i32 to index
        %parallel_loop3A_321 = arith.constant 32 : index
        %parallel_loop3A_322 = tpu.vector_load %parallel_loop3A_319[%parallel_loop3A_320, %parallel_loop3A_321] {strides = array<i32>} : memref<128x64xbf16, #tpu.memory_space<vmem>>, vector<32xbf16>,
        %parallel_loop3A_323 = arith.constant 0 : i32
        %parallel_loop3A_324 = arith.constant 0 : i32
        %parallel_loop3A_325 = tpu.memref_slice %arg9[%parallel_loop3A_219, %parallel_loop3A_323, %parallel_loop3A_324] : memref<4x128x64xbf16, #tpu.memory_space<vmem>> -> memref<1x128x64xbf16, #tpu.memory_space<vmem>>
        %parallel_loop3A_326 = tpu.memref_squeeze %parallel_loop3A_325 : memref<1x128x64xbf16, #tpu.memory_space<vmem>> -> memref<128x64xbf16, #tpu.memory_space<vmem>>
        %parallel_loop3A_327 = arith.index_cast %parallel_loop3A_300 : i32 to index
        %parallel_loop3A_328 = arith.constant 32 : index
        %parallel_loop3A_329 = tpu.vector_load %parallel_loop3A_326[%parallel_loop3A_327, %parallel_loop3A_328] {strides = array<i32>} : memref<128x64xbf16, #tpu.memory_space<vmem>>, vector<32xbf16>,
        %parallel_loop3A_330 = arith.mulf %parallel_loop3A_322, %parallel_loop3A_329 : vector<32xbf16>
        %parallel_loop3A_331 = arith.addf %parallel_loop3A_315, %parallel_loop3A_330 : vector<32xbf16>
        %parallel_loop3A_332 = tpu.unpack_subelements %parallel_loop3A_331, 0 {pack_format = #tpu.pack_format<interleaved>} : vector<32xbf16> -> vector<16xf32>
        %parallel_loop3A_333 = tpu.unpack_subelements %parallel_loop3A_331, 1 {pack_format = #tpu.pack_format<interleaved>} : vector<32xbf16> -> vector<16xf32>
        %parallel_loop3A_334 = arith.addf %parallel_loop3A_332, %parallel_loop3A_333 : vector<16xf32>
        %parallel_loop3A_335 = arith.constant 16 : i32
        %parallel_loop3A_336 = arith.muli %parallel_loop3A_220, %parallel_loop3A_335 : i32
        %parallel_loop3A_337 = arith.constant 3 : i32
        %parallel_loop3A_338 = arith.addi %parallel_loop3A_336, %parallel_loop3A_337 : i32
        %parallel_loop3A_339 = arith.constant 0 : i32
        %parallel_loop3A_340 = arith.constant 0 : i32
        %parallel_loop3A_341 = tpu.memref_slice %arg8[%parallel_loop3A_218, %parallel_loop3A_339, %parallel_loop3A_340] : memref<4x128x64xbf16, #tpu.memory_space<vmem>> -> memref<1x128x64xbf16, #tpu.memory_space<vmem>>
        %parallel_loop3A_342 = tpu.memref_squeeze %parallel_loop3A_341 : memref<1x128x64xbf16, #tpu.memory_space<vmem>> -> memref<128x64xbf16, #tpu.memory_space<vmem>>
        %parallel_loop3A_343 = arith.index_cast %parallel_loop3A_338 : i32 to index
        %parallel_loop3A_344 = arith.constant 0 : index
        %parallel_loop3A_345 = tpu.vector_load %parallel_loop3A_342[%parallel_loop3A_343, %parallel_loop3A_344] {strides = array<i32>} : memref<128x64xbf16, #tpu.memory_space<vmem>>, vector<32xbf16>,
        %parallel_loop3A_346 = arith.constant 0 : i32
        %parallel_loop3A_347 = arith.constant 0 : i32
        %parallel_loop3A_348 = tpu.memref_slice %arg9[%parallel_loop3A_219, %parallel_loop3A_346, %parallel_loop3A_347] : memref<4x128x64xbf16, #tpu.memory_space<vmem>> -> memref<1x128x64xbf16, #tpu.memory_space<vmem>>
        %parallel_loop3A_349 = tpu.memref_squeeze %parallel_loop3A_348 : memref<1x128x64xbf16, #tpu.memory_space<vmem>> -> memref<128x64xbf16, #tpu.memory_space<vmem>>
        %parallel_loop3A_350 = arith.index_cast %parallel_loop3A_338 : i32 to index
        %parallel_loop3A_351 = arith.constant 0 : index
        %parallel_loop3A_352 = tpu.vector_load %parallel_loop3A_349[%parallel_loop3A_350, %parallel_loop3A_351] {strides = array<i32>} : memref<128x64xbf16, #tpu.memory_space<vmem>>, vector<32xbf16>,
        %parallel_loop3A_353 = arith.mulf %parallel_loop3A_345, %parallel_loop3A_352 : vector<32xbf16>
        %parallel_loop3A_354 = arith.constant 0 : i32
        %parallel_loop3A_355 = arith.constant 0 : i32
        %parallel_loop3A_356 = tpu.memref_slice %arg8[%parallel_loop3A_218, %parallel_loop3A_354, %parallel_loop3A_355] : memref<4x128x64xbf16, #tpu.memory_space<vmem>> -> memref<1x128x64xbf16, #tpu.memory_space<vmem>>
        %parallel_loop3A_357 = tpu.memref_squeeze %parallel_loop3A_356 : memref<1x128x64xbf16, #tpu.memory_space<vmem>> -> memref<128x64xbf16, #tpu.memory_space<vmem>>
        %parallel_loop3A_358 = arith.index_cast %parallel_loop3A_338 : i32 to index
        %parallel_loop3A_359 = arith.constant 32 : index
        %parallel_loop3A_360 = tpu.vector_load %parallel_loop3A_357[%parallel_loop3A_358, %parallel_loop3A_359] {strides = array<i32>} : memref<128x64xbf16, #tpu.memory_space<vmem>>, vector<32xbf16>,
        %parallel_loop3A_361 = arith.constant 0 : i32
        %parallel_loop3A_362 = arith.constant 0 : i32
        %parallel_loop3A_363 = tpu.memref_slice %arg9[%parallel_loop3A_219, %parallel_loop3A_361, %parallel_loop3A_362] : memref<4x128x64xbf16, #tpu.memory_space<vmem>> -> memref<1x128x64xbf16, #tpu.memory_space<vmem>>
        %parallel_loop3A_364 = tpu.memref_squeeze %parallel_loop3A_363 : memref<1x128x64xbf16, #tpu.memory_space<vmem>> -> memref<128x64xbf16, #tpu.memory_space<vmem>>
        %parallel_loop3A_365 = arith.index_cast %parallel_loop3A_338 : i32 to index
        %parallel_loop3A_366 = arith.constant 32 : index
        %parallel_loop3A_367 = tpu.vector_load %parallel_loop3A_364[%parallel_loop3A_365, %parallel_loop3A_366] {strides = array<i32>} : memref<128x64xbf16, #tpu.memory_space<vmem>>, vector<32xbf16>,
        %parallel_loop3A_368 = arith.mulf %parallel_loop3A_360, %parallel_loop3A_367 : vector<32xbf16>
        %parallel_loop3A_369 = arith.addf %parallel_loop3A_353, %parallel_loop3A_368 : vector<32xbf16>
        %parallel_loop3A_370 = tpu.unpack_subelements %parallel_loop3A_369, 0 {pack_format = #tpu.pack_format<interleaved>} : vector<32xbf16> -> vector<16xf32>
        %parallel_loop3A_371 = tpu.unpack_subelements %parallel_loop3A_369, 1 {pack_format = #tpu.pack_format<interleaved>} : vector<32xbf16> -> vector<16xf32>
        %parallel_loop3A_372 = arith.addf %parallel_loop3A_370, %parallel_loop3A_371 : vector<16xf32>
        %parallel_loop3A_373 = arith.constant 16 : i32
        %parallel_loop3A_374 = arith.muli %parallel_loop3A_220, %parallel_loop3A_373 : i32
        %parallel_loop3A_375 = arith.constant 4 : i32
        %parallel_loop3A_376 = arith.addi %parallel_loop3A_374, %parallel_loop3A_375 : i32
        %parallel_loop3A_377 = arith.constant 0 : i32
        %parallel_loop3A_378 = arith.constant 0 : i32
        %parallel_loop3A_379 = tpu.memref_slice %arg8[%parallel_loop3A_218, %parallel_loop3A_377, %parallel_loop3A_378] : memref<4x128x64xbf16, #tpu.memory_space<vmem>> -> memref<1x128x64xbf16, #tpu.memory_space<vmem>>
        %parallel_loop3A_380 = tpu.memref_squeeze %parallel_loop3A_379 : memref<1x128x64xbf16, #tpu.memory_space<vmem>> -> memref<128x64xbf16, #tpu.memory_space<vmem>>
        %parallel_loop3A_381 = arith.index_cast %parallel_loop3A_376 : i32 to index
        %parallel_loop3A_382 = arith.constant 0 : index
        %parallel_loop3A_383 = tpu.vector_load %parallel_loop3A_380[%parallel_loop3A_381, %parallel_loop3A_382] {strides = array<i32>} : memref<128x64xbf16, #tpu.memory_space<vmem>>, vector<32xbf16>,
        %parallel_loop3A_384 = arith.constant 0 : i32
        %parallel_loop3A_385 = arith.constant 0 : i32
        %parallel_loop3A_386 = tpu.memref_slice %arg9[%parallel_loop3A_219, %parallel_loop3A_384, %parallel_loop3A_385] : memref<4x128x64xbf16, #tpu.memory_space<vmem>> -> memref<1x128x64xbf16, #tpu.memory_space<vmem>>
        %parallel_loop3A_387 = tpu.memref_squeeze %parallel_loop3A_386 : memref<1x128x64xbf16, #tpu.memory_space<vmem>> -> memref<128x64xbf16, #tpu.memory_space<vmem>>
        %parallel_loop3A_388 = arith.index_cast %parallel_loop3A_376 : i32 to index
        %parallel_loop3A_389 = arith.constant 0 : index
        %parallel_loop3A_390 = tpu.vector_load %parallel_loop3A_387[%parallel_loop3A_388, %parallel_loop3A_389] {strides = array<i32>} : memref<128x64xbf16, #tpu.memory_space<vmem>>, vector<32xbf16>,
        %parallel_loop3A_391 = arith.mulf %parallel_loop3A_383, %parallel_loop3A_390 : vector<32xbf16>
        %parallel_loop3A_392 = arith.constant 0 : i32
        %parallel_loop3A_393 = arith.constant 0 : i32
        %parallel_loop3A_394 = tpu.memref_slice %arg8[%parallel_loop3A_218, %parallel_loop3A_392, %parallel_loop3A_393] : memref<4x128x64xbf16, #tpu.memory_space<vmem>> -> memref<1x128x64xbf16, #tpu.memory_space<vmem>>
        %parallel_loop3A_395 = tpu.memref_squeeze %parallel_loop3A_394 : memref<1x128x64xbf16, #tpu.memory_space<vmem>> -> memref<128x64xbf16, #tpu.memory_space<vmem>>
        %parallel_loop3A_396 = arith.index_cast %parallel_loop3A_376 : i32 to index
        %parallel_loop3A_397 = arith.constant 32 : index
        %parallel_loop3A_398 = tpu.vector_load %parallel_loop3A_395[%parallel_loop3A_396, %parallel_loop3A_397] {strides = array<i32>} : memref<128x64xbf16, #tpu.memory_space<vmem>>, vector<32xbf16>,
        %parallel_loop3A_399 = arith.constant 0 : i32
        %parallel_loop3A_400 = arith.constant 0 : i32
        %parallel_loop3A_401 = tpu.memref_slice %arg9[%parallel_loop3A_219, %parallel_loop3A_399, %parallel_loop3A_400] : memref<4x128x64xbf16, #tpu.memory_space<vmem>> -> memref<1x128x64xbf16, #tpu.memory_space<vmem>>
        %parallel_loop3A_402 = tpu.memref_squeeze %parallel_loop3A_401 : memref<1x128x64xbf16, #tpu.memory_space<vmem>> -> memref<128x64xbf16, #tpu.memory_space<vmem>>
        %parallel_loop3A_403 = arith.index_cast %parallel_loop3A_376 : i32 to index
        %parallel_loop3A_404 = arith.constant 32 : index
        %parallel_loop3A_405 = tpu.vector_load %parallel_loop3A_402[%parallel_loop3A_403, %parallel_loop3A_404] {strides = array<i32>} : memref<128x64xbf16, #tpu.memory_space<vmem>>, vector<32xbf16>,
        %parallel_loop3A_406 = arith.mulf %parallel_loop3A_398, %parallel_loop3A_405 : vector<32xbf16>
        %parallel_loop3A_407 = arith.addf %parallel_loop3A_391, %parallel_loop3A_406 : vector<32xbf16>
        %parallel_loop3A_408 = tpu.unpack_subelements %parallel_loop3A_407, 0 {pack_format = #tpu.pack_format<interleaved>} : vector<32xbf16> -> vector<16xf32>
        %parallel_loop3A_409 = tpu.unpack_subelements %parallel_loop3A_407, 1 {pack_format = #tpu.pack_format<interleaved>} : vector<32xbf16> -> vector<16xf32>
        %parallel_loop3A_410 = arith.addf %parallel_loop3A_408, %parallel_loop3A_409 : vector<16xf32>
        %parallel_loop3A_411 = arith.constant 16 : i32
        %parallel_loop3A_412 = arith.muli %parallel_loop3A_220, %parallel_loop3A_411 : i32
        %parallel_loop3A_413 = arith.constant 5 : i32
        %parallel_loop3A_414 = arith.addi %parallel_loop3A_412, %parallel_loop3A_413 : i32
        %parallel_loop3A_415 = arith.constant 0 : i32
        %parallel_loop3A_416 = arith.constant 0 : i32
        %parallel_loop3A_417 = tpu.memref_slice %arg8[%parallel_loop3A_218, %parallel_loop3A_415, %parallel_loop3A_416] : memref<4x128x64xbf16, #tpu.memory_space<vmem>> -> memref<1x128x64xbf16, #tpu.memory_space<vmem>>
        %parallel_loop3A_418 = tpu.memref_squeeze %parallel_loop3A_417 : memref<1x128x64xbf16, #tpu.memory_space<vmem>> -> memref<128x64xbf16, #tpu.memory_space<vmem>>
        %parallel_loop3A_419 = arith.index_cast %parallel_loop3A_414 : i32 to index
        %parallel_loop3A_420 = arith.constant 0 : index
        %parallel_loop3A_421 = tpu.vector_load %parallel_loop3A_418[%parallel_loop3A_419, %parallel_loop3A_420] {strides = array<i32>} : memref<128x64xbf16, #tpu.memory_space<vmem>>, vector<32xbf16>,
        %parallel_loop3A_422 = arith.constant 0 : i32
        %parallel_loop3A_423 = arith.constant 0 : i32
        %parallel_loop3A_424 = tpu.memref_slice %arg9[%parallel_loop3A_219, %parallel_loop3A_422, %parallel_loop3A_423] : memref<4x128x64xbf16, #tpu.memory_space<vmem>> -> memref<1x128x64xbf16, #tpu.memory_space<vmem>>
        %parallel_loop3A_425 = tpu.memref_squeeze %parallel_loop3A_424 : memref<1x128x64xbf16, #tpu.memory_space<vmem>> -> memref<128x64xbf16, #tpu.memory_space<vmem>>
        %parallel_loop3A_426 = arith.index_cast %parallel_loop3A_414 : i32 to index
        %parallel_loop3A_427 = arith.constant 0 : index
        %parallel_loop3A_428 = tpu.vector_load %parallel_loop3A_425[%parallel_loop3A_426, %parallel_loop3A_427] {strides = array<i32>} : memref<128x64xbf16, #tpu.memory_space<vmem>>, vector<32xbf16>,
        %parallel_loop3A_429 = arith.mulf %parallel_loop3A_421, %parallel_loop3A_428 : vector<32xbf16>
        %parallel_loop3A_430 = arith.constant 0 : i32
        %parallel_loop3A_431 = arith.constant 0 : i32
        %parallel_loop3A_432 = tpu.memref_slice %arg8[%parallel_loop3A_218, %parallel_loop3A_430, %parallel_loop3A_431] : memref<4x128x64xbf16, #tpu.memory_space<vmem>> -> memref<1x128x64xbf16, #tpu.memory_space<vmem>>
        %parallel_loop3A_433 = tpu.memref_squeeze %parallel_loop3A_432 : memref<1x128x64xbf16, #tpu.memory_space<vmem>> -> memref<128x64xbf16, #tpu.memory_space<vmem>>
        %parallel_loop3A_434 = arith.index_cast %parallel_loop3A_414 : i32 to index
        %parallel_loop3A_435 = arith.constant 32 : index
        %parallel_loop3A_436 = tpu.vector_load %parallel_loop3A_433[%parallel_loop3A_434, %parallel_loop3A_435] {strides = array<i32>} : memref<128x64xbf16, #tpu.memory_space<vmem>>, vector<32xbf16>,
        %parallel_loop3A_437 = arith.constant 0 : i32
        %parallel_loop3A_438 = arith.constant 0 : i32
        %parallel_loop3A_439 = tpu.memref_slice %arg9[%parallel_loop3A_219, %parallel_loop3A_437, %parallel_loop3A_438] : memref<4x128x64xbf16, #tpu.memory_space<vmem>> -> memref<1x128x64xbf16, #tpu.memory_space<vmem>>
        %parallel_loop3A_440 = tpu.memref_squeeze %parallel_loop3A_439 : memref<1x128x64xbf16, #tpu.memory_space<vmem>> -> memref<128x64xbf16, #tpu.memory_space<vmem>>
        %parallel_loop3A_441 = arith.index_cast %parallel_loop3A_414 : i32 to index
        %parallel_loop3A_442 = arith.constant 32 : index
        %parallel_loop3A_443 = tpu.vector_load %parallel_loop3A_440[%parallel_loop3A_441, %parallel_loop3A_442] {strides = array<i32>} : memref<128x64xbf16, #tpu.memory_space<vmem>>, vector<32xbf16>,
        %parallel_loop3A_444 = arith.mulf %parallel_loop3A_436, %parallel_loop3A_443 : vector<32xbf16>
        %parallel_loop3A_445 = arith.addf %parallel_loop3A_429, %parallel_loop3A_444 : vector<32xbf16>
        %parallel_loop3A_446 = tpu.unpack_subelements %parallel_loop3A_445, 0 {pack_format = #tpu.pack_format<interleaved>} : vector<32xbf16> -> vector<16xf32>
        %parallel_loop3A_447 = tpu.unpack_subelements %parallel_loop3A_445, 1 {pack_format = #tpu.pack_format<interleaved>} : vector<32xbf16> -> vector<16xf32>
        %parallel_loop3A_448 = arith.addf %parallel_loop3A_446, %parallel_loop3A_447 : vector<16xf32>
        %parallel_loop3A_449 = arith.constant 16 : i32
        %parallel_loop3A_450 = arith.muli %parallel_loop3A_220, %parallel_loop3A_449 : i32
        %parallel_loop3A_451 = arith.constant 6 : i32
        %parallel_loop3A_452 = arith.addi %parallel_loop3A_450, %parallel_loop3A_451 : i32
        %parallel_loop3A_453 = arith.constant 0 : i32
        %parallel_loop3A_454 = arith.constant 0 : i32
        %parallel_loop3A_455 = tpu.memref_slice %arg8[%parallel_loop3A_218, %parallel_loop3A_453, %parallel_loop3A_454] : memref<4x128x64xbf16, #tpu.memory_space<vmem>> -> memref<1x128x64xbf16, #tpu.memory_space<vmem>>
        %parallel_loop3A_456 = tpu.memref_squeeze %parallel_loop3A_455 : memref<1x128x64xbf16, #tpu.memory_space<vmem>> -> memref<128x64xbf16, #tpu.memory_space<vmem>>
        %parallel_loop3A_457 = arith.index_cast %parallel_loop3A_452 : i32 to index
        %parallel_loop3A_458 = arith.constant 0 : index
        %parallel_loop3A_459 = tpu.vector_load %parallel_loop3A_456[%parallel_loop3A_457, %parallel_loop3A_458] {strides = array<i32>} : memref<128x64xbf16, #tpu.memory_space<vmem>>, vector<32xbf16>,
        %parallel_loop3A_460 = arith.constant 0 : i32
        %parallel_loop3A_461 = arith.constant 0 : i32
        %parallel_loop3A_462 = tpu.memref_slice %arg9[%parallel_loop3A_219, %parallel_loop3A_460, %parallel_loop3A_461] : memref<4x128x64xbf16, #tpu.memory_space<vmem>> -> memref<1x128x64xbf16, #tpu.memory_space<vmem>>
        %parallel_loop3A_463 = tpu.memref_squeeze %parallel_loop3A_462 : memref<1x128x64xbf16, #tpu.memory_space<vmem>> -> memref<128x64xbf16, #tpu.memory_space<vmem>>
        %parallel_loop3A_464 = arith.index_cast %parallel_loop3A_452 : i32 to index
        %parallel_loop3A_465 = arith.constant 0 : index
        %parallel_loop3A_466 = tpu.vector_load %parallel_loop3A_463[%parallel_loop3A_464, %parallel_loop3A_465] {strides = array<i32>} : memref<128x64xbf16, #tpu.memory_space<vmem>>, vector<32xbf16>,
        %parallel_loop3A_467 = arith.mulf %parallel_loop3A_459, %parallel_loop3A_466 : vector<32xbf16>
        %parallel_loop3A_468 = arith.constant 0 : i32
        %parallel_loop3A_469 = arith.constant 0 : i32
        %parallel_loop3A_470 = tpu.memref_slice %arg8[%parallel_loop3A_218, %parallel_loop3A_468, %parallel_loop3A_469] : memref<4x128x64xbf16, #tpu.memory_space<vmem>> -> memref<1x128x64xbf16, #tpu.memory_space<vmem>>
        %parallel_loop3A_471 = tpu.memref_squeeze %parallel_loop3A_470 : memref<1x128x64xbf16, #tpu.memory_space<vmem>> -> memref<128x64xbf16, #tpu.memory_space<vmem>>
        %parallel_loop3A_472 = arith.index_cast %parallel_loop3A_452 : i32 to index
        %parallel_loop3A_473 = arith.constant 32 : index
        %parallel_loop3A_474 = tpu.vector_load %parallel_loop3A_471[%parallel_loop3A_472, %parallel_loop3A_473] {strides = array<i32>} : memref<128x64xbf16, #tpu.memory_space<vmem>>, vector<32xbf16>,
        %parallel_loop3A_475 = arith.constant 0 : i32
        %parallel_loop3A_476 = arith.constant 0 : i32
        %parallel_loop3A_477 = tpu.memref_slice %arg9[%parallel_loop3A_219, %parallel_loop3A_475, %parallel_loop3A_476] : memref<4x128x64xbf16, #tpu.memory_space<vmem>> -> memref<1x128x64xbf16, #tpu.memory_space<vmem>>
        %parallel_loop3A_478 = tpu.memref_squeeze %parallel_loop3A_477 : memref<1x128x64xbf16, #tpu.memory_space<vmem>> -> memref<128x64xbf16, #tpu.memory_space<vmem>>
        %parallel_loop3A_479 = arith.index_cast %parallel_loop3A_452 : i32 to index
        %parallel_loop3A_480 = arith.constant 32 : index
        %parallel_loop3A_481 = tpu.vector_load %parallel_loop3A_478[%parallel_loop3A_479, %parallel_loop3A_480] {strides = array<i32>} : memref<128x64xbf16, #tpu.memory_space<vmem>>, vector<32xbf16>,
        %parallel_loop3A_482 = arith.mulf %parallel_loop3A_474, %parallel_loop3A_481 : vector<32xbf16>
        %parallel_loop3A_483 = arith.addf %parallel_loop3A_467, %parallel_loop3A_482 : vector<32xbf16>
        %parallel_loop3A_484 = tpu.unpack_subelements %parallel_loop3A_483, 0 {pack_format = #tpu.pack_format<interleaved>} : vector<32xbf16> -> vector<16xf32>
        %parallel_loop3A_485 = tpu.unpack_subelements %parallel_loop3A_483, 1 {pack_format = #tpu.pack_format<interleaved>} : vector<32xbf16> -> vector<16xf32>
        %parallel_loop3A_486 = arith.addf %parallel_loop3A_484, %parallel_loop3A_485 : vector<16xf32>
        %parallel_loop3A_487 = arith.constant 16 : i32
        %parallel_loop3A_488 = arith.muli %parallel_loop3A_220, %parallel_loop3A_487 : i32
        %parallel_loop3A_489 = arith.constant 7 : i32
        %parallel_loop3A_490 = arith.addi %parallel_loop3A_488, %parallel_loop3A_489 : i32
        %parallel_loop3A_491 = arith.constant 0 : i32
        %parallel_loop3A_492 = arith.constant 0 : i32
        %parallel_loop3A_493 = tpu.memref_slice %arg8[%parallel_loop3A_218, %parallel_loop3A_491, %parallel_loop3A_492] : memref<4x128x64xbf16, #tpu.memory_space<vmem>> -> memref<1x128x64xbf16, #tpu.memory_space<vmem>>
        %parallel_loop3A_494 = tpu.memref_squeeze %parallel_loop3A_493 : memref<1x128x64xbf16, #tpu.memory_space<vmem>> -> memref<128x64xbf16, #tpu.memory_space<vmem>>
        %parallel_loop3A_495 = arith.index_cast %parallel_loop3A_490 : i32 to index
        %parallel_loop3A_496 = arith.constant 0 : index
        %parallel_loop3A_497 = tpu.vector_load %parallel_loop3A_494[%parallel_loop3A_495, %parallel_loop3A_496] {strides = array<i32>} : memref<128x64xbf16, #tpu.memory_space<vmem>>, vector<32xbf16>,
        %parallel_loop3A_498 = arith.constant 0 : i32
        %parallel_loop3A_499 = arith.constant 0 : i32
        %parallel_loop3A_500 = tpu.memref_slice %arg9[%parallel_loop3A_219, %parallel_loop3A_498, %parallel_loop3A_499] : memref<4x128x64xbf16, #tpu.memory_space<vmem>> -> memref<1x128x64xbf16, #tpu.memory_space<vmem>>
        %parallel_loop3A_501 = tpu.memref_squeeze %parallel_loop3A_500 : memref<1x128x64xbf16, #tpu.memory_space<vmem>> -> memref<128x64xbf16, #tpu.memory_space<vmem>>
        %parallel_loop3A_502 = arith.index_cast %parallel_loop3A_490 : i32 to index
        %parallel_loop3A_503 = arith.constant 0 : index
        %parallel_loop3A_504 = tpu.vector_load %parallel_loop3A_501[%parallel_loop3A_502, %parallel_loop3A_503] {strides = array<i32>} : memref<128x64xbf16, #tpu.memory_space<vmem>>, vector<32xbf16>,
        %parallel_loop3A_505 = arith.mulf %parallel_loop3A_497, %parallel_loop3A_504 : vector<32xbf16>
        %parallel_loop3A_506 = arith.constant 0 : i32
        %parallel_loop3A_507 = arith.constant 0 : i32
        %parallel_loop3A_508 = tpu.memref_slice %arg8[%parallel_loop3A_218, %parallel_loop3A_506, %parallel_loop3A_507] : memref<4x128x64xbf16, #tpu.memory_space<vmem>> -> memref<1x128x64xbf16, #tpu.memory_space<vmem>>
        %parallel_loop3A_509 = tpu.memref_squeeze %parallel_loop3A_508 : memref<1x128x64xbf16, #tpu.memory_space<vmem>> -> memref<128x64xbf16, #tpu.memory_space<vmem>>
        %parallel_loop3A_510 = arith.index_cast %parallel_loop3A_490 : i32 to index
        %parallel_loop3A_511 = arith.constant 32 : index
        %parallel_loop3A_512 = tpu.vector_load %parallel_loop3A_509[%parallel_loop3A_510, %parallel_loop3A_511] {strides = array<i32>} : memref<128x64xbf16, #tpu.memory_space<vmem>>, vector<32xbf16>,
        %parallel_loop3A_513 = arith.constant 0 : i32
        %parallel_loop3A_514 = arith.constant 0 : i32
        %parallel_loop3A_515 = tpu.memref_slice %arg9[%parallel_loop3A_219, %parallel_loop3A_513, %parallel_loop3A_514] : memref<4x128x64xbf16, #tpu.memory_space<vmem>> -> memref<1x128x64xbf16, #tpu.memory_space<vmem>>
        %parallel_loop3A_516 = tpu.memref_squeeze %parallel_loop3A_515 : memref<1x128x64xbf16, #tpu.memory_space<vmem>> -> memref<128x64xbf16, #tpu.memory_space<vmem>>
        %parallel_loop3A_517 = arith.index_cast %parallel_loop3A_490 : i32 to index
        %parallel_loop3A_518 = arith.constant 32 : index
        %parallel_loop3A_519 = tpu.vector_load %parallel_loop3A_516[%parallel_loop3A_517, %parallel_loop3A_518] {strides = array<i32>} : memref<128x64xbf16, #tpu.memory_space<vmem>>, vector<32xbf16>,
        %parallel_loop3A_520 = arith.mulf %parallel_loop3A_512, %parallel_loop3A_519 : vector<32xbf16>
        %parallel_loop3A_521 = arith.addf %parallel_loop3A_505, %parallel_loop3A_520 : vector<32xbf16>
        %parallel_loop3A_522 = tpu.unpack_subelements %parallel_loop3A_521, 0 {pack_format = #tpu.pack_format<interleaved>} : vector<32xbf16> -> vector<16xf32>
        %parallel_loop3A_523 = tpu.unpack_subelements %parallel_loop3A_521, 1 {pack_format = #tpu.pack_format<interleaved>} : vector<32xbf16> -> vector<16xf32>
        %parallel_loop3A_524 = arith.addf %parallel_loop3A_522, %parallel_loop3A_523 : vector<16xf32>
        %parallel_loop3A_525 = arith.constant 16 : i32
        %parallel_loop3A_526 = arith.muli %parallel_loop3A_220, %parallel_loop3A_525 : i32
        %parallel_loop3A_527 = arith.constant 8 : i32
        %parallel_loop3A_528 = arith.addi %parallel_loop3A_526, %parallel_loop3A_527 : i32
        %parallel_loop3A_529 = arith.constant 0 : i32
        %parallel_loop3A_530 = arith.constant 0 : i32
        %parallel_loop3A_531 = tpu.memref_slice %arg8[%parallel_loop3A_218, %parallel_loop3A_529, %parallel_loop3A_530] : memref<4x128x64xbf16, #tpu.memory_space<vmem>> -> memref<1x128x64xbf16, #tpu.memory_space<vmem>>
        %parallel_loop3A_532 = tpu.memref_squeeze %parallel_loop3A_531 : memref<1x128x64xbf16, #tpu.memory_space<vmem>> -> memref<128x64xbf16, #tpu.memory_space<vmem>>
        %parallel_loop3A_533 = arith.index_cast %parallel_loop3A_528 : i32 to index
        %parallel_loop3A_534 = arith.constant 0 : index
        %parallel_loop3A_535 = tpu.vector_load %parallel_loop3A_532[%parallel_loop3A_533, %parallel_loop3A_534] {strides = array<i32>} : memref<128x64xbf16, #tpu.memory_space<vmem>>, vector<32xbf16>,
        %parallel_loop3A_536 = arith.constant 0 : i32
        %parallel_loop3A_537 = arith.constant 0 : i32
        %parallel_loop3A_538 = tpu.memref_slice %arg9[%parallel_loop3A_219, %parallel_loop3A_536, %parallel_loop3A_537] : memref<4x128x64xbf16, #tpu.memory_space<vmem>> -> memref<1x128x64xbf16, #tpu.memory_space<vmem>>
        %parallel_loop3A_539 = tpu.memref_squeeze %parallel_loop3A_538 : memref<1x128x64xbf16, #tpu.memory_space<vmem>> -> memref<128x64xbf16, #tpu.memory_space<vmem>>
        %parallel_loop3A_540 = arith.index_cast %parallel_loop3A_528 : i32 to index
        %parallel_loop3A_541 = arith.constant 0 : index
        %parallel_loop3A_542 = tpu.vector_load %parallel_loop3A_539[%parallel_loop3A_540, %parallel_loop3A_541] {strides = array<i32>} : memref<128x64xbf16, #tpu.memory_space<vmem>>, vector<32xbf16>,
        %parallel_loop3A_543 = arith.mulf %parallel_loop3A_535, %parallel_loop3A_542 : vector<32xbf16>
        %parallel_loop3A_544 = arith.constant 0 : i32
        %parallel_loop3A_545 = arith.constant 0 : i32
        %parallel_loop3A_546 = tpu.memref_slice %arg8[%parallel_loop3A_218, %parallel_loop3A_544, %parallel_loop3A_545] : memref<4x128x64xbf16, #tpu.memory_space<vmem>> -> memref<1x128x64xbf16, #tpu.memory_space<vmem>>
        %parallel_loop3A_547 = tpu.memref_squeeze %parallel_loop3A_546 : memref<1x128x64xbf16, #tpu.memory_space<vmem>> -> memref<128x64xbf16, #tpu.memory_space<vmem>>
        %parallel_loop3A_548 = arith.index_cast %parallel_loop3A_528 : i32 to index
        %parallel_loop3A_549 = arith.constant 32 : index
        %parallel_loop3A_550 = tpu.vector_load %parallel_loop3A_547[%parallel_loop3A_548, %parallel_loop3A_549] {strides = array<i32>} : memref<128x64xbf16, #tpu.memory_space<vmem>>, vector<32xbf16>,
        %parallel_loop3A_551 = arith.constant 0 : i32
        %parallel_loop3A_552 = arith.constant 0 : i32
        %parallel_loop3A_553 = tpu.memref_slice %arg9[%parallel_loop3A_219, %parallel_loop3A_551, %parallel_loop3A_552] : memref<4x128x64xbf16, #tpu.memory_space<vmem>> -> memref<1x128x64xbf16, #tpu.memory_space<vmem>>
        %parallel_loop3A_554 = tpu.memref_squeeze %parallel_loop3A_553 : memref<1x128x64xbf16, #tpu.memory_space<vmem>> -> memref<128x64xbf16, #tpu.memory_space<vmem>>
        %parallel_loop3A_555 = arith.index_cast %parallel_loop3A_528 : i32 to index
        %parallel_loop3A_556 = arith.constant 32 : index
        %parallel_loop3A_557 = tpu.vector_load %parallel_loop3A_554[%parallel_loop3A_555, %parallel_loop3A_556] {strides = array<i32>} : memref<128x64xbf16, #tpu.memory_space<vmem>>, vector<32xbf16>,
        %parallel_loop3A_558 = arith.mulf %parallel_loop3A_550, %parallel_loop3A_557 : vector<32xbf16>
        %parallel_loop3A_559 = arith.addf %parallel_loop3A_543, %parallel_loop3A_558 : vector<32xbf16>
        %parallel_loop3A_560 = tpu.unpack_subelements %parallel_loop3A_559, 0 {pack_format = #tpu.pack_format<interleaved>} : vector<32xbf16> -> vector<16xf32>
        %parallel_loop3A_561 = tpu.unpack_subelements %parallel_loop3A_559, 1 {pack_format = #tpu.pack_format<interleaved>} : vector<32xbf16> -> vector<16xf32>
        %parallel_loop3A_562 = arith.addf %parallel_loop3A_560, %parallel_loop3A_561 : vector<16xf32>
        %parallel_loop3A_563 = arith.constant 16 : i32
        %parallel_loop3A_564 = arith.muli %parallel_loop3A_220, %parallel_loop3A_563 : i32
        %parallel_loop3A_565 = arith.constant 9 : i32
        %parallel_loop3A_566 = arith.addi %parallel_loop3A_564, %parallel_loop3A_565 : i32
        %parallel_loop3A_567 = arith.constant 0 : i32
        %parallel_loop3A_568 = arith.constant 0 : i32
        %parallel_loop3A_569 = tpu.memref_slice %arg8[%parallel_loop3A_218, %parallel_loop3A_567, %parallel_loop3A_568] : memref<4x128x64xbf16, #tpu.memory_space<vmem>> -> memref<1x128x64xbf16, #tpu.memory_space<vmem>>
        %parallel_loop3A_570 = tpu.memref_squeeze %parallel_loop3A_569 : memref<1x128x64xbf16, #tpu.memory_space<vmem>> -> memref<128x64xbf16, #tpu.memory_space<vmem>>
        %parallel_loop3A_571 = arith.index_cast %parallel_loop3A_566 : i32 to index
        %parallel_loop3A_572 = arith.constant 0 : index
        %parallel_loop3A_573 = tpu.vector_load %parallel_loop3A_570[%parallel_loop3A_571, %parallel_loop3A_572] {strides = array<i32>} : memref<128x64xbf16, #tpu.memory_space<vmem>>, vector<32xbf16>,
        %parallel_loop3A_574 = arith.constant 0 : i32
        %parallel_loop3A_575 = arith.constant 0 : i32
        %parallel_loop3A_576 = tpu.memref_slice %arg9[%parallel_loop3A_219, %parallel_loop3A_574, %parallel_loop3A_575] : memref<4x128x64xbf16, #tpu.memory_space<vmem>> -> memref<1x128x64xbf16, #tpu.memory_space<vmem>>
        %parallel_loop3A_577 = tpu.memref_squeeze %parallel_loop3A_576 : memref<1x128x64xbf16, #tpu.memory_space<vmem>> -> memref<128x64xbf16, #tpu.memory_space<vmem>>
        %parallel_loop3A_578 = arith.index_cast %parallel_loop3A_566 : i32 to index
        %parallel_loop3A_579 = arith.constant 0 : index
        %parallel_loop3A_580 = tpu.vector_load %parallel_loop3A_577[%parallel_loop3A_578, %parallel_loop3A_579] {strides = array<i32>} : memref<128x64xbf16, #tpu.memory_space<vmem>>, vector<32xbf16>,
        %parallel_loop3A_581 = arith.mulf %parallel_loop3A_573, %parallel_loop3A_580 : vector<32xbf16>
        %parallel_loop3A_582 = arith.constant 0 : i32
        %parallel_loop3A_583 = arith.constant 0 : i32
        %parallel_loop3A_584 = tpu.memref_slice %arg8[%parallel_loop3A_218, %parallel_loop3A_582, %parallel_loop3A_583] : memref<4x128x64xbf16, #tpu.memory_space<vmem>> -> memref<1x128x64xbf16, #tpu.memory_space<vmem>>
        %parallel_loop3A_585 = tpu.memref_squeeze %parallel_loop3A_584 : memref<1x128x64xbf16, #tpu.memory_space<vmem>> -> memref<128x64xbf16, #tpu.memory_space<vmem>>
        %parallel_loop3A_586 = arith.index_cast %parallel_loop3A_566 : i32 to index
        %parallel_loop3A_587 = arith.constant 32 : index
        %parallel_loop3A_588 = tpu.vector_load %parallel_loop3A_585[%parallel_loop3A_586, %parallel_loop3A_587] {strides = array<i32>} : memref<128x64xbf16, #tpu.memory_space<vmem>>, vector<32xbf16>,
        %parallel_loop3A_589 = arith.constant 0 : i32
        %parallel_loop3A_590 = arith.constant 0 : i32
        %parallel_loop3A_591 = tpu.memref_slice %arg9[%parallel_loop3A_219, %parallel_loop3A_589, %parallel_loop3A_590] : memref<4x128x64xbf16, #tpu.memory_space<vmem>> -> memref<1x128x64xbf16, #tpu.memory_space<vmem>>
        %parallel_loop3A_592 = tpu.memref_squeeze %parallel_loop3A_591 : memref<1x128x64xbf16, #tpu.memory_space<vmem>> -> memref<128x64xbf16, #tpu.memory_space<vmem>>
        %parallel_loop3A_593 = arith.index_cast %parallel_loop3A_566 : i32 to index
        %parallel_loop3A_594 = arith.constant 32 : index
        %parallel_loop3A_595 = tpu.vector_load %parallel_loop3A_592[%parallel_loop3A_593, %parallel_loop3A_594] {strides = array<i32>} : memref<128x64xbf16, #tpu.memory_space<vmem>>, vector<32xbf16>,
        %parallel_loop3A_596 = arith.mulf %parallel_loop3A_588, %parallel_loop3A_595 : vector<32xbf16>
        %parallel_loop3A_597 = arith.addf %parallel_loop3A_581, %parallel_loop3A_596 : vector<32xbf16>
        %parallel_loop3A_598 = tpu.unpack_subelements %parallel_loop3A_597, 0 {pack_format = #tpu.pack_format<interleaved>} : vector<32xbf16> -> vector<16xf32>
        %parallel_loop3A_599 = tpu.unpack_subelements %parallel_loop3A_597, 1 {pack_format = #tpu.pack_format<interleaved>} : vector<32xbf16> -> vector<16xf32>
        %parallel_loop3A_600 = arith.addf %parallel_loop3A_598, %parallel_loop3A_599 : vector<16xf32>
        %parallel_loop3A_601 = arith.constant 16 : i32
        %parallel_loop3A_602 = arith.muli %parallel_loop3A_220, %parallel_loop3A_601 : i32
        %parallel_loop3A_603 = arith.constant 10 : i32
        %parallel_loop3A_604 = arith.addi %parallel_loop3A_602, %parallel_loop3A_603 : i32
        %parallel_loop3A_605 = arith.constant 0 : i32
        %parallel_loop3A_606 = arith.constant 0 : i32
        %parallel_loop3A_607 = tpu.memref_slice %arg8[%parallel_loop3A_218, %parallel_loop3A_605, %parallel_loop3A_606] : memref<4x128x64xbf16, #tpu.memory_space<vmem>> -> memref<1x128x64xbf16, #tpu.memory_space<vmem>>
        %parallel_loop3A_608 = tpu.memref_squeeze %parallel_loop3A_607 : memref<1x128x64xbf16, #tpu.memory_space<vmem>> -> memref<128x64xbf16, #tpu.memory_space<vmem>>
        %parallel_loop3A_609 = arith.index_cast %parallel_loop3A_604 : i32 to index
        %parallel_loop3A_610 = arith.constant 0 : index
        %parallel_loop3A_611 = tpu.vector_load %parallel_loop3A_608[%parallel_loop3A_609, %parallel_loop3A_610] {strides = array<i32>} : memref<128x64xbf16, #tpu.memory_space<vmem>>, vector<32xbf16>,
        %parallel_loop3A_612 = arith.constant 0 : i32
        %parallel_loop3A_613 = arith.constant 0 : i32
        %parallel_loop3A_614 = tpu.memref_slice %arg9[%parallel_loop3A_219, %parallel_loop3A_612, %parallel_loop3A_613] : memref<4x128x64xbf16, #tpu.memory_space<vmem>> -> memref<1x128x64xbf16, #tpu.memory_space<vmem>>
        %parallel_loop3A_615 = tpu.memref_squeeze %parallel_loop3A_614 : memref<1x128x64xbf16, #tpu.memory_space<vmem>> -> memref<128x64xbf16, #tpu.memory_space<vmem>>
        %parallel_loop3A_616 = arith.index_cast %parallel_loop3A_604 : i32 to index
        %parallel_loop3A_617 = arith.constant 0 : index
        %parallel_loop3A_618 = tpu.vector_load %parallel_loop3A_615[%parallel_loop3A_616, %parallel_loop3A_617] {strides = array<i32>} : memref<128x64xbf16, #tpu.memory_space<vmem>>, vector<32xbf16>,
        %parallel_loop3A_619 = arith.mulf %parallel_loop3A_611, %parallel_loop3A_618 : vector<32xbf16>
        %parallel_loop3A_620 = arith.constant 0 : i32
        %parallel_loop3A_621 = arith.constant 0 : i32
        %parallel_loop3A_622 = tpu.memref_slice %arg8[%parallel_loop3A_218, %parallel_loop3A_620, %parallel_loop3A_621] : memref<4x128x64xbf16, #tpu.memory_space<vmem>> -> memref<1x128x64xbf16, #tpu.memory_space<vmem>>
        %parallel_loop3A_623 = tpu.memref_squeeze %parallel_loop3A_622 : memref<1x128x64xbf16, #tpu.memory_space<vmem>> -> memref<128x64xbf16, #tpu.memory_space<vmem>>
        %parallel_loop3A_624 = arith.index_cast %parallel_loop3A_604 : i32 to index
        %parallel_loop3A_625 = arith.constant 32 : index
        %parallel_loop3A_626 = tpu.vector_load %parallel_loop3A_623[%parallel_loop3A_624, %parallel_loop3A_625] {strides = array<i32>} : memref<128x64xbf16, #tpu.memory_space<vmem>>, vector<32xbf16>,
        %parallel_loop3A_627 = arith.constant 0 : i32
        %parallel_loop3A_628 = arith.constant 0 : i32
        %parallel_loop3A_629 = tpu.memref_slice %arg9[%parallel_loop3A_219, %parallel_loop3A_627, %parallel_loop3A_628] : memref<4x128x64xbf16, #tpu.memory_space<vmem>> -> memref<1x128x64xbf16, #tpu.memory_space<vmem>>
        %parallel_loop3A_630 = tpu.memref_squeeze %parallel_loop3A_629 : memref<1x128x64xbf16, #tpu.memory_space<vmem>> -> memref<128x64xbf16, #tpu.memory_space<vmem>>
        %parallel_loop3A_631 = arith.index_cast %parallel_loop3A_604 : i32 to index
        %parallel_loop3A_632 = arith.constant 32 : index
        %parallel_loop3A_633 = tpu.vector_load %parallel_loop3A_630[%parallel_loop3A_631, %parallel_loop3A_632] {strides = array<i32>} : memref<128x64xbf16, #tpu.memory_space<vmem>>, vector<32xbf16>,
        %parallel_loop3A_634 = arith.mulf %parallel_loop3A_626, %parallel_loop3A_633 : vector<32xbf16>
        %parallel_loop3A_635 = arith.addf %parallel_loop3A_619, %parallel_loop3A_634 : vector<32xbf16>
        %parallel_loop3A_636 = tpu.unpack_subelements %parallel_loop3A_635, 0 {pack_format = #tpu.pack_format<interleaved>} : vector<32xbf16> -> vector<16xf32>
        %parallel_loop3A_637 = tpu.unpack_subelements %parallel_loop3A_635, 1 {pack_format = #tpu.pack_format<interleaved>} : vector<32xbf16> -> vector<16xf32>
        %parallel_loop3A_638 = arith.addf %parallel_loop3A_636, %parallel_loop3A_637 : vector<16xf32>
        %parallel_loop3A_639 = arith.constant 16 : i32
        %parallel_loop3A_640 = arith.muli %parallel_loop3A_220, %parallel_loop3A_639 : i32
        %parallel_loop3A_641 = arith.constant 11 : i32
        %parallel_loop3A_642 = arith.addi %parallel_loop3A_640, %parallel_loop3A_641 : i32
        %parallel_loop3A_643 = arith.constant 0 : i32
        %parallel_loop3A_644 = arith.constant 0 : i32
        %parallel_loop3A_645 = tpu.memref_slice %arg8[%parallel_loop3A_218, %parallel_loop3A_643, %parallel_loop3A_644] : memref<4x128x64xbf16, #tpu.memory_space<vmem>> -> memref<1x128x64xbf16, #tpu.memory_space<vmem>>
        %parallel_loop3A_646 = tpu.memref_squeeze %parallel_loop3A_645 : memref<1x128x64xbf16, #tpu.memory_space<vmem>> -> memref<128x64xbf16, #tpu.memory_space<vmem>>
        %parallel_loop3A_647 = arith.index_cast %parallel_loop3A_642 : i32 to index
        %parallel_loop3A_648 = arith.constant 0 : index
        %parallel_loop3A_649 = tpu.vector_load %parallel_loop3A_646[%parallel_loop3A_647, %parallel_loop3A_648] {strides = array<i32>} : memref<128x64xbf16, #tpu.memory_space<vmem>>, vector<32xbf16>,
        %parallel_loop3A_650 = arith.constant 0 : i32
        %parallel_loop3A_651 = arith.constant 0 : i32
        %parallel_loop3A_652 = tpu.memref_slice %arg9[%parallel_loop3A_219, %parallel_loop3A_650, %parallel_loop3A_651] : memref<4x128x64xbf16, #tpu.memory_space<vmem>> -> memref<1x128x64xbf16, #tpu.memory_space<vmem>>
        %parallel_loop3A_653 = tpu.memref_squeeze %parallel_loop3A_652 : memref<1x128x64xbf16, #tpu.memory_space<vmem>> -> memref<128x64xbf16, #tpu.memory_space<vmem>>
        %parallel_loop3A_654 = arith.index_cast %parallel_loop3A_642 : i32 to index
        %parallel_loop3A_655 = arith.constant 0 : index
        %parallel_loop3A_656 = tpu.vector_load %parallel_loop3A_653[%parallel_loop3A_654, %parallel_loop3A_655] {strides = array<i32>} : memref<128x64xbf16, #tpu.memory_space<vmem>>, vector<32xbf16>,
        %parallel_loop3A_657 = arith.mulf %parallel_loop3A_649, %parallel_loop3A_656 : vector<32xbf16>
        %parallel_loop3A_658 = arith.constant 0 : i32
        %parallel_loop3A_659 = arith.constant 0 : i32
        %parallel_loop3A_660 = tpu.memref_slice %arg8[%parallel_loop3A_218, %parallel_loop3A_658, %parallel_loop3A_659] : memref<4x128x64xbf16, #tpu.memory_space<vmem>> -> memref<1x128x64xbf16, #tpu.memory_space<vmem>>
        %parallel_loop3A_661 = tpu.memref_squeeze %parallel_loop3A_660 : memref<1x128x64xbf16, #tpu.memory_space<vmem>> -> memref<128x64xbf16, #tpu.memory_space<vmem>>
        %parallel_loop3A_662 = arith.index_cast %parallel_loop3A_642 : i32 to index
        %parallel_loop3A_663 = arith.constant 32 : index
        %parallel_loop3A_664 = tpu.vector_load %parallel_loop3A_661[%parallel_loop3A_662, %parallel_loop3A_663] {strides = array<i32>} : memref<128x64xbf16, #tpu.memory_space<vmem>>, vector<32xbf16>,
        %parallel_loop3A_665 = arith.constant 0 : i32
        %parallel_loop3A_666 = arith.constant 0 : i32
        %parallel_loop3A_667 = tpu.memref_slice %arg9[%parallel_loop3A_219, %parallel_loop3A_665, %parallel_loop3A_666] : memref<4x128x64xbf16, #tpu.memory_space<vmem>> -> memref<1x128x64xbf16, #tpu.memory_space<vmem>>
        %parallel_loop3A_668 = tpu.memref_squeeze %parallel_loop3A_667 : memref<1x128x64xbf16, #tpu.memory_space<vmem>> -> memref<128x64xbf16, #tpu.memory_space<vmem>>
        %parallel_loop3A_669 = arith.index_cast %parallel_loop3A_642 : i32 to index
        %parallel_loop3A_670 = arith.constant 32 : index
        %parallel_loop3A_671 = tpu.vector_load %parallel_loop3A_668[%parallel_loop3A_669, %parallel_loop3A_670] {strides = array<i32>} : memref<128x64xbf16, #tpu.memory_space<vmem>>, vector<32xbf16>,
        %parallel_loop3A_672 = arith.mulf %parallel_loop3A_664, %parallel_loop3A_671 : vector<32xbf16>
        %parallel_loop3A_673 = arith.addf %parallel_loop3A_657, %parallel_loop3A_672 : vector<32xbf16>
        %parallel_loop3A_674 = tpu.unpack_subelements %parallel_loop3A_673, 0 {pack_format = #tpu.pack_format<interleaved>} : vector<32xbf16> -> vector<16xf32>
        %parallel_loop3A_675 = tpu.unpack_subelements %parallel_loop3A_673, 1 {pack_format = #tpu.pack_format<interleaved>} : vector<32xbf16> -> vector<16xf32>
        %parallel_loop3A_676 = arith.addf %parallel_loop3A_674, %parallel_loop3A_675 : vector<16xf32>
        %parallel_loop3A_677 = arith.constant 16 : i32
        %parallel_loop3A_678 = arith.muli %parallel_loop3A_220, %parallel_loop3A_677 : i32
        %parallel_loop3A_679 = arith.constant 12 : i32
        %parallel_loop3A_680 = arith.addi %parallel_loop3A_678, %parallel_loop3A_679 : i32
        %parallel_loop3A_681 = arith.constant 0 : i32
        %parallel_loop3A_682 = arith.constant 0 : i32
        %parallel_loop3A_683 = tpu.memref_slice %arg8[%parallel_loop3A_218, %parallel_loop3A_681, %parallel_loop3A_682] : memref<4x128x64xbf16, #tpu.memory_space<vmem>> -> memref<1x128x64xbf16, #tpu.memory_space<vmem>>
        %parallel_loop3A_684 = tpu.memref_squeeze %parallel_loop3A_683 : memref<1x128x64xbf16, #tpu.memory_space<vmem>> -> memref<128x64xbf16, #tpu.memory_space<vmem>>
        %parallel_loop3A_685 = arith.index_cast %parallel_loop3A_680 : i32 to index
        %parallel_loop3A_686 = arith.constant 0 : index
        %parallel_loop3A_687 = tpu.vector_load %parallel_loop3A_684[%parallel_loop3A_685, %parallel_loop3A_686] {strides = array<i32>} : memref<128x64xbf16, #tpu.memory_space<vmem>>, vector<32xbf16>,
        %parallel_loop3A_688 = arith.constant 0 : i32
        %parallel_loop3A_689 = arith.constant 0 : i32
        %parallel_loop3A_690 = tpu.memref_slice %arg9[%parallel_loop3A_219, %parallel_loop3A_688, %parallel_loop3A_689] : memref<4x128x64xbf16, #tpu.memory_space<vmem>> -> memref<1x128x64xbf16, #tpu.memory_space<vmem>>
        %parallel_loop3A_691 = tpu.memref_squeeze %parallel_loop3A_690 : memref<1x128x64xbf16, #tpu.memory_space<vmem>> -> memref<128x64xbf16, #tpu.memory_space<vmem>>
        %parallel_loop3A_692 = arith.index_cast %parallel_loop3A_680 : i32 to index
        %parallel_loop3A_693 = arith.constant 0 : index
        %parallel_loop3A_694 = tpu.vector_load %parallel_loop3A_691[%parallel_loop3A_692, %parallel_loop3A_693] {strides = array<i32>} : memref<128x64xbf16, #tpu.memory_space<vmem>>, vector<32xbf16>,
        %parallel_loop3A_695 = arith.mulf %parallel_loop3A_687, %parallel_loop3A_694 : vector<32xbf16>
        %parallel_loop3A_696 = arith.constant 0 : i32
        %parallel_loop3A_697 = arith.constant 0 : i32
        %parallel_loop3A_698 = tpu.memref_slice %arg8[%parallel_loop3A_218, %parallel_loop3A_696, %parallel_loop3A_697] : memref<4x128x64xbf16, #tpu.memory_space<vmem>> -> memref<1x128x64xbf16, #tpu.memory_space<vmem>>
        %parallel_loop3A_699 = tpu.memref_squeeze %parallel_loop3A_698 : memref<1x128x64xbf16, #tpu.memory_space<vmem>> -> memref<128x64xbf16, #tpu.memory_space<vmem>>
        %parallel_loop3A_700 = arith.index_cast %parallel_loop3A_680 : i32 to index
        %parallel_loop3A_701 = arith.constant 32 : index
        %parallel_loop3A_702 = tpu.vector_load %parallel_loop3A_699[%parallel_loop3A_700, %parallel_loop3A_701] {strides = array<i32>} : memref<128x64xbf16, #tpu.memory_space<vmem>>, vector<32xbf16>,
        %parallel_loop3A_703 = arith.constant 0 : i32
        %parallel_loop3A_704 = arith.constant 0 : i32
        %parallel_loop3A_705 = tpu.memref_slice %arg9[%parallel_loop3A_219, %parallel_loop3A_703, %parallel_loop3A_704] : memref<4x128x64xbf16, #tpu.memory_space<vmem>> -> memref<1x128x64xbf16, #tpu.memory_space<vmem>>
        %parallel_loop3A_706 = tpu.memref_squeeze %parallel_loop3A_705 : memref<1x128x64xbf16, #tpu.memory_space<vmem>> -> memref<128x64xbf16, #tpu.memory_space<vmem>>
        %parallel_loop3A_707 = arith.index_cast %parallel_loop3A_680 : i32 to index
        %parallel_loop3A_708 = arith.constant 32 : index
        %parallel_loop3A_709 = tpu.vector_load %parallel_loop3A_706[%parallel_loop3A_707, %parallel_loop3A_708] {strides = array<i32>} : memref<128x64xbf16, #tpu.memory_space<vmem>>, vector<32xbf16>,
        %parallel_loop3A_710 = arith.mulf %parallel_loop3A_702, %parallel_loop3A_709 : vector<32xbf16>
        %parallel_loop3A_711 = arith.addf %parallel_loop3A_695, %parallel_loop3A_710 : vector<32xbf16>
        %parallel_loop3A_712 = tpu.unpack_subelements %parallel_loop3A_711, 0 {pack_format = #tpu.pack_format<interleaved>} : vector<32xbf16> -> vector<16xf32>
        %parallel_loop3A_713 = tpu.unpack_subelements %parallel_loop3A_711, 1 {pack_format = #tpu.pack_format<interleaved>} : vector<32xbf16> -> vector<16xf32>
        %parallel_loop3A_714 = arith.addf %parallel_loop3A_712, %parallel_loop3A_713 : vector<16xf32>
        %parallel_loop3A_715 = arith.constant 16 : i32
        %parallel_loop3A_716 = arith.muli %parallel_loop3A_220, %parallel_loop3A_715 : i32
        %parallel_loop3A_717 = arith.constant 13 : i32
        %parallel_loop3A_718 = arith.addi %parallel_loop3A_716, %parallel_loop3A_717 : i32
        %parallel_loop3A_719 = arith.constant 0 : i32
        %parallel_loop3A_720 = arith.constant 0 : i32
        %parallel_loop3A_721 = tpu.memref_slice %arg8[%parallel_loop3A_218, %parallel_loop3A_719, %parallel_loop3A_720] : memref<4x128x64xbf16, #tpu.memory_space<vmem>> -> memref<1x128x64xbf16, #tpu.memory_space<vmem>>
        %parallel_loop3A_722 = tpu.memref_squeeze %parallel_loop3A_721 : memref<1x128x64xbf16, #tpu.memory_space<vmem>> -> memref<128x64xbf16, #tpu.memory_space<vmem>>
        %parallel_loop3A_723 = arith.index_cast %parallel_loop3A_718 : i32 to index
        %parallel_loop3A_724 = arith.constant 0 : index
        %parallel_loop3A_725 = tpu.vector_load %parallel_loop3A_722[%parallel_loop3A_723, %parallel_loop3A_724] {strides = array<i32>} : memref<128x64xbf16, #tpu.memory_space<vmem>>, vector<32xbf16>,
        %parallel_loop3A_726 = arith.constant 0 : i32
        %parallel_loop3A_727 = arith.constant 0 : i32
        %parallel_loop3A_728 = tpu.memref_slice %arg9[%parallel_loop3A_219, %parallel_loop3A_726, %parallel_loop3A_727] : memref<4x128x64xbf16, #tpu.memory_space<vmem>> -> memref<1x128x64xbf16, #tpu.memory_space<vmem>>
        %parallel_loop3A_729 = tpu.memref_squeeze %parallel_loop3A_728 : memref<1x128x64xbf16, #tpu.memory_space<vmem>> -> memref<128x64xbf16, #tpu.memory_space<vmem>>
        %parallel_loop3A_730 = arith.index_cast %parallel_loop3A_718 : i32 to index
        %parallel_loop3A_731 = arith.constant 0 : index
        %parallel_loop3A_732 = tpu.vector_load %parallel_loop3A_729[%parallel_loop3A_730, %parallel_loop3A_731] {strides = array<i32>} : memref<128x64xbf16, #tpu.memory_space<vmem>>, vector<32xbf16>,
        %parallel_loop3A_733 = arith.mulf %parallel_loop3A_725, %parallel_loop3A_732 : vector<32xbf16>
        %parallel_loop3A_734 = arith.constant 0 : i32
        %parallel_loop3A_735 = arith.constant 0 : i32
        %parallel_loop3A_736 = tpu.memref_slice %arg8[%parallel_loop3A_218, %parallel_loop3A_734, %parallel_loop3A_735] : memref<4x128x64xbf16, #tpu.memory_space<vmem>> -> memref<1x128x64xbf16, #tpu.memory_space<vmem>>
        %parallel_loop3A_737 = tpu.memref_squeeze %parallel_loop3A_736 : memref<1x128x64xbf16, #tpu.memory_space<vmem>> -> memref<128x64xbf16, #tpu.memory_space<vmem>>
        %parallel_loop3A_738 = arith.index_cast %parallel_loop3A_718 : i32 to index
        %parallel_loop3A_739 = arith.constant 32 : index
        %parallel_loop3A_740 = tpu.vector_load %parallel_loop3A_737[%parallel_loop3A_738, %parallel_loop3A_739] {strides = array<i32>} : memref<128x64xbf16, #tpu.memory_space<vmem>>, vector<32xbf16>,
        %parallel_loop3A_741 = arith.constant 0 : i32
        %parallel_loop3A_742 = arith.constant 0 : i32
        %parallel_loop3A_743 = tpu.memref_slice %arg9[%parallel_loop3A_219, %parallel_loop3A_741, %parallel_loop3A_742] : memref<4x128x64xbf16, #tpu.memory_space<vmem>> -> memref<1x128x64xbf16, #tpu.memory_space<vmem>>
        %parallel_loop3A_744 = tpu.memref_squeeze %parallel_loop3A_743 : memref<1x128x64xbf16, #tpu.memory_space<vmem>> -> memref<128x64xbf16, #tpu.memory_space<vmem>>
        %parallel_loop3A_745 = arith.index_cast %parallel_loop3A_718 : i32 to index
        %parallel_loop3A_746 = arith.constant 32 : index
        %parallel_loop3A_747 = tpu.vector_load %parallel_loop3A_744[%parallel_loop3A_745, %parallel_loop3A_746] {strides = array<i32>} : memref<128x64xbf16, #tpu.memory_space<vmem>>, vector<32xbf16>,
        %parallel_loop3A_748 = arith.mulf %parallel_loop3A_740, %parallel_loop3A_747 : vector<32xbf16>
        %parallel_loop3A_749 = arith.addf %parallel_loop3A_733, %parallel_loop3A_748 : vector<32xbf16>
        %parallel_loop3A_750 = tpu.unpack_subelements %parallel_loop3A_749, 0 {pack_format = #tpu.pack_format<interleaved>} : vector<32xbf16> -> vector<16xf32>
        %parallel_loop3A_751 = tpu.unpack_subelements %parallel_loop3A_749, 1 {pack_format = #tpu.pack_format<interleaved>} : vector<32xbf16> -> vector<16xf32>
        %parallel_loop3A_752 = arith.addf %parallel_loop3A_750, %parallel_loop3A_751 : vector<16xf32>
        %parallel_loop3A_753 = arith.constant 16 : i32
        %parallel_loop3A_754 = arith.muli %parallel_loop3A_220, %parallel_loop3A_753 : i32
        %parallel_loop3A_755 = arith.constant 14 : i32
        %parallel_loop3A_756 = arith.addi %parallel_loop3A_754, %parallel_loop3A_755 : i32
        %parallel_loop3A_757 = arith.constant 0 : i32
        %parallel_loop3A_758 = arith.constant 0 : i32
        %parallel_loop3A_759 = tpu.memref_slice %arg8[%parallel_loop3A_218, %parallel_loop3A_757, %parallel_loop3A_758] : memref<4x128x64xbf16, #tpu.memory_space<vmem>> -> memref<1x128x64xbf16, #tpu.memory_space<vmem>>
        %parallel_loop3A_760 = tpu.memref_squeeze %parallel_loop3A_759 : memref<1x128x64xbf16, #tpu.memory_space<vmem>> -> memref<128x64xbf16, #tpu.memory_space<vmem>>
        %parallel_loop3A_761 = arith.index_cast %parallel_loop3A_756 : i32 to index
        %parallel_loop3A_762 = arith.constant 0 : index
        %parallel_loop3A_763 = tpu.vector_load %parallel_loop3A_760[%parallel_loop3A_761, %parallel_loop3A_762] {strides = array<i32>} : memref<128x64xbf16, #tpu.memory_space<vmem>>, vector<32xbf16>,
        %parallel_loop3A_764 = arith.constant 0 : i32
        %parallel_loop3A_765 = arith.constant 0 : i32
        %parallel_loop3A_766 = tpu.memref_slice %arg9[%parallel_loop3A_219, %parallel_loop3A_764, %parallel_loop3A_765] : memref<4x128x64xbf16, #tpu.memory_space<vmem>> -> memref<1x128x64xbf16, #tpu.memory_space<vmem>>
        %parallel_loop3A_767 = tpu.memref_squeeze %parallel_loop3A_766 : memref<1x128x64xbf16, #tpu.memory_space<vmem>> -> memref<128x64xbf16, #tpu.memory_space<vmem>>
        %parallel_loop3A_768 = arith.index_cast %parallel_loop3A_756 : i32 to index
        %parallel_loop3A_769 = arith.constant 0 : index
        %parallel_loop3A_770 = tpu.vector_load %parallel_loop3A_767[%parallel_loop3A_768, %parallel_loop3A_769] {strides = array<i32>} : memref<128x64xbf16, #tpu.memory_space<vmem>>, vector<32xbf16>,
        %parallel_loop3A_771 = arith.mulf %parallel_loop3A_763, %parallel_loop3A_770 : vector<32xbf16>
        %parallel_loop3A_772 = arith.constant 0 : i32
        %parallel_loop3A_773 = arith.constant 0 : i32
        %parallel_loop3A_774 = tpu.memref_slice %arg8[%parallel_loop3A_218, %parallel_loop3A_772, %parallel_loop3A_773] : memref<4x128x64xbf16, #tpu.memory_space<vmem>> -> memref<1x128x64xbf16, #tpu.memory_space<vmem>>
        %parallel_loop3A_775 = tpu.memref_squeeze %parallel_loop3A_774 : memref<1x128x64xbf16, #tpu.memory_space<vmem>> -> memref<128x64xbf16, #tpu.memory_space<vmem>>
        %parallel_loop3A_776 = arith.index_cast %parallel_loop3A_756 : i32 to index
        %parallel_loop3A_777 = arith.constant 32 : index
        %parallel_loop3A_778 = tpu.vector_load %parallel_loop3A_775[%parallel_loop3A_776, %parallel_loop3A_777] {strides = array<i32>} : memref<128x64xbf16, #tpu.memory_space<vmem>>, vector<32xbf16>,
        %parallel_loop3A_779 = arith.constant 0 : i32
        %parallel_loop3A_780 = arith.constant 0 : i32
        %parallel_loop3A_781 = tpu.memref_slice %arg9[%parallel_loop3A_219, %parallel_loop3A_779, %parallel_loop3A_780] : memref<4x128x64xbf16, #tpu.memory_space<vmem>> -> memref<1x128x64xbf16, #tpu.memory_space<vmem>>
        %parallel_loop3A_782 = tpu.memref_squeeze %parallel_loop3A_781 : memref<1x128x64xbf16, #tpu.memory_space<vmem>> -> memref<128x64xbf16, #tpu.memory_space<vmem>>
        %parallel_loop3A_783 = arith.index_cast %parallel_loop3A_756 : i32 to index
        %parallel_loop3A_784 = arith.constant 32 : index
        %parallel_loop3A_785 = tpu.vector_load %parallel_loop3A_782[%parallel_loop3A_783, %parallel_loop3A_784] {strides = array<i32>} : memref<128x64xbf16, #tpu.memory_space<vmem>>, vector<32xbf16>,
        %parallel_loop3A_786 = arith.mulf %parallel_loop3A_778, %parallel_loop3A_785 : vector<32xbf16>
        %parallel_loop3A_787 = arith.addf %parallel_loop3A_771, %parallel_loop3A_786 : vector<32xbf16>
        %parallel_loop3A_788 = tpu.unpack_subelements %parallel_loop3A_787, 0 {pack_format = #tpu.pack_format<interleaved>} : vector<32xbf16> -> vector<16xf32>
        %parallel_loop3A_789 = tpu.unpack_subelements %parallel_loop3A_787, 1 {pack_format = #tpu.pack_format<interleaved>} : vector<32xbf16> -> vector<16xf32>
        %parallel_loop3A_790 = arith.addf %parallel_loop3A_788, %parallel_loop3A_789 : vector<16xf32>
        %parallel_loop3A_791 = arith.constant 16 : i32
        %parallel_loop3A_792 = arith.muli %parallel_loop3A_220, %parallel_loop3A_791 : i32
        %parallel_loop3A_793 = arith.constant 15 : i32
        %parallel_loop3A_794 = arith.addi %parallel_loop3A_792, %parallel_loop3A_793 : i32
        %parallel_loop3A_795 = arith.constant 0 : i32
        %parallel_loop3A_796 = arith.constant 0 : i32
        %parallel_loop3A_797 = tpu.memref_slice %arg8[%parallel_loop3A_218, %parallel_loop3A_795, %parallel_loop3A_796] : memref<4x128x64xbf16, #tpu.memory_space<vmem>> -> memref<1x128x64xbf16, #tpu.memory_space<vmem>>
        %parallel_loop3A_798 = tpu.memref_squeeze %parallel_loop3A_797 : memref<1x128x64xbf16, #tpu.memory_space<vmem>> -> memref<128x64xbf16, #tpu.memory_space<vmem>>
        %parallel_loop3A_799 = arith.index_cast %parallel_loop3A_794 : i32 to index
        %parallel_loop3A_800 = arith.constant 0 : index
        %parallel_loop3A_801 = tpu.vector_load %parallel_loop3A_798[%parallel_loop3A_799, %parallel_loop3A_800] {strides = array<i32>} : memref<128x64xbf16, #tpu.memory_space<vmem>>, vector<32xbf16>,
        %parallel_loop3A_802 = arith.constant 0 : i32
        %parallel_loop3A_803 = arith.constant 0 : i32
        %parallel_loop3A_804 = tpu.memref_slice %arg9[%parallel_loop3A_219, %parallel_loop3A_802, %parallel_loop3A_803] : memref<4x128x64xbf16, #tpu.memory_space<vmem>> -> memref<1x128x64xbf16, #tpu.memory_space<vmem>>
        %parallel_loop3A_805 = tpu.memref_squeeze %parallel_loop3A_804 : memref<1x128x64xbf16, #tpu.memory_space<vmem>> -> memref<128x64xbf16, #tpu.memory_space<vmem>>
        %parallel_loop3A_806 = arith.index_cast %parallel_loop3A_794 : i32 to index
        %parallel_loop3A_807 = arith.constant 0 : index
        %parallel_loop3A_808 = tpu.vector_load %parallel_loop3A_805[%parallel_loop3A_806, %parallel_loop3A_807] {strides = array<i32>} : memref<128x64xbf16, #tpu.memory_space<vmem>>, vector<32xbf16>,
        %parallel_loop3A_809 = arith.mulf %parallel_loop3A_801, %parallel_loop3A_808 : vector<32xbf16>
        %parallel_loop3A_810 = arith.constant 0 : i32
        %parallel_loop3A_811 = arith.constant 0 : i32
        %parallel_loop3A_812 = tpu.memref_slice %arg8[%parallel_loop3A_218, %parallel_loop3A_810, %parallel_loop3A_811] : memref<4x128x64xbf16, #tpu.memory_space<vmem>> -> memref<1x128x64xbf16, #tpu.memory_space<vmem>>
        %parallel_loop3A_813 = tpu.memref_squeeze %parallel_loop3A_812 : memref<1x128x64xbf16, #tpu.memory_space<vmem>> -> memref<128x64xbf16, #tpu.memory_space<vmem>>
        %parallel_loop3A_814 = arith.index_cast %parallel_loop3A_794 : i32 to index
        %parallel_loop3A_815 = arith.constant 32 : index
        %parallel_loop3A_816 = tpu.vector_load %parallel_loop3A_813[%parallel_loop3A_814, %parallel_loop3A_815] {strides = array<i32>} : memref<128x64xbf16, #tpu.memory_space<vmem>>, vector<32xbf16>,
        %parallel_loop3A_817 = arith.constant 0 : i32
        %parallel_loop3A_818 = arith.constant 0 : i32
        %parallel_loop3A_819 = tpu.memref_slice %arg9[%parallel_loop3A_219, %parallel_loop3A_817, %parallel_loop3A_818] : memref<4x128x64xbf16, #tpu.memory_space<vmem>> -> memref<1x128x64xbf16, #tpu.memory_space<vmem>>
        %parallel_loop3A_820 = tpu.memref_squeeze %parallel_loop3A_819 : memref<1x128x64xbf16, #tpu.memory_space<vmem>> -> memref<128x64xbf16, #tpu.memory_space<vmem>>
        %parallel_loop3A_821 = arith.index_cast %parallel_loop3A_794 : i32 to index
        %parallel_loop3A_822 = arith.constant 32 : index
        %parallel_loop3A_823 = tpu.vector_load %parallel_loop3A_820[%parallel_loop3A_821, %parallel_loop3A_822] {strides = array<i32>} : memref<128x64xbf16, #tpu.memory_space<vmem>>, vector<32xbf16>,
        %parallel_loop3A_824 = arith.mulf %parallel_loop3A_816, %parallel_loop3A_823 : vector<32xbf16>
        %parallel_loop3A_825 = arith.addf %parallel_loop3A_809, %parallel_loop3A_824 : vector<32xbf16>
        %parallel_loop3A_826 = tpu.unpack_subelements %parallel_loop3A_825, 0 {pack_format = #tpu.pack_format<interleaved>} : vector<32xbf16> -> vector<16xf32>
        %parallel_loop3A_827 = tpu.unpack_subelements %parallel_loop3A_825, 1 {pack_format = #tpu.pack_format<interleaved>} : vector<32xbf16> -> vector<16xf32>
        %parallel_loop3A_828 = arith.addf %parallel_loop3A_826, %parallel_loop3A_827 : vector<16xf32>
        %parallel_loop3A_829 = arith.constant 1 : i32
        %parallel_loop3A_830 = vector.broadcast %parallel_loop3A_829 : i32 to vector<16xi32>
        %parallel_loop3A_831 = arith.andi %iota3A, %parallel_loop3A_830 : vector<16xi32>
        %parallel_loop3A_832 = arith.constant 0 : i32
        %parallel_loop3A_833 = vector.broadcast %parallel_loop3A_832 : i32 to vector<16xi32>
        %parallel_loop3A_834 = arith.cmpi eq, %parallel_loop3A_831, %parallel_loop3A_833 : vector<16xi32>
        %parallel_loop3A_835 = arith.constant 1 : i32
        %parallel_loop3A_836 = vector.broadcast %parallel_loop3A_835 : i32 to vector<16xi32>
        %parallel_loop3A_837 = arith.xori %iota3A, %parallel_loop3A_836 : vector<16xi32>
        %parallel_loop3A_838 = vector.shape_cast %parallel_loop3A_837 : vector<16xi32> to vector<16x1xi32>
        %parallel_loop3A_839 = arith.select %parallel_loop3A_834, %parallel_loop3A_258, %parallel_loop3A_296 : vector<16xi1>, vector<16xf32>
        %parallel_loop3A_840 = arith.select %parallel_loop3A_834, %parallel_loop3A_296, %parallel_loop3A_258 : vector<16xi1>, vector<16xf32>
        %parallel_loop3A_841 = vector.shape_cast %parallel_loop3A_838 : vector<16x1xi32> to vector<16xi32>
        %parallel_loop3A_842 = tpu.dynamic_gather %parallel_loop3A_840[%parallel_loop3A_841] in [0] : vector<16xf32>, vector<16xi32> -> vector<16xf32>
        %parallel_loop3A_843 = arith.addf %parallel_loop3A_839, %parallel_loop3A_842 : vector<16xf32>
        %parallel_loop3A_844 = arith.select %parallel_loop3A_834, %parallel_loop3A_334, %parallel_loop3A_372 : vector<16xi1>, vector<16xf32>
        %parallel_loop3A_845 = arith.select %parallel_loop3A_834, %parallel_loop3A_372, %parallel_loop3A_334 : vector<16xi1>, vector<16xf32>
        %parallel_loop3A_846 = vector.shape_cast %parallel_loop3A_838 : vector<16x1xi32> to vector<16xi32>
        %parallel_loop3A_847 = tpu.dynamic_gather %parallel_loop3A_845[%parallel_loop3A_846] in [0] : vector<16xf32>, vector<16xi32> -> vector<16xf32>
        %parallel_loop3A_848 = arith.addf %parallel_loop3A_844, %parallel_loop3A_847 : vector<16xf32>
        %parallel_loop3A_849 = arith.select %parallel_loop3A_834, %parallel_loop3A_410, %parallel_loop3A_448 : vector<16xi1>, vector<16xf32>
        %parallel_loop3A_850 = arith.select %parallel_loop3A_834, %parallel_loop3A_448, %parallel_loop3A_410 : vector<16xi1>, vector<16xf32>
        %parallel_loop3A_851 = vector.shape_cast %parallel_loop3A_838 : vector<16x1xi32> to vector<16xi32>
        %parallel_loop3A_852 = tpu.dynamic_gather %parallel_loop3A_850[%parallel_loop3A_851] in [0] : vector<16xf32>, vector<16xi32> -> vector<16xf32>
        %parallel_loop3A_853 = arith.addf %parallel_loop3A_849, %parallel_loop3A_852 : vector<16xf32>
        %parallel_loop3A_854 = arith.select %parallel_loop3A_834, %parallel_loop3A_486, %parallel_loop3A_524 : vector<16xi1>, vector<16xf32>
        %parallel_loop3A_855 = arith.select %parallel_loop3A_834, %parallel_loop3A_524, %parallel_loop3A_486 : vector<16xi1>, vector<16xf32>
        %parallel_loop3A_856 = vector.shape_cast %parallel_loop3A_838 : vector<16x1xi32> to vector<16xi32>
        %parallel_loop3A_857 = tpu.dynamic_gather %parallel_loop3A_855[%parallel_loop3A_856] in [0] : vector<16xf32>, vector<16xi32> -> vector<16xf32>
        %parallel_loop3A_858 = arith.addf %parallel_loop3A_854, %parallel_loop3A_857 : vector<16xf32>
        %parallel_loop3A_859 = arith.select %parallel_loop3A_834, %parallel_loop3A_562, %parallel_loop3A_600 : vector<16xi1>, vector<16xf32>
        %parallel_loop3A_860 = arith.select %parallel_loop3A_834, %parallel_loop3A_600, %parallel_loop3A_562 : vector<16xi1>, vector<16xf32>
        %parallel_loop3A_861 = vector.shape_cast %parallel_loop3A_838 : vector<16x1xi32> to vector<16xi32>
        %parallel_loop3A_862 = tpu.dynamic_gather %parallel_loop3A_860[%parallel_loop3A_861] in [0] : vector<16xf32>, vector<16xi32> -> vector<16xf32>
        %parallel_loop3A_863 = arith.addf %parallel_loop3A_859, %parallel_loop3A_862 : vector<16xf32>
        %parallel_loop3A_864 = arith.select %parallel_loop3A_834, %parallel_loop3A_638, %parallel_loop3A_676 : vector<16xi1>, vector<16xf32>
        %parallel_loop3A_865 = arith.select %parallel_loop3A_834, %parallel_loop3A_676, %parallel_loop3A_638 : vector<16xi1>, vector<16xf32>
        %parallel_loop3A_866 = vector.shape_cast %parallel_loop3A_838 : vector<16x1xi32> to vector<16xi32>
        %parallel_loop3A_867 = tpu.dynamic_gather %parallel_loop3A_865[%parallel_loop3A_866] in [0] : vector<16xf32>, vector<16xi32> -> vector<16xf32>
        %parallel_loop3A_868 = arith.addf %parallel_loop3A_864, %parallel_loop3A_867 : vector<16xf32>
        %parallel_loop3A_869 = arith.select %parallel_loop3A_834, %parallel_loop3A_714, %parallel_loop3A_752 : vector<16xi1>, vector<16xf32>
        %parallel_loop3A_870 = arith.select %parallel_loop3A_834, %parallel_loop3A_752, %parallel_loop3A_714 : vector<16xi1>, vector<16xf32>
        %parallel_loop3A_871 = vector.shape_cast %parallel_loop3A_838 : vector<16x1xi32> to vector<16xi32>
        %parallel_loop3A_872 = tpu.dynamic_gather %parallel_loop3A_870[%parallel_loop3A_871] in [0] : vector<16xf32>, vector<16xi32> -> vector<16xf32>
        %parallel_loop3A_873 = arith.addf %parallel_loop3A_869, %parallel_loop3A_872 : vector<16xf32>
        %parallel_loop3A_874 = arith.select %parallel_loop3A_834, %parallel_loop3A_790, %parallel_loop3A_828 : vector<16xi1>, vector<16xf32>
        %parallel_loop3A_875 = arith.select %parallel_loop3A_834, %parallel_loop3A_828, %parallel_loop3A_790 : vector<16xi1>, vector<16xf32>
        %parallel_loop3A_876 = vector.shape_cast %parallel_loop3A_838 : vector<16x1xi32> to vector<16xi32>
        %parallel_loop3A_877 = tpu.dynamic_gather %parallel_loop3A_875[%parallel_loop3A_876] in [0] : vector<16xf32>, vector<16xi32> -> vector<16xf32>
        %parallel_loop3A_878 = arith.addf %parallel_loop3A_874, %parallel_loop3A_877 : vector<16xf32>
        %parallel_loop3A_879 = arith.constant 2 : i32
        %parallel_loop3A_880 = vector.broadcast %parallel_loop3A_879 : i32 to vector<16xi32>
        %parallel_loop3A_881 = arith.andi %iota3A, %parallel_loop3A_880 : vector<16xi32>
        %parallel_loop3A_882 = arith.constant 0 : i32
        %parallel_loop3A_883 = vector.broadcast %parallel_loop3A_882 : i32 to vector<16xi32>
        %parallel_loop3A_884 = arith.cmpi eq, %parallel_loop3A_881, %parallel_loop3A_883 : vector<16xi32>
        %parallel_loop3A_885 = arith.constant 2 : i32
        %parallel_loop3A_886 = vector.broadcast %parallel_loop3A_885 : i32 to vector<16xi32>
        %parallel_loop3A_887 = arith.xori %iota3A, %parallel_loop3A_886 : vector<16xi32>
        %parallel_loop3A_888 = vector.shape_cast %parallel_loop3A_887 : vector<16xi32> to vector<16x1xi32>
        %parallel_loop3A_889 = arith.select %parallel_loop3A_884, %parallel_loop3A_843, %parallel_loop3A_848 : vector<16xi1>, vector<16xf32>
        %parallel_loop3A_890 = arith.select %parallel_loop3A_884, %parallel_loop3A_848, %parallel_loop3A_843 : vector<16xi1>, vector<16xf32>
        %parallel_loop3A_891 = vector.shape_cast %parallel_loop3A_888 : vector<16x1xi32> to vector<16xi32>
        %parallel_loop3A_892 = tpu.dynamic_gather %parallel_loop3A_890[%parallel_loop3A_891] in [0] : vector<16xf32>, vector<16xi32> -> vector<16xf32>
        %parallel_loop3A_893 = arith.addf %parallel_loop3A_889, %parallel_loop3A_892 : vector<16xf32>
        %parallel_loop3A_894 = arith.select %parallel_loop3A_884, %parallel_loop3A_853, %parallel_loop3A_858 : vector<16xi1>, vector<16xf32>
        %parallel_loop3A_895 = arith.select %parallel_loop3A_884, %parallel_loop3A_858, %parallel_loop3A_853 : vector<16xi1>, vector<16xf32>
        %parallel_loop3A_896 = vector.shape_cast %parallel_loop3A_888 : vector<16x1xi32> to vector<16xi32>
        %parallel_loop3A_897 = tpu.dynamic_gather %parallel_loop3A_895[%parallel_loop3A_896] in [0] : vector<16xf32>, vector<16xi32> -> vector<16xf32>
        %parallel_loop3A_898 = arith.addf %parallel_loop3A_894, %parallel_loop3A_897 : vector<16xf32>
        %parallel_loop3A_899 = arith.select %parallel_loop3A_884, %parallel_loop3A_863, %parallel_loop3A_868 : vector<16xi1>, vector<16xf32>
        %parallel_loop3A_900 = arith.select %parallel_loop3A_884, %parallel_loop3A_868, %parallel_loop3A_863 : vector<16xi1>, vector<16xf32>
        %parallel_loop3A_901 = vector.shape_cast %parallel_loop3A_888 : vector<16x1xi32> to vector<16xi32>
        %parallel_loop3A_902 = tpu.dynamic_gather %parallel_loop3A_900[%parallel_loop3A_901] in [0] : vector<16xf32>, vector<16xi32> -> vector<16xf32>
        %parallel_loop3A_903 = arith.addf %parallel_loop3A_899, %parallel_loop3A_902 : vector<16xf32>
        %parallel_loop3A_904 = arith.select %parallel_loop3A_884, %parallel_loop3A_873, %parallel_loop3A_878 : vector<16xi1>, vector<16xf32>
        %parallel_loop3A_905 = arith.select %parallel_loop3A_884, %parallel_loop3A_878, %parallel_loop3A_873 : vector<16xi1>, vector<16xf32>
        %parallel_loop3A_906 = vector.shape_cast %parallel_loop3A_888 : vector<16x1xi32> to vector<16xi32>
        %parallel_loop3A_907 = tpu.dynamic_gather %parallel_loop3A_905[%parallel_loop3A_906] in [0] : vector<16xf32>, vector<16xi32> -> vector<16xf32>
        %parallel_loop3A_908 = arith.addf %parallel_loop3A_904, %parallel_loop3A_907 : vector<16xf32>
        %parallel_loop3A_909 = arith.constant 4 : i32
        %parallel_loop3A_910 = vector.broadcast %parallel_loop3A_909 : i32 to vector<16xi32>
        %parallel_loop3A_911 = arith.andi %iota3A, %parallel_loop3A_910 : vector<16xi32>
        %parallel_loop3A_912 = arith.constant 0 : i32
        %parallel_loop3A_913 = vector.broadcast %parallel_loop3A_912 : i32 to vector<16xi32>
        %parallel_loop3A_914 = arith.cmpi eq, %parallel_loop3A_911, %parallel_loop3A_913 : vector<16xi32>
        %parallel_loop3A_915 = arith.constant 4 : i32
        %parallel_loop3A_916 = vector.broadcast %parallel_loop3A_915 : i32 to vector<16xi32>
        %parallel_loop3A_917 = arith.xori %iota3A, %parallel_loop3A_916 : vector<16xi32>
        %parallel_loop3A_918 = vector.shape_cast %parallel_loop3A_917 : vector<16xi32> to vector<16x1xi32>
        %parallel_loop3A_919 = arith.select %parallel_loop3A_914, %parallel_loop3A_893, %parallel_loop3A_898 : vector<16xi1>, vector<16xf32>
        %parallel_loop3A_920 = arith.select %parallel_loop3A_914, %parallel_loop3A_898, %parallel_loop3A_893 : vector<16xi1>, vector<16xf32>
        %parallel_loop3A_921 = vector.shape_cast %parallel_loop3A_918 : vector<16x1xi32> to vector<16xi32>
        %parallel_loop3A_922 = tpu.dynamic_gather %parallel_loop3A_920[%parallel_loop3A_921] in [0] : vector<16xf32>, vector<16xi32> -> vector<16xf32>
        %parallel_loop3A_923 = arith.addf %parallel_loop3A_919, %parallel_loop3A_922 : vector<16xf32>
        %parallel_loop3A_924 = arith.select %parallel_loop3A_914, %parallel_loop3A_903, %parallel_loop3A_908 : vector<16xi1>, vector<16xf32>
        %parallel_loop3A_925 = arith.select %parallel_loop3A_914, %parallel_loop3A_908, %parallel_loop3A_903 : vector<16xi1>, vector<16xf32>
        %parallel_loop3A_926 = vector.shape_cast %parallel_loop3A_918 : vector<16x1xi32> to vector<16xi32>
        %parallel_loop3A_927 = tpu.dynamic_gather %parallel_loop3A_925[%parallel_loop3A_926] in [0] : vector<16xf32>, vector<16xi32> -> vector<16xf32>
        %parallel_loop3A_928 = arith.addf %parallel_loop3A_924, %parallel_loop3A_927 : vector<16xf32>
        %parallel_loop3A_929 = arith.constant 8 : i32
        %parallel_loop3A_930 = vector.broadcast %parallel_loop3A_929 : i32 to vector<16xi32>
        %parallel_loop3A_931 = arith.andi %iota3A, %parallel_loop3A_930 : vector<16xi32>
        %parallel_loop3A_932 = arith.constant 0 : i32
        %parallel_loop3A_933 = vector.broadcast %parallel_loop3A_932 : i32 to vector<16xi32>
        %parallel_loop3A_934 = arith.cmpi eq, %parallel_loop3A_931, %parallel_loop3A_933 : vector<16xi32>
        %parallel_loop3A_935 = arith.constant 8 : i32
        %parallel_loop3A_936 = vector.broadcast %parallel_loop3A_935 : i32 to vector<16xi32>
        %parallel_loop3A_937 = arith.xori %iota3A, %parallel_loop3A_936 : vector<16xi32>
        %parallel_loop3A_938 = vector.shape_cast %parallel_loop3A_937 : vector<16xi32> to vector<16x1xi32>
        %parallel_loop3A_939 = arith.select %parallel_loop3A_934, %parallel_loop3A_923, %parallel_loop3A_928 : vector<16xi1>, vector<16xf32>
        %parallel_loop3A_940 = arith.select %parallel_loop3A_934, %parallel_loop3A_928, %parallel_loop3A_923 : vector<16xi1>, vector<16xf32>
        %parallel_loop3A_941 = vector.shape_cast %parallel_loop3A_938 : vector<16x1xi32> to vector<16xi32>
        %parallel_loop3A_942 = tpu.dynamic_gather %parallel_loop3A_940[%parallel_loop3A_941] in [0] : vector<16xf32>, vector<16xi32> -> vector<16xf32>
        %parallel_loop3A_943 = arith.addf %parallel_loop3A_939, %parallel_loop3A_942 : vector<16xf32>
        %parallel_loop3A_944 = arith.constant 128 : i32
        %parallel_loop3A_945 = arith.muli %add3A_183, %parallel_loop3A_944 : i32
        %parallel_loop3A_946 = arith.constant 0 : i32
        %parallel_loop3A_947 = arith.addi %parallel_loop3A_946, %parallel_loop3A_945 : i32
        %parallel_loop3A_948 = arith.constant 16 : i32
        %parallel_loop3A_949 = arith.muli %parallel_loop3A_220, %parallel_loop3A_948 : i32
        %parallel_loop3A_950 = arith.addi %parallel_loop3A_947, %parallel_loop3A_949 : i32
        %parallel_loop3A_951 = arith.index_cast %parallel_loop3A_950 : i32 to index
        %parallel_loop3A_952 = tpu.vector_load %arg10[%parallel_loop3A_951] {strides = array<i32>} : memref<25600xf32, #tpu.memory_space<vmem>>, vector<16xf32>,
        tpu.vector_store %arg10[%parallel_loop3A_951], %parallel_loop3A_943 {strides = array<i32>} : memref<25600xf32, #tpu.memory_space<vmem>>, vector<16xf32>,
      } {sc.loop_unroll_factor = 2 : i64, sc.parallel_access}
    }
    %scan3A_68 = arith.constant 50 : i32
    "tpu.region"() ({
      %run_scoped3A_69 = tpu.sem_alloc : memref<!tpu.dma_semaphore, #tpu.memory_space<semaphore_mem>>
      %dma_start3A_70 = tpu.memref_slice %arg5[%mul3A_2] : memref<819200xf32, #tpu.memory_space<hbm>> -> memref<25600xf32, #tpu.memory_space<hbm>>
      %dma_start3A_71 = tpu.memref_slice %arg5[%mul3A_2] : memref<819200xf32, #tpu.memory_space<hbm>> -> memref<25600xf32, #tpu.memory_space<hbm>>
      tpu.enqueue_dma source(%arg10 : memref<25600xf32, #tpu.memory_space<vmem>>) target(%dma_start3A_71 : memref<25600xf32, #tpu.memory_space<hbm>>) target_semaphore(%run_scoped3A_69 : memref<!tpu.dma_semaphore, #tpu.memory_space<semaphore_mem>>)
      %dma_wait3A = tpu.memref_slice %arg5[%mul3A_2] : memref<819200xf32, #tpu.memory_space<hbm>> -> memref<25600xf32, #tpu.memory_space<hbm>>
      %dma_wait3A_72 = tpu.memref_slice %arg5[%mul3A_2] : memref<819200xf32, #tpu.memory_space<hbm>> -> memref<25600xf32, #tpu.memory_space<hbm>>
      tpu.wait_dma2 semaphore(%run_scoped3A_69 : memref<!tpu.dma_semaphore, #tpu.memory_space<semaphore_mem>>) src(%arg10 : memref<25600xf32, #tpu.memory_space<vmem>>) dst(%dma_wait3A_72 : memref<25600xf32, #tpu.memory_space<hbm>>)
      tpu.yield
    }) : () -> ()
    return
  }
}

</mosaic_0001>

<sc_bundles>
// kernel: kernel.3.cloned.1.call-start
scs
__scs_entry_jumppad:
0x0: {  	(pc) =	sbr.rel $0x88, $3  }
0x1: {  	(tag) =	ssettag $0x0;
	lr =	simm.s32 $0x1  }
0x2: {  	[smem:$0x3F9E] =	sst lr;
	_ =	strace $0xD0000000  }
0x3: {  	_ = 	snop  }
0x4: {  	_ = 	snop  }
0x5: {  	_ = 	snop  }
0x6: {  	_ = 	snop  }
0x7: {  	_ = 	snop  }
__scs_overlays_trampoline_lowered:
0x8: {  	[smem:$0x3FAD] =	sst s0  }
0x9: {  	[smem:$0x3FAE] =	sst s1  }
0xa: {  	[smem:$0x3FAF] =	sst s2  }
0xb: {  	[smem:$0x3FB0] =	sst s3  }
0xc: {  	[smem:$0x3FB1] =	sst s4  }
0xd: {  	[smem:$0x3FB2] =	sst s5  }
0xe: {  	[smem:$0x3FB3] =	sst s6  }
0xf: {  	[smem:$0x3FB4] =	sst s7  }
0x10: {  	[smem:$0x3FB5] =	sst s8  }
0x11: {  	[smem:$0x3FB6] =	sst s9;
	s0 =	simm.s32 @!p0 $0x0  }
0x12: {  	s1 =	sld [smem:$0x3F9C];
	s0 =	simm.s32 @p0 $0x1  }
0x13: {  	[smem:$0x3FB7] =	sst s0;
	s0 =	simm.s32 @!p1 $0x0  }
0x14: {  	s2 =	sld [smem:$0x3F9B];
	s0 =	simm.s32 @p1 $0x1  }
0x15: {  	[smem:$0x3FB8] =	sst s0;
	s0 =	simm.s32 @!p2 $0x0  }
0x16: {  	s3 =	sld [smem:$0x3FDB];
	s0 =	simm.s32 @p2 $0x1  }
0x17: {  	s4 =	simm.s32 $0x1BF5;
	[smem:$0x3FBA] =	sst s0  }
0x18: {  	s0 =	sld [smem:$0x3F9D];
	_ =	swait.ge [sflag:s4], $0x0  }
0x19: {  	s7 =	sld [smem:$0x3F9E]  }
0x1a: {  	s8 =	sadd.s32 $0xFFFFE003, lr  }
0x1b: {  	s9 =	sadd.s32 $0xFFFFFEF7, lr;
	s5 =	simm.s32 $0xFFFFFFFF;
	p2 =	slt.u32 s8, $0xFFFFF086  }
0x1c: {  	p1 =	slt.u32 s9, $0xF7A;
	s5 =	simm.s32 @!p2 $0x0  }
0x1d: {  	s5 =	simm.s32 @p1 $0x1;
	p0 =	seq.s32 s7, s2  }
0x1e: {  	s7 =	smul.u32 @!p0 $0xF7A, s2;
	p2 =	seq.s32 @!p0 s5, $0x0  }
0x1f: {  	s9 =	smul.u32 $0xF7A, s1;
	s8 =	simm.s32 @!p0 $0x1BF5;
	p2 =	por !p2, p0  }
0x20: {  	[sflag:s8] =	ssyncset.s32 @!p0 $0xFFFFF086;
	s6 =	sadd.s32 @!p0 s3, s7;
	s7 =	simm.s32 @!p0 $0x108  }
0x21: {  	s3 =	sadd.s32 s3, s9;
	s6 =	sadd.s32 @!p0 $0x88, s6;
	s7 =	simm.s32 @p2 $0x1082  }
0x22: {  	[simem:s7], [sflag:s8] =	dma.local @!p0 [hbm:s6], $0xF7A  }
0x23: {  	s9 =	sor.u32 $0xD0000000, s2;
	s6 =	simm.s32 $0x108;
	_ =	swait.ge @!p0 [sflag:s8], $0x0  }
0x24: {  	s3 =	sadd.s32 $0x88, s3;
	s6 =	simm.s32 @!p1 $0x1082;
	[sflag:s4] =	ssyncset.s32 $0xFFFFF086  }
0x25: {  	[simem:s6], [sflag:s4] =	dma.local [hbm:s3], $0xF7A  }
0x26: {  	[smem:$0x3F9E] =	sst s1;
	(tag) =	ssettag s2;
	_ =	strace s9  }
0x27: {  	s1 =	sld [smem:$0x3FAE]  }
0x28: {  	s2 =	sld [smem:$0x3FAF]  }
0x29: {  	s4 =	sld [smem:$0x3FB1]  }
0x2a: {  	p0 =	seq.s32 s5, $0x0;
	s5 =	sld [smem:$0x3FB2]  }
0x2b: {  	s6 =	sld [smem:$0x3FB3]  }
0x2c: {  	s7 =	sld [smem:$0x3FB4]  }
0x2d: {  	s3 =	simm.s32 $0x108;
	s8 =	sld [smem:$0x3FB5]  }
0x2e: {  	s3 =	simm.s32 @!p0 $0x1082;
	s9 =	sld [smem:$0x3FB6]  }
0x2f: {  	lr =	sadd.s32 s0, s3;
	s0 =	sld [smem:$0x3FAD]  }
0x30: {  	s3 =	sld [smem:$0x3FB0]  }
0x31: {  	[smem:$0x3FB9] =	sst s10  }
0x32: {  	s10 =	sld [smem:$0x3FB7];
	_ =	sdelay $0x3  }
0x33: {  	p0 =	seq.s32 s10, $0x1;
	s10 =	sld [smem:$0x3FB9];
	_ =	sdelay $0x3  }
0x34: {  	[smem:$0x3FB9] =	sst s10  }
0x35: {  	s10 =	sld [smem:$0x3FB8];
	_ =	sdelay $0x3  }
0x36: {  	p1 =	seq.s32 s10, $0x1;
	s10 =	sld [smem:$0x3FB9];
	_ =	sdelay $0x3  }
0x37: {  	[smem:$0x3FB9] =	sst s10  }
0x38: {  	s10 =	sld [smem:$0x3FBA]  }
0x39: {  	_ = 	snop;
	(pc) =	sbr.ind lr, $3  }
0x3a: {  	_ = 	snop  }
0x3b: {  	_ = 	snop  }
0x3c: {  	p2 =	seq.s32 s10, $0x1;
	s10 =	sld [smem:$0x3FB9]  }
0x3d: {  	_ =	shalt  }
0x3e: {  	_ =	shalt  }
0x3f: {  	_ =	shalt  }
0x40: {  	_ =	shalt  }
0x41: {  	_ =	shalt  }
0x42: {  	_ =	shalt  }
0x43: {  	_ =	shalt  }
0x44: {  	_ =	shalt  }
0x45: {  	_ =	shalt  }
0x46: {  	_ =	shalt  }
0x47: {  	_ =	shalt  }
0x48: {  	_ =	shalt  }
0x49: {  	_ =	shalt  }
0x4a: {  	_ =	shalt  }
0x4b: {  	_ =	shalt  }
0x4c: {  	_ =	shalt  }
0x4d: {  	_ =	shalt  }
0x4e: {  	_ =	shalt  }
0x4f: {  	_ =	shalt  }
0x50: {  	_ =	shalt  }
0x51: {  	_ =	shalt  }
0x52: {  	_ =	shalt  }
0x53: {  	_ =	shalt  }
0x54: {  	_ =	shalt  }
0x55: {  	_ =	shalt  }
0x56: {  	_ =	shalt  }
0x57: {  	_ =	shalt  }
0x58: {  	_ =	shalt  }
0x59: {  	_ =	shalt  }
0x5a: {  	_ =	shalt  }
0x5b: {  	_ =	shalt  }
0x5c: {  	_ =	shalt  }
0x5d: {  	_ =	shalt  }
0x5e: {  	_ =	shalt  }
0x5f: {  	_ =	shalt  }
0x60: {  	_ =	shalt  }
0x61: {  	_ =	shalt  }
0x62: {  	_ =	shalt  }
0x63: {  	_ =	shalt  }
0x64: {  	_ =	shalt  }
0x65: {  	_ =	shalt  }
0x66: {  	_ =	shalt  }
0x67: {  	_ =	shalt  }
0x68: {  	_ =	shalt  }
0x69: {  	_ =	shalt  }
0x6a: {  	_ =	shalt  }
0x6b: {  	_ =	shalt  }
0x6c: {  	_ =	shalt  }
0x6d: {  	_ =	shalt  }
0x6e: {  	_ =	shalt  }
0x6f: {  	_ =	shalt  }
0x70: {  	_ =	shalt  }
0x71: {  	_ =	shalt  }
0x72: {  	_ =	shalt  }
0x73: {  	_ =	shalt  }
0x74: {  	_ =	shalt  }
0x75: {  	_ =	shalt  }
0x76: {  	_ =	shalt  }
0x77: {  	_ =	shalt  }
0x78: {  	_ =	shalt  }
0x79: {  	_ =	shalt  }
0x7a: {  	_ =	shalt  }
0x7b: {  	_ =	shalt  }
0x7c: {  	_ =	shalt  }
0x7d: {  	_ =	shalt  }
0x7e: {  	_ =	shalt  }
0x7f: {  	_ =	shalt  }
0x80: {  	_ =	shalt  }
0x81: {  	_ =	shalt  }
0x82: {  	_ =	shalt  }
0x83: {  	_ =	shalt  }
0x84: {  	_ =	shalt  }
0x85: {  	_ =	shalt  }
0x86: {  	_ =	shalt  }
0x87: {  	_ =	shalt  }
.Lfunc_end0:
.L_simem_size_0:
called_computation_lowered:
.L_overlay_start_0:
0x88: {  	s2 =	sld [smem:$0x3FD9]  }
0x89: {  	s3 =	sld [smem:$0x3FFE];
	_ =	sdelay $0x1  }
0x8a: {  	s1 =	srdreg.scid  }
0x8b: {  	s0 =	sand.u32 $0x1, s1  }
0x8c: {  	s17 =	sshll.u32 s0, $0xA;
	s2 =	sadd.s32 s3, s2  }
0x8d: {  	s2 =	sadd.s32 s2, s17  }
0x8e: {  	[smem:$0x3FC5] =	sst s2  }
0x8f: {  	_ = 	snop  }
0x90: {  	s2 =	sld [smem:$0x3FD0];
	(tm) =	ssettm $0x1  }
0x91: {  	s18 =	sld [smem:$0x3FFB];
	_ =	sdelay $0x3  }
0x92: {  	_ =	strace s18  }
0x93: {  	s3 =	sld [smem:$0x3FFC];
	_ =	sdelay $0x3  }
0x94: {  	_ =	strace s3  }
0x95: {  	s3 =	sld [smem:$0x3FFD];
	_ =	sdelay $0x3  }
0x96: {  	_ =	strace s3  }
0x97: {  	_ =	strace $0x8FFFFFFF  }
0x98: {  	s19 =	sld [smem:$0x3FDB];
	_ =	sdelay $0x1  }
0x99: {  	s4 =	simm.s32 $_scs_section_size  }
0x9a: {  	s5 =	simm.s32 $_size__tile_overlayer_lowered;
	s6 =	simm.s32 $_tile_overlayer_lowered  }
0x9b: {  	s22 =	simm.s32 $0x1BFF;
	s21 =	sshll.u32 s6, $0x1;
	s3 =	sadd.s32 s4, s19  }
0x9c: {  	s7 =	simm.s32 $0x0;
	s20 =	sshll.u32 s5, $0x1;
	s5 =	sadd.s32 s21, s3  }
0x9d: {  	[timem:s7], [sflag:s22] =	dma.local [hbm:s5], s20  }
0x9e: {  	_ =	swait.ge [sflag:s22], s20  }
0x9f: {  	s4 =	ssub.s32 $0x0, s20;
	[sflag:s22] =	ssyncset.done $0x0  }
0xa0: {  	[sflag:s22] =	ssyncadd.s32 s4;
	_ =	sdelay $0x1  }
0xa1: {  	s23 =	simm.s32 $0x1B8B  }
0xa2: {  	_ =	swait.ge [sflag:s23], $0x1  }
0xa3: {  	[sflag:s23] =	ssyncset.done $0x0  }
0xa4: {  	s25 =	simm.s32 $0x1B8E;
	s24 =	sld [smem:$0x3FFE];
	[sflag:s23] =	ssyncadd.s32 $0xFFFFFFFF  }
0xa5: {  	s26 =	simm.s32 $execute0_lowered;
	[smem:$0x3FD2] =	sst s25  }
0xa6: {  	s5 =	sshll.u32 s26, $0x1;
	_ =	strace $0x80000046;
	[dreg:$0x1] =	wrdreg $0xFFFFFFFF  }
0xa7: {  	s28 =	simm.s32 $_size_execute0_lowered;
	s3 =	sadd.s32 s3, s5;
	[dreg:$0x0] =	wrdreg $0x0  }
0xa8: {  	s5 =	sshll.u32 s28, $0x1;
	[dreg:$0x2] =	wrdreg s3  }
0xa9: {  	[dreg:$0x3] =	wrdreg s5  }
0xaa: {  	[dreg:$0x4] =	wrdreg $0xC0  }
0xab: {  	_ =	task [dreg:s7], $0x5FFFF  }
0xac: {  	[dreg:$0x1] =	wrdreg $0xFFFFFFFF  }
0xad: {  	[dreg:$0x0] =	wrdreg $0x60  }
0xae: {  	[dreg:$0x2] =	wrdreg s24  }
0xaf: {  	[dreg:$0x3] =	wrdreg s2  }
0xb0: {  	[dreg:$0x4] =	wrdreg $0x9  }
0xb1: {  	_ =	task.clear_ibuf [dreg:s7], $0x5FFFF;
	_ =	strace $0x90000046  }
0xb2: {  	s29 =	simm.s32 $0x9;
	_ =	strace $0x80000048  }
0xb3: {  	_ =	swait.ge [sflag:s29], $0x1  }
0xb4: {  	[sflag:s29] =	ssyncadd.s32 $0xFFFFFFFF  }
0xb5: {  	_ =	strace $0x90000048  }
0xb6: {  	_ =	sfence  }
0xb7: {  	s30 =	sld [smem:$0x0];
	_ =	sdelay $0x2  }
0xb8: {  	s31 =	sshll.u32 s1, $0xD;
	s1 =	sshrl.u32 s1, $0x2  }
0xb9: {  	s3 =	sand.u32 $0x4000, s31;
	s1 =	sadd.s32 s1, s30  }
0xba: {  	s0 =	sor.u32 s3, s0;
	s1 =	sshll.u32 s1, $0x11  }
0xbb: {  	s0 =	sor.u32 s1, s0  }
0xbc: {  	s0 =	sadd.s32 $0x8F2B, s0  }
0xbd: {  	[sflag:s0] =	ssyncadd.remote.s32 $0x1  }
0xbe: {  	_ =	sfence.sel $0xFFFF  }
0xbf: {  	[dreg:$0x0] =	wrdreg $0xFFFFFFFF;
	(pc) =	sbr.abs _section_cstart, $3  }
0xc0: {  	[dreg:$0x1] =	wrdreg $0xFFFFFFFF  }
0xc1: {  	_ =	task.clear_ibuf [dreg:s7], $0x2FFFF;
	_ =	strace $0x9FFFFFFF  }
0xc2: {  	(tm) =	ssettm $0x7FFFFFFF  }
0xc3: {  	_ =	shalt  }
tec
execute0_lowered:
.L_overlay_start_1:
0x0: {  	(tag) =	ssettag $0x1  }
0x1: {  	vm0 =	vcmask $0xB08  }
0x2: {  	vm1 =	vcmask $0x300;
	v0 =	vimm.s32 $0xEFCDAB89;
	v1 =	vimm.s32 $0x67452301  }
0x3: {  	v2 =	vimm.s32 $0xDCFE98BA;
	v3 =	vimm.s32 $0xBA98FEDC;
	v4 =	vimm.s32 $0x32107654  }
0x4: {  	vm2 =	vcmask $0x700;
	vm0 =	vmor vm1, vm0;
	vm1 =	vcmask $0x1310  }
0x5: {  	v0 =	vunpack.c.l.s4.s8 v0;
	v1 =	vunpack.c.l.s4.s8 v1;
	v3 =	vunpack.c.l.s4.s8 v3  }
0x6: {  	v4 =	vunpack.c.l.s4.s8 v4;
	vm0 =	vmor vm0, vm1;
	vm1 =	vcmask $0x1B18  }
0x7: {  	vm0 =	vmor vm0, vm1;
	v0 =	vunpack.c.0.s8.s32 v0;
	v1 =	vunpack.c.0.s8.s32 v1  }
0x8: {  	s0 =	srdreg.scid;
	vm1 =	vcmask $0x2320;
	v3 =	vunpack.c.0.s8.s32 v3;
	v4 =	vunpack.c.0.s8.s32 v4  }
0x9: {  	s2 =	stileid.u32;
	s1 =	rddreg [dreg:$0x0];
	v0 =	vcombine.low v1, v0;
	v1 =	vunpack.c.l.s4.s8 v2;
	v2 =	vimm.s32 $0x54761032  }
0xa: {  	s7 =	rddreg [dreg:$0x1];
	s9 =	simm.s32 $0x9;
	s10 =	simm.s32 $0x6400;
	vm0 =	vmor vm0, vm1;
	vm1 =	vcmask $0x2B28;
	v2 =	vunpack.c.l.s4.s8 v2  }
0xb: {  	s11 =	simm.s32 $0x80;
	s21 =	simm.s32 $0xF800;
	s22 =	simm.s32 $0x13800;
	vm3 =	vcmask $0xF00;
	vm0 =	vmor vm0, vm1;
	vm1 =	vcmask $0x3330  }
0xc: {  	s23 =	simm.s32 $0x1;
	s24 =	simm.s32 $0x5;
	s25 =	simm.s32 $0x2;
	v3 =	vcombine.low v4, v3;
	v1 =	vunpack.c.0.s8.s32 v1;
	v2 =	vunpack.c.0.s8.s32 v2  }
0xd: {  	s26 =	simm.s32 $0x6;
	s28 =	simm.s32 $0x3;
	s29 =	simm.s32 $0x7;
	v4 =	vimm.s32 $0x76543210;
	vm0 =	vmor vm0, vm1;
	vm1 =	vcmask $0x3B38  }
0xe: {  	s30 =	simm.s32 $0x4;
	s0 =	sand.u32 $0x1, s0;
	s2 =	sshll.u32 s2, $0x1;
	v4 =	vunpack.c.l.s4.s8 v4;
	v1 =	vcombine.low v2, v1;
	v2 =	vimm.s32 $0xFEDCBA98  }
0xf: {  	s31 =	simm.s32 $0x8;
	s3 =	sor.u32 s0, s2;
	s2 =	simm.s32 $0x0;
	vm0 =	vmor vm0, vm1;
	vm1 =	vcmask $0x1710;
	v2 =	vunpack.c.l.s4.s8 v2  }
0x10: {  	s0 =	ssub.s32 $0x2, s0;
	s3 =	smul.u32 $0x6400, s3;
	[smem:$0x7FF] =	sst s2;
	v0 =	vand.u32 $0xF, v0;
	vm1 =	vmor vm2, vm1;
	vm2 =	vcmask $0x2720  }
0x11: {  	s4 =	sadd.s32 $0x2800, s1;
	s5 =	sshrl.u32 s0, $0x1;
	_ =	strace $0x80000047;
	vm1 =	vmor vm1, vm2;
	vm2 =	vcmask $0x3730;
	v2 =	vunpack.c.0.s8.s32 v2  }
0x12: {  	s0 =	ssub.s32 s0, s5;
	s8 =	sshrl.u32 s3, $0x3;
	s3 =	sadd.s32 $0x64400, s1;
	v4 =	vunpack.c.0.s8.s32 v4;
	vm1 =	vmor vm1, vm2;
	vm2 =	vcmask $0x2F20  }
0x13: {  	s6 =	sadd.s32 s8, s1;
	s7 =	sadd.s32 s7, s8;
	s8 =	smax.u32 s0, $0x1;
	vm2 =	vmor vm3, vm2;
	vm3 =	vmmov $0xff;
	v5 =	vand.u32 $0xF, v2  }
0x14: {  	s0 =	simm.s32 $0x0;
	s5 =	sadd.s32 $0xC6000, s6;
	s6 =	sadd.s32 $0xDF000, s6;
	v1 =	vand.u32 $0xF, v1;
	v2 =	vand.u32 $0xF, v3;
	v3 =	vcombine.low v5, v4  }
.LBB2_1:
0x15: {  	[tilespmem:s2], [sflag:$0x9] =	stream.linear.gather [hbm4b:s5+s2], $0x6400, $0x38;
	[tilespmem:$0x1AC00] =	vst v63  }
0x16: {  	_ =	swait.ge [sflag:s9], $0x6400  }
0x17: {  	[sflag:s9] =	ssyncset.done $0x0  }
0x18: {  	[sflag:s9] =	ssyncadd.s32 $0xFFFF9C00  }
0x19: {  	[tilespmem:s10], [sflag:$0x9] =	stream.linear.gather [hbm4b:s6+s2], $0x6400, $0x38;
	[tilespmem:$0x1AC00] =	vst v63  }
0x1a: {  	_ =	swait.ge [sflag:s9], $0x6400  }
0x1b: {  	[sflag:s9] =	ssyncset.done $0x0  }
0x1c: {  	s1 =	simm.s32 $0xC800;
	[sflag:s9] =	ssyncadd.s32 $0xFFFF9C00  }
0x1d: {  	[tilespmem:s1], [sflag:$0x1] =	stream.indirect.gather [hbm4b:s3+s11], $0x20, s2, s11, $0xb8;
	[tilespmem:$0x1AC00] =	vst v63  }
0x1e: {  	s14 =	simm.s32 $0x10800  }
0x1f: {  	[tilespmem:s14], [sflag:$0x5] =	stream.indirect.gather [hbm4b:s4+s11], $0x20, s10, s11, $0xb8;
	[tilespmem:$0x1AC00] =	vst v63  }
0x20: {  	s15 =	simm.s32 $0xD800  }
0x21: {  	[tilespmem:s15], [sflag:$0x2] =	stream.indirect.gather [hbm4b:s3+s11], $0x20, s11, s11, $0xb8;
	[tilespmem:$0x1AC00] =	vst v63  }
0x22: {  	s16 =	simm.s32 $0x6480;
	s12 =	simm.s32 $0x11800  }
0x23: {  	[tilespmem:s12], [sflag:$0x6] =	stream.indirect.gather [hbm4b:s4+s11], $0x20, s16, s11, $0xb8;
	[tilespmem:$0x1AC00] =	vst v63  }
0x24: {  	s17 =	simm.s32 $0x100;
	s18 =	simm.s32 $0xE800;
	s19 =	simm.s32 $0x6500  }
0x25: {  	[tilespmem:s18], [sflag:$0x3] =	stream.indirect.gather [hbm4b:s3+s11], $0x20, s17, s11, $0xb8;
	[tilespmem:$0x1AC00] =	vst v63  }
0x26: {  	s20 =	simm.s32 $0x12800;
	s13 =	simm.s32 $0x14890;
	s14 =	simm.s32 $0x14910  }
0x27: {  	[tilespmem:s20], [sflag:$0x7] =	stream.indirect.gather [hbm4b:s4+s11], $0x20, s19, s11, $0xb8;
	[tilespmem:$0x1AC00] =	vst v63  }
0x28: {  	s15 =	simm.s32 $0x14990;
	s16 =	simm.s32 $0x0;
	s19 =	simm.s32 $0x14810  }
.LBB2_2:
0x29: {  	s17 =	sshll.u32 s16, $0x9  }
0x2a: {  	s1 =	sor.u32 $0x180, s17  }
0x2b: {  	[tilespmem:s21], [sflag:$0x4] =	stream.indirect.gather [hbm4b:s3+s11], $0x20, s1, s11, $0xb8;
	[tilespmem:$0x1AC00] =	vst v63  }
0x2c: {  	s20 =	sadd.s32 $0x6580, s17  }
0x2d: {  	[tilespmem:s22], [sflag:$0x8] =	stream.indirect.gather [hbm4b:s4+s11], $0x20, s20, s11, $0xb8;
	[tilespmem:$0x1AC00] =	vst v63  }
0x2e: {  	_ =	swait.ge [sflag:s23], $0x1000  }
0x2f: {  	[sflag:s23] =	ssyncset.done $0x0  }
0x30: {  	[sflag:s23] =	ssyncadd.s32 $0xFFFFF000  }
0x31: {  	_ =	swait.ge [sflag:s24], $0x1000  }
0x32: {  	[sflag:s24] =	ssyncset.done $0x0  }
0x33: {  	s12 =	simm.s32 $0xCA00;
	[sflag:s24] =	ssyncadd.s32 $0xFFFFF000  }
0x34: {  	s18 =	simm.s32 $0x10A00;
	v4 =	vld [tilespmem:s12+$0x0]  }
0x35: {  	v5 =	vld [tilespmem:s18+$0x0]  }
0x36: {  	v6 =	vld [tilespmem:s12+$0x10]  }
0x37: {  	v7 =	vld [tilespmem:s18+$0x10]  }
0x38: {  	v8 =	vld [tilespmem:s12+$0x20]  }
0x39: {  	v9 =	vld [tilespmem:s18+$0x20]  }
0x3a: {  	v10 =	vld [tilespmem:s12+$0x30]  }
0x3b: {  	v11 =	vld [tilespmem:s18+$0x30]  }
0x3c: {  	v12 =	vld [tilespmem:s12+$0x40]  }
0x3d: {  	v13 =	vld [tilespmem:s18+$0x40]  }
0x3e: {  	v14 =	vld [tilespmem:s12+$0x50]  }
0x3f: {  	v15 =	vld [tilespmem:s18+$0x50]  }
0x40: {  	v16 =	vld [tilespmem:s12+$0x60]  }
0x41: {  	v17 =	vld [tilespmem:s18+$0x60]  }
0x42: {  	v18 =	vld [tilespmem:s12+$0x70]  }
0x43: {  	v19 =	vld [tilespmem:s18+$0x70]  }
0x44: {  	v20 =	vld [tilespmem:s12+$0x80]  }
0x45: {  	v21 =	vld [tilespmem:s18+$0x80]  }
0x46: {  	v22 =	vld [tilespmem:s12+$0x90]  }
0x47: {  	v23 =	vld [tilespmem:s18+$0x90]  }
0x48: {  	v24 =	vld [tilespmem:s12+$0xA0]  }
0x49: {  	v25 =	vld [tilespmem:s18+$0xA0]  }
0x4a: {  	v26 =	vld [tilespmem:s12+$0xB0]  }
0x4b: {  	v27 =	vld [tilespmem:s18+$0xB0]  }
0x4c: {  	v28 =	vld [tilespmem:s12+$0xC0]  }
0x4d: {  	v29 =	vld [tilespmem:s18+$0xC0]  }
0x4e: {  	v30 =	vld [tilespmem:s12+$0xD0]  }
0x4f: {  	v31 =	vld [tilespmem:s18+$0xD0]  }
0x50: {  	v32 =	vld [tilespmem:s12+$0xE0]  }
0x51: {  	v33 =	vld [tilespmem:s18+$0xE0]  }
0x52: {  	v34 =	vld [tilespmem:s12+$0xF0]  }
0x53: {  	v35 =	vld [tilespmem:s18+$0xF0]  }
0x54: {  	v36 =	vld [tilespmem:s12+$0x100]  }
0x55: {  	v37 =	vld [tilespmem:s18+$0x100]  }
0x56: {  	v38 =	vld [tilespmem:s12+$0x110]  }
0x57: {  	v39 =	vld [tilespmem:s18+$0x110]  }
0x58: {  	v40 =	vld [tilespmem:s12+$0x120]  }
0x59: {  	v41 =	vld [tilespmem:s18+$0x120]  }
0x5a: {  	v42 =	vld [tilespmem:s12+$0x130]  }
0x5b: {  	v43 =	vld [tilespmem:s18+$0x130]  }
0x5c: {  	v44 =	vld [tilespmem:s12+$0x140]  }
0x5d: {  	v45 =	vld [tilespmem:s18+$0x140]  }
0x5e: {  	v46 =	vld [tilespmem:s12+$0x150]  }
0x5f: {  	v47 =	vld [tilespmem:s18+$0x150]  }
0x60: {  	v48 =	vld [tilespmem:s12+$0x160]  }
0x61: {  	v49 =	vld [tilespmem:s18+$0x160]  }
0x62: {  	v50 =	vld [tilespmem:s12+$0x170]  }
0x63: {  	v51 =	vld [tilespmem:s18+$0x170]  }
0x64: {  	v52 =	vld [tilespmem:s12+$0x180]  }
0x65: {  	v53 =	vld [tilespmem:s18+$0x180]  }
0x66: {  	v60 =	vld [tilespmem:s18+$0x1D0]  }
0x67: {  	v63 =	vld [tilespmem:s12+$0x1E0]  }
0x68: {  	v4 =	vmul.bf16 v5, v4;
	v5 =	vmul.bf16 v7, v6;
	v6 =	vld [tilespmem:s12+$0x190]  }
0x69: {  	v7 =	vmul.bf16 v9, v8;
	v9 =	vld [tilespmem:s18+$0x190]  }
0x6a: {  	v8 =	vmul.bf16 v11, v10;
	v10 =	vmul.bf16 v13, v12;
	v12 =	vld [tilespmem:s12+$0x1A0]  }
0x6b: {  	v11 =	vmul.bf16 v15, v14;
	v13 =	vmul.bf16 v17, v16;
	v15 =	vld [tilespmem:s18+$0x1A0]  }
0x6c: {  	v14 =	vmul.bf16 v19, v18;
	v16 =	vmul.bf16 v21, v20;
	v18 =	vld [tilespmem:s12+$0x1B0]  }
0x6d: {  	v17 =	vmul.bf16 v23, v22;
	v19 =	vmul.bf16 v25, v24;
	v21 =	vld [tilespmem:s18+$0x1B0]  }
0x6e: {  	v20 =	vmul.bf16 v27, v26;
	v22 =	vmul.bf16 v29, v28;
	v24 =	vld [tilespmem:s12+$0x1C0]  }
0x6f: {  	v23 =	vmul.bf16 v31, v30;
	v25 =	vmul.bf16 v33, v32;
	v27 =	vld [tilespmem:s18+$0x1C0]  }
0x70: {  	v26 =	vmul.bf16 v35, v34;
	v28 =	vmul.bf16 v37, v36;
	v30 =	vld [tilespmem:s12+$0x1D0]  }
0x71: {  	v29 =	vmul.bf16 v39, v38;
	v50 =	vmul.bf16 v51, v50;
	v51 =	vld [tilespmem:s18+$0x1E0]  }
0x72: {  	v31 =	vmul.bf16 v41, v40;
	v59 =	vmul.bf16 v43, v42;
	v35 =	vld [tilespmem:s18+$0xFFFFFE50]  }
0x73: {  	v61 =	vmul.bf16 v45, v44;
	v38 =	vld [tilespmem:s12+$0xFFFFFE60];
	v56 =	vadd.bf16 v5, v4;
	v57 =	vadd.bf16 v8, v7  }
0x74: {  	v62 =	vmul.bf16 v47, v46;
	v40 =	vld [tilespmem:s18+$0xFFFFFE60];
	v58 =	vadd.bf16 v11, v10;
	v13 =	vadd.bf16 v14, v13  }
0x75: {  	v49 =	vmul.bf16 v49, v48;
	v43 =	vld [tilespmem:s12+$0xFFFFFE70];
	v14 =	vadd.bf16 v17, v16;
	v16 =	vadd.bf16 v20, v19  }
0x76: {  	v54 =	vmul.bf16 v53, v52;
	v45 =	vld [tilespmem:s18+$0xFFFFFE70];
	v17 =	vadd.bf16 v23, v22;
	v20 =	vadd.bf16 v29, v28  }
0x77: {  	v48 =	vld [tilespmem:s12+$0xFFFFFE80];
	v23 =	vadd.bf16 v62, v61;
	v28 =	vunpack.i.u.bf16.f32 v57;
	v29 =	vunpack.i.l.bf16.f32 v57  }
0x78: {  	v32 =	vld [tilespmem:s12+$0xFFFFFE90];
	v61 =	vunpack.i.u.bf16.f32 v14;
	v14 =	vunpack.i.l.bf16.f32 v14;
	v62 =	vunpack.i.u.bf16.f32 v16  }
0x79: {  	v33 =	vld [tilespmem:s18+$0xFFFFFE90];
	v16 =	vunpack.i.l.bf16.f32 v16;
	v53 =	vunpack.i.u.bf16.f32 v20;
	v55 =	vmul.bf16 v9, v6  }
0x7a: {  	v36 =	vld [tilespmem:s12+$0xFFFFFEA0];
	v20 =	vunpack.i.l.bf16.f32 v20;
	v12 =	vmul.bf16 v15, v12;
	v10 =	vmul.bf16 v21, v18  }
0x7b: {  	v37 =	vld [tilespmem:s18+$0xFFFFFEA0];
	v11 =	vmul.bf16 v27, v24;
	v18 =	vadd.bf16 v26, v25;
	v19 =	vmul.bf16 v60, v30  }
0x7c: {  	v41 =	vld [tilespmem:s12+$0xFFFFFEB0];
	v21 =	vadd.bf16 v59, v31;
	v22 =	vmul.bf16 v51, v63;
	v24 =	vadd.bf16 v50, v49  }
0x7d: {  	v39 =	vld [tilespmem:s12+$0xFFFFFEC0];
	v27 =	vunpack.i.u.bf16.f32 v56;
	v60 =	vunpack.i.u.bf16.f32 v13;
	v13 =	vunpack.i.l.bf16.f32 v13  }
0x7e: {  	v47 =	vld [tilespmem:s18+$0xFFFFFEC0];
	v63 =	vunpack.i.u.bf16.f32 v17;
	v14 =	vadd.f32 v14, v61;
	v16 =	vadd.f32 v16, v62  }
0x7f: {  	v7 =	vld [tilespmem:s12+$0xFFFFFE20];
	v17 =	vunpack.i.l.bf16.f32 v17;
	v20 =	vadd.f32 v20, v53;
	v13 =	vadd.f32 v13, v60  }
0x80: {  	v8 =	vld [tilespmem:s18+$0xFFFFFE20];
	v31 =	vunpack.i.u.bf16.f32 v58;
	v17 =	vadd.f32 v17, v63;
	v25 =	vadd.bf16 v55, v54  }
0x81: {  	v9 =	vld [tilespmem:s12+$0x1F0];
	v59 =	vunpack.i.l.bf16.f32 v58;
	v26 =	vadd.bf16 v10, v12;
	v19 =	vadd.bf16 v19, v11  }
0x82: {  	v15 =	vld [tilespmem:s18+$0x1F0];
	v52 =	vunpack.i.u.bf16.f32 v18;
	v18 =	vunpack.i.l.bf16.f32 v18;
	v54 =	vunpack.i.u.bf16.f32 v21  }
0x83: {  	v5 =	vld [tilespmem:s12+$0xFFFFFE10];
	v21 =	vunpack.i.l.bf16.f32 v21;
	v55 =	vunpack.i.u.bf16.f32 v23;
	v23 =	vunpack.i.l.bf16.f32 v23  }
0x84: {  	v6 =	vld [tilespmem:s18+$0xFFFFFE10];
	v62 =	vsel vm0, v14, v16;
	v14 =	vsel vm0, v16, v14;
	v18 =	vadd.f32 v18, v52  }
0x85: {  	v30 =	vld [tilespmem:s18+$0xFFFFFE40];
	v7 =	vmul.bf16 v8, v7;
	v21 =	vadd.f32 v21, v54;
	v23 =	vadd.f32 v23, v55  }
0x86: {  	v53 =	vld [tilespmem:s18+$0xFFFFFF20];
	v14 =	vperm.xlane v14, v0;
	v57 =	vunpack.i.u.bf16.f32 v25;
	v25 =	vunpack.i.l.bf16.f32 v25  }
0x87: {  	v12 =	vld [tilespmem:s12+$0xFFFFFE50];
	v58 =	vunpack.i.u.bf16.f32 v19;
	v19 =	vunpack.i.l.bf16.f32 v19;
	v15 =	vmul.bf16 v15, v9  }
0x88: {  	v10 =	vld [tilespmem:s18+$0xFFFFFE30];
	v25 =	vadd.f32 v25, v57;
	v19 =	vadd.f32 v19, v58;
	v63 =	vsel vm0, v17, v18  }
0x89: {  	v11 =	vld [tilespmem:s12+$0xFFFFFE40];
	v17 =	vsel vm0, v18, v17;
	v18 =	vsel vm0, v21, v20;
	v5 =	vmul.bf16 v6, v5  }
0x8a: {  	v16 =	vld [tilespmem:s18+$0xFFFFFED0];
	v14 =	vadd.f32 v14, v62;
	v17 =	vperm.xlane v17, v0;
	v18 =	vperm.xlane v18, v0  }
0x8b: {  	v54 =	vld [tilespmem:s12+$0xFFFFFF30];
	v15 =	vadd.bf16 v15, v22;
	v22 =	vunpack.i.l.bf16.f32 v56;
	v56 =	vunpack.i.u.bf16.f32 v24  }
0x8c: {  	v9 =	vld [tilespmem:s12+$0xFFFFFE30];
	v24 =	vunpack.i.l.bf16.f32 v24;
	v12 =	vmul.bf16 v35, v12;
	v22 =	vadd.f32 v22, v27  }
0x8d: {  	v62 =	vld [tilespmem:s18+$0xFFFFFF10];
	v27 =	vadd.f32 v29, v28;
	v29 =	vadd.f32 v59, v31;
	v31 =	vunpack.i.u.bf16.f32 v26  }
0x8e: {  	v6 =	vld [tilespmem:s18+$0xFFFFFF30];
	v26 =	vunpack.i.l.bf16.f32 v26;
	v24 =	vadd.f32 v24, v56;
	v56 =	vsel vm0, v20, v21  }
0x8f: {  	v28 =	vld [tilespmem:s18+$0xFFFFFE80];
	v17 =	vadd.f32 v17, v63;
	v59 =	vunpack.i.u.bf16.f32 v15;
	v26 =	vadd.f32 v26, v31  }
0x90: {  	v21 =	vld [tilespmem:s12+$0xFFFFFEE0];
	v15 =	vunpack.i.l.bf16.f32 v15;
	v18 =	vadd.f32 v18, v56;
	v56 =	vmul.bf16 v47, v39  }
0x91: {  	v31 =	vld [tilespmem:s18+$0xFFFFFEB0];
	v15 =	vadd.f32 v15, v59;
	v60 =	vsel vm0, v22, v27;
	v61 =	vsel vm0, v29, v13  }
0x92: {  	v57 =	vsel vm0, v23, v24;
	v59 =	vld [tilespmem:s12+$0xFFFFFED0];
	v22 =	vsel vm0, v27, v22;
	v13 =	vsel vm0, v13, v29  }
0x93: {  	v20 =	vsel vm0, v24, v23;
	v24 =	vld [tilespmem:s18+$0xFFFFFEE0];
	v8 =	vmul.bf16 v10, v9;
	v10 =	vmul.bf16 v30, v11  }
0x94: {  	v27 =	vld [tilespmem:s18+$0xFFFFFEF0];
	v6 =	vmul.bf16 v6, v54;
	v58 =	vsel vm0, v25, v26;
	v22 =	vperm.xlane v22, v0  }
0x95: {  	v29 =	vld [tilespmem:s12+$0xFFFFFF00];
	v13 =	vperm.xlane v13, v0;
	v23 =	vsel vm0, v26, v25;
	v20 =	vperm.xlane v20, v0  }
0x96: {  	v9 =	vld [tilespmem:s12+$0xFFFFFF40];
	v25 =	vsel vm0, v15, v19;
	v23 =	vperm.xlane v23, v0;
	v8 =	vadd.bf16 v8, v7  }
0x97: {  	v11 =	vld [tilespmem:s18+$0xFFFFFF40];
	v15 =	vsel vm0, v19, v15;
	v12 =	vadd.bf16 v12, v10;
	v22 =	vadd.f32 v22, v60  }
0x98: {  	v30 =	vld [tilespmem:s12+$0xFFFFFF70];
	v13 =	vadd.f32 v13, v61;
	v25 =	vperm.xlane v25, v0;
	v20 =	vadd.f32 v20, v57  }
0x99: {  	v26 =	vld [tilespmem:s12+$0xFFFFFEF0];
	v61 =	vsel vm1, v14, v17;
	v14 =	vsel vm1, v17, v14;
	v23 =	vadd.f32 v23, v58  }
0x9a: {  	v19 =	vld [tilespmem:s12+$0xFFFFFF10];
	v15 =	vadd.f32 v25, v15;
	v25 =	vsel vm1, v22, v13;
	v13 =	vsel vm1, v13, v22  }
0x9b: {  	v7 =	vld [tilespmem:s12+$0xFFFFFF50];
	v14 =	vperm.xlane v14, v1;
	v17 =	vsel vm1, v20, v18;
	v13 =	vperm.xlane v13, v1  }
0x9c: {  	v60 =	vld [tilespmem:s18+$0xFFFFFF00];
	v18 =	vsel vm1, v18, v20;
	v17 =	vperm.xlane v17, v1;
	v63 =	vsel vm1, v15, v23  }
0x9d: {  	v57 =	vld [tilespmem:s12+$0xFFFFFF80];
	v14 =	vadd.f32 v14, v61;
	v20 =	vperm.xlane v63, v1;
	v13 =	vadd.f32 v13, v25  }
0x9e: {  	v10 =	vmul.bf16 v45, v43;
	v22 =	vld [tilespmem:s12+$0xFFFFFF20];
	v16 =	vmul.bf16 v16, v59;
	v15 =	vsel vm1, v23, v15  }
0x9f: {  	v23 =	vld [tilespmem:s18+$0xFFFFFF50];
	v17 =	vadd.f32 v17, v18;
	v15 =	vadd.f32 v20, v15;
	v18 =	vsel vm2, v14, v13  }
0xa0: {  	v19 =	vmul.bf16 v62, v19;
	v62 =	vld [tilespmem:s12+$0xFFFFFFD0];
	v13 =	vsel vm2, v13, v14;
	v18 =	vperm.xlane v18, v2  }
0xa1: {  	v63 =	vld [tilespmem:s18+$0xFFFFFFD0];
	v20 =	vsel vm2, v15, v17;
	v14 =	vsel vm2, v17, v15;
	v15 =	vmul.bf16 v40, v38  }
0xa2: {  	v25 =	vmul.bf16 v33, v32;
	v17 =	vld [tilespmem:s12+$0xFFFFFF60];
	v20 =	vperm.xlane v20, v2;
	v13 =	vadd.f32 v18, v13  }
0xa3: {  	v18 =	vmul.bf16 v28, v48;
	v15 =	vadd.bf16 v10, v15;
	v10 =	vmul.bf16 v31, v41;
	v31 =	vld [tilespmem:s18+$0xFFFFFF70]  }
0xa4: {  	v11 =	vmul.bf16 v11, v9;
	v9 =	vunpack.i.u.bf16.f32 v8;
	v14 =	vadd.f32 v20, v14;
	v20 =	vld [tilespmem:s18+$0xFFFFFF60]  }
0xa5: {  	v7 =	vmul.bf16 v23, v7;
	v28 =	vmul.bf16 v37, v36;
	v18 =	vadd.bf16 v25, v18;
	v25 =	vld [tilespmem:s12+$0xFFFFFF90]  }
0xa6: {  	v55 =	vsel vm3, v14, v13;
	v13 =	vsel vm3, v13, v14;
	v14 =	vmul.bf16 v24, v21;
	v24 =	vld [tilespmem:s18+$0xFFFFFF80]  }
0xa7: {  	v21 =	vmul.bf16 v27, v26;
	v26 =	vadd.bf16 v10, v28;
	v10 =	vmul.bf16 v53, v22;
	v22 =	vld [tilespmem:s18+$0xFFFFFF90]  }
0xa8: {  	v37 =	vmul.bf16 v63, v62;
	v27 =	vadd.bf16 v16, v56;
	v16 =	vld [tilespmem:s12+$0xFFFFFFA0];
	v32 =	vperm.xlane v55, v3  }
0xa9: {  	v59 =	vadd.bf16 v7, v11;
	v23 =	vadd.bf16 v21, v14;
	v14 =	vmul.bf16 v20, v17;
	v20 =	vld [tilespmem:s18+$0xFFFFFFA0]  }
0xaa: {  	v11 =	vunpack.i.u.bf16.f32 v15;
	v58 =	vadd.f32 v13, v32;
	v13 =	vmul.bf16 v60, v29;
	v29 =	vld [tilespmem:s12+$0xFFFFFFB0]  }
0xab: {  	v6 =	vadd.bf16 v6, v10;
	v10 =	vunpack.i.l.bf16.f32 v8;
	v17 =	vmul.bf16 v31, v30;
	v31 =	vld [tilespmem:s12+$0xFFFFFFC0]  }
0xac: {  	v21 =	vunpack.i.l.bf16.f32 v12;
	v60 =	vld [tilespmem:s18+$0xFFFFFFC0];
	v28 =	vadd.bf16 v19, v13;
	v19 =	vmul.bf16 v24, v57  }
0xad: {  	v7 =	vadd.bf16 v17, v14;
	v17 =	vld [tilespmem:s18+$0xFFFFFFB0];
	v13 =	vunpack.i.u.bf16.f32 v12;
	v8 =	vmul.bf16 v22, v25  }
0xae: {  	v12 =	vunpack.i.l.bf16.f32 v15;
	v14 =	vunpack.i.u.bf16.f32 v18;
	v25 =	vunpack.i.l.bf16.f32 v18  }
0xaf: {  	v34 =	vld [tilespmem:s18+$0xFFFFFFF0];
	v24 =	vunpack.i.l.bf16.f32 v26;
	v22 =	vunpack.i.u.bf16.f32 v23;
	v8 =	vadd.bf16 v8, v19  }
0xb0: {  	v33 =	vld [tilespmem:s18+$0xFFFFFFE0];
	v19 =	vunpack.i.u.bf16.f32 v26;
	v26 =	vunpack.i.l.bf16.f32 v23;
	v15 =	vunpack.i.u.bf16.f32 v28  }
0xb1: {  	v30 =	vld [tilespmem:s12+$0xFFFFFFE0];
	v23 =	vunpack.i.u.bf16.f32 v6;
	v61 =	vmul.bf16 v20, v16;
	v16 =	vunpack.i.u.bf16.f32 v27  }
0xb2: {  	v4 =	vld [tilespmem:s18+$0xFFFFFE00];
	v20 =	vunpack.i.l.bf16.f32 v27;
	v36 =	vmul.bf16 v60, v31;
	v18 =	vmul.bf16 v17, v29  }
0xb3: {  	v31 =	vld [tilespmem:s12+$0xFFFFFFF0];
	v27 =	vunpack.i.l.bf16.f32 v6;
	v17 =	vunpack.i.l.bf16.f32 v28;
	v28 =	vunpack.i.l.bf16.f32 v59  }
0xb4: {  	s1 =	simm.s32 $0xCE00;
	s20 =	simm.s32 $0x0;
	v35 =	vld [tilespmem:s12+$0xFFFFFE00];
	[tilespmem:s19+$0x0] =	vst v58;
	s12 =	smov.u32 s19;
	v29 =	vunpack.i.u.bf16.f32 v7;
	v32 =	vadd.bf16 v18, v61;
	v18 =	vunpack.i.u.bf16.f32 v59  }
.LBB2_3:
0xb5: {  	v6 =	vld [tilespmem:s1+$0x0];
	v38 =	vunpack.i.l.bf16.f32 v7;
	v39 =	vunpack.i.u.bf16.f32 v8;
	v40 =	vunpack.i.l.bf16.f32 v8;
	s18 =	sadd.s32 $0x400, s18  }
0xb6: {  	v41 =	vunpack.i.u.bf16.f32 v32;
	v7 =	vld [tilespmem:s18+$0x0];
	v36 =	vadd.bf16 v37, v36;
	v30 =	vmul.bf16 v33, v30  }
0xb7: {  	v21 =	vadd.f32 v21, v13;
	v32 =	vunpack.i.l.bf16.f32 v32;
	v33 =	vadd.f32 v10, v9;
	v8 =	vld [tilespmem:s1+$0x10]  }
0xb8: {  	v9 =	vld [tilespmem:s18+$0x10];
	v37 =	vunpack.i.u.bf16.f32 v36;
	v36 =	vunpack.i.l.bf16.f32 v36;
	v13 =	vmul.bf16 v34, v31  }
0xb9: {  	v25 =	vadd.f32 v25, v14;
	v34 =	vadd.f32 v12, v11;
	v10 =	vld [tilespmem:s1+$0x20];
	v31 =	vmul.bf16 v4, v35  }
0xba: {  	v24 =	vadd.f32 v24, v19;
	v4 =	vld [tilespmem:s18+$0x20];
	v12 =	vadd.bf16 v13, v30  }
0xbb: {  	v30 =	vadd.f32 v20, v16;
	v19 =	vsel vm0, v34, v21;
	v11 =	vld [tilespmem:s1+$0x30];
	v13 =	vadd.bf16 v5, v31  }
0xbc: {  	v22 =	vadd.f32 v26, v22;
	v5 =	vld [tilespmem:s18+$0x30];
	v20 =	vunpack.i.u.bf16.f32 v12;
	v26 =	vunpack.i.l.bf16.f32 v12  }
0xbd: {  	v31 =	vadd.f32 v17, v15;
	v12 =	vld [tilespmem:s1+$0x40];
	v14 =	vunpack.i.u.bf16.f32 v13;
	v16 =	vunpack.i.l.bf16.f32 v13  }
0xbe: {  	v23 =	vadd.f32 v27, v23;
	v27 =	vsel vm0, v24, v25;
	v13 =	vld [tilespmem:s18+$0x40];
	v35 =	vadd.f32 v16, v14  }
0xbf: {  	v28 =	vadd.f32 v28, v18;
	v29 =	vadd.f32 v38, v29;
	v38 =	vsel vm0, v22, v30;
	v14 =	vld [tilespmem:s1+$0x50]  }
0xc0: {  	v39 =	vadd.f32 v40, v39;
	v32 =	vadd.f32 v32, v41;
	v15 =	vld [tilespmem:s18+$0x50];
	v18 =	vsel vm0, v33, v35  }
0xc1: {  	v36 =	vadd.f32 v36, v37;
	v26 =	vadd.f32 v26, v20;
	v20 =	vsel vm0, v23, v31;
	v16 =	vld [tilespmem:s1+$0x60]  }
0xc2: {  	v40 =	vsel vm0, v29, v28;
	v41 =	vsel vm0, v32, v39;
	v37 =	vperm.xlane v18, v0;
	v17 =	vld [tilespmem:s18+$0x60]  }
0xc3: {  	v27 =	vperm.xlane v27, v0;
	v42 =	vperm.xlane v19, v0;
	v43 =	vsel vm0, v26, v36;
	v18 =	vld [tilespmem:s1+$0x70]  }
0xc4: {  	v33 =	vsel vm0, v35, v33;
	v35 =	vperm.xlane v38, v0;
	v38 =	vperm.xlane v20, v0;
	v19 =	vld [tilespmem:s18+$0x70]  }
0xc5: {  	v21 =	vsel vm0, v21, v34;
	v34 =	vperm.xlane v40, v0;
	v40 =	vperm.xlane v41, v0;
	v20 =	vld [tilespmem:s1+$0x80]  }
0xc6: {  	v24 =	vsel vm0, v25, v24;
	v22 =	vsel vm0, v30, v22;
	v25 =	vperm.xlane v43, v0;
	v41 =	vld [tilespmem:s18+$0x80]  }
0xc7: {  	v28 =	vsel vm0, v28, v29;
	v29 =	vsel vm0, v39, v32;
	v23 =	vsel vm0, v31, v23;
	v30 =	vld [tilespmem:s1+$0x90]  }
0xc8: {  	v21 =	vadd.f32 v42, v21;
	v26 =	vsel vm0, v36, v26;
	v32 =	vadd.f32 v37, v33;
	v31 =	vld [tilespmem:s18+$0x90]  }
0xc9: {  	v24 =	vadd.f32 v27, v24;
	v22 =	vadd.f32 v35, v22;
	v33 =	vld [tilespmem:s1+$0xA0]  }
0xca: {  	v28 =	vadd.f32 v34, v28;
	v23 =	vadd.f32 v38, v23;
	v34 =	vsel vm1, v21, v32;
	v27 =	vld [tilespmem:s18+$0xA0]  }
0xcb: {  	v29 =	vadd.f32 v40, v29;
	v25 =	vadd.f32 v25, v26;
	v26 =	vsel vm1, v22, v24;
	v35 =	vld [tilespmem:s1+$0xB0]  }
0xcc: {  	v37 =	vsel vm1, v28, v23;
	v26 =	vperm.xlane v26, v1;
	v34 =	vperm.xlane v34, v1;
	v36 =	vld [tilespmem:s18+$0xB0]  }
0xcd: {  	v21 =	vsel vm1, v32, v21;
	v32 =	vperm.xlane v37, v1;
	v37 =	vsel vm1, v25, v29;
	v38 =	vld [tilespmem:s1+$0xC0]  }
0xce: {  	v22 =	vsel vm1, v24, v22;
	v23 =	vsel vm1, v23, v28;
	v24 =	vperm.xlane v37, v1;
	v39 =	vld [tilespmem:s18+$0xC0]  }
0xcf: {  	v25 =	vsel vm1, v29, v25;
	v22 =	vadd.f32 v26, v22;
	v21 =	vadd.f32 v34, v21;
	v28 =	vld [tilespmem:s1+$0xD0]  }
0xd0: {  	v23 =	vadd.f32 v32, v23;
	v24 =	vadd.f32 v24, v25;
	v26 =	vld [tilespmem:s18+$0xD0]  }
0xd1: {  	v29 =	vsel vm2, v21, v22;
	v21 =	vsel vm2, v22, v21;
	v25 =	vld [tilespmem:s1+$0xE0]  }
0xd2: {  	v32 =	vsel vm2, v23, v24;
	v23 =	vsel vm2, v24, v23;
	v21 =	vperm.xlane v21, v2;
	v22 =	vld [tilespmem:s18+$0xE0]  }
0xd3: {  	v23 =	vperm.xlane v23, v2;
	v24 =	vld [tilespmem:s1+$0xF0]  }
0xd4: {  	v21 =	vadd.f32 v21, v29;
	v34 =	vld [tilespmem:s18+$0xF0]  }
0xd5: {  	v23 =	vadd.f32 v23, v32;
	v29 =	vld [tilespmem:s1+$0x100]  }
0xd6: {  	v32 =	vld [tilespmem:s18+$0x100]  }
0xd7: {  	v40 =	vsel vm3, v21, v23;
	v21 =	vsel vm3, v23, v21;
	v37 =	vld [tilespmem:s1+$0x110]  }
0xd8: {  	v21 =	vperm.xlane v21, v3;
	v23 =	vld [tilespmem:s18+$0x110]  }
0xd9: {  	v42 =	vld [tilespmem:s1+$0x120]  }
0xda: {  	v21 =	vadd.f32 v40, v21;
	v43 =	vld [tilespmem:s18+$0x120]  }
0xdb: {  	v40 =	vld [tilespmem:s1+$0x130]  }
0xdc: {  	v44 =	vld [tilespmem:s18+$0x130];
	[tilespmem:s12+$0xFFFFFFF0] =	vst v21  }
0xdd: {  	v21 =	vld [tilespmem:s1+$0x140]  }
0xde: {  	v45 =	vld [tilespmem:s18+$0x140]  }
0xdf: {  	v46 =	vld [tilespmem:s1+$0x150]  }
0xe0: {  	v47 =	vld [tilespmem:s18+$0x150]  }
0xe1: {  	v48 =	vld [tilespmem:s1+$0x160]  }
0xe2: {  	v49 =	vld [tilespmem:s18+$0x160]  }
0xe3: {  	v50 =	vld [tilespmem:s1+$0x170]  }
0xe4: {  	v51 =	vld [tilespmem:s18+$0x170]  }
0xe5: {  	v52 =	vld [tilespmem:s1+$0x180]  }
0xe6: {  	v53 =	vld [tilespmem:s18+$0x180]  }
0xe7: {  	v6 =	vmul.bf16 v7, v6;
	v7 =	vmul.bf16 v9, v8;
	v8 =	vld [tilespmem:s1+$0x190]  }
0xe8: {  	v4 =	vmul.bf16 v4, v10;
	v5 =	vmul.bf16 v5, v11;
	v9 =	vld [tilespmem:s18+$0x190]  }
0xe9: {  	v10 =	vmul.bf16 v13, v12;
	v11 =	vmul.bf16 v15, v14;
	v12 =	vld [tilespmem:s1+$0x1A0]  }
0xea: {  	v13 =	vmul.bf16 v17, v16;
	v14 =	vmul.bf16 v19, v18;
	v15 =	vld [tilespmem:s18+$0x1A0]  }
0xeb: {  	v16 =	vmul.bf16 v41, v20;
	v17 =	vmul.bf16 v31, v30;
	v18 =	vld [tilespmem:s1+$0x1B0]  }
0xec: {  	v19 =	vmul.bf16 v27, v33;
	v20 =	vmul.bf16 v36, v35;
	v27 =	vld [tilespmem:s18+$0x1B0]  }
0xed: {  	v30 =	vmul.bf16 v39, v38;
	v26 =	vmul.bf16 v26, v28;
	v28 =	vld [tilespmem:s1+$0x1C0]  }
0xee: {  	v22 =	vmul.bf16 v22, v25;
	v24 =	vmul.bf16 v34, v24;
	v25 =	vld [tilespmem:s18+$0x1C0]  }
0xef: {  	v29 =	vmul.bf16 v32, v29;
	v23 =	vmul.bf16 v23, v37;
	v31 =	vld [tilespmem:s1+$0x1D0]  }
0xf0: {  	v32 =	vmul.bf16 v43, v42;
	v33 =	vmul.bf16 v44, v40;
	v34 =	vld [tilespmem:s18+$0x1D0]  }
0xf1: {  	v21 =	vmul.bf16 v45, v21;
	v35 =	vmul.bf16 v47, v46;
	v36 =	vld [tilespmem:s1+$0x1E0]  }
0xf2: {  	v37 =	vmul.bf16 v49, v48;
	v38 =	vmul.bf16 v51, v50;
	v39 =	vld [tilespmem:s18+$0x1E0]  }
0xf3: {  	v40 =	vmul.bf16 v53, v52;
	v41 =	vmul.bf16 v9, v8;
	v9 =	vld [tilespmem:s1+$0x1F0]  }
0xf4: {  	v42 =	vadd.bf16 v7, v6;
	v43 =	vadd.bf16 v5, v4;
	v12 =	vmul.bf16 v15, v12;
	v15 =	vld [tilespmem:s18+$0x1F0]  }
0xf5: {  	v14 =	vadd.bf16 v14, v13;
	v44 =	vadd.bf16 v11, v10;
	v10 =	vmul.bf16 v27, v18;
	v4 =	vld [tilespmem:s18+$0xFFFFFE00]  }
0xf6: {  	v16 =	vadd.bf16 v17, v16;
	v17 =	vadd.bf16 v20, v19;
	v11 =	vmul.bf16 v25, v28;
	v5 =	vld [tilespmem:s1+$0xFFFFFE10]  }
0xf7: {  	v19 =	vadd.bf16 v24, v22;
	v18 =	vadd.bf16 v26, v30;
	v13 =	vmul.bf16 v34, v31;
	v6 =	vld [tilespmem:s18+$0xFFFFFE10]  }
0xf8: {  	v20 =	vadd.bf16 v23, v29;
	v22 =	vadd.bf16 v33, v32;
	v23 =	vmul.bf16 v39, v36;
	v7 =	vld [tilespmem:s1+$0xFFFFFE20]  }
0xf9: {  	v21 =	vadd.bf16 v35, v21;
	v24 =	vadd.bf16 v38, v37;
	v8 =	vld [tilespmem:s18+$0xFFFFFE20];
	v15 =	vmul.bf16 v15, v9  }
0xfa: {  	v25 =	vadd.bf16 v41, v40;
	v26 =	vadd.bf16 v10, v12;
	v9 =	vld [tilespmem:s1+$0xFFFFFE30]  }
0xfb: {  	v27 =	vunpack.i.u.bf16.f32 v42;
	v28 =	vadd.bf16 v13, v11;
	v10 =	vld [tilespmem:s18+$0xFFFFFE30];
	v29 =	vadd.bf16 v15, v23  }
0xfc: {  	v30 =	vunpack.i.u.bf16.f32 v43;
	v31 =	vunpack.i.l.bf16.f32 v43;
	v23 =	vunpack.i.l.bf16.f32 v42;
	v11 =	vld [tilespmem:s1+$0xFFFFFE40]  }
0xfd: {  	v32 =	vunpack.i.u.bf16.f32 v44;
	v33 =	vunpack.i.l.bf16.f32 v44;
	v34 =	vunpack.i.u.bf16.f32 v14;
	v13 =	vld [tilespmem:s18+$0xFFFFFE40]  }
0xfe: {  	v35 =	vunpack.i.l.bf16.f32 v14;
	v37 =	vunpack.i.l.bf16.f32 v16;
	v36 =	vunpack.i.u.bf16.f32 v16;
	v12 =	vld [tilespmem:s1+$0xFFFFFE50]  }
0xff: {  	v38 =	vunpack.i.u.bf16.f32 v17;
	v40 =	vunpack.i.u.bf16.f32 v18;
	v39 =	vunpack.i.l.bf16.f32 v17;
	v14 =	vld [tilespmem:s18+$0xFFFFFE50]  }
0x100: {  	v41 =	vunpack.i.l.bf16.f32 v18;
	v43 =	vunpack.i.l.bf16.f32 v19;
	v42 =	vunpack.i.u.bf16.f32 v19;
	v15 =	vld [tilespmem:s1+$0xFFFFFE60]  }
0x101: {  	v44 =	vunpack.i.u.bf16.f32 v20;
	v45 =	vunpack.i.l.bf16.f32 v20;
	v46 =	vunpack.i.u.bf16.f32 v22;
	v17 =	vld [tilespmem:s18+$0xFFFFFE60]  }
0x102: {  	v47 =	vunpack.i.l.bf16.f32 v22;
	v48 =	vunpack.i.u.bf16.f32 v21;
	v49 =	vunpack.i.l.bf16.f32 v21;
	v16 =	vld [tilespmem:s1+$0xFFFFFE70]  }
0x103: {  	v50 =	vunpack.i.u.bf16.f32 v24;
	v24 =	vunpack.i.l.bf16.f32 v24;
	v51 =	vunpack.i.u.bf16.f32 v25;
	v18 =	vld [tilespmem:s18+$0xFFFFFE70]  }
0x104: {  	v25 =	vunpack.i.l.bf16.f32 v25;
	v30 =	vadd.f32 v31, v30;
	v27 =	vadd.f32 v23, v27;
	v19 =	vld [tilespmem:s1+$0xFFFFFE80]  }
0x105: {  	v31 =	vadd.f32 v33, v32;
	v32 =	vadd.f32 v35, v34;
	v33 =	vunpack.i.u.bf16.f32 v26;
	v20 =	vld [tilespmem:s18+$0xFFFFFE80]  }
0x106: {  	v26 =	vunpack.i.l.bf16.f32 v26;
	v34 =	vadd.f32 v37, v36;
	v35 =	vadd.f32 v39, v38;
	v21 =	vld [tilespmem:s1+$0xFFFFFE90]  }
0x107: {  	s20 =	sadd.s32 $0x2, s20;
	v36 =	vadd.f32 v41, v40;
	v38 =	vunpack.i.u.bf16.f32 v28;
	v37 =	vadd.f32 v43, v42;
	v22 =	vld [tilespmem:s18+$0xFFFFFE90]  }
0x108: {  	p0 =	slt.u32 s20, $0x6;
	v39 =	vadd.f32 v45, v44;
	v40 =	vadd.f32 v47, v46;
	v28 =	vunpack.i.l.bf16.f32 v28;
	v23 =	vld [tilespmem:s1+$0xFFFFFEA0]  }
0x109: {  	v24 =	vadd.f32 v24, v50;
	v42 =	vadd.f32 v49, v48;
	v43 =	vunpack.i.u.bf16.f32 v29;
	v41 =	vld [tilespmem:s18+$0xFFFFFEA0]  }
0x10a: {  	v25 =	vadd.f32 v25, v51;
	v26 =	vadd.f32 v26, v33;
	v29 =	vunpack.i.l.bf16.f32 v29;
	v44 =	vld [tilespmem:s1+$0xFFFFFEB0]  }
0x10b: {  	v28 =	vadd.f32 v28, v38;
	v29 =	vadd.f32 v29, v43;
	v38 =	vsel vm0, v27, v30;
	v33 =	vld [tilespmem:s18+$0xFFFFFEB0]  }
0x10c: {  	v45 =	vsel vm0, v31, v32;
	v46 =	vsel vm0, v34, v35;
	v47 =	vsel vm0, v36, v37;
	v43 =	vld [tilespmem:s1+$0xFFFFFEC0]  }
0x10d: {  	v51 =	vsel vm0, v25, v26;
	v49 =	vsel vm0, v39, v40;
	v50 =	vsel vm0, v42, v24;
	v48 =	vld [tilespmem:s18+$0xFFFFFEC0]  }
0x10e: {  	v27 =	vsel vm0, v30, v27;
	v30 =	vsel vm0, v32, v31;
	v31 =	vsel vm0, v35, v34;
	v52 =	vld [tilespmem:s1+$0xFFFFFED0]  }
0x10f: {  	v34 =	vsel vm0, v37, v36;
	v35 =	vsel vm0, v40, v39;
	v24 =	vsel vm0, v24, v42;
	v32 =	vld [tilespmem:s18+$0xFFFFFED0]  }
0x110: {  	v25 =	vsel vm0, v26, v25;
	v27 =	vperm.xlane v27, v0;
	v30 =	vperm.xlane v30, v0;
	v36 =	vld [tilespmem:s1+$0xFFFFFEE0]  }
0x111: {  	v31 =	vperm.xlane v31, v0;
	v34 =	vperm.xlane v34, v0;
	v37 =	vsel vm0, v29, v28;
	v26 =	vld [tilespmem:s18+$0xFFFFFEE0]  }
0x112: {  	v35 =	vperm.xlane v35, v0;
	v24 =	vperm.xlane v24, v0;
	v27 =	vadd.f32 v27, v38;
	v39 =	vld [tilespmem:s1+$0xFFFFFEF0]  }
0x113: {  	v25 =	vperm.xlane v25, v0;
	v30 =	vadd.f32 v30, v45;
	v31 =	vadd.f32 v31, v46;
	v38 =	vld [tilespmem:s18+$0xFFFFFEF0]  }
0x114: {  	v34 =	vadd.f32 v34, v47;
	v35 =	vadd.f32 v35, v49;
	v37 =	vperm.xlane v37, v0;
	v40 =	vld [tilespmem:s1+$0xFFFFFF00]  }
0x115: {  	v25 =	vadd.f32 v25, v51;
	v28 =	vsel vm0, v28, v29;
	v24 =	vadd.f32 v24, v50;
	v42 =	vld [tilespmem:s18+$0xFFFFFF00]  }
0x116: {  	v28 =	vadd.f32 v37, v28;
	v37 =	vsel vm1, v27, v30;
	v45 =	vsel vm1, v31, v34;
	v29 =	vld [tilespmem:s1+$0xFFFFFF10]  }
0x117: {  	v27 =	vsel vm1, v30, v27;
	v30 =	vsel vm1, v34, v31;
	v31 =	vsel vm1, v24, v35;
	v46 =	vld [tilespmem:s18+$0xFFFFFF10]  }
0x118: {  	v27 =	vperm.xlane v27, v1;
	v30 =	vperm.xlane v30, v1;
	v47 =	vsel vm1, v28, v25;
	v34 =	vld [tilespmem:s1+$0xFFFFFF20]  }
0x119: {  	v24 =	vsel vm1, v35, v24;
	v31 =	vperm.xlane v31, v1;
	v35 =	vperm.xlane v47, v1;
	v49 =	vld [tilespmem:s18+$0xFFFFFF20]  }
0x11a: {  	v25 =	vsel vm1, v25, v28;
	v27 =	vadd.f32 v27, v37;
	v30 =	vadd.f32 v30, v45;
	v47 =	vld [tilespmem:s1+$0xFFFFFF30]  }
0x11b: {  	v5 =	vmul.bf16 v6, v5;
	v24 =	vadd.f32 v31, v24;
	v25 =	vadd.f32 v35, v25;
	v6 =	vld [tilespmem:s18+$0xFFFFFF30]  }
0x11c: {  	v7 =	vmul.bf16 v8, v7;
	v8 =	vmul.bf16 v10, v9;
	v9 =	vld [tilespmem:s1+$0xFFFFFF40]  }
0x11d: {  	v10 =	vmul.bf16 v13, v11;
	v13 =	vsel vm2, v30, v27;
	v28 =	vsel vm2, v25, v24;
	v11 =	vld [tilespmem:s18+$0xFFFFFF40]  }
0x11e: {  	v8 =	vadd.bf16 v8, v7;
	v13 =	vperm.xlane v13, v2;
	v28 =	vperm.xlane v28, v2;
	v7 =	vld [tilespmem:s1+$0xFFFFFF50]  }
0x11f: {  	v12 =	vmul.bf16 v14, v12;
	v27 =	vsel vm2, v27, v30;
	v24 =	vsel vm2, v24, v25;
	v14 =	vld [tilespmem:s18+$0xFFFFFF50]  }
0x120: {  	v15 =	vmul.bf16 v17, v15;
	v13 =	vadd.f32 v13, v27;
	v24 =	vadd.f32 v28, v24;
	v17 =	vld [tilespmem:s1+$0xFFFFFF60]  }
0x121: {  	v12 =	vadd.bf16 v12, v10;
	v10 =	vmul.bf16 v18, v16;
	v16 =	vmul.bf16 v20, v19;
	v18 =	vld [tilespmem:s18+$0xFFFFFF60]  }
0x122: {  	v19 =	vmul.bf16 v22, v21;
	v20 =	vmul.bf16 v41, v23;
	v22 =	vsel vm3, v24, v13;
	v21 =	vld [tilespmem:s1+$0xFFFFFF70]  }
0x123: {  	v15 =	vadd.bf16 v10, v15;
	v10 =	vmul.bf16 v33, v44;
	v22 =	vperm.xlane v22, v3;
	v23 =	vld [tilespmem:s18+$0xFFFFFF70]  }
0x124: {  	v13 =	vsel vm3, v13, v24;
	v25 =	vmul.bf16 v48, v43;
	v27 =	vmul.bf16 v32, v52;
	v28 =	vld [tilespmem:s1+$0xFFFFFF80]  }
0x125: {  	v13 =	vadd.f32 v13, v22;
	v24 =	vmul.bf16 v26, v36;
	v26 =	vmul.bf16 v38, v39;
	v30 =	vld [tilespmem:s18+$0xFFFFFF80]  }
0x126: {  	s12 =	sadd.s32 $0x20, s12;
	v16 =	vadd.bf16 v19, v16;
	v19 =	vmul.bf16 v42, v40;
	v22 =	vmul.bf16 v46, v29;
	v29 =	vld [tilespmem:s1+$0xFFFFFF90]  }
0x127: {  	v20 =	vadd.bf16 v10, v20;
	v10 =	vmul.bf16 v49, v34;
	v6 =	vmul.bf16 v6, v47;
	v31 =	vld [tilespmem:s18+$0xFFFFFF90];
	[tilespmem:s12+$0x0] =	vst v13  }
0x128: {  	v27 =	vadd.bf16 v27, v25;
	v11 =	vmul.bf16 v11, v9;
	v7 =	vmul.bf16 v14, v7;
	v25 =	vld [tilespmem:s1+$0xFFFFFFA0]  }
0x129: {  	v26 =	vadd.bf16 v26, v24;
	v13 =	vmul.bf16 v18, v17;
	v14 =	vmul.bf16 v23, v21;
	v17 =	vld [tilespmem:s18+$0xFFFFFFA0]  }
0x12a: {  	v6 =	vadd.bf16 v6, v10;
	v18 =	vadd.bf16 v22, v19;
	v19 =	vmul.bf16 v30, v28;
	v22 =	vld [tilespmem:s1+$0xFFFFFFB0]  }
0x12b: {  	v9 =	vunpack.i.u.bf16.f32 v8;
	v28 =	vadd.bf16 v7, v11;
	v7 =	vadd.bf16 v14, v13;
	v23 =	vld [tilespmem:s18+$0xFFFFFFB0]  }
0x12c: {  	v10 =	vunpack.i.l.bf16.f32 v8;
	v13 =	vunpack.i.u.bf16.f32 v12;
	v8 =	vmul.bf16 v31, v29;
	v29 =	vld [tilespmem:s1+$0xFFFFFFC0]  }
0x12d: {  	v21 =	vunpack.i.l.bf16.f32 v12;
	v11 =	vunpack.i.u.bf16.f32 v15;
	v12 =	vunpack.i.l.bf16.f32 v15;
	v31 =	vld [tilespmem:s18+$0xFFFFFFC0]  }
0x12e: {  	v14 =	vunpack.i.u.bf16.f32 v16;
	v8 =	vadd.bf16 v8, v19;
	v32 =	vmul.bf16 v17, v25;
	v37 =	vld [tilespmem:s1+$0xFFFFFFD0]  }
0x12f: {  	v24 =	vunpack.i.l.bf16.f32 v20;
	v25 =	vunpack.i.l.bf16.f32 v16;
	v19 =	vunpack.i.u.bf16.f32 v20;
	v38 =	vld [tilespmem:s18+$0xFFFFFFD0]  }
.Ltmp0:
0x130: {  	v16 =	vunpack.i.u.bf16.f32 v27;
	v20 =	vunpack.i.l.bf16.f32 v27;
	v23 =	vmul.bf16 v23, v22;
	v30 =	vld [tilespmem:s1+$0xFFFFFFE0];
	(pc) =	sbr.rel @p0 .LBB2_3-.Ltmp0, $4  }
0x131: {  	v15 =	vunpack.i.u.bf16.f32 v18;
	v22 =	vunpack.i.u.bf16.f32 v26;
	v26 =	vunpack.i.l.bf16.f32 v26;
	v33 =	vld [tilespmem:s18+$0xFFFFFFE0]  }
0x132: {  	v17 =	vunpack.i.l.bf16.f32 v18;
	v32 =	vadd.bf16 v23, v32;
	v36 =	vmul.bf16 v31, v29;
	v31 =	vld [tilespmem:s1+$0xFFFFFFF0]  }
0x133: {  	v27 =	vunpack.i.l.bf16.f32 v6;
	v18 =	vunpack.i.u.bf16.f32 v28;
	v23 =	vunpack.i.u.bf16.f32 v6;
	v34 =	vld [tilespmem:s18+$0xFFFFFFF0]  }
0x134: {  	v28 =	vunpack.i.l.bf16.f32 v28;
	v29 =	vunpack.i.u.bf16.f32 v7;
	v35 =	vld [tilespmem:s1+$0xFFFFFE00];
	v37 =	vmul.bf16 v38, v37;
	s1 =	sadd.s32 $0x400, s1  }
0x135: {  	v6 =	vunpack.i.l.bf16.f32 v7  }
0x136: {  	v7 =	vunpack.i.u.bf16.f32 v8;
	v9 =	vadd.f32 v10, v9;
	v10 =	vadd.f32 v21, v13  }
0x137: {  	v8 =	vunpack.i.l.bf16.f32 v8;
	v11 =	vadd.f32 v12, v11;
	v12 =	vadd.f32 v25, v14  }
0x138: {  	v38 =	vunpack.i.u.bf16.f32 v32;
	v19 =	vadd.f32 v24, v19;
	v15 =	vadd.f32 v17, v15  }
0x139: {  	v13 =	vunpack.i.l.bf16.f32 v32;
	v18 =	vadd.f32 v28, v18;
	v36 =	vadd.bf16 v37, v36  }
0x13a: {  	v30 =	vmul.bf16 v33, v30;
	v6 =	vadd.f32 v6, v29;
	v7 =	vadd.f32 v8, v7  }
0x13b: {  	v21 =	vmul.bf16 v34, v31;
	v14 =	vunpack.i.u.bf16.f32 v36;
	v24 =	vunpack.i.l.bf16.f32 v36  }
0x13c: {  	v8 =	vadd.f32 v13, v38;
	v4 =	vmul.bf16 v4, v35;
	v14 =	vadd.f32 v24, v14  }
0x13d: {  	v24 =	vsel vm0, v6, v18;
	v6 =	vsel vm0, v18, v6;
	v21 =	vadd.bf16 v21, v30  }
0x13e: {  	v4 =	vadd.bf16 v5, v4;
	v5 =	vadd.f32 v20, v16;
	v16 =	vsel vm0, v11, v10  }
0x13f: {  	v20 =	vadd.f32 v26, v22;
	v26 =	vsel vm0, v8, v7;
	v10 =	vsel vm0, v10, v11  }
0x140: {  	v11 =	vperm.xlane v24, v0;
	v7 =	vsel vm0, v7, v8;
	v22 =	vunpack.i.u.bf16.f32 v21  }
0x141: {  	v17 =	vunpack.i.l.bf16.f32 v21;
	v21 =	vadd.f32 v27, v23;
	v23 =	vsel vm0, v19, v12  }
0x142: {  	v16 =	vperm.xlane v16, v0;
	v24 =	vperm.xlane v26, v0;
	v12 =	vsel vm0, v12, v19  }
0x143: {  	v25 =	vunpack.i.u.bf16.f32 v4;
	v4 =	vunpack.i.l.bf16.f32 v4;
	v17 =	vadd.f32 v17, v22  }
0x144: {  	v23 =	vperm.xlane v23, v0;
	v6 =	vadd.f32 v11, v6;
	v4 =	vadd.f32 v4, v25  }
0x145: {  	v25 =	vsel vm0, v20, v5;
	v22 =	vsel vm0, v21, v15;
	v5 =	vsel vm0, v5, v20  }
0x146: {  	v15 =	vsel vm0, v15, v21;
	v8 =	vadd.f32 v16, v10;
	v22 =	vperm.xlane v22, v0  }
0x147: {  	v13 =	vsel vm0, v9, v4;
	v4 =	vsel vm0, v4, v9;
	v9 =	vperm.xlane v25, v0  }
0x148: {  	v27 =	vsel vm0, v17, v14;
	v12 =	vadd.f32 v23, v12;
	v13 =	vperm.xlane v13, v0  }
0x149: {  	v19 =	vperm.xlane v27, v0;
	v5 =	vadd.f32 v9, v5;
	v9 =	vadd.f32 v22, v15  }
0x14a: {  	v7 =	vadd.f32 v24, v7;
	v10 =	vsel vm0, v14, v17;
	v4 =	vadd.f32 v13, v4  }
0x14b: {  	v10 =	vadd.f32 v19, v10;
	v13 =	vsel vm1, v5, v12;
	v14 =	vsel vm1, v6, v9  }
0x14c: {  	v5 =	vsel vm1, v12, v5;
	v11 =	vsel vm1, v8, v4;
	v13 =	vperm.xlane v13, v1  }
0x14d: {  	v4 =	vsel vm1, v4, v8;
	v8 =	vperm.xlane v14, v1;
	v14 =	vsel vm1, v10, v7  }
0x14e: {  	v6 =	vsel vm1, v9, v6;
	v11 =	vperm.xlane v11, v1;
	v9 =	vperm.xlane v14, v1  }
0x14f: {  	v7 =	vsel vm1, v7, v10;
	v5 =	vadd.f32 v13, v5;
	v6 =	vadd.f32 v8, v6  }
0x150: {  	v4 =	vadd.f32 v11, v4;
	v7 =	vadd.f32 v9, v7;
	_ =	sdelay $0x1  }
0x151: {  	v8 =	vsel vm2, v5, v4;
	v9 =	vsel vm2, v7, v6  }
0x152: {  	v8 =	vperm.xlane v8, v2;
	v9 =	vperm.xlane v9, v2  }
0x153: {  	v4 =	vsel vm2, v4, v5;
	v5 =	vsel vm2, v6, v7  }
0x154: {  	v4 =	vadd.f32 v8, v4;
	v5 =	vadd.f32 v9, v5;
	_ =	sdelay $0x1  }
0x155: {  	v6 =	vsel vm3, v5, v4  }
0x156: {  	v6 =	vperm.xlane v6, v3  }
0x157: {  	v4 =	vsel vm3, v4, v5  }
0x158: {  	v4 =	vadd.f32 v4, v6  }
0x159: {  	p0 =	seq.s32 s16, $0x31  }
0x15a: {  	s1 =	sadd.s32 @!p0 $0x200, s17;
	s18 =	simm.s32 @!p0 $0xC800;
	[tilespmem:s12+$0xFFFFFFF0] =	vst v4;
	s12 =	simm.s32 @!p0 $0x80  }
0x15b: {  	[tilespmem:s18], [sflag:$0x1] =	stream.indirect.gather @!p0 [hbm4b:s3+s12], $0x20, s1, s12, $0xb8;
	[tilespmem:$0x1AC00] =	vst v63  }
0x15c: {  	s1 =	sadd.s32 @!p0 $0x6600, s17;
	s18 =	simm.s32 @!p0 $0x10800  }
0x15d: {  	[tilespmem:s18], [sflag:$0x5] =	stream.indirect.gather @!p0 [hbm4b:s4+s12], $0x20, s1, s12, $0xb8;
	[tilespmem:$0x1AC00] =	vst v63  }
0x15e: {  	_ =	swait.ge [sflag:s25], $0x1000  }
0x15f: {  	[sflag:s25] =	ssyncset.done $0x0  }
0x160: {  	[sflag:s25] =	ssyncadd.s32 $0xFFFFF000  }
0x161: {  	_ =	swait.ge [sflag:s26], $0x1000  }
0x162: {  	[sflag:s26] =	ssyncset.done $0x0  }
0x163: {  	s12 =	simm.s32 $0xDBF0;
	[sflag:s26] =	ssyncadd.s32 $0xFFFFF000  }
0x164: {  	s18 =	simm.s32 $0x11BF0;
	v4 =	vld [tilespmem:s12+$0xFFFFFE10]  }
0x165: {  	v5 =	vld [tilespmem:s18+$0xFFFFFE10]  }
0x166: {  	v6 =	vld [tilespmem:s12+$0xFFFFFE20]  }
0x167: {  	v7 =	vld [tilespmem:s18+$0xFFFFFE20]  }
0x168: {  	v8 =	vld [tilespmem:s12+$0xFFFFFE30]  }
0x169: {  	v9 =	vld [tilespmem:s18+$0xFFFFFE30]  }
0x16a: {  	v10 =	vld [tilespmem:s12+$0xFFFFFE40]  }
0x16b: {  	v11 =	vld [tilespmem:s18+$0xFFFFFE40]  }
0x16c: {  	v12 =	vld [tilespmem:s12+$0xFFFFFE50]  }
0x16d: {  	v13 =	vld [tilespmem:s18+$0xFFFFFE50]  }
0x16e: {  	v14 =	vld [tilespmem:s12+$0xFFFFFE60]  }
0x16f: {  	v15 =	vld [tilespmem:s18+$0xFFFFFE60]  }
0x170: {  	v16 =	vld [tilespmem:s12+$0xFFFFFE70]  }
0x171: {  	v17 =	vld [tilespmem:s18+$0xFFFFFE70]  }
0x172: {  	v18 =	vld [tilespmem:s12+$0xFFFFFE80]  }
0x173: {  	v19 =	vld [tilespmem:s18+$0xFFFFFE80]  }
0x174: {  	v20 =	vld [tilespmem:s12+$0xFFFFFE90]  }
0x175: {  	v21 =	vld [tilespmem:s18+$0xFFFFFE90]  }
0x176: {  	v22 =	vld [tilespmem:s12+$0xFFFFFEA0]  }
0x177: {  	v23 =	vld [tilespmem:s18+$0xFFFFFEA0]  }
0x178: {  	v24 =	vld [tilespmem:s12+$0xFFFFFEB0]  }
0x179: {  	v25 =	vld [tilespmem:s18+$0xFFFFFEB0]  }
0x17a: {  	v26 =	vld [tilespmem:s12+$0xFFFFFEC0]  }
0x17b: {  	v27 =	vld [tilespmem:s18+$0xFFFFFEC0]  }
0x17c: {  	v28 =	vld [tilespmem:s12+$0xFFFFFED0]  }
0x17d: {  	v29 =	vld [tilespmem:s18+$0xFFFFFED0]  }
0x17e: {  	v30 =	vld [tilespmem:s12+$0xFFFFFEE0]  }
0x17f: {  	v31 =	vld [tilespmem:s18+$0xFFFFFEE0]  }
0x180: {  	v60 =	vld [tilespmem:s12+$0xFFFFFEF0]  }
0x181: {  	v61 =	vld [tilespmem:s18+$0xFFFFFEF0]  }
0x182: {  	v62 =	vld [tilespmem:s12+$0xFFFFFF00]  }
0x183: {  	v63 =	vld [tilespmem:s18+$0xFFFFFF00]  }
0x184: {  	v56 =	vld [tilespmem:s12+$0xFFFFFF10]  }
0x185: {  	v57 =	vld [tilespmem:s18+$0xFFFFFF10]  }
0x186: {  	v58 =	vld [tilespmem:s12+$0xFFFFFF20]  }
0x187: {  	v39 =	vld [tilespmem:s18+$0xFFFFFF20]  }
0x188: {  	v40 =	vld [tilespmem:s12+$0xFFFFFF30]  }
0x189: {  	v41 =	vld [tilespmem:s18+$0xFFFFFF30]  }
0x18a: {  	v42 =	vld [tilespmem:s12+$0xFFFFFF40]  }
0x18b: {  	v43 =	vld [tilespmem:s18+$0xFFFFFF40]  }
0x18c: {  	v44 =	vld [tilespmem:s12+$0xFFFFFF50]  }
0x18d: {  	v45 =	vld [tilespmem:s18+$0xFFFFFF50]  }
0x18e: {  	v46 =	vld [tilespmem:s12+$0xFFFFFF60]  }
0x18f: {  	v47 =	vld [tilespmem:s18+$0xFFFFFF60]  }
0x190: {  	v48 =	vld [tilespmem:s12+$0xFFFFFF70]  }
0x191: {  	v49 =	vld [tilespmem:s18+$0xFFFFFF70]  }
0x192: {  	v50 =	vld [tilespmem:s12+$0xFFFFFF80]  }
0x193: {  	v51 =	vld [tilespmem:s18+$0xFFFFFF80]  }
0x194: {  	v52 =	vld [tilespmem:s12+$0xFFFFFF90]  }
0x195: {  	v53 =	vld [tilespmem:s18+$0xFFFFFF90]  }
0x196: {  	v35 =	vld [tilespmem:s18+$0xFFFFFC60]  }
0x197: {  	v38 =	vld [tilespmem:s12+$0xFFFFFC70]  }
0x198: {  	v32 =	vld [tilespmem:s12+$0xFFFFFCA0];
	v4 =	vmul.bf16 v5, v4  }
0x199: {  	v33 =	vld [tilespmem:s18+$0xFFFFFCA0];
	v5 =	vmul.bf16 v7, v6;
	v7 =	vmul.bf16 v9, v8  }
0x19a: {  	v36 =	vld [tilespmem:s12+$0xFFFFFCB0];
	v8 =	vmul.bf16 v11, v10;
	v10 =	vmul.bf16 v13, v12  }
0x19b: {  	v37 =	vld [tilespmem:s18+$0xFFFFFCB0];
	v11 =	vmul.bf16 v15, v14;
	v13 =	vmul.bf16 v17, v16  }
0x19c: {  	v6 =	vld [tilespmem:s12+$0xFFFFFFA0];
	v14 =	vmul.bf16 v19, v18;
	v16 =	vmul.bf16 v21, v20  }
0x19d: {  	v9 =	vld [tilespmem:s18+$0xFFFFFFA0];
	v17 =	vmul.bf16 v23, v22;
	v19 =	vmul.bf16 v25, v24  }
0x19e: {  	v12 =	vld [tilespmem:s12+$0xFFFFFFB0];
	v20 =	vmul.bf16 v27, v26;
	v22 =	vmul.bf16 v29, v28  }
0x19f: {  	v15 =	vld [tilespmem:s18+$0xFFFFFFB0];
	v23 =	vmul.bf16 v31, v30;
	v25 =	vmul.bf16 v61, v60  }
0x1a0: {  	v18 =	vld [tilespmem:s12+$0xFFFFFFC0];
	v26 =	vmul.bf16 v63, v62;
	v28 =	vmul.bf16 v57, v56  }
0x1a1: {  	v21 =	vld [tilespmem:s18+$0xFFFFFFC0];
	v29 =	vmul.bf16 v39, v58;
	v31 =	vmul.bf16 v41, v40  }
0x1a2: {  	v24 =	vld [tilespmem:s12+$0xFFFFFFD0];
	v59 =	vmul.bf16 v43, v42;
	v61 =	vmul.bf16 v45, v44  }
0x1a3: {  	v27 =	vld [tilespmem:s18+$0xFFFFFFD0];
	v62 =	vmul.bf16 v47, v46;
	v56 =	vadd.bf16 v5, v4;
	v57 =	vadd.bf16 v8, v7  }
0x1a4: {  	v30 =	vld [tilespmem:s12+$0xFFFFFFE0];
	v49 =	vmul.bf16 v49, v48;
	v58 =	vadd.bf16 v11, v10;
	v13 =	vadd.bf16 v14, v13  }
0x1a5: {  	v60 =	vld [tilespmem:s18+$0xFFFFFFE0];
	v50 =	vmul.bf16 v51, v50;
	v14 =	vadd.bf16 v17, v16;
	v16 =	vadd.bf16 v20, v19  }
0x1a6: {  	v63 =	vld [tilespmem:s12+$0xFFFFFFF0];
	v54 =	vmul.bf16 v53, v52;
	v17 =	vadd.bf16 v23, v22;
	v20 =	vadd.bf16 v29, v28  }
0x1a7: {  	v51 =	vld [tilespmem:s18+$0xFFFFFFF0];
	v23 =	vadd.bf16 v62, v61;
	v28 =	vunpack.i.u.bf16.f32 v57;
	v29 =	vunpack.i.l.bf16.f32 v57  }
0x1a8: {  	v40 =	vld [tilespmem:s18+$0xFFFFFC70];
	v61 =	vunpack.i.u.bf16.f32 v14;
	v14 =	vunpack.i.l.bf16.f32 v14;
	v62 =	vunpack.i.u.bf16.f32 v16  }
0x1a9: {  	v43 =	vld [tilespmem:s12+$0xFFFFFC80];
	v16 =	vunpack.i.l.bf16.f32 v16;
	v53 =	vunpack.i.u.bf16.f32 v20;
	v55 =	vmul.bf16 v9, v6  }
0x1aa: {  	v45 =	vld [tilespmem:s18+$0xFFFFFC80];
	v20 =	vunpack.i.l.bf16.f32 v20;
	v12 =	vmul.bf16 v15, v12;
	v10 =	vmul.bf16 v21, v18  }
0x1ab: {  	v48 =	vld [tilespmem:s12+$0xFFFFFC90];
	v11 =	vmul.bf16 v27, v24;
	v18 =	vadd.bf16 v26, v25;
	v19 =	vmul.bf16 v60, v30  }
0x1ac: {  	v41 =	vld [tilespmem:s12+$0xFFFFFCC0];
	v21 =	vadd.bf16 v59, v31;
	v22 =	vmul.bf16 v51, v63;
	v24 =	vadd.bf16 v50, v49  }
0x1ad: {  	v39 =	vld [tilespmem:s12+$0xFFFFFCD0];
	v27 =	vunpack.i.u.bf16.f32 v56;
	v60 =	vunpack.i.u.bf16.f32 v13;
	v13 =	vunpack.i.l.bf16.f32 v13  }
0x1ae: {  	v47 =	vld [tilespmem:s18+$0xFFFFFCD0];
	v63 =	vunpack.i.u.bf16.f32 v17;
	v14 =	vadd.f32 v14, v61;
	v16 =	vadd.f32 v16, v62  }
0x1af: {  	v7 =	vld [tilespmem:s12+$0xFFFFFC30];
	v17 =	vunpack.i.l.bf16.f32 v17;
	v20 =	vadd.f32 v20, v53;
	v13 =	vadd.f32 v13, v60  }
0x1b0: {  	v8 =	vld [tilespmem:s18+$0xFFFFFC30];
	v31 =	vunpack.i.u.bf16.f32 v58;
	v17 =	vadd.f32 v17, v63;
	v25 =	vadd.bf16 v55, v54  }
0x1b1: {  	v9 =	vld [tilespmem:s12+$0x0];
	v59 =	vunpack.i.l.bf16.f32 v58;
	v26 =	vadd.bf16 v10, v12;
	v19 =	vadd.bf16 v19, v11  }
0x1b2: {  	v15 =	vld [tilespmem:s18+$0x0];
	v52 =	vunpack.i.u.bf16.f32 v18;
	v18 =	vunpack.i.l.bf16.f32 v18;
	v54 =	vunpack.i.u.bf16.f32 v21  }
0x1b3: {  	v5 =	vld [tilespmem:s12+$0xFFFFFC20];
	v21 =	vunpack.i.l.bf16.f32 v21;
	v55 =	vunpack.i.u.bf16.f32 v23;
	v23 =	vunpack.i.l.bf16.f32 v23  }
0x1b4: {  	v6 =	vld [tilespmem:s18+$0xFFFFFC20];
	v62 =	vsel vm0, v14, v16;
	v14 =	vsel vm0, v16, v14;
	v18 =	vadd.f32 v18, v52  }
0x1b5: {  	v30 =	vld [tilespmem:s18+$0xFFFFFC50];
	v7 =	vmul.bf16 v8, v7;
	v21 =	vadd.f32 v21, v54;
	v23 =	vadd.f32 v23, v55  }
0x1b6: {  	v53 =	vld [tilespmem:s18+$0xFFFFFD30];
	v14 =	vperm.xlane v14, v0;
	v57 =	vunpack.i.u.bf16.f32 v25;
	v25 =	vunpack.i.l.bf16.f32 v25  }
0x1b7: {  	v12 =	vld [tilespmem:s12+$0xFFFFFC60];
	v58 =	vunpack.i.u.bf16.f32 v19;
	v19 =	vunpack.i.l.bf16.f32 v19;
	v15 =	vmul.bf16 v15, v9  }
0x1b8: {  	v10 =	vld [tilespmem:s18+$0xFFFFFC40];
	v25 =	vadd.f32 v25, v57;
	v19 =	vadd.f32 v19, v58;
	v63 =	vsel vm0, v17, v18  }
0x1b9: {  	v11 =	vld [tilespmem:s12+$0xFFFFFC50];
	v17 =	vsel vm0, v18, v17;
	v18 =	vsel vm0, v21, v20;
	v5 =	vmul.bf16 v6, v5  }
0x1ba: {  	v16 =	vld [tilespmem:s18+$0xFFFFFCE0];
	v14 =	vadd.f32 v14, v62;
	v17 =	vperm.xlane v17, v0;
	v18 =	vperm.xlane v18, v0  }
0x1bb: {  	v54 =	vld [tilespmem:s12+$0xFFFFFD40];
	v15 =	vadd.bf16 v15, v22;
	v22 =	vunpack.i.l.bf16.f32 v56;
	v56 =	vunpack.i.u.bf16.f32 v24  }
0x1bc: {  	v9 =	vld [tilespmem:s12+$0xFFFFFC40];
	v24 =	vunpack.i.l.bf16.f32 v24;
	v12 =	vmul.bf16 v35, v12;
	v22 =	vadd.f32 v22, v27  }
0x1bd: {  	v62 =	vld [tilespmem:s18+$0xFFFFFD20];
	v27 =	vadd.f32 v29, v28;
	v29 =	vadd.f32 v59, v31;
	v31 =	vunpack.i.u.bf16.f32 v26  }
0x1be: {  	v6 =	vld [tilespmem:s18+$0xFFFFFD40];
	v26 =	vunpack.i.l.bf16.f32 v26;
	v24 =	vadd.f32 v24, v56;
	v56 =	vsel vm0, v20, v21  }
0x1bf: {  	v28 =	vld [tilespmem:s18+$0xFFFFFC90];
	v17 =	vadd.f32 v17, v63;
	v59 =	vunpack.i.u.bf16.f32 v15;
	v26 =	vadd.f32 v26, v31  }
0x1c0: {  	v21 =	vld [tilespmem:s12+$0xFFFFFCF0];
	v15 =	vunpack.i.l.bf16.f32 v15;
	v18 =	vadd.f32 v18, v56;
	v56 =	vmul.bf16 v47, v39  }
0x1c1: {  	v31 =	vld [tilespmem:s18+$0xFFFFFCC0];
	v15 =	vadd.f32 v15, v59;
	v60 =	vsel vm0, v22, v27;
	v61 =	vsel vm0, v29, v13  }
0x1c2: {  	v57 =	vsel vm0, v23, v24;
	v59 =	vld [tilespmem:s12+$0xFFFFFCE0];
	v22 =	vsel vm0, v27, v22;
	v13 =	vsel vm0, v13, v29  }
0x1c3: {  	v20 =	vsel vm0, v24, v23;
	v24 =	vld [tilespmem:s18+$0xFFFFFCF0];
	v8 =	vmul.bf16 v10, v9;
	v10 =	vmul.bf16 v30, v11  }
0x1c4: {  	v27 =	vld [tilespmem:s18+$0xFFFFFD00];
	v6 =	vmul.bf16 v6, v54;
	v58 =	vsel vm0, v25, v26;
	v22 =	vperm.xlane v22, v0  }
0x1c5: {  	v29 =	vld [tilespmem:s12+$0xFFFFFD10];
	v13 =	vperm.xlane v13, v0;
	v23 =	vsel vm0, v26, v25;
	v20 =	vperm.xlane v20, v0  }
0x1c6: {  	v9 =	vld [tilespmem:s12+$0xFFFFFD50];
	v25 =	vsel vm0, v15, v19;
	v23 =	vperm.xlane v23, v0;
	v8 =	vadd.bf16 v8, v7  }
0x1c7: {  	v11 =	vld [tilespmem:s18+$0xFFFFFD50];
	v15 =	vsel vm0, v19, v15;
	v12 =	vadd.bf16 v12, v10;
	v22 =	vadd.f32 v22, v60  }
0x1c8: {  	v30 =	vld [tilespmem:s12+$0xFFFFFD80];
	v13 =	vadd.f32 v13, v61;
	v25 =	vperm.xlane v25, v0;
	v20 =	vadd.f32 v20, v57  }
0x1c9: {  	v26 =	vld [tilespmem:s12+$0xFFFFFD00];
	v61 =	vsel vm1, v14, v17;
	v14 =	vsel vm1, v17, v14;
	v23 =	vadd.f32 v23, v58  }
0x1ca: {  	v19 =	vld [tilespmem:s12+$0xFFFFFD20];
	v15 =	vadd.f32 v25, v15;
	v25 =	vsel vm1, v22, v13;
	v13 =	vsel vm1, v13, v22  }
0x1cb: {  	v7 =	vld [tilespmem:s12+$0xFFFFFD60];
	v14 =	vperm.xlane v14, v1;
	v17 =	vsel vm1, v20, v18;
	v13 =	vperm.xlane v13, v1  }
0x1cc: {  	v60 =	vld [tilespmem:s18+$0xFFFFFD10];
	v18 =	vsel vm1, v18, v20;
	v17 =	vperm.xlane v17, v1;
	v63 =	vsel vm1, v15, v23  }
0x1cd: {  	v57 =	vld [tilespmem:s12+$0xFFFFFD90];
	v14 =	vadd.f32 v14, v61;
	v20 =	vperm.xlane v63, v1;
	v13 =	vadd.f32 v13, v25  }
0x1ce: {  	v10 =	vmul.bf16 v45, v43;
	v22 =	vld [tilespmem:s12+$0xFFFFFD30];
	v16 =	vmul.bf16 v16, v59;
	v15 =	vsel vm1, v23, v15  }
0x1cf: {  	v23 =	vld [tilespmem:s18+$0xFFFFFD60];
	v17 =	vadd.f32 v17, v18;
	v15 =	vadd.f32 v20, v15;
	v18 =	vsel vm2, v14, v13  }
0x1d0: {  	v19 =	vmul.bf16 v62, v19;
	v62 =	vld [tilespmem:s12+$0xFFFFFDE0];
	v13 =	vsel vm2, v13, v14;
	v18 =	vperm.xlane v18, v2  }
0x1d1: {  	v63 =	vld [tilespmem:s18+$0xFFFFFDE0];
	v20 =	vsel vm2, v15, v17;
	v14 =	vsel vm2, v17, v15;
	v15 =	vmul.bf16 v40, v38  }
0x1d2: {  	v25 =	vmul.bf16 v33, v32;
	v17 =	vld [tilespmem:s12+$0xFFFFFD70];
	v20 =	vperm.xlane v20, v2;
	v13 =	vadd.f32 v18, v13  }
0x1d3: {  	v18 =	vmul.bf16 v28, v48;
	v15 =	vadd.bf16 v10, v15;
	v10 =	vmul.bf16 v31, v41;
	v31 =	vld [tilespmem:s18+$0xFFFFFD80]  }
0x1d4: {  	v11 =	vmul.bf16 v11, v9;
	v9 =	vunpack.i.u.bf16.f32 v8;
	v14 =	vadd.f32 v20, v14;
	v20 =	vld [tilespmem:s18+$0xFFFFFD70]  }
0x1d5: {  	v7 =	vmul.bf16 v23, v7;
	v28 =	vmul.bf16 v37, v36;
	v18 =	vadd.bf16 v25, v18;
	v25 =	vld [tilespmem:s12+$0xFFFFFDA0]  }
0x1d6: {  	v55 =	vsel vm3, v14, v13;
	v13 =	vsel vm3, v13, v14;
	v14 =	vmul.bf16 v24, v21;
	v24 =	vld [tilespmem:s18+$0xFFFFFD90]  }
0x1d7: {  	v21 =	vmul.bf16 v27, v26;
	v26 =	vadd.bf16 v10, v28;
	v10 =	vmul.bf16 v53, v22;
	v22 =	vld [tilespmem:s18+$0xFFFFFDA0]  }
0x1d8: {  	v37 =	vmul.bf16 v63, v62;
	v27 =	vadd.bf16 v16, v56;
	v16 =	vld [tilespmem:s12+$0xFFFFFDB0];
	v32 =	vperm.xlane v55, v3  }
0x1d9: {  	v59 =	vadd.bf16 v7, v11;
	v23 =	vadd.bf16 v21, v14;
	v14 =	vmul.bf16 v20, v17;
	v20 =	vld [tilespmem:s18+$0xFFFFFDB0]  }
0x1da: {  	v11 =	vunpack.i.u.bf16.f32 v15;
	v58 =	vadd.f32 v13, v32;
	v13 =	vmul.bf16 v60, v29;
	v29 =	vld [tilespmem:s12+$0xFFFFFDC0]  }
0x1db: {  	v6 =	vadd.bf16 v6, v10;
	v10 =	vunpack.i.l.bf16.f32 v8;
	v17 =	vmul.bf16 v31, v30;
	v31 =	vld [tilespmem:s12+$0xFFFFFDD0]  }
0x1dc: {  	v21 =	vunpack.i.l.bf16.f32 v12;
	v60 =	vld [tilespmem:s18+$0xFFFFFDD0];
	v28 =	vadd.bf16 v19, v13;
	v19 =	vmul.bf16 v24, v57  }
0x1dd: {  	v7 =	vadd.bf16 v17, v14;
	v17 =	vld [tilespmem:s18+$0xFFFFFDC0];
	v13 =	vunpack.i.u.bf16.f32 v12;
	v8 =	vmul.bf16 v22, v25  }
0x1de: {  	v12 =	vunpack.i.l.bf16.f32 v15;
	v14 =	vunpack.i.u.bf16.f32 v18;
	v25 =	vunpack.i.l.bf16.f32 v18  }
0x1df: {  	v34 =	vld [tilespmem:s18+$0xFFFFFE00];
	v24 =	vunpack.i.l.bf16.f32 v26;
	v22 =	vunpack.i.u.bf16.f32 v23;
	v8 =	vadd.bf16 v8, v19  }
0x1e0: {  	v33 =	vld [tilespmem:s18+$0xFFFFFDF0];
	v19 =	vunpack.i.u.bf16.f32 v26;
	v26 =	vunpack.i.l.bf16.f32 v23;
	v15 =	vunpack.i.u.bf16.f32 v28  }
0x1e1: {  	v30 =	vld [tilespmem:s12+$0xFFFFFDF0];
	v23 =	vunpack.i.u.bf16.f32 v6;
	v61 =	vmul.bf16 v20, v16;
	v16 =	vunpack.i.u.bf16.f32 v27  }
0x1e2: {  	v4 =	vld [tilespmem:s18+$0xFFFFFC10];
	v20 =	vunpack.i.l.bf16.f32 v27;
	v36 =	vmul.bf16 v60, v31;
	v18 =	vmul.bf16 v17, v29  }
0x1e3: {  	v31 =	vld [tilespmem:s12+$0xFFFFFE00];
	v27 =	vunpack.i.l.bf16.f32 v6;
	v17 =	vunpack.i.l.bf16.f32 v28;
	v28 =	vunpack.i.l.bf16.f32 v59  }
0x1e4: {  	s20 =	simm.s32 $0x0;
	s1 =	simm.s32 $0xDFF0;
	v35 =	vld [tilespmem:s12+$0xFFFFFC10];
	[tilespmem:s13+$0x0] =	vst v58;
	s12 =	smov.u32 s13;
	v29 =	vunpack.i.u.bf16.f32 v7;
	v32 =	vadd.bf16 v18, v61;
	v18 =	vunpack.i.u.bf16.f32 v59  }
.LBB2_5:
0x1e5: {  	v6 =	vld [tilespmem:s1+$0xFFFFFE10];
	v38 =	vunpack.i.l.bf16.f32 v7;
	v39 =	vunpack.i.u.bf16.f32 v8;
	v40 =	vunpack.i.l.bf16.f32 v8;
	s18 =	sadd.s32 $0x400, s18  }
0x1e6: {  	v41 =	vunpack.i.u.bf16.f32 v32;
	v7 =	vld [tilespmem:s18+$0xFFFFFE10];
	v36 =	vadd.bf16 v37, v36;
	v30 =	vmul.bf16 v33, v30  }
0x1e7: {  	v21 =	vadd.f32 v21, v13;
	v32 =	vunpack.i.l.bf16.f32 v32;
	v33 =	vadd.f32 v10, v9;
	v8 =	vld [tilespmem:s1+$0xFFFFFE20]  }
0x1e8: {  	v9 =	vld [tilespmem:s18+$0xFFFFFE20];
	v37 =	vunpack.i.u.bf16.f32 v36;
	v36 =	vunpack.i.l.bf16.f32 v36;
	v13 =	vmul.bf16 v34, v31  }
0x1e9: {  	v25 =	vadd.f32 v25, v14;
	v34 =	vadd.f32 v12, v11;
	v10 =	vld [tilespmem:s1+$0xFFFFFE30];
	v31 =	vmul.bf16 v4, v35  }
0x1ea: {  	v24 =	vadd.f32 v24, v19;
	v4 =	vld [tilespmem:s18+$0xFFFFFE30];
	v12 =	vadd.bf16 v13, v30  }
0x1eb: {  	v30 =	vadd.f32 v20, v16;
	v19 =	vsel vm0, v34, v21;
	v11 =	vld [tilespmem:s1+$0xFFFFFE40];
	v13 =	vadd.bf16 v5, v31  }
0x1ec: {  	v22 =	vadd.f32 v26, v22;
	v5 =	vld [tilespmem:s18+$0xFFFFFE40];
	v20 =	vunpack.i.u.bf16.f32 v12;
	v26 =	vunpack.i.l.bf16.f32 v12  }
0x1ed: {  	v31 =	vadd.f32 v17, v15;
	v12 =	vld [tilespmem:s1+$0xFFFFFE50];
	v14 =	vunpack.i.u.bf16.f32 v13;
	v16 =	vunpack.i.l.bf16.f32 v13  }
0x1ee: {  	v23 =	vadd.f32 v27, v23;
	v27 =	vsel vm0, v24, v25;
	v13 =	vld [tilespmem:s18+$0xFFFFFE50];
	v35 =	vadd.f32 v16, v14  }
0x1ef: {  	v28 =	vadd.f32 v28, v18;
	v29 =	vadd.f32 v38, v29;
	v38 =	vsel vm0, v22, v30;
	v14 =	vld [tilespmem:s1+$0xFFFFFE60]  }
0x1f0: {  	v39 =	vadd.f32 v40, v39;
	v32 =	vadd.f32 v32, v41;
	v15 =	vld [tilespmem:s18+$0xFFFFFE60];
	v18 =	vsel vm0, v33, v35  }
0x1f1: {  	v36 =	vadd.f32 v36, v37;
	v26 =	vadd.f32 v26, v20;
	v20 =	vsel vm0, v23, v31;
	v16 =	vld [tilespmem:s1+$0xFFFFFE70]  }
0x1f2: {  	v40 =	vsel vm0, v29, v28;
	v41 =	vsel vm0, v32, v39;
	v37 =	vperm.xlane v18, v0;
	v17 =	vld [tilespmem:s18+$0xFFFFFE70]  }
0x1f3: {  	v27 =	vperm.xlane v27, v0;
	v42 =	vperm.xlane v19, v0;
	v43 =	vsel vm0, v26, v36;
	v18 =	vld [tilespmem:s1+$0xFFFFFE80]  }
0x1f4: {  	v33 =	vsel vm0, v35, v33;
	v35 =	vperm.xlane v38, v0;
	v38 =	vperm.xlane v20, v0;
	v19 =	vld [tilespmem:s18+$0xFFFFFE80]  }
0x1f5: {  	v21 =	vsel vm0, v21, v34;
	v34 =	vperm.xlane v40, v0;
	v40 =	vperm.xlane v41, v0;
	v20 =	vld [tilespmem:s1+$0xFFFFFE90]  }
0x1f6: {  	v24 =	vsel vm0, v25, v24;
	v22 =	vsel vm0, v30, v22;
	v25 =	vperm.xlane v43, v0;
	v41 =	vld [tilespmem:s18+$0xFFFFFE90]  }
0x1f7: {  	v28 =	vsel vm0, v28, v29;
	v29 =	vsel vm0, v39, v32;
	v23 =	vsel vm0, v31, v23;
	v30 =	vld [tilespmem:s1+$0xFFFFFEA0]  }
0x1f8: {  	v21 =	vadd.f32 v42, v21;
	v26 =	vsel vm0, v36, v26;
	v32 =	vadd.f32 v37, v33;
	v31 =	vld [tilespmem:s18+$0xFFFFFEA0]  }
0x1f9: {  	v24 =	vadd.f32 v27, v24;
	v22 =	vadd.f32 v35, v22;
	v33 =	vld [tilespmem:s1+$0xFFFFFEB0]  }
0x1fa: {  	v28 =	vadd.f32 v34, v28;
	v23 =	vadd.f32 v38, v23;
	v34 =	vsel vm1, v21, v32;
	v27 =	vld [tilespmem:s18+$0xFFFFFEB0]  }
0x1fb: {  	v29 =	vadd.f32 v40, v29;
	v25 =	vadd.f32 v25, v26;
	v26 =	vsel vm1, v22, v24;
	v35 =	vld [tilespmem:s1+$0xFFFFFEC0]  }
0x1fc: {  	v37 =	vsel vm1, v28, v23;
	v26 =	vperm.xlane v26, v1;
	v34 =	vperm.xlane v34, v1;
	v36 =	vld [tilespmem:s18+$0xFFFFFEC0]  }
0x1fd: {  	v21 =	vsel vm1, v32, v21;
	v32 =	vperm.xlane v37, v1;
	v37 =	vsel vm1, v25, v29;
	v38 =	vld [tilespmem:s1+$0xFFFFFED0]  }
0x1fe: {  	v22 =	vsel vm1, v24, v22;
	v23 =	vsel vm1, v23, v28;
	v24 =	vperm.xlane v37, v1;
	v39 =	vld [tilespmem:s18+$0xFFFFFED0]  }
0x1ff: {  	v25 =	vsel vm1, v29, v25;
	v22 =	vadd.f32 v26, v22;
	v21 =	vadd.f32 v34, v21;
	v28 =	vld [tilespmem:s1+$0xFFFFFEE0]  }
0x200: {  	v23 =	vadd.f32 v32, v23;
	v24 =	vadd.f32 v24, v25;
	v26 =	vld [tilespmem:s18+$0xFFFFFEE0]  }
0x201: {  	v29 =	vsel vm2, v21, v22;
	v21 =	vsel vm2, v22, v21;
	v25 =	vld [tilespmem:s1+$0xFFFFFEF0]  }
0x202: {  	v32 =	vsel vm2, v23, v24;
	v23 =	vsel vm2, v24, v23;
	v21 =	vperm.xlane v21, v2;
	v22 =	vld [tilespmem:s18+$0xFFFFFEF0]  }
0x203: {  	v23 =	vperm.xlane v23, v2;
	v24 =	vld [tilespmem:s1+$0xFFFFFF00]  }
0x204: {  	v21 =	vadd.f32 v21, v29;
	v34 =	vld [tilespmem:s18+$0xFFFFFF00]  }
0x205: {  	v23 =	vadd.f32 v23, v32;
	v29 =	vld [tilespmem:s1+$0xFFFFFF10]  }
0x206: {  	v32 =	vld [tilespmem:s18+$0xFFFFFF10]  }
0x207: {  	v40 =	vsel vm3, v21, v23;
	v21 =	vsel vm3, v23, v21;
	v37 =	vld [tilespmem:s1+$0xFFFFFF20]  }
0x208: {  	v21 =	vperm.xlane v21, v3;
	v23 =	vld [tilespmem:s18+$0xFFFFFF20]  }
0x209: {  	v42 =	vld [tilespmem:s1+$0xFFFFFF30]  }
0x20a: {  	v21 =	vadd.f32 v40, v21;
	v43 =	vld [tilespmem:s18+$0xFFFFFF30]  }
0x20b: {  	v40 =	vld [tilespmem:s1+$0xFFFFFF40]  }
0x20c: {  	v44 =	vld [tilespmem:s18+$0xFFFFFF40];
	[tilespmem:s12+$0xFFFFFFF0] =	vst v21  }
0x20d: {  	v21 =	vld [tilespmem:s1+$0xFFFFFF50]  }
0x20e: {  	v45 =	vld [tilespmem:s18+$0xFFFFFF50]  }
0x20f: {  	v46 =	vld [tilespmem:s1+$0xFFFFFF60]  }
0x210: {  	v47 =	vld [tilespmem:s18+$0xFFFFFF60]  }
0x211: {  	v48 =	vld [tilespmem:s1+$0xFFFFFF70]  }
0x212: {  	v49 =	vld [tilespmem:s18+$0xFFFFFF70]  }
0x213: {  	v50 =	vld [tilespmem:s1+$0xFFFFFF80]  }
0x214: {  	v51 =	vld [tilespmem:s18+$0xFFFFFF80]  }
0x215: {  	v52 =	vld [tilespmem:s1+$0xFFFFFF90]  }
0x216: {  	v53 =	vld [tilespmem:s18+$0xFFFFFF90]  }
0x217: {  	v6 =	vmul.bf16 v7, v6;
	v7 =	vmul.bf16 v9, v8;
	v8 =	vld [tilespmem:s1+$0xFFFFFFA0]  }
0x218: {  	v4 =	vmul.bf16 v4, v10;
	v5 =	vmul.bf16 v5, v11;
	v9 =	vld [tilespmem:s18+$0xFFFFFFA0]  }
0x219: {  	v10 =	vmul.bf16 v13, v12;
	v11 =	vmul.bf16 v15, v14;
	v12 =	vld [tilespmem:s1+$0xFFFFFFB0]  }
0x21a: {  	v13 =	vmul.bf16 v17, v16;
	v14 =	vmul.bf16 v19, v18;
	v15 =	vld [tilespmem:s18+$0xFFFFFFB0]  }
0x21b: {  	v16 =	vmul.bf16 v41, v20;
	v17 =	vmul.bf16 v31, v30;
	v18 =	vld [tilespmem:s1+$0xFFFFFFC0]  }
0x21c: {  	v19 =	vmul.bf16 v27, v33;
	v20 =	vmul.bf16 v36, v35;
	v27 =	vld [tilespmem:s18+$0xFFFFFFC0]  }
0x21d: {  	v30 =	vmul.bf16 v39, v38;
	v26 =	vmul.bf16 v26, v28;
	v28 =	vld [tilespmem:s1+$0xFFFFFFD0]  }
0x21e: {  	v22 =	vmul.bf16 v22, v25;
	v24 =	vmul.bf16 v34, v24;
	v25 =	vld [tilespmem:s18+$0xFFFFFFD0]  }
0x21f: {  	v29 =	vmul.bf16 v32, v29;
	v23 =	vmul.bf16 v23, v37;
	v31 =	vld [tilespmem:s1+$0xFFFFFFE0]  }
0x220: {  	v32 =	vmul.bf16 v43, v42;
	v33 =	vmul.bf16 v44, v40;
	v34 =	vld [tilespmem:s18+$0xFFFFFFE0]  }
0x221: {  	v21 =	vmul.bf16 v45, v21;
	v35 =	vmul.bf16 v47, v46;
	v36 =	vld [tilespmem:s1+$0xFFFFFFF0]  }
0x222: {  	v37 =	vmul.bf16 v49, v48;
	v38 =	vmul.bf16 v51, v50;
	v39 =	vld [tilespmem:s18+$0xFFFFFFF0]  }
0x223: {  	v40 =	vmul.bf16 v53, v52;
	v41 =	vmul.bf16 v9, v8;
	v9 =	vld [tilespmem:s1+$0x0]  }
0x224: {  	v42 =	vadd.bf16 v7, v6;
	v43 =	vadd.bf16 v5, v4;
	v12 =	vmul.bf16 v15, v12;
	v15 =	vld [tilespmem:s18+$0x0]  }
0x225: {  	v14 =	vadd.bf16 v14, v13;
	v44 =	vadd.bf16 v11, v10;
	v10 =	vmul.bf16 v27, v18;
	v4 =	vld [tilespmem:s18+$0xFFFFFC10]  }
0x226: {  	v16 =	vadd.bf16 v17, v16;
	v17 =	vadd.bf16 v20, v19;
	v11 =	vmul.bf16 v25, v28;
	v5 =	vld [tilespmem:s1+$0xFFFFFC20]  }
0x227: {  	v19 =	vadd.bf16 v24, v22;
	v18 =	vadd.bf16 v26, v30;
	v13 =	vmul.bf16 v34, v31;
	v6 =	vld [tilespmem:s18+$0xFFFFFC20]  }
0x228: {  	v20 =	vadd.bf16 v23, v29;
	v22 =	vadd.bf16 v33, v32;
	v23 =	vmul.bf16 v39, v36;
	v7 =	vld [tilespmem:s1+$0xFFFFFC30]  }
0x229: {  	v21 =	vadd.bf16 v35, v21;
	v24 =	vadd.bf16 v38, v37;
	v8 =	vld [tilespmem:s18+$0xFFFFFC30];
	v15 =	vmul.bf16 v15, v9  }
0x22a: {  	v25 =	vadd.bf16 v41, v40;
	v26 =	vadd.bf16 v10, v12;
	v9 =	vld [tilespmem:s1+$0xFFFFFC40]  }
0x22b: {  	v27 =	vunpack.i.u.bf16.f32 v42;
	v28 =	vadd.bf16 v13, v11;
	v10 =	vld [tilespmem:s18+$0xFFFFFC40];
	v29 =	vadd.bf16 v15, v23  }
0x22c: {  	v30 =	vunpack.i.u.bf16.f32 v43;
	v31 =	vunpack.i.l.bf16.f32 v43;
	v23 =	vunpack.i.l.bf16.f32 v42;
	v11 =	vld [tilespmem:s1+$0xFFFFFC50]  }
0x22d: {  	v32 =	vunpack.i.u.bf16.f32 v44;
	v33 =	vunpack.i.l.bf16.f32 v44;
	v34 =	vunpack.i.u.bf16.f32 v14;
	v13 =	vld [tilespmem:s18+$0xFFFFFC50]  }
0x22e: {  	v35 =	vunpack.i.l.bf16.f32 v14;
	v37 =	vunpack.i.l.bf16.f32 v16;
	v36 =	vunpack.i.u.bf16.f32 v16;
	v12 =	vld [tilespmem:s1+$0xFFFFFC60]  }
0x22f: {  	v38 =	vunpack.i.u.bf16.f32 v17;
	v40 =	vunpack.i.u.bf16.f32 v18;
	v39 =	vunpack.i.l.bf16.f32 v17;
	v14 =	vld [tilespmem:s18+$0xFFFFFC60]  }
0x230: {  	v41 =	vunpack.i.l.bf16.f32 v18;
	v43 =	vunpack.i.l.bf16.f32 v19;
	v42 =	vunpack.i.u.bf16.f32 v19;
	v15 =	vld [tilespmem:s1+$0xFFFFFC70]  }
0x231: {  	v44 =	vunpack.i.u.bf16.f32 v20;
	v45 =	vunpack.i.l.bf16.f32 v20;
	v46 =	vunpack.i.u.bf16.f32 v22;
	v17 =	vld [tilespmem:s18+$0xFFFFFC70]  }
0x232: {  	v47 =	vunpack.i.l.bf16.f32 v22;
	v48 =	vunpack.i.u.bf16.f32 v21;
	v49 =	vunpack.i.l.bf16.f32 v21;
	v16 =	vld [tilespmem:s1+$0xFFFFFC80]  }
0x233: {  	v50 =	vunpack.i.u.bf16.f32 v24;
	v24 =	vunpack.i.l.bf16.f32 v24;
	v51 =	vunpack.i.u.bf16.f32 v25;
	v18 =	vld [tilespmem:s18+$0xFFFFFC80]  }
0x234: {  	v25 =	vunpack.i.l.bf16.f32 v25;
	v30 =	vadd.f32 v31, v30;
	v27 =	vadd.f32 v23, v27;
	v19 =	vld [tilespmem:s1+$0xFFFFFC90]  }
0x235: {  	v31 =	vadd.f32 v33, v32;
	v32 =	vadd.f32 v35, v34;
	v33 =	vunpack.i.u.bf16.f32 v26;
	v20 =	vld [tilespmem:s18+$0xFFFFFC90]  }
0x236: {  	v26 =	vunpack.i.l.bf16.f32 v26;
	v34 =	vadd.f32 v37, v36;
	v35 =	vadd.f32 v39, v38;
	v21 =	vld [tilespmem:s1+$0xFFFFFCA0]  }
0x237: {  	s20 =	sadd.s32 $0x2, s20;
	v36 =	vadd.f32 v41, v40;
	v38 =	vunpack.i.u.bf16.f32 v28;
	v37 =	vadd.f32 v43, v42;
	v22 =	vld [tilespmem:s18+$0xFFFFFCA0]  }
0x238: {  	p1 =	slt.u32 s20, $0x6;
	v39 =	vadd.f32 v45, v44;
	v40 =	vadd.f32 v47, v46;
	v28 =	vunpack.i.l.bf16.f32 v28;
	v23 =	vld [tilespmem:s1+$0xFFFFFCB0]  }
0x239: {  	v24 =	vadd.f32 v24, v50;
	v42 =	vadd.f32 v49, v48;
	v43 =	vunpack.i.u.bf16.f32 v29;
	v41 =	vld [tilespmem:s18+$0xFFFFFCB0]  }
0x23a: {  	v25 =	vadd.f32 v25, v51;
	v26 =	vadd.f32 v26, v33;
	v29 =	vunpack.i.l.bf16.f32 v29;
	v44 =	vld [tilespmem:s1+$0xFFFFFCC0]  }
0x23b: {  	v28 =	vadd.f32 v28, v38;
	v29 =	vadd.f32 v29, v43;
	v38 =	vsel vm0, v27, v30;
	v33 =	vld [tilespmem:s18+$0xFFFFFCC0]  }
0x23c: {  	v45 =	vsel vm0, v31, v32;
	v46 =	vsel vm0, v34, v35;
	v47 =	vsel vm0, v36, v37;
	v43 =	vld [tilespmem:s1+$0xFFFFFCD0]  }
0x23d: {  	v51 =	vsel vm0, v25, v26;
	v49 =	vsel vm0, v39, v40;
	v50 =	vsel vm0, v42, v24;
	v48 =	vld [tilespmem:s18+$0xFFFFFCD0]  }
0x23e: {  	v27 =	vsel vm0, v30, v27;
	v30 =	vsel vm0, v32, v31;
	v31 =	vsel vm0, v35, v34;
	v52 =	vld [tilespmem:s1+$0xFFFFFCE0]  }
0x23f: {  	v34 =	vsel vm0, v37, v36;
	v35 =	vsel vm0, v40, v39;
	v24 =	vsel vm0, v24, v42;
	v32 =	vld [tilespmem:s18+$0xFFFFFCE0]  }
0x240: {  	v25 =	vsel vm0, v26, v25;
	v27 =	vperm.xlane v27, v0;
	v30 =	vperm.xlane v30, v0;
	v36 =	vld [tilespmem:s1+$0xFFFFFCF0]  }
0x241: {  	v31 =	vperm.xlane v31, v0;
	v34 =	vperm.xlane v34, v0;
	v37 =	vsel vm0, v29, v28;
	v26 =	vld [tilespmem:s18+$0xFFFFFCF0]  }
0x242: {  	v35 =	vperm.xlane v35, v0;
	v24 =	vperm.xlane v24, v0;
	v27 =	vadd.f32 v27, v38;
	v39 =	vld [tilespmem:s1+$0xFFFFFD00]  }
0x243: {  	v25 =	vperm.xlane v25, v0;
	v30 =	vadd.f32 v30, v45;
	v31 =	vadd.f32 v31, v46;
	v38 =	vld [tilespmem:s18+$0xFFFFFD00]  }
0x244: {  	v34 =	vadd.f32 v34, v47;
	v35 =	vadd.f32 v35, v49;
	v37 =	vperm.xlane v37, v0;
	v40 =	vld [tilespmem:s1+$0xFFFFFD10]  }
0x245: {  	v25 =	vadd.f32 v25, v51;
	v28 =	vsel vm0, v28, v29;
	v24 =	vadd.f32 v24, v50;
	v42 =	vld [tilespmem:s18+$0xFFFFFD10]  }
0x246: {  	v28 =	vadd.f32 v37, v28;
	v37 =	vsel vm1, v27, v30;
	v45 =	vsel vm1, v31, v34;
	v29 =	vld [tilespmem:s1+$0xFFFFFD20]  }
0x247: {  	v27 =	vsel vm1, v30, v27;
	v30 =	vsel vm1, v34, v31;
	v31 =	vsel vm1, v24, v35;
	v46 =	vld [tilespmem:s18+$0xFFFFFD20]  }
0x248: {  	v27 =	vperm.xlane v27, v1;
	v30 =	vperm.xlane v30, v1;
	v47 =	vsel vm1, v28, v25;
	v34 =	vld [tilespmem:s1+$0xFFFFFD30]  }
0x249: {  	v24 =	vsel vm1, v35, v24;
	v31 =	vperm.xlane v31, v1;
	v35 =	vperm.xlane v47, v1;
	v49 =	vld [tilespmem:s18+$0xFFFFFD30]  }
0x24a: {  	v25 =	vsel vm1, v25, v28;
	v27 =	vadd.f32 v27, v37;
	v30 =	vadd.f32 v30, v45;
	v47 =	vld [tilespmem:s1+$0xFFFFFD40]  }
0x24b: {  	v5 =	vmul.bf16 v6, v5;
	v24 =	vadd.f32 v31, v24;
	v25 =	vadd.f32 v35, v25;
	v6 =	vld [tilespmem:s18+$0xFFFFFD40]  }
0x24c: {  	v7 =	vmul.bf16 v8, v7;
	v8 =	vmul.bf16 v10, v9;
	v9 =	vld [tilespmem:s1+$0xFFFFFD50]  }
0x24d: {  	v10 =	vmul.bf16 v13, v11;
	v13 =	vsel vm2, v30, v27;
	v28 =	vsel vm2, v25, v24;
	v11 =	vld [tilespmem:s18+$0xFFFFFD50]  }
0x24e: {  	v8 =	vadd.bf16 v8, v7;
	v13 =	vperm.xlane v13, v2;
	v28 =	vperm.xlane v28, v2;
	v7 =	vld [tilespmem:s1+$0xFFFFFD60]  }
0x24f: {  	v12 =	vmul.bf16 v14, v12;
	v27 =	vsel vm2, v27, v30;
	v24 =	vsel vm2, v24, v25;
	v14 =	vld [tilespmem:s18+$0xFFFFFD60]  }
0x250: {  	v15 =	vmul.bf16 v17, v15;
	v13 =	vadd.f32 v13, v27;
	v24 =	vadd.f32 v28, v24;
	v17 =	vld [tilespmem:s1+$0xFFFFFD70]  }
0x251: {  	v12 =	vadd.bf16 v12, v10;
	v10 =	vmul.bf16 v18, v16;
	v16 =	vmul.bf16 v20, v19;
	v18 =	vld [tilespmem:s18+$0xFFFFFD70]  }
0x252: {  	v19 =	vmul.bf16 v22, v21;
	v20 =	vmul.bf16 v41, v23;
	v22 =	vsel vm3, v24, v13;
	v21 =	vld [tilespmem:s1+$0xFFFFFD80]  }
0x253: {  	v15 =	vadd.bf16 v10, v15;
	v10 =	vmul.bf16 v33, v44;
	v22 =	vperm.xlane v22, v3;
	v23 =	vld [tilespmem:s18+$0xFFFFFD80]  }
0x254: {  	v13 =	vsel vm3, v13, v24;
	v25 =	vmul.bf16 v48, v43;
	v27 =	vmul.bf16 v32, v52;
	v28 =	vld [tilespmem:s1+$0xFFFFFD90]  }
0x255: {  	v13 =	vadd.f32 v13, v22;
	v24 =	vmul.bf16 v26, v36;
	v26 =	vmul.bf16 v38, v39;
	v30 =	vld [tilespmem:s18+$0xFFFFFD90]  }
0x256: {  	s12 =	sadd.s32 $0x20, s12;
	v16 =	vadd.bf16 v19, v16;
	v19 =	vmul.bf16 v42, v40;
	v22 =	vmul.bf16 v46, v29;
	v29 =	vld [tilespmem:s1+$0xFFFFFDA0]  }
0x257: {  	v20 =	vadd.bf16 v10, v20;
	v10 =	vmul.bf16 v49, v34;
	v6 =	vmul.bf16 v6, v47;
	v31 =	vld [tilespmem:s18+$0xFFFFFDA0];
	[tilespmem:s12+$0x0] =	vst v13  }
0x258: {  	v27 =	vadd.bf16 v27, v25;
	v11 =	vmul.bf16 v11, v9;
	v7 =	vmul.bf16 v14, v7;
	v25 =	vld [tilespmem:s1+$0xFFFFFDB0]  }
0x259: {  	v26 =	vadd.bf16 v26, v24;
	v13 =	vmul.bf16 v18, v17;
	v14 =	vmul.bf16 v23, v21;
	v17 =	vld [tilespmem:s18+$0xFFFFFDB0]  }
0x25a: {  	v6 =	vadd.bf16 v6, v10;
	v18 =	vadd.bf16 v22, v19;
	v19 =	vmul.bf16 v30, v28;
	v22 =	vld [tilespmem:s1+$0xFFFFFDC0]  }
0x25b: {  	v9 =	vunpack.i.u.bf16.f32 v8;
	v28 =	vadd.bf16 v7, v11;
	v7 =	vadd.bf16 v14, v13;
	v23 =	vld [tilespmem:s18+$0xFFFFFDC0]  }
0x25c: {  	v10 =	vunpack.i.l.bf16.f32 v8;
	v13 =	vunpack.i.u.bf16.f32 v12;
	v8 =	vmul.bf16 v31, v29;
	v29 =	vld [tilespmem:s1+$0xFFFFFDD0]  }
0x25d: {  	v21 =	vunpack.i.l.bf16.f32 v12;
	v11 =	vunpack.i.u.bf16.f32 v15;
	v12 =	vunpack.i.l.bf16.f32 v15;
	v31 =	vld [tilespmem:s18+$0xFFFFFDD0]  }
0x25e: {  	v14 =	vunpack.i.u.bf16.f32 v16;
	v8 =	vadd.bf16 v8, v19;
	v32 =	vmul.bf16 v17, v25;
	v37 =	vld [tilespmem:s1+$0xFFFFFDE0]  }
0x25f: {  	v24 =	vunpack.i.l.bf16.f32 v20;
	v25 =	vunpack.i.l.bf16.f32 v16;
	v19 =	vunpack.i.u.bf16.f32 v20;
	v38 =	vld [tilespmem:s18+$0xFFFFFDE0]  }
.Ltmp1:
0x260: {  	v16 =	vunpack.i.u.bf16.f32 v27;
	v20 =	vunpack.i.l.bf16.f32 v27;
	v23 =	vmul.bf16 v23, v22;
	v30 =	vld [tilespmem:s1+$0xFFFFFDF0];
	(pc) =	sbr.rel @p1 .LBB2_5-.Ltmp1, $4  }
0x261: {  	v15 =	vunpack.i.u.bf16.f32 v18;
	v22 =	vunpack.i.u.bf16.f32 v26;
	v26 =	vunpack.i.l.bf16.f32 v26;
	v33 =	vld [tilespmem:s18+$0xFFFFFDF0]  }
0x262: {  	v17 =	vunpack.i.l.bf16.f32 v18;
	v32 =	vadd.bf16 v23, v32;
	v36 =	vmul.bf16 v31, v29;
	v31 =	vld [tilespmem:s1+$0xFFFFFE00]  }
0x263: {  	v27 =	vunpack.i.l.bf16.f32 v6;
	v18 =	vunpack.i.u.bf16.f32 v28;
	v23 =	vunpack.i.u.bf16.f32 v6;
	v34 =	vld [tilespmem:s18+$0xFFFFFE00]  }
0x264: {  	v28 =	vunpack.i.l.bf16.f32 v28;
	v29 =	vunpack.i.u.bf16.f32 v7;
	v35 =	vld [tilespmem:s1+$0xFFFFFC10];
	v37 =	vmul.bf16 v38, v37;
	s1 =	sadd.s32 $0x400, s1  }
0x265: {  	v6 =	vunpack.i.l.bf16.f32 v7  }
0x266: {  	v7 =	vunpack.i.u.bf16.f32 v8;
	v9 =	vadd.f32 v10, v9;
	v10 =	vadd.f32 v21, v13  }
0x267: {  	v8 =	vunpack.i.l.bf16.f32 v8;
	v11 =	vadd.f32 v12, v11;
	v12 =	vadd.f32 v25, v14  }
0x268: {  	v38 =	vunpack.i.u.bf16.f32 v32;
	v19 =	vadd.f32 v24, v19;
	v15 =	vadd.f32 v17, v15  }
0x269: {  	v13 =	vunpack.i.l.bf16.f32 v32;
	v18 =	vadd.f32 v28, v18;
	v36 =	vadd.bf16 v37, v36  }
0x26a: {  	v30 =	vmul.bf16 v33, v30;
	v6 =	vadd.f32 v6, v29;
	v7 =	vadd.f32 v8, v7  }
0x26b: {  	v21 =	vmul.bf16 v34, v31;
	v14 =	vunpack.i.u.bf16.f32 v36;
	v24 =	vunpack.i.l.bf16.f32 v36  }
0x26c: {  	v8 =	vadd.f32 v13, v38;
	v4 =	vmul.bf16 v4, v35;
	v14 =	vadd.f32 v24, v14  }
0x26d: {  	v24 =	vsel vm0, v6, v18;
	v6 =	vsel vm0, v18, v6;
	v21 =	vadd.bf16 v21, v30  }
0x26e: {  	v4 =	vadd.bf16 v5, v4;
	v5 =	vadd.f32 v20, v16;
	v16 =	vsel vm0, v11, v10  }
0x26f: {  	v20 =	vadd.f32 v26, v22;
	v26 =	vsel vm0, v8, v7;
	v10 =	vsel vm0, v10, v11  }
0x270: {  	v11 =	vperm.xlane v24, v0;
	v7 =	vsel vm0, v7, v8;
	v22 =	vunpack.i.u.bf16.f32 v21  }
0x271: {  	v17 =	vunpack.i.l.bf16.f32 v21;
	v21 =	vadd.f32 v27, v23;
	v23 =	vsel vm0, v19, v12  }
0x272: {  	v16 =	vperm.xlane v16, v0;
	v24 =	vperm.xlane v26, v0;
	v12 =	vsel vm0, v12, v19  }
0x273: {  	v25 =	vunpack.i.u.bf16.f32 v4;
	v4 =	vunpack.i.l.bf16.f32 v4;
	v17 =	vadd.f32 v17, v22  }
0x274: {  	v23 =	vperm.xlane v23, v0;
	v6 =	vadd.f32 v11, v6;
	v4 =	vadd.f32 v4, v25  }
0x275: {  	v25 =	vsel vm0, v20, v5;
	v22 =	vsel vm0, v21, v15;
	v5 =	vsel vm0, v5, v20  }
0x276: {  	v15 =	vsel vm0, v15, v21;
	v8 =	vadd.f32 v16, v10;
	v22 =	vperm.xlane v22, v0  }
0x277: {  	v13 =	vsel vm0, v9, v4;
	v4 =	vsel vm0, v4, v9;
	v9 =	vperm.xlane v25, v0  }
0x278: {  	v27 =	vsel vm0, v17, v14;
	v12 =	vadd.f32 v23, v12;
	v13 =	vperm.xlane v13, v0  }
0x279: {  	v19 =	vperm.xlane v27, v0;
	v5 =	vadd.f32 v9, v5;
	v9 =	vadd.f32 v22, v15  }
0x27a: {  	v7 =	vadd.f32 v24, v7;
	v10 =	vsel vm0, v14, v17;
	v4 =	vadd.f32 v13, v4  }
0x27b: {  	v10 =	vadd.f32 v19, v10;
	v13 =	vsel vm1, v5, v12;
	v14 =	vsel vm1, v6, v9  }
0x27c: {  	v5 =	vsel vm1, v12, v5;
	v11 =	vsel vm1, v8, v4;
	v13 =	vperm.xlane v13, v1  }
0x27d: {  	v4 =	vsel vm1, v4, v8;
	v8 =	vperm.xlane v14, v1;
	v14 =	vsel vm1, v10, v7  }
0x27e: {  	v6 =	vsel vm1, v9, v6;
	v11 =	vperm.xlane v11, v1;
	v9 =	vperm.xlane v14, v1  }
0x27f: {  	v7 =	vsel vm1, v7, v10;
	v5 =	vadd.f32 v13, v5;
	v6 =	vadd.f32 v8, v6  }
0x280: {  	v4 =	vadd.f32 v11, v4;
	v7 =	vadd.f32 v9, v7;
	_ =	sdelay $0x1  }
0x281: {  	v8 =	vsel vm2, v5, v4;
	v9 =	vsel vm2, v7, v6  }
0x282: {  	v8 =	vperm.xlane v8, v2;
	v9 =	vperm.xlane v9, v2  }
0x283: {  	v4 =	vsel vm2, v4, v5;
	v5 =	vsel vm2, v6, v7  }
0x284: {  	v4 =	vadd.f32 v8, v4;
	v5 =	vadd.f32 v9, v5;
	_ =	sdelay $0x1  }
0x285: {  	v6 =	vsel vm3, v5, v4  }
0x286: {  	v6 =	vperm.xlane v6, v3  }
0x287: {  	v4 =	vsel vm3, v4, v5  }
0x288: {  	v4 =	vadd.f32 v4, v6;
	_ =	sdelay $0x1  }
0x289: {  	s1 =	sadd.s32 @!p0 $0x280, s17;
	s18 =	simm.s32 @!p0 $0xD800;
	[tilespmem:s12+$0xFFFFFFF0] =	vst v4;
	s12 =	simm.s32 @!p0 $0x80  }
0x28a: {  	[tilespmem:s18], [sflag:$0x2] =	stream.indirect.gather @!p0 [hbm4b:s3+s12], $0x20, s1, s12, $0xb8;
	[tilespmem:$0x1AC00] =	vst v63  }
0x28b: {  	s1 =	sadd.s32 @!p0 $0x6680, s17;
	s18 =	simm.s32 @!p0 $0x11800  }
0x28c: {  	[tilespmem:s18], [sflag:$0x6] =	stream.indirect.gather @!p0 [hbm4b:s4+s12], $0x20, s1, s12, $0xb8;
	[tilespmem:$0x1AC00] =	vst v63  }
0x28d: {  	_ =	swait.ge [sflag:s28], $0x1000  }
0x28e: {  	[sflag:s28] =	ssyncset.done $0x0  }
0x28f: {  	[sflag:s28] =	ssyncadd.s32 $0xFFFFF000  }
0x290: {  	_ =	swait.ge [sflag:s29], $0x1000  }
0x291: {  	[sflag:s29] =	ssyncset.done $0x0  }
0x292: {  	s12 =	simm.s32 $0xEBF0;
	[sflag:s29] =	ssyncadd.s32 $0xFFFFF000  }
0x293: {  	s18 =	simm.s32 $0x12BF0;
	v4 =	vld [tilespmem:s12+$0xFFFFFE10]  }
0x294: {  	v5 =	vld [tilespmem:s18+$0xFFFFFE10]  }
0x295: {  	v6 =	vld [tilespmem:s12+$0xFFFFFE20]  }
0x296: {  	v7 =	vld [tilespmem:s18+$0xFFFFFE20]  }
0x297: {  	v8 =	vld [tilespmem:s12+$0xFFFFFE30]  }
0x298: {  	v9 =	vld [tilespmem:s18+$0xFFFFFE30]  }
0x299: {  	v10 =	vld [tilespmem:s12+$0xFFFFFE40]  }
0x29a: {  	v11 =	vld [tilespmem:s18+$0xFFFFFE40]  }
0x29b: {  	v12 =	vld [tilespmem:s12+$0xFFFFFE50]  }
0x29c: {  	v13 =	vld [tilespmem:s18+$0xFFFFFE50]  }
0x29d: {  	v14 =	vld [tilespmem:s12+$0xFFFFFE60]  }
0x29e: {  	v15 =	vld [tilespmem:s18+$0xFFFFFE60]  }
0x29f: {  	v16 =	vld [tilespmem:s12+$0xFFFFFE70]  }
0x2a0: {  	v17 =	vld [tilespmem:s18+$0xFFFFFE70]  }
0x2a1: {  	v18 =	vld [tilespmem:s12+$0xFFFFFE80]  }
0x2a2: {  	v19 =	vld [tilespmem:s18+$0xFFFFFE80]  }
0x2a3: {  	v20 =	vld [tilespmem:s12+$0xFFFFFE90]  }
0x2a4: {  	v21 =	vld [tilespmem:s18+$0xFFFFFE90]  }
0x2a5: {  	v22 =	vld [tilespmem:s12+$0xFFFFFEA0]  }
0x2a6: {  	v23 =	vld [tilespmem:s18+$0xFFFFFEA0]  }
0x2a7: {  	v24 =	vld [tilespmem:s12+$0xFFFFFEB0]  }
0x2a8: {  	v25 =	vld [tilespmem:s18+$0xFFFFFEB0]  }
0x2a9: {  	v26 =	vld [tilespmem:s12+$0xFFFFFEC0]  }
0x2aa: {  	v27 =	vld [tilespmem:s18+$0xFFFFFEC0]  }
0x2ab: {  	v28 =	vld [tilespmem:s12+$0xFFFFFED0]  }
0x2ac: {  	v29 =	vld [tilespmem:s18+$0xFFFFFED0]  }
0x2ad: {  	v30 =	vld [tilespmem:s12+$0xFFFFFEE0]  }
0x2ae: {  	v31 =	vld [tilespmem:s18+$0xFFFFFEE0]  }
0x2af: {  	v60 =	vld [tilespmem:s12+$0xFFFFFEF0]  }
0x2b0: {  	v61 =	vld [tilespmem:s18+$0xFFFFFEF0]  }
0x2b1: {  	v62 =	vld [tilespmem:s12+$0xFFFFFF00]  }
0x2b2: {  	v63 =	vld [tilespmem:s18+$0xFFFFFF00]  }
0x2b3: {  	v56 =	vld [tilespmem:s12+$0xFFFFFF10]  }
0x2b4: {  	v57 =	vld [tilespmem:s18+$0xFFFFFF10]  }
0x2b5: {  	v58 =	vld [tilespmem:s12+$0xFFFFFF20]  }
0x2b6: {  	v39 =	vld [tilespmem:s18+$0xFFFFFF20]  }
0x2b7: {  	v40 =	vld [tilespmem:s12+$0xFFFFFF30]  }
0x2b8: {  	v41 =	vld [tilespmem:s18+$0xFFFFFF30]  }
0x2b9: {  	v42 =	vld [tilespmem:s12+$0xFFFFFF40]  }
0x2ba: {  	v43 =	vld [tilespmem:s18+$0xFFFFFF40]  }
0x2bb: {  	v44 =	vld [tilespmem:s12+$0xFFFFFF50]  }
0x2bc: {  	v45 =	vld [tilespmem:s18+$0xFFFFFF50]  }
0x2bd: {  	v46 =	vld [tilespmem:s12+$0xFFFFFF60]  }
0x2be: {  	v47 =	vld [tilespmem:s18+$0xFFFFFF60]  }
0x2bf: {  	v48 =	vld [tilespmem:s12+$0xFFFFFF70]  }
0x2c0: {  	v49 =	vld [tilespmem:s18+$0xFFFFFF70]  }
0x2c1: {  	v50 =	vld [tilespmem:s12+$0xFFFFFF80]  }
0x2c2: {  	v51 =	vld [tilespmem:s18+$0xFFFFFF80]  }
0x2c3: {  	v52 =	vld [tilespmem:s12+$0xFFFFFF90]  }
0x2c4: {  	v53 =	vld [tilespmem:s18+$0xFFFFFF90]  }
0x2c5: {  	v35 =	vld [tilespmem:s18+$0xFFFFFC60]  }
0x2c6: {  	v38 =	vld [tilespmem:s12+$0xFFFFFC70]  }
0x2c7: {  	v32 =	vld [tilespmem:s12+$0xFFFFFCA0];
	v4 =	vmul.bf16 v5, v4  }
0x2c8: {  	v33 =	vld [tilespmem:s18+$0xFFFFFCA0];
	v5 =	vmul.bf16 v7, v6;
	v7 =	vmul.bf16 v9, v8  }
0x2c9: {  	v36 =	vld [tilespmem:s12+$0xFFFFFCB0];
	v8 =	vmul.bf16 v11, v10;
	v10 =	vmul.bf16 v13, v12  }
0x2ca: {  	v37 =	vld [tilespmem:s18+$0xFFFFFCB0];
	v11 =	vmul.bf16 v15, v14;
	v13 =	vmul.bf16 v17, v16  }
0x2cb: {  	v6 =	vld [tilespmem:s12+$0xFFFFFFA0];
	v14 =	vmul.bf16 v19, v18;
	v16 =	vmul.bf16 v21, v20  }
0x2cc: {  	v9 =	vld [tilespmem:s18+$0xFFFFFFA0];
	v17 =	vmul.bf16 v23, v22;
	v19 =	vmul.bf16 v25, v24  }
0x2cd: {  	v12 =	vld [tilespmem:s12+$0xFFFFFFB0];
	v20 =	vmul.bf16 v27, v26;
	v22 =	vmul.bf16 v29, v28  }
0x2ce: {  	v15 =	vld [tilespmem:s18+$0xFFFFFFB0];
	v23 =	vmul.bf16 v31, v30;
	v25 =	vmul.bf16 v61, v60  }
0x2cf: {  	v18 =	vld [tilespmem:s12+$0xFFFFFFC0];
	v26 =	vmul.bf16 v63, v62;
	v28 =	vmul.bf16 v57, v56  }
0x2d0: {  	v21 =	vld [tilespmem:s18+$0xFFFFFFC0];
	v29 =	vmul.bf16 v39, v58;
	v31 =	vmul.bf16 v41, v40  }
0x2d1: {  	v24 =	vld [tilespmem:s12+$0xFFFFFFD0];
	v59 =	vmul.bf16 v43, v42;
	v61 =	vmul.bf16 v45, v44  }
0x2d2: {  	v27 =	vld [tilespmem:s18+$0xFFFFFFD0];
	v62 =	vmul.bf16 v47, v46;
	v56 =	vadd.bf16 v5, v4;
	v57 =	vadd.bf16 v8, v7  }
0x2d3: {  	v30 =	vld [tilespmem:s12+$0xFFFFFFE0];
	v49 =	vmul.bf16 v49, v48;
	v58 =	vadd.bf16 v11, v10;
	v13 =	vadd.bf16 v14, v13  }
0x2d4: {  	v60 =	vld [tilespmem:s18+$0xFFFFFFE0];
	v50 =	vmul.bf16 v51, v50;
	v14 =	vadd.bf16 v17, v16;
	v16 =	vadd.bf16 v20, v19  }
0x2d5: {  	v63 =	vld [tilespmem:s12+$0xFFFFFFF0];
	v54 =	vmul.bf16 v53, v52;
	v17 =	vadd.bf16 v23, v22;
	v20 =	vadd.bf16 v29, v28  }
0x2d6: {  	v51 =	vld [tilespmem:s18+$0xFFFFFFF0];
	v23 =	vadd.bf16 v62, v61;
	v28 =	vunpack.i.u.bf16.f32 v57;
	v29 =	vunpack.i.l.bf16.f32 v57  }
0x2d7: {  	v40 =	vld [tilespmem:s18+$0xFFFFFC70];
	v61 =	vunpack.i.u.bf16.f32 v14;
	v14 =	vunpack.i.l.bf16.f32 v14;
	v62 =	vunpack.i.u.bf16.f32 v16  }
0x2d8: {  	v43 =	vld [tilespmem:s12+$0xFFFFFC80];
	v16 =	vunpack.i.l.bf16.f32 v16;
	v53 =	vunpack.i.u.bf16.f32 v20;
	v55 =	vmul.bf16 v9, v6  }
0x2d9: {  	v45 =	vld [tilespmem:s18+$0xFFFFFC80];
	v20 =	vunpack.i.l.bf16.f32 v20;
	v12 =	vmul.bf16 v15, v12;
	v10 =	vmul.bf16 v21, v18  }
0x2da: {  	v48 =	vld [tilespmem:s12+$0xFFFFFC90];
	v11 =	vmul.bf16 v27, v24;
	v18 =	vadd.bf16 v26, v25;
	v19 =	vmul.bf16 v60, v30  }
0x2db: {  	v41 =	vld [tilespmem:s12+$0xFFFFFCC0];
	v21 =	vadd.bf16 v59, v31;
	v22 =	vmul.bf16 v51, v63;
	v24 =	vadd.bf16 v50, v49  }
0x2dc: {  	v39 =	vld [tilespmem:s12+$0xFFFFFCD0];
	v27 =	vunpack.i.u.bf16.f32 v56;
	v60 =	vunpack.i.u.bf16.f32 v13;
	v13 =	vunpack.i.l.bf16.f32 v13  }
0x2dd: {  	v47 =	vld [tilespmem:s18+$0xFFFFFCD0];
	v63 =	vunpack.i.u.bf16.f32 v17;
	v14 =	vadd.f32 v14, v61;
	v16 =	vadd.f32 v16, v62  }
0x2de: {  	v7 =	vld [tilespmem:s12+$0xFFFFFC30];
	v17 =	vunpack.i.l.bf16.f32 v17;
	v20 =	vadd.f32 v20, v53;
	v13 =	vadd.f32 v13, v60  }
0x2df: {  	v8 =	vld [tilespmem:s18+$0xFFFFFC30];
	v31 =	vunpack.i.u.bf16.f32 v58;
	v17 =	vadd.f32 v17, v63;
	v25 =	vadd.bf16 v55, v54  }
0x2e0: {  	v9 =	vld [tilespmem:s12+$0x0];
	v59 =	vunpack.i.l.bf16.f32 v58;
	v26 =	vadd.bf16 v10, v12;
	v19 =	vadd.bf16 v19, v11  }
0x2e1: {  	v15 =	vld [tilespmem:s18+$0x0];
	v52 =	vunpack.i.u.bf16.f32 v18;
	v18 =	vunpack.i.l.bf16.f32 v18;
	v54 =	vunpack.i.u.bf16.f32 v21  }
0x2e2: {  	v5 =	vld [tilespmem:s12+$0xFFFFFC20];
	v21 =	vunpack.i.l.bf16.f32 v21;
	v55 =	vunpack.i.u.bf16.f32 v23;
	v23 =	vunpack.i.l.bf16.f32 v23  }
0x2e3: {  	v6 =	vld [tilespmem:s18+$0xFFFFFC20];
	v62 =	vsel vm0, v14, v16;
	v14 =	vsel vm0, v16, v14;
	v18 =	vadd.f32 v18, v52  }
0x2e4: {  	v30 =	vld [tilespmem:s18+$0xFFFFFC50];
	v7 =	vmul.bf16 v8, v7;
	v21 =	vadd.f32 v21, v54;
	v23 =	vadd.f32 v23, v55  }
0x2e5: {  	v53 =	vld [tilespmem:s18+$0xFFFFFD30];
	v14 =	vperm.xlane v14, v0;
	v57 =	vunpack.i.u.bf16.f32 v25;
	v25 =	vunpack.i.l.bf16.f32 v25  }
0x2e6: {  	v12 =	vld [tilespmem:s12+$0xFFFFFC60];
	v58 =	vunpack.i.u.bf16.f32 v19;
	v19 =	vunpack.i.l.bf16.f32 v19;
	v15 =	vmul.bf16 v15, v9  }
0x2e7: {  	v10 =	vld [tilespmem:s18+$0xFFFFFC40];
	v25 =	vadd.f32 v25, v57;
	v19 =	vadd.f32 v19, v58;
	v63 =	vsel vm0, v17, v18  }
0x2e8: {  	v11 =	vld [tilespmem:s12+$0xFFFFFC50];
	v17 =	vsel vm0, v18, v17;
	v18 =	vsel vm0, v21, v20;
	v5 =	vmul.bf16 v6, v5  }
0x2e9: {  	v16 =	vld [tilespmem:s18+$0xFFFFFCE0];
	v14 =	vadd.f32 v14, v62;
	v17 =	vperm.xlane v17, v0;
	v18 =	vperm.xlane v18, v0  }
0x2ea: {  	v54 =	vld [tilespmem:s12+$0xFFFFFD40];
	v15 =	vadd.bf16 v15, v22;
	v22 =	vunpack.i.l.bf16.f32 v56;
	v56 =	vunpack.i.u.bf16.f32 v24  }
0x2eb: {  	v9 =	vld [tilespmem:s12+$0xFFFFFC40];
	v24 =	vunpack.i.l.bf16.f32 v24;
	v12 =	vmul.bf16 v35, v12;
	v22 =	vadd.f32 v22, v27  }
0x2ec: {  	v62 =	vld [tilespmem:s18+$0xFFFFFD20];
	v27 =	vadd.f32 v29, v28;
	v29 =	vadd.f32 v59, v31;
	v31 =	vunpack.i.u.bf16.f32 v26  }
0x2ed: {  	v6 =	vld [tilespmem:s18+$0xFFFFFD40];
	v26 =	vunpack.i.l.bf16.f32 v26;
	v24 =	vadd.f32 v24, v56;
	v56 =	vsel vm0, v20, v21  }
0x2ee: {  	v28 =	vld [tilespmem:s18+$0xFFFFFC90];
	v17 =	vadd.f32 v17, v63;
	v59 =	vunpack.i.u.bf16.f32 v15;
	v26 =	vadd.f32 v26, v31  }
0x2ef: {  	v21 =	vld [tilespmem:s12+$0xFFFFFCF0];
	v15 =	vunpack.i.l.bf16.f32 v15;
	v18 =	vadd.f32 v18, v56;
	v56 =	vmul.bf16 v47, v39  }
0x2f0: {  	v31 =	vld [tilespmem:s18+$0xFFFFFCC0];
	v15 =	vadd.f32 v15, v59;
	v60 =	vsel vm0, v22, v27;
	v61 =	vsel vm0, v29, v13  }
0x2f1: {  	v57 =	vsel vm0, v23, v24;
	v59 =	vld [tilespmem:s12+$0xFFFFFCE0];
	v22 =	vsel vm0, v27, v22;
	v13 =	vsel vm0, v13, v29  }
0x2f2: {  	v20 =	vsel vm0, v24, v23;
	v24 =	vld [tilespmem:s18+$0xFFFFFCF0];
	v8 =	vmul.bf16 v10, v9;
	v10 =	vmul.bf16 v30, v11  }
0x2f3: {  	v27 =	vld [tilespmem:s18+$0xFFFFFD00];
	v6 =	vmul.bf16 v6, v54;
	v58 =	vsel vm0, v25, v26;
	v22 =	vperm.xlane v22, v0  }
0x2f4: {  	v29 =	vld [tilespmem:s12+$0xFFFFFD10];
	v13 =	vperm.xlane v13, v0;
	v23 =	vsel vm0, v26, v25;
	v20 =	vperm.xlane v20, v0  }
0x2f5: {  	v9 =	vld [tilespmem:s12+$0xFFFFFD50];
	v25 =	vsel vm0, v15, v19;
	v23 =	vperm.xlane v23, v0;
	v8 =	vadd.bf16 v8, v7  }
0x2f6: {  	v11 =	vld [tilespmem:s18+$0xFFFFFD50];
	v15 =	vsel vm0, v19, v15;
	v12 =	vadd.bf16 v12, v10;
	v22 =	vadd.f32 v22, v60  }
0x2f7: {  	v30 =	vld [tilespmem:s12+$0xFFFFFD80];
	v13 =	vadd.f32 v13, v61;
	v25 =	vperm.xlane v25, v0;
	v20 =	vadd.f32 v20, v57  }
0x2f8: {  	v26 =	vld [tilespmem:s12+$0xFFFFFD00];
	v61 =	vsel vm1, v14, v17;
	v14 =	vsel vm1, v17, v14;
	v23 =	vadd.f32 v23, v58  }
0x2f9: {  	v19 =	vld [tilespmem:s12+$0xFFFFFD20];
	v15 =	vadd.f32 v25, v15;
	v25 =	vsel vm1, v22, v13;
	v13 =	vsel vm1, v13, v22  }
0x2fa: {  	v7 =	vld [tilespmem:s12+$0xFFFFFD60];
	v14 =	vperm.xlane v14, v1;
	v17 =	vsel vm1, v20, v18;
	v13 =	vperm.xlane v13, v1  }
0x2fb: {  	v60 =	vld [tilespmem:s18+$0xFFFFFD10];
	v18 =	vsel vm1, v18, v20;
	v17 =	vperm.xlane v17, v1;
	v63 =	vsel vm1, v15, v23  }
0x2fc: {  	v57 =	vld [tilespmem:s12+$0xFFFFFD90];
	v14 =	vadd.f32 v14, v61;
	v20 =	vperm.xlane v63, v1;
	v13 =	vadd.f32 v13, v25  }
0x2fd: {  	v10 =	vmul.bf16 v45, v43;
	v22 =	vld [tilespmem:s12+$0xFFFFFD30];
	v16 =	vmul.bf16 v16, v59;
	v15 =	vsel vm1, v23, v15  }
0x2fe: {  	v23 =	vld [tilespmem:s18+$0xFFFFFD60];
	v17 =	vadd.f32 v17, v18;
	v15 =	vadd.f32 v20, v15;
	v18 =	vsel vm2, v14, v13  }
0x2ff: {  	v19 =	vmul.bf16 v62, v19;
	v62 =	vld [tilespmem:s12+$0xFFFFFDE0];
	v13 =	vsel vm2, v13, v14;
	v18 =	vperm.xlane v18, v2  }
0x300: {  	v63 =	vld [tilespmem:s18+$0xFFFFFDE0];
	v20 =	vsel vm2, v15, v17;
	v14 =	vsel vm2, v17, v15;
	v15 =	vmul.bf16 v40, v38  }
0x301: {  	v25 =	vmul.bf16 v33, v32;
	v17 =	vld [tilespmem:s12+$0xFFFFFD70];
	v20 =	vperm.xlane v20, v2;
	v13 =	vadd.f32 v18, v13  }
0x302: {  	v18 =	vmul.bf16 v28, v48;
	v15 =	vadd.bf16 v10, v15;
	v10 =	vmul.bf16 v31, v41;
	v31 =	vld [tilespmem:s18+$0xFFFFFD80]  }
0x303: {  	v11 =	vmul.bf16 v11, v9;
	v9 =	vunpack.i.u.bf16.f32 v8;
	v14 =	vadd.f32 v20, v14;
	v20 =	vld [tilespmem:s18+$0xFFFFFD70]  }
0x304: {  	v7 =	vmul.bf16 v23, v7;
	v28 =	vmul.bf16 v37, v36;
	v18 =	vadd.bf16 v25, v18;
	v25 =	vld [tilespmem:s12+$0xFFFFFDA0]  }
0x305: {  	v55 =	vsel vm3, v14, v13;
	v13 =	vsel vm3, v13, v14;
	v14 =	vmul.bf16 v24, v21;
	v24 =	vld [tilespmem:s18+$0xFFFFFD90]  }
0x306: {  	v21 =	vmul.bf16 v27, v26;
	v26 =	vadd.bf16 v10, v28;
	v10 =	vmul.bf16 v53, v22;
	v22 =	vld [tilespmem:s18+$0xFFFFFDA0]  }
0x307: {  	v37 =	vmul.bf16 v63, v62;
	v27 =	vadd.bf16 v16, v56;
	v16 =	vld [tilespmem:s12+$0xFFFFFDB0];
	v32 =	vperm.xlane v55, v3  }
0x308: {  	v59 =	vadd.bf16 v7, v11;
	v23 =	vadd.bf16 v21, v14;
	v14 =	vmul.bf16 v20, v17;
	v20 =	vld [tilespmem:s18+$0xFFFFFDB0]  }
0x309: {  	v11 =	vunpack.i.u.bf16.f32 v15;
	v58 =	vadd.f32 v13, v32;
	v13 =	vmul.bf16 v60, v29;
	v29 =	vld [tilespmem:s12+$0xFFFFFDC0]  }
0x30a: {  	v6 =	vadd.bf16 v6, v10;
	v10 =	vunpack.i.l.bf16.f32 v8;
	v17 =	vmul.bf16 v31, v30;
	v31 =	vld [tilespmem:s12+$0xFFFFFDD0]  }
0x30b: {  	v21 =	vunpack.i.l.bf16.f32 v12;
	v60 =	vld [tilespmem:s18+$0xFFFFFDD0];
	v28 =	vadd.bf16 v19, v13;
	v19 =	vmul.bf16 v24, v57  }
0x30c: {  	v7 =	vadd.bf16 v17, v14;
	v17 =	vld [tilespmem:s18+$0xFFFFFDC0];
	v13 =	vunpack.i.u.bf16.f32 v12;
	v8 =	vmul.bf16 v22, v25  }
0x30d: {  	v12 =	vunpack.i.l.bf16.f32 v15;
	v14 =	vunpack.i.u.bf16.f32 v18;
	v25 =	vunpack.i.l.bf16.f32 v18  }
0x30e: {  	v34 =	vld [tilespmem:s18+$0xFFFFFE00];
	v24 =	vunpack.i.l.bf16.f32 v26;
	v22 =	vunpack.i.u.bf16.f32 v23;
	v8 =	vadd.bf16 v8, v19  }
0x30f: {  	v33 =	vld [tilespmem:s18+$0xFFFFFDF0];
	v19 =	vunpack.i.u.bf16.f32 v26;
	v26 =	vunpack.i.l.bf16.f32 v23;
	v15 =	vunpack.i.u.bf16.f32 v28  }
0x310: {  	v30 =	vld [tilespmem:s12+$0xFFFFFDF0];
	v23 =	vunpack.i.u.bf16.f32 v6;
	v61 =	vmul.bf16 v20, v16;
	v16 =	vunpack.i.u.bf16.f32 v27  }
0x311: {  	v4 =	vld [tilespmem:s18+$0xFFFFFC10];
	v20 =	vunpack.i.l.bf16.f32 v27;
	v36 =	vmul.bf16 v60, v31;
	v18 =	vmul.bf16 v17, v29  }
0x312: {  	v31 =	vld [tilespmem:s12+$0xFFFFFE00];
	v27 =	vunpack.i.l.bf16.f32 v6;
	v17 =	vunpack.i.l.bf16.f32 v28;
	v28 =	vunpack.i.l.bf16.f32 v59  }
0x313: {  	s20 =	simm.s32 $0x0;
	s1 =	simm.s32 $0xEFF0;
	v35 =	vld [tilespmem:s12+$0xFFFFFC10];
	[tilespmem:s14+$0x0] =	vst v58;
	s12 =	smov.u32 s14;
	v29 =	vunpack.i.u.bf16.f32 v7;
	v32 =	vadd.bf16 v18, v61;
	v18 =	vunpack.i.u.bf16.f32 v59  }
.LBB2_7:
0x314: {  	v6 =	vld [tilespmem:s1+$0xFFFFFE10];
	v38 =	vunpack.i.l.bf16.f32 v7;
	v39 =	vunpack.i.u.bf16.f32 v8;
	v40 =	vunpack.i.l.bf16.f32 v8;
	s18 =	sadd.s32 $0x400, s18  }
0x315: {  	v41 =	vunpack.i.u.bf16.f32 v32;
	v7 =	vld [tilespmem:s18+$0xFFFFFE10];
	v36 =	vadd.bf16 v37, v36;
	v30 =	vmul.bf16 v33, v30  }
0x316: {  	v21 =	vadd.f32 v21, v13;
	v32 =	vunpack.i.l.bf16.f32 v32;
	v33 =	vadd.f32 v10, v9;
	v8 =	vld [tilespmem:s1+$0xFFFFFE20]  }
0x317: {  	v9 =	vld [tilespmem:s18+$0xFFFFFE20];
	v37 =	vunpack.i.u.bf16.f32 v36;
	v36 =	vunpack.i.l.bf16.f32 v36;
	v13 =	vmul.bf16 v34, v31  }
0x318: {  	v25 =	vadd.f32 v25, v14;
	v34 =	vadd.f32 v12, v11;
	v10 =	vld [tilespmem:s1+$0xFFFFFE30];
	v31 =	vmul.bf16 v4, v35  }
0x319: {  	v24 =	vadd.f32 v24, v19;
	v4 =	vld [tilespmem:s18+$0xFFFFFE30];
	v12 =	vadd.bf16 v13, v30  }
0x31a: {  	v30 =	vadd.f32 v20, v16;
	v19 =	vsel vm0, v34, v21;
	v11 =	vld [tilespmem:s1+$0xFFFFFE40];
	v13 =	vadd.bf16 v5, v31  }
0x31b: {  	v22 =	vadd.f32 v26, v22;
	v5 =	vld [tilespmem:s18+$0xFFFFFE40];
	v20 =	vunpack.i.u.bf16.f32 v12;
	v26 =	vunpack.i.l.bf16.f32 v12  }
0x31c: {  	v31 =	vadd.f32 v17, v15;
	v12 =	vld [tilespmem:s1+$0xFFFFFE50];
	v14 =	vunpack.i.u.bf16.f32 v13;
	v16 =	vunpack.i.l.bf16.f32 v13  }
0x31d: {  	v23 =	vadd.f32 v27, v23;
	v27 =	vsel vm0, v24, v25;
	v13 =	vld [tilespmem:s18+$0xFFFFFE50];
	v35 =	vadd.f32 v16, v14  }
0x31e: {  	v28 =	vadd.f32 v28, v18;
	v29 =	vadd.f32 v38, v29;
	v38 =	vsel vm0, v22, v30;
	v14 =	vld [tilespmem:s1+$0xFFFFFE60]  }
0x31f: {  	v39 =	vadd.f32 v40, v39;
	v32 =	vadd.f32 v32, v41;
	v15 =	vld [tilespmem:s18+$0xFFFFFE60];
	v18 =	vsel vm0, v33, v35  }
0x320: {  	v36 =	vadd.f32 v36, v37;
	v26 =	vadd.f32 v26, v20;
	v20 =	vsel vm0, v23, v31;
	v16 =	vld [tilespmem:s1+$0xFFFFFE70]  }
0x321: {  	v40 =	vsel vm0, v29, v28;
	v41 =	vsel vm0, v32, v39;
	v37 =	vperm.xlane v18, v0;
	v17 =	vld [tilespmem:s18+$0xFFFFFE70]  }
0x322: {  	v27 =	vperm.xlane v27, v0;
	v42 =	vperm.xlane v19, v0;
	v43 =	vsel vm0, v26, v36;
	v18 =	vld [tilespmem:s1+$0xFFFFFE80]  }
0x323: {  	v33 =	vsel vm0, v35, v33;
	v35 =	vperm.xlane v38, v0;
	v38 =	vperm.xlane v20, v0;
	v19 =	vld [tilespmem:s18+$0xFFFFFE80]  }
0x324: {  	v21 =	vsel vm0, v21, v34;
	v34 =	vperm.xlane v40, v0;
	v40 =	vperm.xlane v41, v0;
	v20 =	vld [tilespmem:s1+$0xFFFFFE90]  }
0x325: {  	v24 =	vsel vm0, v25, v24;
	v22 =	vsel vm0, v30, v22;
	v25 =	vperm.xlane v43, v0;
	v41 =	vld [tilespmem:s18+$0xFFFFFE90]  }
0x326: {  	v28 =	vsel vm0, v28, v29;
	v29 =	vsel vm0, v39, v32;
	v23 =	vsel vm0, v31, v23;
	v30 =	vld [tilespmem:s1+$0xFFFFFEA0]  }
0x327: {  	v21 =	vadd.f32 v42, v21;
	v26 =	vsel vm0, v36, v26;
	v32 =	vadd.f32 v37, v33;
	v31 =	vld [tilespmem:s18+$0xFFFFFEA0]  }
0x328: {  	v24 =	vadd.f32 v27, v24;
	v22 =	vadd.f32 v35, v22;
	v33 =	vld [tilespmem:s1+$0xFFFFFEB0]  }
0x329: {  	v28 =	vadd.f32 v34, v28;
	v23 =	vadd.f32 v38, v23;
	v34 =	vsel vm1, v21, v32;
	v27 =	vld [tilespmem:s18+$0xFFFFFEB0]  }
0x32a: {  	v29 =	vadd.f32 v40, v29;
	v25 =	vadd.f32 v25, v26;
	v26 =	vsel vm1, v22, v24;
	v35 =	vld [tilespmem:s1+$0xFFFFFEC0]  }
0x32b: {  	v37 =	vsel vm1, v28, v23;
	v26 =	vperm.xlane v26, v1;
	v34 =	vperm.xlane v34, v1;
	v36 =	vld [tilespmem:s18+$0xFFFFFEC0]  }
0x32c: {  	v21 =	vsel vm1, v32, v21;
	v32 =	vperm.xlane v37, v1;
	v37 =	vsel vm1, v25, v29;
	v38 =	vld [tilespmem:s1+$0xFFFFFED0]  }
0x32d: {  	v22 =	vsel vm1, v24, v22;
	v23 =	vsel vm1, v23, v28;
	v24 =	vperm.xlane v37, v1;
	v39 =	vld [tilespmem:s18+$0xFFFFFED0]  }
0x32e: {  	v25 =	vsel vm1, v29, v25;
	v22 =	vadd.f32 v26, v22;
	v21 =	vadd.f32 v34, v21;
	v28 =	vld [tilespmem:s1+$0xFFFFFEE0]  }
0x32f: {  	v23 =	vadd.f32 v32, v23;
	v24 =	vadd.f32 v24, v25;
	v26 =	vld [tilespmem:s18+$0xFFFFFEE0]  }
0x330: {  	v29 =	vsel vm2, v21, v22;
	v21 =	vsel vm2, v22, v21;
	v25 =	vld [tilespmem:s1+$0xFFFFFEF0]  }
0x331: {  	v32 =	vsel vm2, v23, v24;
	v23 =	vsel vm2, v24, v23;
	v21 =	vperm.xlane v21, v2;
	v22 =	vld [tilespmem:s18+$0xFFFFFEF0]  }
0x332: {  	v23 =	vperm.xlane v23, v2;
	v24 =	vld [tilespmem:s1+$0xFFFFFF00]  }
0x333: {  	v21 =	vadd.f32 v21, v29;
	v34 =	vld [tilespmem:s18+$0xFFFFFF00]  }
0x334: {  	v23 =	vadd.f32 v23, v32;
	v29 =	vld [tilespmem:s1+$0xFFFFFF10]  }
0x335: {  	v32 =	vld [tilespmem:s18+$0xFFFFFF10]  }
0x336: {  	v40 =	vsel vm3, v21, v23;
	v21 =	vsel vm3, v23, v21;
	v37 =	vld [tilespmem:s1+$0xFFFFFF20]  }
0x337: {  	v21 =	vperm.xlane v21, v3;
	v23 =	vld [tilespmem:s18+$0xFFFFFF20]  }
0x338: {  	v42 =	vld [tilespmem:s1+$0xFFFFFF30]  }
0x339: {  	v21 =	vadd.f32 v40, v21;
	v43 =	vld [tilespmem:s18+$0xFFFFFF30]  }
0x33a: {  	v40 =	vld [tilespmem:s1+$0xFFFFFF40]  }
0x33b: {  	v44 =	vld [tilespmem:s18+$0xFFFFFF40];
	[tilespmem:s12+$0xFFFFFFF0] =	vst v21  }
0x33c: {  	v21 =	vld [tilespmem:s1+$0xFFFFFF50]  }
0x33d: {  	v45 =	vld [tilespmem:s18+$0xFFFFFF50]  }
0x33e: {  	v46 =	vld [tilespmem:s1+$0xFFFFFF60]  }
0x33f: {  	v47 =	vld [tilespmem:s18+$0xFFFFFF60]  }
0x340: {  	v48 =	vld [tilespmem:s1+$0xFFFFFF70]  }
0x341: {  	v49 =	vld [tilespmem:s18+$0xFFFFFF70]  }
0x342: {  	v50 =	vld [tilespmem:s1+$0xFFFFFF80]  }
0x343: {  	v51 =	vld [tilespmem:s18+$0xFFFFFF80]  }
0x344: {  	v52 =	vld [tilespmem:s1+$0xFFFFFF90]  }
0x345: {  	v53 =	vld [tilespmem:s18+$0xFFFFFF90]  }
0x346: {  	v6 =	vmul.bf16 v7, v6;
	v7 =	vmul.bf16 v9, v8;
	v8 =	vld [tilespmem:s1+$0xFFFFFFA0]  }
0x347: {  	v4 =	vmul.bf16 v4, v10;
	v5 =	vmul.bf16 v5, v11;
	v9 =	vld [tilespmem:s18+$0xFFFFFFA0]  }
0x348: {  	v10 =	vmul.bf16 v13, v12;
	v11 =	vmul.bf16 v15, v14;
	v12 =	vld [tilespmem:s1+$0xFFFFFFB0]  }
0x349: {  	v13 =	vmul.bf16 v17, v16;
	v14 =	vmul.bf16 v19, v18;
	v15 =	vld [tilespmem:s18+$0xFFFFFFB0]  }
0x34a: {  	v16 =	vmul.bf16 v41, v20;
	v17 =	vmul.bf16 v31, v30;
	v18 =	vld [tilespmem:s1+$0xFFFFFFC0]  }
0x34b: {  	v19 =	vmul.bf16 v27, v33;
	v20 =	vmul.bf16 v36, v35;
	v27 =	vld [tilespmem:s18+$0xFFFFFFC0]  }
0x34c: {  	v30 =	vmul.bf16 v39, v38;
	v26 =	vmul.bf16 v26, v28;
	v28 =	vld [tilespmem:s1+$0xFFFFFFD0]  }
0x34d: {  	v22 =	vmul.bf16 v22, v25;
	v24 =	vmul.bf16 v34, v24;
	v25 =	vld [tilespmem:s18+$0xFFFFFFD0]  }
0x34e: {  	v29 =	vmul.bf16 v32, v29;
	v23 =	vmul.bf16 v23, v37;
	v31 =	vld [tilespmem:s1+$0xFFFFFFE0]  }
0x34f: {  	v32 =	vmul.bf16 v43, v42;
	v33 =	vmul.bf16 v44, v40;
	v34 =	vld [tilespmem:s18+$0xFFFFFFE0]  }
0x350: {  	v21 =	vmul.bf16 v45, v21;
	v35 =	vmul.bf16 v47, v46;
	v36 =	vld [tilespmem:s1+$0xFFFFFFF0]  }
0x351: {  	v37 =	vmul.bf16 v49, v48;
	v38 =	vmul.bf16 v51, v50;
	v39 =	vld [tilespmem:s18+$0xFFFFFFF0]  }
0x352: {  	v40 =	vmul.bf16 v53, v52;
	v41 =	vmul.bf16 v9, v8;
	v9 =	vld [tilespmem:s1+$0x0]  }
0x353: {  	v42 =	vadd.bf16 v7, v6;
	v43 =	vadd.bf16 v5, v4;
	v12 =	vmul.bf16 v15, v12;
	v15 =	vld [tilespmem:s18+$0x0]  }
0x354: {  	v14 =	vadd.bf16 v14, v13;
	v44 =	vadd.bf16 v11, v10;
	v10 =	vmul.bf16 v27, v18;
	v4 =	vld [tilespmem:s18+$0xFFFFFC10]  }
0x355: {  	v16 =	vadd.bf16 v17, v16;
	v17 =	vadd.bf16 v20, v19;
	v11 =	vmul.bf16 v25, v28;
	v5 =	vld [tilespmem:s1+$0xFFFFFC20]  }
0x356: {  	v19 =	vadd.bf16 v24, v22;
	v18 =	vadd.bf16 v26, v30;
	v13 =	vmul.bf16 v34, v31;
	v6 =	vld [tilespmem:s18+$0xFFFFFC20]  }
0x357: {  	v20 =	vadd.bf16 v23, v29;
	v22 =	vadd.bf16 v33, v32;
	v23 =	vmul.bf16 v39, v36;
	v7 =	vld [tilespmem:s1+$0xFFFFFC30]  }
0x358: {  	v21 =	vadd.bf16 v35, v21;
	v24 =	vadd.bf16 v38, v37;
	v8 =	vld [tilespmem:s18+$0xFFFFFC30];
	v15 =	vmul.bf16 v15, v9  }
0x359: {  	v25 =	vadd.bf16 v41, v40;
	v26 =	vadd.bf16 v10, v12;
	v9 =	vld [tilespmem:s1+$0xFFFFFC40]  }
0x35a: {  	v27 =	vunpack.i.u.bf16.f32 v42;
	v28 =	vadd.bf16 v13, v11;
	v10 =	vld [tilespmem:s18+$0xFFFFFC40];
	v29 =	vadd.bf16 v15, v23  }
0x35b: {  	v30 =	vunpack.i.u.bf16.f32 v43;
	v31 =	vunpack.i.l.bf16.f32 v43;
	v23 =	vunpack.i.l.bf16.f32 v42;
	v11 =	vld [tilespmem:s1+$0xFFFFFC50]  }
0x35c: {  	v32 =	vunpack.i.u.bf16.f32 v44;
	v33 =	vunpack.i.l.bf16.f32 v44;
	v34 =	vunpack.i.u.bf16.f32 v14;
	v13 =	vld [tilespmem:s18+$0xFFFFFC50]  }
0x35d: {  	v35 =	vunpack.i.l.bf16.f32 v14;
	v37 =	vunpack.i.l.bf16.f32 v16;
	v36 =	vunpack.i.u.bf16.f32 v16;
	v12 =	vld [tilespmem:s1+$0xFFFFFC60]  }
0x35e: {  	v38 =	vunpack.i.u.bf16.f32 v17;
	v40 =	vunpack.i.u.bf16.f32 v18;
	v39 =	vunpack.i.l.bf16.f32 v17;
	v14 =	vld [tilespmem:s18+$0xFFFFFC60]  }
0x35f: {  	v41 =	vunpack.i.l.bf16.f32 v18;
	v43 =	vunpack.i.l.bf16.f32 v19;
	v42 =	vunpack.i.u.bf16.f32 v19;
	v15 =	vld [tilespmem:s1+$0xFFFFFC70]  }
0x360: {  	v44 =	vunpack.i.u.bf16.f32 v20;
	v45 =	vunpack.i.l.bf16.f32 v20;
	v46 =	vunpack.i.u.bf16.f32 v22;
	v17 =	vld [tilespmem:s18+$0xFFFFFC70]  }
0x361: {  	v47 =	vunpack.i.l.bf16.f32 v22;
	v48 =	vunpack.i.u.bf16.f32 v21;
	v49 =	vunpack.i.l.bf16.f32 v21;
	v16 =	vld [tilespmem:s1+$0xFFFFFC80]  }
0x362: {  	v50 =	vunpack.i.u.bf16.f32 v24;
	v24 =	vunpack.i.l.bf16.f32 v24;
	v51 =	vunpack.i.u.bf16.f32 v25;
	v18 =	vld [tilespmem:s18+$0xFFFFFC80]  }
0x363: {  	v25 =	vunpack.i.l.bf16.f32 v25;
	v30 =	vadd.f32 v31, v30;
	v27 =	vadd.f32 v23, v27;
	v19 =	vld [tilespmem:s1+$0xFFFFFC90]  }
0x364: {  	v31 =	vadd.f32 v33, v32;
	v32 =	vadd.f32 v35, v34;
	v33 =	vunpack.i.u.bf16.f32 v26;
	v20 =	vld [tilespmem:s18+$0xFFFFFC90]  }
0x365: {  	v26 =	vunpack.i.l.bf16.f32 v26;
	v34 =	vadd.f32 v37, v36;
	v35 =	vadd.f32 v39, v38;
	v21 =	vld [tilespmem:s1+$0xFFFFFCA0]  }
0x366: {  	s20 =	sadd.s32 $0x2, s20;
	v36 =	vadd.f32 v41, v40;
	v38 =	vunpack.i.u.bf16.f32 v28;
	v37 =	vadd.f32 v43, v42;
	v22 =	vld [tilespmem:s18+$0xFFFFFCA0]  }
0x367: {  	p1 =	slt.u32 s20, $0x6;
	v39 =	vadd.f32 v45, v44;
	v40 =	vadd.f32 v47, v46;
	v28 =	vunpack.i.l.bf16.f32 v28;
	v23 =	vld [tilespmem:s1+$0xFFFFFCB0]  }
0x368: {  	v24 =	vadd.f32 v24, v50;
	v42 =	vadd.f32 v49, v48;
	v43 =	vunpack.i.u.bf16.f32 v29;
	v41 =	vld [tilespmem:s18+$0xFFFFFCB0]  }
0x369: {  	v25 =	vadd.f32 v25, v51;
	v26 =	vadd.f32 v26, v33;
	v29 =	vunpack.i.l.bf16.f32 v29;
	v44 =	vld [tilespmem:s1+$0xFFFFFCC0]  }
0x36a: {  	v28 =	vadd.f32 v28, v38;
	v29 =	vadd.f32 v29, v43;
	v38 =	vsel vm0, v27, v30;
	v33 =	vld [tilespmem:s18+$0xFFFFFCC0]  }
0x36b: {  	v45 =	vsel vm0, v31, v32;
	v46 =	vsel vm0, v34, v35;
	v47 =	vsel vm0, v36, v37;
	v43 =	vld [tilespmem:s1+$0xFFFFFCD0]  }
0x36c: {  	v51 =	vsel vm0, v25, v26;
	v49 =	vsel vm0, v39, v40;
	v50 =	vsel vm0, v42, v24;
	v48 =	vld [tilespmem:s18+$0xFFFFFCD0]  }
0x36d: {  	v27 =	vsel vm0, v30, v27;
	v30 =	vsel vm0, v32, v31;
	v31 =	vsel vm0, v35, v34;
	v52 =	vld [tilespmem:s1+$0xFFFFFCE0]  }
0x36e: {  	v34 =	vsel vm0, v37, v36;
	v35 =	vsel vm0, v40, v39;
	v24 =	vsel vm0, v24, v42;
	v32 =	vld [tilespmem:s18+$0xFFFFFCE0]  }
0x36f: {  	v25 =	vsel vm0, v26, v25;
	v27 =	vperm.xlane v27, v0;
	v30 =	vperm.xlane v30, v0;
	v36 =	vld [tilespmem:s1+$0xFFFFFCF0]  }
0x370: {  	v31 =	vperm.xlane v31, v0;
	v34 =	vperm.xlane v34, v0;
	v37 =	vsel vm0, v29, v28;
	v26 =	vld [tilespmem:s18+$0xFFFFFCF0]  }
0x371: {  	v35 =	vperm.xlane v35, v0;
	v24 =	vperm.xlane v24, v0;
	v27 =	vadd.f32 v27, v38;
	v39 =	vld [tilespmem:s1+$0xFFFFFD00]  }
0x372: {  	v25 =	vperm.xlane v25, v0;
	v30 =	vadd.f32 v30, v45;
	v31 =	vadd.f32 v31, v46;
	v38 =	vld [tilespmem:s18+$0xFFFFFD00]  }
0x373: {  	v34 =	vadd.f32 v34, v47;
	v35 =	vadd.f32 v35, v49;
	v37 =	vperm.xlane v37, v0;
	v40 =	vld [tilespmem:s1+$0xFFFFFD10]  }
0x374: {  	v25 =	vadd.f32 v25, v51;
	v28 =	vsel vm0, v28, v29;
	v24 =	vadd.f32 v24, v50;
	v42 =	vld [tilespmem:s18+$0xFFFFFD10]  }
0x375: {  	v28 =	vadd.f32 v37, v28;
	v37 =	vsel vm1, v27, v30;
	v45 =	vsel vm1, v31, v34;
	v29 =	vld [tilespmem:s1+$0xFFFFFD20]  }
0x376: {  	v27 =	vsel vm1, v30, v27;
	v30 =	vsel vm1, v34, v31;
	v31 =	vsel vm1, v24, v35;
	v46 =	vld [tilespmem:s18+$0xFFFFFD20]  }
0x377: {  	v27 =	vperm.xlane v27, v1;
	v30 =	vperm.xlane v30, v1;
	v47 =	vsel vm1, v28, v25;
	v34 =	vld [tilespmem:s1+$0xFFFFFD30]  }
0x378: {  	v24 =	vsel vm1, v35, v24;
	v31 =	vperm.xlane v31, v1;
	v35 =	vperm.xlane v47, v1;
	v49 =	vld [tilespmem:s18+$0xFFFFFD30]  }
0x379: {  	v25 =	vsel vm1, v25, v28;
	v27 =	vadd.f32 v27, v37;
	v30 =	vadd.f32 v30, v45;
	v47 =	vld [tilespmem:s1+$0xFFFFFD40]  }
0x37a: {  	v5 =	vmul.bf16 v6, v5;
	v24 =	vadd.f32 v31, v24;
	v25 =	vadd.f32 v35, v25;
	v6 =	vld [tilespmem:s18+$0xFFFFFD40]  }
0x37b: {  	v7 =	vmul.bf16 v8, v7;
	v8 =	vmul.bf16 v10, v9;
	v9 =	vld [tilespmem:s1+$0xFFFFFD50]  }
0x37c: {  	v10 =	vmul.bf16 v13, v11;
	v13 =	vsel vm2, v30, v27;
	v28 =	vsel vm2, v25, v24;
	v11 =	vld [tilespmem:s18+$0xFFFFFD50]  }
0x37d: {  	v8 =	vadd.bf16 v8, v7;
	v13 =	vperm.xlane v13, v2;
	v28 =	vperm.xlane v28, v2;
	v7 =	vld [tilespmem:s1+$0xFFFFFD60]  }
0x37e: {  	v12 =	vmul.bf16 v14, v12;
	v27 =	vsel vm2, v27, v30;
	v24 =	vsel vm2, v24, v25;
	v14 =	vld [tilespmem:s18+$0xFFFFFD60]  }
0x37f: {  	v15 =	vmul.bf16 v17, v15;
	v13 =	vadd.f32 v13, v27;
	v24 =	vadd.f32 v28, v24;
	v17 =	vld [tilespmem:s1+$0xFFFFFD70]  }
0x380: {  	v12 =	vadd.bf16 v12, v10;
	v10 =	vmul.bf16 v18, v16;
	v16 =	vmul.bf16 v20, v19;
	v18 =	vld [tilespmem:s18+$0xFFFFFD70]  }
0x381: {  	v19 =	vmul.bf16 v22, v21;
	v20 =	vmul.bf16 v41, v23;
	v22 =	vsel vm3, v24, v13;
	v21 =	vld [tilespmem:s1+$0xFFFFFD80]  }
0x382: {  	v15 =	vadd.bf16 v10, v15;
	v10 =	vmul.bf16 v33, v44;
	v22 =	vperm.xlane v22, v3;
	v23 =	vld [tilespmem:s18+$0xFFFFFD80]  }
0x383: {  	v13 =	vsel vm3, v13, v24;
	v25 =	vmul.bf16 v48, v43;
	v27 =	vmul.bf16 v32, v52;
	v28 =	vld [tilespmem:s1+$0xFFFFFD90]  }
0x384: {  	v13 =	vadd.f32 v13, v22;
	v24 =	vmul.bf16 v26, v36;
	v26 =	vmul.bf16 v38, v39;
	v30 =	vld [tilespmem:s18+$0xFFFFFD90]  }
0x385: {  	s12 =	sadd.s32 $0x20, s12;
	v16 =	vadd.bf16 v19, v16;
	v19 =	vmul.bf16 v42, v40;
	v22 =	vmul.bf16 v46, v29;
	v29 =	vld [tilespmem:s1+$0xFFFFFDA0]  }
0x386: {  	v20 =	vadd.bf16 v10, v20;
	v10 =	vmul.bf16 v49, v34;
	v6 =	vmul.bf16 v6, v47;
	v31 =	vld [tilespmem:s18+$0xFFFFFDA0];
	[tilespmem:s12+$0x0] =	vst v13  }
0x387: {  	v27 =	vadd.bf16 v27, v25;
	v11 =	vmul.bf16 v11, v9;
	v7 =	vmul.bf16 v14, v7;
	v25 =	vld [tilespmem:s1+$0xFFFFFDB0]  }
0x388: {  	v26 =	vadd.bf16 v26, v24;
	v13 =	vmul.bf16 v18, v17;
	v14 =	vmul.bf16 v23, v21;
	v17 =	vld [tilespmem:s18+$0xFFFFFDB0]  }
0x389: {  	v6 =	vadd.bf16 v6, v10;
	v18 =	vadd.bf16 v22, v19;
	v19 =	vmul.bf16 v30, v28;
	v22 =	vld [tilespmem:s1+$0xFFFFFDC0]  }
0x38a: {  	v9 =	vunpack.i.u.bf16.f32 v8;
	v28 =	vadd.bf16 v7, v11;
	v7 =	vadd.bf16 v14, v13;
	v23 =	vld [tilespmem:s18+$0xFFFFFDC0]  }
0x38b: {  	v10 =	vunpack.i.l.bf16.f32 v8;
	v13 =	vunpack.i.u.bf16.f32 v12;
	v8 =	vmul.bf16 v31, v29;
	v29 =	vld [tilespmem:s1+$0xFFFFFDD0]  }
0x38c: {  	v21 =	vunpack.i.l.bf16.f32 v12;
	v11 =	vunpack.i.u.bf16.f32 v15;
	v12 =	vunpack.i.l.bf16.f32 v15;
	v31 =	vld [tilespmem:s18+$0xFFFFFDD0]  }
0x38d: {  	v14 =	vunpack.i.u.bf16.f32 v16;
	v8 =	vadd.bf16 v8, v19;
	v32 =	vmul.bf16 v17, v25;
	v37 =	vld [tilespmem:s1+$0xFFFFFDE0]  }
0x38e: {  	v24 =	vunpack.i.l.bf16.f32 v20;
	v25 =	vunpack.i.l.bf16.f32 v16;
	v19 =	vunpack.i.u.bf16.f32 v20;
	v38 =	vld [tilespmem:s18+$0xFFFFFDE0]  }
.Ltmp2:
0x38f: {  	v16 =	vunpack.i.u.bf16.f32 v27;
	v20 =	vunpack.i.l.bf16.f32 v27;
	v23 =	vmul.bf16 v23, v22;
	v30 =	vld [tilespmem:s1+$0xFFFFFDF0];
	(pc) =	sbr.rel @p1 .LBB2_7-.Ltmp2, $4  }
0x390: {  	v15 =	vunpack.i.u.bf16.f32 v18;
	v22 =	vunpack.i.u.bf16.f32 v26;
	v26 =	vunpack.i.l.bf16.f32 v26;
	v33 =	vld [tilespmem:s18+$0xFFFFFDF0]  }
0x391: {  	v17 =	vunpack.i.l.bf16.f32 v18;
	v32 =	vadd.bf16 v23, v32;
	v36 =	vmul.bf16 v31, v29;
	v31 =	vld [tilespmem:s1+$0xFFFFFE00]  }
0x392: {  	v27 =	vunpack.i.l.bf16.f32 v6;
	v18 =	vunpack.i.u.bf16.f32 v28;
	v23 =	vunpack.i.u.bf16.f32 v6;
	v34 =	vld [tilespmem:s18+$0xFFFFFE00]  }
0x393: {  	v28 =	vunpack.i.l.bf16.f32 v28;
	v29 =	vunpack.i.u.bf16.f32 v7;
	v35 =	vld [tilespmem:s1+$0xFFFFFC10];
	v37 =	vmul.bf16 v38, v37;
	s1 =	sadd.s32 $0x400, s1  }
0x394: {  	v6 =	vunpack.i.l.bf16.f32 v7  }
0x395: {  	v7 =	vunpack.i.u.bf16.f32 v8;
	v9 =	vadd.f32 v10, v9;
	v10 =	vadd.f32 v21, v13  }
0x396: {  	v8 =	vunpack.i.l.bf16.f32 v8;
	v11 =	vadd.f32 v12, v11;
	v12 =	vadd.f32 v25, v14  }
0x397: {  	v38 =	vunpack.i.u.bf16.f32 v32;
	v19 =	vadd.f32 v24, v19;
	v15 =	vadd.f32 v17, v15  }
0x398: {  	v13 =	vunpack.i.l.bf16.f32 v32;
	v18 =	vadd.f32 v28, v18;
	v36 =	vadd.bf16 v37, v36  }
0x399: {  	v30 =	vmul.bf16 v33, v30;
	v6 =	vadd.f32 v6, v29;
	v7 =	vadd.f32 v8, v7  }
0x39a: {  	v21 =	vmul.bf16 v34, v31;
	v14 =	vunpack.i.u.bf16.f32 v36;
	v24 =	vunpack.i.l.bf16.f32 v36  }
0x39b: {  	v8 =	vadd.f32 v13, v38;
	v4 =	vmul.bf16 v4, v35;
	v14 =	vadd.f32 v24, v14  }
0x39c: {  	v24 =	vsel vm0, v6, v18;
	v6 =	vsel vm0, v18, v6;
	v21 =	vadd.bf16 v21, v30  }
0x39d: {  	v4 =	vadd.bf16 v5, v4;
	v5 =	vadd.f32 v20, v16;
	v16 =	vsel vm0, v11, v10  }
0x39e: {  	v20 =	vadd.f32 v26, v22;
	v26 =	vsel vm0, v8, v7;
	v10 =	vsel vm0, v10, v11  }
0x39f: {  	v11 =	vperm.xlane v24, v0;
	v7 =	vsel vm0, v7, v8;
	v22 =	vunpack.i.u.bf16.f32 v21  }
0x3a0: {  	v17 =	vunpack.i.l.bf16.f32 v21;
	v21 =	vadd.f32 v27, v23;
	v23 =	vsel vm0, v19, v12  }
0x3a1: {  	v16 =	vperm.xlane v16, v0;
	v24 =	vperm.xlane v26, v0;
	v12 =	vsel vm0, v12, v19  }
0x3a2: {  	v25 =	vunpack.i.u.bf16.f32 v4;
	v4 =	vunpack.i.l.bf16.f32 v4;
	v17 =	vadd.f32 v17, v22  }
0x3a3: {  	v23 =	vperm.xlane v23, v0;
	v6 =	vadd.f32 v11, v6;
	v4 =	vadd.f32 v4, v25  }
0x3a4: {  	v25 =	vsel vm0, v20, v5;
	v22 =	vsel vm0, v21, v15;
	v5 =	vsel vm0, v5, v20  }
0x3a5: {  	v15 =	vsel vm0, v15, v21;
	v8 =	vadd.f32 v16, v10;
	v22 =	vperm.xlane v22, v0  }
0x3a6: {  	v13 =	vsel vm0, v9, v4;
	v4 =	vsel vm0, v4, v9;
	v9 =	vperm.xlane v25, v0  }
0x3a7: {  	v27 =	vsel vm0, v17, v14;
	v12 =	vadd.f32 v23, v12;
	v13 =	vperm.xlane v13, v0  }
0x3a8: {  	v19 =	vperm.xlane v27, v0;
	v5 =	vadd.f32 v9, v5;
	v9 =	vadd.f32 v22, v15  }
0x3a9: {  	v7 =	vadd.f32 v24, v7;
	v10 =	vsel vm0, v14, v17;
	v4 =	vadd.f32 v13, v4  }
0x3aa: {  	v10 =	vadd.f32 v19, v10;
	v13 =	vsel vm1, v5, v12;
	v14 =	vsel vm1, v6, v9  }
0x3ab: {  	v5 =	vsel vm1, v12, v5;
	v11 =	vsel vm1, v8, v4;
	v13 =	vperm.xlane v13, v1  }
0x3ac: {  	v4 =	vsel vm1, v4, v8;
	v8 =	vperm.xlane v14, v1;
	v14 =	vsel vm1, v10, v7  }
0x3ad: {  	v6 =	vsel vm1, v9, v6;
	v11 =	vperm.xlane v11, v1;
	v9 =	vperm.xlane v14, v1  }
0x3ae: {  	v7 =	vsel vm1, v7, v10;
	v5 =	vadd.f32 v13, v5;
	v6 =	vadd.f32 v8, v6  }
0x3af: {  	v4 =	vadd.f32 v11, v4;
	v7 =	vadd.f32 v9, v7;
	_ =	sdelay $0x1  }
0x3b0: {  	v8 =	vsel vm2, v5, v4;
	v9 =	vsel vm2, v7, v6  }
0x3b1: {  	v8 =	vperm.xlane v8, v2;
	v9 =	vperm.xlane v9, v2  }
0x3b2: {  	v4 =	vsel vm2, v4, v5;
	v5 =	vsel vm2, v6, v7  }
0x3b3: {  	v4 =	vadd.f32 v8, v4;
	v5 =	vadd.f32 v9, v5;
	_ =	sdelay $0x1  }
0x3b4: {  	v6 =	vsel vm3, v5, v4  }
0x3b5: {  	v6 =	vperm.xlane v6, v3  }
0x3b6: {  	v4 =	vsel vm3, v4, v5  }
0x3b7: {  	v4 =	vadd.f32 v4, v6;
	_ =	sdelay $0x1  }
0x3b8: {  	s1 =	sadd.s32 @!p0 $0x300, s17;
	s18 =	simm.s32 @!p0 $0xE800;
	[tilespmem:s12+$0xFFFFFFF0] =	vst v4;
	s12 =	simm.s32 @!p0 $0x80  }
0x3b9: {  	[tilespmem:s18], [sflag:$0x3] =	stream.indirect.gather @!p0 [hbm4b:s3+s12], $0x20, s1, s12, $0xb8;
	[tilespmem:$0x1AC00] =	vst v63  }
0x3ba: {  	s1 =	sadd.s32 @!p0 $0x6700, s17;
	s17 =	simm.s32 @!p0 $0x12800  }
0x3bb: {  	[tilespmem:s17], [sflag:$0x7] =	stream.indirect.gather @!p0 [hbm4b:s4+s12], $0x20, s1, s12, $0xb8;
	[tilespmem:$0x1AC00] =	vst v63  }
0x3bc: {  	_ =	swait.ge [sflag:s30], $0x1000  }
0x3bd: {  	[sflag:s30] =	ssyncset.done $0x0  }
0x3be: {  	[sflag:s30] =	ssyncadd.s32 $0xFFFFF000  }
0x3bf: {  	_ =	swait.ge [sflag:s31], $0x1000  }
0x3c0: {  	[sflag:s31] =	ssyncset.done $0x0  }
0x3c1: {  	s20 =	simm.s32 $0xFBF0;
	[sflag:s31] =	ssyncadd.s32 $0xFFFFF000  }
0x3c2: {  	s17 =	simm.s32 $0x13BF0;
	v4 =	vld [tilespmem:s20+$0xFFFFFE10]  }
0x3c3: {  	v5 =	vld [tilespmem:s17+$0xFFFFFE10]  }
0x3c4: {  	v6 =	vld [tilespmem:s20+$0xFFFFFE20]  }
0x3c5: {  	v7 =	vld [tilespmem:s17+$0xFFFFFE20]  }
0x3c6: {  	v8 =	vld [tilespmem:s20+$0xFFFFFE30]  }
0x3c7: {  	v9 =	vld [tilespmem:s17+$0xFFFFFE30]  }
0x3c8: {  	v10 =	vld [tilespmem:s20+$0xFFFFFE40]  }
0x3c9: {  	v11 =	vld [tilespmem:s17+$0xFFFFFE40]  }
0x3ca: {  	v12 =	vld [tilespmem:s20+$0xFFFFFE50]  }
0x3cb: {  	v13 =	vld [tilespmem:s17+$0xFFFFFE50]  }
0x3cc: {  	v14 =	vld [tilespmem:s20+$0xFFFFFE60]  }
0x3cd: {  	v15 =	vld [tilespmem:s17+$0xFFFFFE60]  }
0x3ce: {  	v16 =	vld [tilespmem:s20+$0xFFFFFE70]  }
0x3cf: {  	v17 =	vld [tilespmem:s17+$0xFFFFFE70]  }
0x3d0: {  	v18 =	vld [tilespmem:s20+$0xFFFFFE80]  }
0x3d1: {  	v19 =	vld [tilespmem:s17+$0xFFFFFE80]  }
0x3d2: {  	v20 =	vld [tilespmem:s20+$0xFFFFFE90]  }
0x3d3: {  	v21 =	vld [tilespmem:s17+$0xFFFFFE90]  }
0x3d4: {  	v22 =	vld [tilespmem:s20+$0xFFFFFEA0]  }
0x3d5: {  	v23 =	vld [tilespmem:s17+$0xFFFFFEA0]  }
0x3d6: {  	v24 =	vld [tilespmem:s20+$0xFFFFFEB0]  }
0x3d7: {  	v25 =	vld [tilespmem:s17+$0xFFFFFEB0]  }
0x3d8: {  	v26 =	vld [tilespmem:s20+$0xFFFFFEC0]  }
0x3d9: {  	v27 =	vld [tilespmem:s17+$0xFFFFFEC0]  }
0x3da: {  	v28 =	vld [tilespmem:s20+$0xFFFFFED0]  }
0x3db: {  	v29 =	vld [tilespmem:s17+$0xFFFFFED0]  }
0x3dc: {  	v30 =	vld [tilespmem:s20+$0xFFFFFEE0]  }
0x3dd: {  	v31 =	vld [tilespmem:s17+$0xFFFFFEE0]  }
0x3de: {  	v60 =	vld [tilespmem:s20+$0xFFFFFEF0]  }
0x3df: {  	v61 =	vld [tilespmem:s17+$0xFFFFFEF0]  }
0x3e0: {  	v62 =	vld [tilespmem:s20+$0xFFFFFF00]  }
0x3e1: {  	v63 =	vld [tilespmem:s17+$0xFFFFFF00]  }
0x3e2: {  	v56 =	vld [tilespmem:s20+$0xFFFFFF10]  }
0x3e3: {  	v57 =	vld [tilespmem:s17+$0xFFFFFF10]  }
0x3e4: {  	v58 =	vld [tilespmem:s20+$0xFFFFFF20]  }
0x3e5: {  	v39 =	vld [tilespmem:s17+$0xFFFFFF20]  }
0x3e6: {  	v40 =	vld [tilespmem:s20+$0xFFFFFF30]  }
0x3e7: {  	v41 =	vld [tilespmem:s17+$0xFFFFFF30]  }
0x3e8: {  	v42 =	vld [tilespmem:s20+$0xFFFFFF40]  }
0x3e9: {  	v43 =	vld [tilespmem:s17+$0xFFFFFF40]  }
0x3ea: {  	v44 =	vld [tilespmem:s20+$0xFFFFFF50]  }
0x3eb: {  	v45 =	vld [tilespmem:s17+$0xFFFFFF50]  }
0x3ec: {  	v46 =	vld [tilespmem:s20+$0xFFFFFF60]  }
0x3ed: {  	v47 =	vld [tilespmem:s17+$0xFFFFFF60]  }
0x3ee: {  	v48 =	vld [tilespmem:s20+$0xFFFFFF70]  }
0x3ef: {  	v49 =	vld [tilespmem:s17+$0xFFFFFF70]  }
0x3f0: {  	v50 =	vld [tilespmem:s20+$0xFFFFFF80]  }
0x3f1: {  	v51 =	vld [tilespmem:s17+$0xFFFFFF80]  }
0x3f2: {  	v52 =	vld [tilespmem:s20+$0xFFFFFF90]  }
0x3f3: {  	v53 =	vld [tilespmem:s17+$0xFFFFFF90]  }
0x3f4: {  	v35 =	vld [tilespmem:s17+$0xFFFFFC60]  }
0x3f5: {  	v38 =	vld [tilespmem:s20+$0xFFFFFC70]  }
0x3f6: {  	v32 =	vld [tilespmem:s20+$0xFFFFFCA0];
	v4 =	vmul.bf16 v5, v4  }
0x3f7: {  	v33 =	vld [tilespmem:s17+$0xFFFFFCA0];
	v5 =	vmul.bf16 v7, v6;
	v7 =	vmul.bf16 v9, v8  }
0x3f8: {  	v36 =	vld [tilespmem:s20+$0xFFFFFCB0];
	v8 =	vmul.bf16 v11, v10;
	v10 =	vmul.bf16 v13, v12  }
0x3f9: {  	v37 =	vld [tilespmem:s17+$0xFFFFFCB0];
	v11 =	vmul.bf16 v15, v14;
	v13 =	vmul.bf16 v17, v16  }
0x3fa: {  	v6 =	vld [tilespmem:s20+$0xFFFFFFA0];
	v14 =	vmul.bf16 v19, v18;
	v16 =	vmul.bf16 v21, v20  }
0x3fb: {  	v9 =	vld [tilespmem:s17+$0xFFFFFFA0];
	v17 =	vmul.bf16 v23, v22;
	v19 =	vmul.bf16 v25, v24  }
0x3fc: {  	v12 =	vld [tilespmem:s20+$0xFFFFFFB0];
	v20 =	vmul.bf16 v27, v26;
	v22 =	vmul.bf16 v29, v28  }
0x3fd: {  	v15 =	vld [tilespmem:s17+$0xFFFFFFB0];
	v23 =	vmul.bf16 v31, v30;
	v25 =	vmul.bf16 v61, v60  }
0x3fe: {  	v18 =	vld [tilespmem:s20+$0xFFFFFFC0];
	v26 =	vmul.bf16 v63, v62;
	v28 =	vmul.bf16 v57, v56  }
0x3ff: {  	v21 =	vld [tilespmem:s17+$0xFFFFFFC0];
	v29 =	vmul.bf16 v39, v58;
	v31 =	vmul.bf16 v41, v40  }
0x400: {  	v24 =	vld [tilespmem:s20+$0xFFFFFFD0];
	v59 =	vmul.bf16 v43, v42;
	v61 =	vmul.bf16 v45, v44  }
0x401: {  	v27 =	vld [tilespmem:s17+$0xFFFFFFD0];
	v62 =	vmul.bf16 v47, v46;
	v56 =	vadd.bf16 v5, v4;
	v57 =	vadd.bf16 v8, v7  }
0x402: {  	v30 =	vld [tilespmem:s20+$0xFFFFFFE0];
	v49 =	vmul.bf16 v49, v48;
	v58 =	vadd.bf16 v11, v10;
	v13 =	vadd.bf16 v14, v13  }
0x403: {  	v60 =	vld [tilespmem:s17+$0xFFFFFFE0];
	v50 =	vmul.bf16 v51, v50;
	v14 =	vadd.bf16 v17, v16;
	v16 =	vadd.bf16 v20, v19  }
0x404: {  	v63 =	vld [tilespmem:s20+$0xFFFFFFF0];
	v54 =	vmul.bf16 v53, v52;
	v17 =	vadd.bf16 v23, v22;
	v20 =	vadd.bf16 v29, v28  }
0x405: {  	v51 =	vld [tilespmem:s17+$0xFFFFFFF0];
	v23 =	vadd.bf16 v62, v61;
	v28 =	vunpack.i.u.bf16.f32 v57;
	v29 =	vunpack.i.l.bf16.f32 v57  }
0x406: {  	v40 =	vld [tilespmem:s17+$0xFFFFFC70];
	v61 =	vunpack.i.u.bf16.f32 v14;
	v14 =	vunpack.i.l.bf16.f32 v14;
	v62 =	vunpack.i.u.bf16.f32 v16  }
0x407: {  	v43 =	vld [tilespmem:s20+$0xFFFFFC80];
	v16 =	vunpack.i.l.bf16.f32 v16;
	v53 =	vunpack.i.u.bf16.f32 v20;
	v55 =	vmul.bf16 v9, v6  }
0x408: {  	v45 =	vld [tilespmem:s17+$0xFFFFFC80];
	v20 =	vunpack.i.l.bf16.f32 v20;
	v12 =	vmul.bf16 v15, v12;
	v10 =	vmul.bf16 v21, v18  }
0x409: {  	v48 =	vld [tilespmem:s20+$0xFFFFFC90];
	v11 =	vmul.bf16 v27, v24;
	v18 =	vadd.bf16 v26, v25;
	v19 =	vmul.bf16 v60, v30  }
0x40a: {  	v41 =	vld [tilespmem:s20+$0xFFFFFCC0];
	v21 =	vadd.bf16 v59, v31;
	v22 =	vmul.bf16 v51, v63;
	v24 =	vadd.bf16 v50, v49  }
0x40b: {  	v39 =	vld [tilespmem:s20+$0xFFFFFCD0];
	v27 =	vunpack.i.u.bf16.f32 v56;
	v60 =	vunpack.i.u.bf16.f32 v13;
	v13 =	vunpack.i.l.bf16.f32 v13  }
0x40c: {  	v47 =	vld [tilespmem:s17+$0xFFFFFCD0];
	v63 =	vunpack.i.u.bf16.f32 v17;
	v14 =	vadd.f32 v14, v61;
	v16 =	vadd.f32 v16, v62  }
0x40d: {  	v7 =	vld [tilespmem:s20+$0xFFFFFC30];
	v17 =	vunpack.i.l.bf16.f32 v17;
	v20 =	vadd.f32 v20, v53;
	v13 =	vadd.f32 v13, v60  }
0x40e: {  	v8 =	vld [tilespmem:s17+$0xFFFFFC30];
	v31 =	vunpack.i.u.bf16.f32 v58;
	v17 =	vadd.f32 v17, v63;
	v25 =	vadd.bf16 v55, v54  }
0x40f: {  	v9 =	vld [tilespmem:s20+$0x0];
	v59 =	vunpack.i.l.bf16.f32 v58;
	v26 =	vadd.bf16 v10, v12;
	v19 =	vadd.bf16 v19, v11  }
0x410: {  	v15 =	vld [tilespmem:s17+$0x0];
	v52 =	vunpack.i.u.bf16.f32 v18;
	v18 =	vunpack.i.l.bf16.f32 v18;
	v54 =	vunpack.i.u.bf16.f32 v21  }
0x411: {  	v5 =	vld [tilespmem:s20+$0xFFFFFC20];
	v21 =	vunpack.i.l.bf16.f32 v21;
	v55 =	vunpack.i.u.bf16.f32 v23;
	v23 =	vunpack.i.l.bf16.f32 v23  }
0x412: {  	v6 =	vld [tilespmem:s17+$0xFFFFFC20];
	v62 =	vsel vm0, v14, v16;
	v14 =	vsel vm0, v16, v14;
	v18 =	vadd.f32 v18, v52  }
0x413: {  	v30 =	vld [tilespmem:s17+$0xFFFFFC50];
	v7 =	vmul.bf16 v8, v7;
	v21 =	vadd.f32 v21, v54;
	v23 =	vadd.f32 v23, v55  }
0x414: {  	v53 =	vld [tilespmem:s17+$0xFFFFFD30];
	v14 =	vperm.xlane v14, v0;
	v57 =	vunpack.i.u.bf16.f32 v25;
	v25 =	vunpack.i.l.bf16.f32 v25  }
0x415: {  	v12 =	vld [tilespmem:s20+$0xFFFFFC60];
	v58 =	vunpack.i.u.bf16.f32 v19;
	v19 =	vunpack.i.l.bf16.f32 v19;
	v15 =	vmul.bf16 v15, v9  }
0x416: {  	v10 =	vld [tilespmem:s17+$0xFFFFFC40];
	v25 =	vadd.f32 v25, v57;
	v19 =	vadd.f32 v19, v58;
	v63 =	vsel vm0, v17, v18  }
0x417: {  	v11 =	vld [tilespmem:s20+$0xFFFFFC50];
	v17 =	vsel vm0, v18, v17;
	v18 =	vsel vm0, v21, v20;
	v5 =	vmul.bf16 v6, v5  }
0x418: {  	v16 =	vld [tilespmem:s17+$0xFFFFFCE0];
	v14 =	vadd.f32 v14, v62;
	v17 =	vperm.xlane v17, v0;
	v18 =	vperm.xlane v18, v0  }
0x419: {  	v54 =	vld [tilespmem:s20+$0xFFFFFD40];
	v15 =	vadd.bf16 v15, v22;
	v22 =	vunpack.i.l.bf16.f32 v56;
	v56 =	vunpack.i.u.bf16.f32 v24  }
0x41a: {  	v9 =	vld [tilespmem:s20+$0xFFFFFC40];
	v24 =	vunpack.i.l.bf16.f32 v24;
	v12 =	vmul.bf16 v35, v12;
	v22 =	vadd.f32 v22, v27  }
0x41b: {  	v62 =	vld [tilespmem:s17+$0xFFFFFD20];
	v27 =	vadd.f32 v29, v28;
	v29 =	vadd.f32 v59, v31;
	v31 =	vunpack.i.u.bf16.f32 v26  }
0x41c: {  	v6 =	vld [tilespmem:s17+$0xFFFFFD40];
	v26 =	vunpack.i.l.bf16.f32 v26;
	v24 =	vadd.f32 v24, v56;
	v56 =	vsel vm0, v20, v21  }
0x41d: {  	v28 =	vld [tilespmem:s17+$0xFFFFFC90];
	v17 =	vadd.f32 v17, v63;
	v59 =	vunpack.i.u.bf16.f32 v15;
	v26 =	vadd.f32 v26, v31  }
0x41e: {  	v21 =	vld [tilespmem:s20+$0xFFFFFCF0];
	v15 =	vunpack.i.l.bf16.f32 v15;
	v18 =	vadd.f32 v18, v56;
	v56 =	vmul.bf16 v47, v39  }
0x41f: {  	v31 =	vld [tilespmem:s17+$0xFFFFFCC0];
	v15 =	vadd.f32 v15, v59;
	v60 =	vsel vm0, v22, v27;
	v61 =	vsel vm0, v29, v13  }
0x420: {  	v57 =	vsel vm0, v23, v24;
	v59 =	vld [tilespmem:s20+$0xFFFFFCE0];
	v22 =	vsel vm0, v27, v22;
	v13 =	vsel vm0, v13, v29  }
0x421: {  	v20 =	vsel vm0, v24, v23;
	v24 =	vld [tilespmem:s17+$0xFFFFFCF0];
	v8 =	vmul.bf16 v10, v9;
	v10 =	vmul.bf16 v30, v11  }
0x422: {  	v27 =	vld [tilespmem:s17+$0xFFFFFD00];
	v6 =	vmul.bf16 v6, v54;
	v58 =	vsel vm0, v25, v26;
	v22 =	vperm.xlane v22, v0  }
0x423: {  	v29 =	vld [tilespmem:s20+$0xFFFFFD10];
	v13 =	vperm.xlane v13, v0;
	v23 =	vsel vm0, v26, v25;
	v20 =	vperm.xlane v20, v0  }
0x424: {  	v9 =	vld [tilespmem:s20+$0xFFFFFD50];
	v25 =	vsel vm0, v15, v19;
	v23 =	vperm.xlane v23, v0;
	v8 =	vadd.bf16 v8, v7  }
0x425: {  	v11 =	vld [tilespmem:s17+$0xFFFFFD50];
	v15 =	vsel vm0, v19, v15;
	v12 =	vadd.bf16 v12, v10;
	v22 =	vadd.f32 v22, v60  }
0x426: {  	v30 =	vld [tilespmem:s20+$0xFFFFFD80];
	v13 =	vadd.f32 v13, v61;
	v25 =	vperm.xlane v25, v0;
	v20 =	vadd.f32 v20, v57  }
0x427: {  	v26 =	vld [tilespmem:s20+$0xFFFFFD00];
	v61 =	vsel vm1, v14, v17;
	v14 =	vsel vm1, v17, v14;
	v23 =	vadd.f32 v23, v58  }
0x428: {  	v19 =	vld [tilespmem:s20+$0xFFFFFD20];
	v15 =	vadd.f32 v25, v15;
	v25 =	vsel vm1, v22, v13;
	v13 =	vsel vm1, v13, v22  }
0x429: {  	v7 =	vld [tilespmem:s20+$0xFFFFFD60];
	v14 =	vperm.xlane v14, v1;
	v17 =	vsel vm1, v20, v18;
	v13 =	vperm.xlane v13, v1  }
0x42a: {  	v60 =	vld [tilespmem:s17+$0xFFFFFD10];
	v18 =	vsel vm1, v18, v20;
	v17 =	vperm.xlane v17, v1;
	v63 =	vsel vm1, v15, v23  }
0x42b: {  	v57 =	vld [tilespmem:s20+$0xFFFFFD90];
	v14 =	vadd.f32 v14, v61;
	v20 =	vperm.xlane v63, v1;
	v13 =	vadd.f32 v13, v25  }
0x42c: {  	v10 =	vmul.bf16 v45, v43;
	v22 =	vld [tilespmem:s20+$0xFFFFFD30];
	v16 =	vmul.bf16 v16, v59;
	v15 =	vsel vm1, v23, v15  }
0x42d: {  	v23 =	vld [tilespmem:s17+$0xFFFFFD60];
	v17 =	vadd.f32 v17, v18;
	v15 =	vadd.f32 v20, v15;
	v18 =	vsel vm2, v14, v13  }
0x42e: {  	v19 =	vmul.bf16 v62, v19;
	v62 =	vld [tilespmem:s20+$0xFFFFFDE0];
	v13 =	vsel vm2, v13, v14;
	v18 =	vperm.xlane v18, v2  }
0x42f: {  	v63 =	vld [tilespmem:s17+$0xFFFFFDE0];
	v20 =	vsel vm2, v15, v17;
	v14 =	vsel vm2, v17, v15;
	v15 =	vmul.bf16 v40, v38  }
0x430: {  	v25 =	vmul.bf16 v33, v32;
	v17 =	vld [tilespmem:s20+$0xFFFFFD70];
	v20 =	vperm.xlane v20, v2;
	v13 =	vadd.f32 v18, v13  }
0x431: {  	v18 =	vmul.bf16 v28, v48;
	v15 =	vadd.bf16 v10, v15;
	v10 =	vmul.bf16 v31, v41;
	v31 =	vld [tilespmem:s17+$0xFFFFFD80]  }
0x432: {  	v11 =	vmul.bf16 v11, v9;
	v9 =	vunpack.i.u.bf16.f32 v8;
	v14 =	vadd.f32 v20, v14;
	v20 =	vld [tilespmem:s17+$0xFFFFFD70]  }
0x433: {  	v7 =	vmul.bf16 v23, v7;
	v28 =	vmul.bf16 v37, v36;
	v18 =	vadd.bf16 v25, v18;
	v25 =	vld [tilespmem:s20+$0xFFFFFDA0]  }
0x434: {  	v55 =	vsel vm3, v14, v13;
	v13 =	vsel vm3, v13, v14;
	v14 =	vmul.bf16 v24, v21;
	v24 =	vld [tilespmem:s17+$0xFFFFFD90]  }
0x435: {  	v21 =	vmul.bf16 v27, v26;
	v26 =	vadd.bf16 v10, v28;
	v10 =	vmul.bf16 v53, v22;
	v22 =	vld [tilespmem:s17+$0xFFFFFDA0]  }
0x436: {  	v37 =	vmul.bf16 v63, v62;
	v27 =	vadd.bf16 v16, v56;
	v16 =	vld [tilespmem:s20+$0xFFFFFDB0];
	v32 =	vperm.xlane v55, v3  }
0x437: {  	v59 =	vadd.bf16 v7, v11;
	v23 =	vadd.bf16 v21, v14;
	v14 =	vmul.bf16 v20, v17;
	v20 =	vld [tilespmem:s17+$0xFFFFFDB0]  }
0x438: {  	v11 =	vunpack.i.u.bf16.f32 v15;
	v58 =	vadd.f32 v13, v32;
	v13 =	vmul.bf16 v60, v29;
	v29 =	vld [tilespmem:s20+$0xFFFFFDC0]  }
0x439: {  	v6 =	vadd.bf16 v6, v10;
	v10 =	vunpack.i.l.bf16.f32 v8;
	v17 =	vmul.bf16 v31, v30;
	v31 =	vld [tilespmem:s20+$0xFFFFFDD0]  }
0x43a: {  	v21 =	vunpack.i.l.bf16.f32 v12;
	v60 =	vld [tilespmem:s17+$0xFFFFFDD0];
	v28 =	vadd.bf16 v19, v13;
	v19 =	vmul.bf16 v24, v57  }
0x43b: {  	v7 =	vadd.bf16 v17, v14;
	v17 =	vld [tilespmem:s17+$0xFFFFFDC0];
	v13 =	vunpack.i.u.bf16.f32 v12;
	v8 =	vmul.bf16 v22, v25  }
0x43c: {  	v12 =	vunpack.i.l.bf16.f32 v15;
	v14 =	vunpack.i.u.bf16.f32 v18;
	v25 =	vunpack.i.l.bf16.f32 v18  }
0x43d: {  	v34 =	vld [tilespmem:s17+$0xFFFFFE00];
	v24 =	vunpack.i.l.bf16.f32 v26;
	v22 =	vunpack.i.u.bf16.f32 v23;
	v8 =	vadd.bf16 v8, v19  }
0x43e: {  	v33 =	vld [tilespmem:s17+$0xFFFFFDF0];
	v19 =	vunpack.i.u.bf16.f32 v26;
	v26 =	vunpack.i.l.bf16.f32 v23;
	v15 =	vunpack.i.u.bf16.f32 v28  }
0x43f: {  	v30 =	vld [tilespmem:s20+$0xFFFFFDF0];
	v23 =	vunpack.i.u.bf16.f32 v6;
	v61 =	vmul.bf16 v20, v16;
	v16 =	vunpack.i.u.bf16.f32 v27  }
0x440: {  	v4 =	vld [tilespmem:s17+$0xFFFFFC10];
	v20 =	vunpack.i.l.bf16.f32 v27;
	v36 =	vmul.bf16 v60, v31;
	v18 =	vmul.bf16 v17, v29  }
0x441: {  	v31 =	vld [tilespmem:s20+$0xFFFFFE00];
	v27 =	vunpack.i.l.bf16.f32 v6;
	v17 =	vunpack.i.l.bf16.f32 v28;
	v28 =	vunpack.i.l.bf16.f32 v59  }
0x442: {  	s18 =	smov.u32 s15;
	s12 =	simm.s32 $0x0;
	s1 =	simm.s32 $0xFFF0;
	v35 =	vld [tilespmem:s20+$0xFFFFFC10];
	[tilespmem:s15+$0x0] =	vst v58;
	v29 =	vunpack.i.u.bf16.f32 v7;
	v32 =	vadd.bf16 v18, v61;
	v18 =	vunpack.i.u.bf16.f32 v59  }
.LBB2_9:
0x443: {  	v6 =	vld [tilespmem:s1+$0xFFFFFE10];
	v38 =	vunpack.i.l.bf16.f32 v7;
	v39 =	vunpack.i.u.bf16.f32 v8;
	v40 =	vunpack.i.l.bf16.f32 v8;
	s17 =	sadd.s32 $0x400, s17  }
0x444: {  	v41 =	vunpack.i.u.bf16.f32 v32;
	v7 =	vld [tilespmem:s17+$0xFFFFFE10];
	v36 =	vadd.bf16 v37, v36;
	v30 =	vmul.bf16 v33, v30  }
0x445: {  	v21 =	vadd.f32 v21, v13;
	v32 =	vunpack.i.l.bf16.f32 v32;
	v33 =	vadd.f32 v10, v9;
	v8 =	vld [tilespmem:s1+$0xFFFFFE20]  }
0x446: {  	v9 =	vld [tilespmem:s17+$0xFFFFFE20];
	v37 =	vunpack.i.u.bf16.f32 v36;
	v36 =	vunpack.i.l.bf16.f32 v36;
	v13 =	vmul.bf16 v34, v31  }
0x447: {  	v25 =	vadd.f32 v25, v14;
	v34 =	vadd.f32 v12, v11;
	v10 =	vld [tilespmem:s1+$0xFFFFFE30];
	v31 =	vmul.bf16 v4, v35  }
0x448: {  	v24 =	vadd.f32 v24, v19;
	v4 =	vld [tilespmem:s17+$0xFFFFFE30];
	v12 =	vadd.bf16 v13, v30  }
0x449: {  	v30 =	vadd.f32 v20, v16;
	v19 =	vsel vm0, v34, v21;
	v11 =	vld [tilespmem:s1+$0xFFFFFE40];
	v13 =	vadd.bf16 v5, v31  }
0x44a: {  	v22 =	vadd.f32 v26, v22;
	v5 =	vld [tilespmem:s17+$0xFFFFFE40];
	v20 =	vunpack.i.u.bf16.f32 v12;
	v26 =	vunpack.i.l.bf16.f32 v12  }
0x44b: {  	v31 =	vadd.f32 v17, v15;
	v12 =	vld [tilespmem:s1+$0xFFFFFE50];
	v14 =	vunpack.i.u.bf16.f32 v13;
	v16 =	vunpack.i.l.bf16.f32 v13  }
0x44c: {  	v23 =	vadd.f32 v27, v23;
	v27 =	vsel vm0, v24, v25;
	v13 =	vld [tilespmem:s17+$0xFFFFFE50];
	v35 =	vadd.f32 v16, v14  }
0x44d: {  	v28 =	vadd.f32 v28, v18;
	v29 =	vadd.f32 v38, v29;
	v38 =	vsel vm0, v22, v30;
	v14 =	vld [tilespmem:s1+$0xFFFFFE60]  }
0x44e: {  	v39 =	vadd.f32 v40, v39;
	v32 =	vadd.f32 v32, v41;
	v15 =	vld [tilespmem:s17+$0xFFFFFE60];
	v18 =	vsel vm0, v33, v35  }
0x44f: {  	v36 =	vadd.f32 v36, v37;
	v26 =	vadd.f32 v26, v20;
	v20 =	vsel vm0, v23, v31;
	v16 =	vld [tilespmem:s1+$0xFFFFFE70]  }
0x450: {  	v40 =	vsel vm0, v29, v28;
	v41 =	vsel vm0, v32, v39;
	v37 =	vperm.xlane v18, v0;
	v17 =	vld [tilespmem:s17+$0xFFFFFE70]  }
0x451: {  	v27 =	vperm.xlane v27, v0;
	v42 =	vperm.xlane v19, v0;
	v43 =	vsel vm0, v26, v36;
	v18 =	vld [tilespmem:s1+$0xFFFFFE80]  }
0x452: {  	v33 =	vsel vm0, v35, v33;
	v35 =	vperm.xlane v38, v0;
	v38 =	vperm.xlane v20, v0;
	v19 =	vld [tilespmem:s17+$0xFFFFFE80]  }
0x453: {  	v21 =	vsel vm0, v21, v34;
	v34 =	vperm.xlane v40, v0;
	v40 =	vperm.xlane v41, v0;
	v20 =	vld [tilespmem:s1+$0xFFFFFE90]  }
0x454: {  	v24 =	vsel vm0, v25, v24;
	v22 =	vsel vm0, v30, v22;
	v25 =	vperm.xlane v43, v0;
	v41 =	vld [tilespmem:s17+$0xFFFFFE90]  }
0x455: {  	v28 =	vsel vm0, v28, v29;
	v29 =	vsel vm0, v39, v32;
	v23 =	vsel vm0, v31, v23;
	v30 =	vld [tilespmem:s1+$0xFFFFFEA0]  }
0x456: {  	v21 =	vadd.f32 v42, v21;
	v26 =	vsel vm0, v36, v26;
	v32 =	vadd.f32 v37, v33;
	v31 =	vld [tilespmem:s17+$0xFFFFFEA0]  }
0x457: {  	v24 =	vadd.f32 v27, v24;
	v22 =	vadd.f32 v35, v22;
	v33 =	vld [tilespmem:s1+$0xFFFFFEB0]  }
0x458: {  	v28 =	vadd.f32 v34, v28;
	v23 =	vadd.f32 v38, v23;
	v34 =	vsel vm1, v21, v32;
	v27 =	vld [tilespmem:s17+$0xFFFFFEB0]  }
0x459: {  	v29 =	vadd.f32 v40, v29;
	v25 =	vadd.f32 v25, v26;
	v26 =	vsel vm1, v22, v24;
	v35 =	vld [tilespmem:s1+$0xFFFFFEC0]  }
0x45a: {  	v37 =	vsel vm1, v28, v23;
	v26 =	vperm.xlane v26, v1;
	v34 =	vperm.xlane v34, v1;
	v36 =	vld [tilespmem:s17+$0xFFFFFEC0]  }
0x45b: {  	v21 =	vsel vm1, v32, v21;
	v32 =	vperm.xlane v37, v1;
	v37 =	vsel vm1, v25, v29;
	v38 =	vld [tilespmem:s1+$0xFFFFFED0]  }
0x45c: {  	v22 =	vsel vm1, v24, v22;
	v23 =	vsel vm1, v23, v28;
	v24 =	vperm.xlane v37, v1;
	v39 =	vld [tilespmem:s17+$0xFFFFFED0]  }
0x45d: {  	v25 =	vsel vm1, v29, v25;
	v22 =	vadd.f32 v26, v22;
	v21 =	vadd.f32 v34, v21;
	v28 =	vld [tilespmem:s1+$0xFFFFFEE0]  }
0x45e: {  	v23 =	vadd.f32 v32, v23;
	v24 =	vadd.f32 v24, v25;
	v26 =	vld [tilespmem:s17+$0xFFFFFEE0]  }
0x45f: {  	v29 =	vsel vm2, v21, v22;
	v21 =	vsel vm2, v22, v21;
	v25 =	vld [tilespmem:s1+$0xFFFFFEF0]  }
0x460: {  	v32 =	vsel vm2, v23, v24;
	v23 =	vsel vm2, v24, v23;
	v21 =	vperm.xlane v21, v2;
	v22 =	vld [tilespmem:s17+$0xFFFFFEF0]  }
0x461: {  	v23 =	vperm.xlane v23, v2;
	v24 =	vld [tilespmem:s1+$0xFFFFFF00]  }
0x462: {  	v21 =	vadd.f32 v21, v29;
	v34 =	vld [tilespmem:s17+$0xFFFFFF00]  }
0x463: {  	v23 =	vadd.f32 v23, v32;
	v29 =	vld [tilespmem:s1+$0xFFFFFF10]  }
0x464: {  	v32 =	vld [tilespmem:s17+$0xFFFFFF10]  }
0x465: {  	v40 =	vsel vm3, v21, v23;
	v21 =	vsel vm3, v23, v21;
	v37 =	vld [tilespmem:s1+$0xFFFFFF20]  }
0x466: {  	v21 =	vperm.xlane v21, v3;
	v23 =	vld [tilespmem:s17+$0xFFFFFF20]  }
0x467: {  	v42 =	vld [tilespmem:s1+$0xFFFFFF30]  }
0x468: {  	v21 =	vadd.f32 v40, v21;
	v43 =	vld [tilespmem:s17+$0xFFFFFF30]  }
0x469: {  	v40 =	vld [tilespmem:s1+$0xFFFFFF40]  }
0x46a: {  	v44 =	vld [tilespmem:s17+$0xFFFFFF40];
	[tilespmem:s18+$0xFFFFFFF0] =	vst v21  }
0x46b: {  	v21 =	vld [tilespmem:s1+$0xFFFFFF50]  }
0x46c: {  	v45 =	vld [tilespmem:s17+$0xFFFFFF50]  }
0x46d: {  	v46 =	vld [tilespmem:s1+$0xFFFFFF60]  }
0x46e: {  	v47 =	vld [tilespmem:s17+$0xFFFFFF60]  }
0x46f: {  	v48 =	vld [tilespmem:s1+$0xFFFFFF70]  }
0x470: {  	v49 =	vld [tilespmem:s17+$0xFFFFFF70]  }
0x471: {  	v50 =	vld [tilespmem:s1+$0xFFFFFF80]  }
0x472: {  	v51 =	vld [tilespmem:s17+$0xFFFFFF80]  }
0x473: {  	v52 =	vld [tilespmem:s1+$0xFFFFFF90]  }
0x474: {  	v53 =	vld [tilespmem:s17+$0xFFFFFF90]  }
0x475: {  	v6 =	vmul.bf16 v7, v6;
	v7 =	vmul.bf16 v9, v8;
	v8 =	vld [tilespmem:s1+$0xFFFFFFA0]  }
0x476: {  	v4 =	vmul.bf16 v4, v10;
	v5 =	vmul.bf16 v5, v11;
	v9 =	vld [tilespmem:s17+$0xFFFFFFA0]  }
0x477: {  	v10 =	vmul.bf16 v13, v12;
	v11 =	vmul.bf16 v15, v14;
	v12 =	vld [tilespmem:s1+$0xFFFFFFB0]  }
0x478: {  	v13 =	vmul.bf16 v17, v16;
	v14 =	vmul.bf16 v19, v18;
	v15 =	vld [tilespmem:s17+$0xFFFFFFB0]  }
0x479: {  	v16 =	vmul.bf16 v41, v20;
	v17 =	vmul.bf16 v31, v30;
	v18 =	vld [tilespmem:s1+$0xFFFFFFC0]  }
0x47a: {  	v19 =	vmul.bf16 v27, v33;
	v20 =	vmul.bf16 v36, v35;
	v27 =	vld [tilespmem:s17+$0xFFFFFFC0]  }
0x47b: {  	v30 =	vmul.bf16 v39, v38;
	v26 =	vmul.bf16 v26, v28;
	v28 =	vld [tilespmem:s1+$0xFFFFFFD0]  }
0x47c: {  	v22 =	vmul.bf16 v22, v25;
	v24 =	vmul.bf16 v34, v24;
	v25 =	vld [tilespmem:s17+$0xFFFFFFD0]  }
0x47d: {  	v29 =	vmul.bf16 v32, v29;
	v23 =	vmul.bf16 v23, v37;
	v31 =	vld [tilespmem:s1+$0xFFFFFFE0]  }
0x47e: {  	v32 =	vmul.bf16 v43, v42;
	v33 =	vmul.bf16 v44, v40;
	v34 =	vld [tilespmem:s17+$0xFFFFFFE0]  }
0x47f: {  	v21 =	vmul.bf16 v45, v21;
	v35 =	vmul.bf16 v47, v46;
	v36 =	vld [tilespmem:s1+$0xFFFFFFF0]  }
0x480: {  	v37 =	vmul.bf16 v49, v48;
	v38 =	vmul.bf16 v51, v50;
	v39 =	vld [tilespmem:s17+$0xFFFFFFF0]  }
0x481: {  	v40 =	vmul.bf16 v53, v52;
	v41 =	vmul.bf16 v9, v8;
	v9 =	vld [tilespmem:s1+$0x0]  }
0x482: {  	v42 =	vadd.bf16 v7, v6;
	v43 =	vadd.bf16 v5, v4;
	v12 =	vmul.bf16 v15, v12;
	v15 =	vld [tilespmem:s17+$0x0]  }
0x483: {  	v14 =	vadd.bf16 v14, v13;
	v44 =	vadd.bf16 v11, v10;
	v10 =	vmul.bf16 v27, v18;
	v4 =	vld [tilespmem:s17+$0xFFFFFC10]  }
0x484: {  	v16 =	vadd.bf16 v17, v16;
	v17 =	vadd.bf16 v20, v19;
	v11 =	vmul.bf16 v25, v28;
	v5 =	vld [tilespmem:s1+$0xFFFFFC20]  }
0x485: {  	v19 =	vadd.bf16 v24, v22;
	v18 =	vadd.bf16 v26, v30;
	v13 =	vmul.bf16 v34, v31;
	v6 =	vld [tilespmem:s17+$0xFFFFFC20]  }
0x486: {  	v20 =	vadd.bf16 v23, v29;
	v22 =	vadd.bf16 v33, v32;
	v23 =	vmul.bf16 v39, v36;
	v7 =	vld [tilespmem:s1+$0xFFFFFC30]  }
0x487: {  	v21 =	vadd.bf16 v35, v21;
	v24 =	vadd.bf16 v38, v37;
	v8 =	vld [tilespmem:s17+$0xFFFFFC30];
	v15 =	vmul.bf16 v15, v9  }
0x488: {  	v25 =	vadd.bf16 v41, v40;
	v26 =	vadd.bf16 v10, v12;
	v9 =	vld [tilespmem:s1+$0xFFFFFC40]  }
0x489: {  	v27 =	vunpack.i.u.bf16.f32 v42;
	v28 =	vadd.bf16 v13, v11;
	v10 =	vld [tilespmem:s17+$0xFFFFFC40];
	v29 =	vadd.bf16 v15, v23  }
0x48a: {  	v30 =	vunpack.i.u.bf16.f32 v43;
	v31 =	vunpack.i.l.bf16.f32 v43;
	v23 =	vunpack.i.l.bf16.f32 v42;
	v11 =	vld [tilespmem:s1+$0xFFFFFC50]  }
0x48b: {  	v32 =	vunpack.i.u.bf16.f32 v44;
	v33 =	vunpack.i.l.bf16.f32 v44;
	v34 =	vunpack.i.u.bf16.f32 v14;
	v13 =	vld [tilespmem:s17+$0xFFFFFC50]  }
0x48c: {  	v35 =	vunpack.i.l.bf16.f32 v14;
	v37 =	vunpack.i.l.bf16.f32 v16;
	v36 =	vunpack.i.u.bf16.f32 v16;
	v12 =	vld [tilespmem:s1+$0xFFFFFC60]  }
0x48d: {  	v38 =	vunpack.i.u.bf16.f32 v17;
	v40 =	vunpack.i.u.bf16.f32 v18;
	v39 =	vunpack.i.l.bf16.f32 v17;
	v14 =	vld [tilespmem:s17+$0xFFFFFC60]  }
0x48e: {  	v41 =	vunpack.i.l.bf16.f32 v18;
	v43 =	vunpack.i.l.bf16.f32 v19;
	v42 =	vunpack.i.u.bf16.f32 v19;
	v15 =	vld [tilespmem:s1+$0xFFFFFC70]  }
0x48f: {  	v44 =	vunpack.i.u.bf16.f32 v20;
	v45 =	vunpack.i.l.bf16.f32 v20;
	v46 =	vunpack.i.u.bf16.f32 v22;
	v17 =	vld [tilespmem:s17+$0xFFFFFC70]  }
0x490: {  	v47 =	vunpack.i.l.bf16.f32 v22;
	v48 =	vunpack.i.u.bf16.f32 v21;
	v49 =	vunpack.i.l.bf16.f32 v21;
	v16 =	vld [tilespmem:s1+$0xFFFFFC80]  }
0x491: {  	v50 =	vunpack.i.u.bf16.f32 v24;
	v24 =	vunpack.i.l.bf16.f32 v24;
	v51 =	vunpack.i.u.bf16.f32 v25;
	v18 =	vld [tilespmem:s17+$0xFFFFFC80]  }
0x492: {  	v25 =	vunpack.i.l.bf16.f32 v25;
	v30 =	vadd.f32 v31, v30;
	v27 =	vadd.f32 v23, v27;
	v19 =	vld [tilespmem:s1+$0xFFFFFC90]  }
0x493: {  	v31 =	vadd.f32 v33, v32;
	v32 =	vadd.f32 v35, v34;
	v33 =	vunpack.i.u.bf16.f32 v26;
	v20 =	vld [tilespmem:s17+$0xFFFFFC90]  }
0x494: {  	v26 =	vunpack.i.l.bf16.f32 v26;
	v34 =	vadd.f32 v37, v36;
	v35 =	vadd.f32 v39, v38;
	v21 =	vld [tilespmem:s1+$0xFFFFFCA0]  }
0x495: {  	s12 =	sadd.s32 $0x2, s12;
	v36 =	vadd.f32 v41, v40;
	v38 =	vunpack.i.u.bf16.f32 v28;
	v37 =	vadd.f32 v43, v42;
	v22 =	vld [tilespmem:s17+$0xFFFFFCA0]  }
0x496: {  	p0 =	slt.u32 s12, $0x6;
	v39 =	vadd.f32 v45, v44;
	v40 =	vadd.f32 v47, v46;
	v28 =	vunpack.i.l.bf16.f32 v28;
	v23 =	vld [tilespmem:s1+$0xFFFFFCB0]  }
0x497: {  	v24 =	vadd.f32 v24, v50;
	v42 =	vadd.f32 v49, v48;
	v43 =	vunpack.i.u.bf16.f32 v29;
	v41 =	vld [tilespmem:s17+$0xFFFFFCB0]  }
0x498: {  	v25 =	vadd.f32 v25, v51;
	v26 =	vadd.f32 v26, v33;
	v29 =	vunpack.i.l.bf16.f32 v29;
	v44 =	vld [tilespmem:s1+$0xFFFFFCC0]  }
0x499: {  	v28 =	vadd.f32 v28, v38;
	v29 =	vadd.f32 v29, v43;
	v38 =	vsel vm0, v27, v30;
	v33 =	vld [tilespmem:s17+$0xFFFFFCC0]  }
0x49a: {  	v45 =	vsel vm0, v31, v32;
	v46 =	vsel vm0, v34, v35;
	v47 =	vsel vm0, v36, v37;
	v43 =	vld [tilespmem:s1+$0xFFFFFCD0]  }
0x49b: {  	v51 =	vsel vm0, v25, v26;
	v49 =	vsel vm0, v39, v40;
	v50 =	vsel vm0, v42, v24;
	v48 =	vld [tilespmem:s17+$0xFFFFFCD0]  }
0x49c: {  	v27 =	vsel vm0, v30, v27;
	v30 =	vsel vm0, v32, v31;
	v31 =	vsel vm0, v35, v34;
	v52 =	vld [tilespmem:s1+$0xFFFFFCE0]  }
0x49d: {  	v34 =	vsel vm0, v37, v36;
	v35 =	vsel vm0, v40, v39;
	v24 =	vsel vm0, v24, v42;
	v32 =	vld [tilespmem:s17+$0xFFFFFCE0]  }
0x49e: {  	v25 =	vsel vm0, v26, v25;
	v27 =	vperm.xlane v27, v0;
	v30 =	vperm.xlane v30, v0;
	v36 =	vld [tilespmem:s1+$0xFFFFFCF0]  }
0x49f: {  	v31 =	vperm.xlane v31, v0;
	v34 =	vperm.xlane v34, v0;
	v37 =	vsel vm0, v29, v28;
	v26 =	vld [tilespmem:s17+$0xFFFFFCF0]  }
0x4a0: {  	v35 =	vperm.xlane v35, v0;
	v24 =	vperm.xlane v24, v0;
	v27 =	vadd.f32 v27, v38;
	v39 =	vld [tilespmem:s1+$0xFFFFFD00]  }
0x4a1: {  	v25 =	vperm.xlane v25, v0;
	v30 =	vadd.f32 v30, v45;
	v31 =	vadd.f32 v31, v46;
	v38 =	vld [tilespmem:s17+$0xFFFFFD00]  }
0x4a2: {  	v34 =	vadd.f32 v34, v47;
	v35 =	vadd.f32 v35, v49;
	v37 =	vperm.xlane v37, v0;
	v40 =	vld [tilespmem:s1+$0xFFFFFD10]  }
0x4a3: {  	v25 =	vadd.f32 v25, v51;
	v28 =	vsel vm0, v28, v29;
	v24 =	vadd.f32 v24, v50;
	v42 =	vld [tilespmem:s17+$0xFFFFFD10]  }
0x4a4: {  	v28 =	vadd.f32 v37, v28;
	v37 =	vsel vm1, v27, v30;
	v45 =	vsel vm1, v31, v34;
	v29 =	vld [tilespmem:s1+$0xFFFFFD20]  }
0x4a5: {  	v27 =	vsel vm1, v30, v27;
	v30 =	vsel vm1, v34, v31;
	v31 =	vsel vm1, v24, v35;
	v46 =	vld [tilespmem:s17+$0xFFFFFD20]  }
0x4a6: {  	v27 =	vperm.xlane v27, v1;
	v30 =	vperm.xlane v30, v1;
	v47 =	vsel vm1, v28, v25;
	v34 =	vld [tilespmem:s1+$0xFFFFFD30]  }
0x4a7: {  	v24 =	vsel vm1, v35, v24;
	v31 =	vperm.xlane v31, v1;
	v35 =	vperm.xlane v47, v1;
	v49 =	vld [tilespmem:s17+$0xFFFFFD30]  }
0x4a8: {  	v25 =	vsel vm1, v25, v28;
	v27 =	vadd.f32 v27, v37;
	v30 =	vadd.f32 v30, v45;
	v47 =	vld [tilespmem:s1+$0xFFFFFD40]  }
0x4a9: {  	v5 =	vmul.bf16 v6, v5;
	v24 =	vadd.f32 v31, v24;
	v25 =	vadd.f32 v35, v25;
	v6 =	vld [tilespmem:s17+$0xFFFFFD40]  }
0x4aa: {  	v7 =	vmul.bf16 v8, v7;
	v8 =	vmul.bf16 v10, v9;
	v9 =	vld [tilespmem:s1+$0xFFFFFD50]  }
0x4ab: {  	v10 =	vmul.bf16 v13, v11;
	v13 =	vsel vm2, v30, v27;
	v28 =	vsel vm2, v25, v24;
	v11 =	vld [tilespmem:s17+$0xFFFFFD50]  }
0x4ac: {  	v8 =	vadd.bf16 v8, v7;
	v13 =	vperm.xlane v13, v2;
	v28 =	vperm.xlane v28, v2;
	v7 =	vld [tilespmem:s1+$0xFFFFFD60]  }
0x4ad: {  	v12 =	vmul.bf16 v14, v12;
	v27 =	vsel vm2, v27, v30;
	v24 =	vsel vm2, v24, v25;
	v14 =	vld [tilespmem:s17+$0xFFFFFD60]  }
0x4ae: {  	v15 =	vmul.bf16 v17, v15;
	v13 =	vadd.f32 v13, v27;
	v24 =	vadd.f32 v28, v24;
	v17 =	vld [tilespmem:s1+$0xFFFFFD70]  }
0x4af: {  	v12 =	vadd.bf16 v12, v10;
	v10 =	vmul.bf16 v18, v16;
	v16 =	vmul.bf16 v20, v19;
	v18 =	vld [tilespmem:s17+$0xFFFFFD70]  }
0x4b0: {  	v19 =	vmul.bf16 v22, v21;
	v20 =	vmul.bf16 v41, v23;
	v22 =	vsel vm3, v24, v13;
	v21 =	vld [tilespmem:s1+$0xFFFFFD80]  }
0x4b1: {  	v15 =	vadd.bf16 v10, v15;
	v10 =	vmul.bf16 v33, v44;
	v22 =	vperm.xlane v22, v3;
	v23 =	vld [tilespmem:s17+$0xFFFFFD80]  }
0x4b2: {  	v13 =	vsel vm3, v13, v24;
	v25 =	vmul.bf16 v48, v43;
	v27 =	vmul.bf16 v32, v52;
	v28 =	vld [tilespmem:s1+$0xFFFFFD90]  }
0x4b3: {  	v13 =	vadd.f32 v13, v22;
	v24 =	vmul.bf16 v26, v36;
	v26 =	vmul.bf16 v38, v39;
	v30 =	vld [tilespmem:s17+$0xFFFFFD90]  }
0x4b4: {  	s18 =	sadd.s32 $0x20, s18;
	v16 =	vadd.bf16 v19, v16;
	v19 =	vmul.bf16 v42, v40;
	v22 =	vmul.bf16 v46, v29;
	v29 =	vld [tilespmem:s1+$0xFFFFFDA0]  }
0x4b5: {  	v20 =	vadd.bf16 v10, v20;
	v10 =	vmul.bf16 v49, v34;
	v6 =	vmul.bf16 v6, v47;
	v31 =	vld [tilespmem:s17+$0xFFFFFDA0];
	[tilespmem:s18+$0x0] =	vst v13  }
0x4b6: {  	v27 =	vadd.bf16 v27, v25;
	v11 =	vmul.bf16 v11, v9;
	v7 =	vmul.bf16 v14, v7;
	v25 =	vld [tilespmem:s1+$0xFFFFFDB0]  }
0x4b7: {  	v26 =	vadd.bf16 v26, v24;
	v13 =	vmul.bf16 v18, v17;
	v14 =	vmul.bf16 v23, v21;
	v17 =	vld [tilespmem:s17+$0xFFFFFDB0]  }
0x4b8: {  	v6 =	vadd.bf16 v6, v10;
	v18 =	vadd.bf16 v22, v19;
	v19 =	vmul.bf16 v30, v28;
	v22 =	vld [tilespmem:s1+$0xFFFFFDC0]  }
0x4b9: {  	v9 =	vunpack.i.u.bf16.f32 v8;
	v28 =	vadd.bf16 v7, v11;
	v7 =	vadd.bf16 v14, v13;
	v23 =	vld [tilespmem:s17+$0xFFFFFDC0]  }
0x4ba: {  	v10 =	vunpack.i.l.bf16.f32 v8;
	v13 =	vunpack.i.u.bf16.f32 v12;
	v8 =	vmul.bf16 v31, v29;
	v29 =	vld [tilespmem:s1+$0xFFFFFDD0]  }
0x4bb: {  	v21 =	vunpack.i.l.bf16.f32 v12;
	v11 =	vunpack.i.u.bf16.f32 v15;
	v12 =	vunpack.i.l.bf16.f32 v15;
	v31 =	vld [tilespmem:s17+$0xFFFFFDD0]  }
0x4bc: {  	v14 =	vunpack.i.u.bf16.f32 v16;
	v8 =	vadd.bf16 v8, v19;
	v32 =	vmul.bf16 v17, v25;
	v37 =	vld [tilespmem:s1+$0xFFFFFDE0]  }
0x4bd: {  	v24 =	vunpack.i.l.bf16.f32 v20;
	v25 =	vunpack.i.l.bf16.f32 v16;
	v19 =	vunpack.i.u.bf16.f32 v20;
	v38 =	vld [tilespmem:s17+$0xFFFFFDE0]  }
.Ltmp3:
0x4be: {  	v16 =	vunpack.i.u.bf16.f32 v27;
	v20 =	vunpack.i.l.bf16.f32 v27;
	v23 =	vmul.bf16 v23, v22;
	v30 =	vld [tilespmem:s1+$0xFFFFFDF0];
	(pc) =	sbr.rel @p0 .LBB2_9-.Ltmp3, $4  }
0x4bf: {  	v15 =	vunpack.i.u.bf16.f32 v18;
	v22 =	vunpack.i.u.bf16.f32 v26;
	v26 =	vunpack.i.l.bf16.f32 v26;
	v33 =	vld [tilespmem:s17+$0xFFFFFDF0]  }
0x4c0: {  	v17 =	vunpack.i.l.bf16.f32 v18;
	v32 =	vadd.bf16 v23, v32;
	v36 =	vmul.bf16 v31, v29;
	v31 =	vld [tilespmem:s1+$0xFFFFFE00]  }
0x4c1: {  	v27 =	vunpack.i.l.bf16.f32 v6;
	v18 =	vunpack.i.u.bf16.f32 v28;
	v23 =	vunpack.i.u.bf16.f32 v6;
	v34 =	vld [tilespmem:s17+$0xFFFFFE00]  }
0x4c2: {  	v28 =	vunpack.i.l.bf16.f32 v28;
	v29 =	vunpack.i.u.bf16.f32 v7;
	v35 =	vld [tilespmem:s1+$0xFFFFFC10];
	v37 =	vmul.bf16 v38, v37;
	s1 =	sadd.s32 $0x400, s1  }
0x4c3: {  	v6 =	vunpack.i.l.bf16.f32 v7;
	v9 =	vadd.f32 v10, v9  }
0x4c4: {  	v59 =	vunpack.i.u.bf16.f32 v8;
	v61 =	vadd.f32 v21, v13;
	v11 =	vadd.f32 v12, v11  }
0x4c5: {  	v60 =	vunpack.i.l.bf16.f32 v8;
	v19 =	vadd.f32 v24, v19;
	v15 =	vadd.f32 v17, v15  }
0x4c6: {  	v38 =	vunpack.i.u.bf16.f32 v32;
	v40 =	vadd.f32 v27, v23;
	v18 =	vadd.f32 v28, v18  }
0x4c7: {  	v62 =	vunpack.i.l.bf16.f32 v32;
	v36 =	vadd.bf16 v37, v36;
	v6 =	vadd.f32 v6, v29  }
0x4c8: {  	v30 =	vmul.bf16 v33, v30;
	v7 =	vadd.f32 v60, v59;
	v43 =	vadd.f32 v62, v38  }
0x4c9: {  	v45 =	vsel vm0, v40, v15;
	v10 =	vsel vm0, v61, v11;
	v15 =	vsel vm0, v15, v40  }
0x4ca: {  	v63 =	vmul.bf16 v34, v31;
	v31 =	vadd.f32 v25, v14;
	v32 =	vunpack.i.u.bf16.f32 v36  }
0x4cb: {  	v33 =	vunpack.i.l.bf16.f32 v36;
	v34 =	vsel vm0, v11, v61;
	v46 =	vsel vm0, v6, v18  }
0x4cc: {  	v47 =	vsel vm0, v43, v7;
	v6 =	vsel vm0, v18, v6;
	v7 =	vsel vm0, v7, v43  }
0x4cd: {  	v4 =	vmul.bf16 v4, v35;
	v35 =	vadd.f32 v26, v22;
	v22 =	vperm.xlane v45, v0  }
0x4ce: {  	v14 =	vadd.f32 v33, v32;
	v50 =	vperm.xlane v46, v0;
	v51 =	vperm.xlane v47, v0  }
0x4cf: {  	v21 =	vadd.bf16 v63, v30;
	v41 =	vsel vm0, v19, v31;
	v12 =	vsel vm0, v31, v19  }
0x4d0: {  	v4 =	vadd.bf16 v5, v4;
	v5 =	vadd.f32 v20, v16;
	v16 =	vperm.xlane v34, v0  }
0x4d1: {  	v23 =	vperm.xlane v41, v0;
	v55 =	vadd.f32 v22, v15;
	v6 =	vadd.f32 v50, v6  }
0x4d2: {  	v7 =	vadd.f32 v51, v7;
	v36 =	vunpack.i.u.bf16.f32 v21;
	v39 =	vunpack.i.l.bf16.f32 v21  }
0x4d3: {  	v37 =	vunpack.i.u.bf16.f32 v4;
	v4 =	vunpack.i.l.bf16.f32 v4;
	v42 =	vsel vm0, v35, v5  }
0x4d4: {  	v17 =	vadd.f32 v39, v36;
	v5 =	vsel vm0, v5, v35;
	v4 =	vadd.f32 v4, v37  }
0x4d5: {  	v53 =	vadd.f32 v16, v10;
	v58 =	vsel vm1, v6, v55;
	v49 =	vperm.xlane v42, v0  }
0x4d6: {  	v59 =	vperm.xlane v58, v1;
	v48 =	vsel vm0, v17, v14;
	v44 =	vsel vm0, v9, v4  }
0x4d7: {  	v12 =	vadd.f32 v23, v12;
	v52 =	vperm.xlane v48, v0;
	v13 =	vperm.xlane v44, v0  }
0x4d8: {  	v54 =	vsel vm0, v14, v17;
	v4 =	vsel vm0, v4, v9;
	v5 =	vadd.f32 v49, v5  }
0x4d9: {  	v6 =	vsel vm1, v55, v6;
	v10 =	vadd.f32 v52, v54;
	v4 =	vadd.f32 v13, v4  }
0x4da: {  	v6 =	vadd.f32 v59, v6;
	v57 =	vsel vm1, v5, v12  }
0x4db: {  	v13 =	vperm.xlane v57, v1;
	v60 =	vsel vm1, v10, v7;
	v56 =	vsel vm1, v53, v4  }
0x4dc: {  	v5 =	vsel vm1, v12, v5;
	v61 =	vperm.xlane v60, v1;
	v11 =	vperm.xlane v56, v1  }
0x4dd: {  	v7 =	vsel vm1, v7, v10;
	v4 =	vsel vm1, v4, v53;
	v5 =	vadd.f32 v13, v5  }
0x4de: {  	v7 =	vadd.f32 v61, v7;
	v4 =	vadd.f32 v11, v4;
	_ =	sdelay $0x1  }
0x4df: {  	v9 =	vsel vm2, v7, v6;
	v62 =	vsel vm2, v5, v4  }
0x4e0: {  	v9 =	vperm.xlane v9, v2;
	v8 =	vperm.xlane v62, v2  }
0x4e1: {  	v4 =	vsel vm2, v4, v5;
	v5 =	vsel vm2, v6, v7  }
0x4e2: {  	v5 =	vadd.f32 v9, v5;
	v4 =	vadd.f32 v8, v4  }
0x4e3: {  	s16 =	sadd.s32 $0x1, s16  }
0x4e4: {  	p0 =	sne.s32 s16, $0x32;
	v63 =	vsel vm3, v5, v4  }
.Ltmp4:
0x4e5: {  	v6 =	vperm.xlane v63, v3;
	(pc) =	sbr.rel @p0 .LBB2_2-.Ltmp4, $4  }
0x4e6: {  	v4 =	vsel vm3, v4, v5  }
0x4e7: {  	v4 =	vadd.f32 v4, v6  }
0x4e8: {  	s19 =	sadd.s32 $0x200, s19  }
0x4e9: {  	s13 =	sadd.s32 $0x200, s13;
	s14 =	sadd.s32 $0x200, s14;
	s15 =	sadd.s32 $0x200, s15;
	[tilespmem:s18+$0xFFFFFFF0] =	vst v4  }
0x4ea: {  	s0 =	sadd.s32 $0x1, s0  }
0x4eb: {  	p0 =	sne.s32 s0, s8  }
.Ltmp5:
0x4ec: {  	s1 =	simm.s32 $0x14800;
	(pc) =	sbr.rel @p0 .LBB2_1-.Ltmp5, $4  }
0x4ed: {  	[hbm4b:s7+s2] =	stream.linear.scatter [tilespmem:s1], [sflag:$0x9], $0x6400, $0x38;
	[tilespmem:$0x1AC00] =	vst v63  }
0x4ee: {  	_ =	swait.ge [sflag:s9], $0x6400  }
0x4ef: {  	[sflag:s9] =	ssyncset.done $0x0  }
0x4f0: {  	[sflag:s9] =	ssyncadd.s32 $0xFFFF9C00  }
0x4f1: {  	_ =	sfence.sel $0x180000  }
0x4f2: {  	[bflag:$0x0] =	sbarrier.arrive $0xFFFF  }
0x4f3: {  	_ =	strace $0x90000047  }
0x4f4: {  	s0 =	stileid.u32;
	[bflag:$0x2] =	sbarrier.arrive $0xFFFF  }
0x4f5: {  	p0 =	sne.s32 s0, $0x0;
	s0 =	rddreg [dreg:$0x2]  }
0x4f6: {  	s0 =	sadd.s32 @!p0 $0x100000, s0  }
0x4f7: {  	[sflag:s0] =	ssyncadd.tile.s32 @!p0 $0x1;
	_ =	shalt  }
.Lfunc_end2:
_tile_overlayer_lowered:
.L_overlay_start_2:
0x4f8: {  	(tag) =	ssettag $0x2  }
0x4f9: {  	s0 =	rddreg [dreg:$0x0];
	s2 =	stileid.u32  }
0x4fa: {  	s1 =	rddreg [dreg:$0x1];
	p0 =	sne.s32 s2, $0x0  }
0x4fb: {  	s3 =	rddreg [dreg:$0x2];
	[bflag:$0x3] =	sbarrier.arrive $0xFFFF;
	s2 =	simm.s32 @!p0 $0x1C09  }
0x4fc: {  	[timem:s3], [sflag:s2] =	dma.local @!p0 [hbm:s0], s1  }
0x4fd: {  	s0 =	simm.s32 @!p0 $0x9  }
0x4fe: {  	_ =	swait.ge @!p0 [sflag:s0], s1  }
0x4ff: {  	s1 =	ssub.s32 @!p0 $0x0, s1;
	[sflag:s0] =	ssyncset.done @!p0 $0x0  }
0x500: {  	[sflag:s0] =	ssyncadd.s32 @!p0 s1  }
0x501: {  	[bflag:$0x3] =	sbarrier.arrive $0xFFFF  }
0x502: {  	_ =	shalt  }

</sc_bundles>
